<compile_context>
chip_gen: v7x
topology: tpu7x:2x2x1
jax: 0.10.2.dev20260603
libtpu: 0.0.44.dev20260713+nightly
codegen_flags: <defaults>
</compile_context>

<pallas_src>
import functools

import jax
import jax.numpy as jnp
from jax import lax
from jax.experimental import pallas as pl
from jax.experimental.pallas import tpu as pltpu
from jax.experimental.pallas import tpu_sc as plsc

NC = 2
NS = 16
NW = NC * NS
RING = 7


@functools.cache
def _make_sorted_gather(v, d, n):
  cpw = n // NW
  mesh = plsc.VectorSubcoreMesh(core_axis_name="c", subcore_axis_name="s")

  def body(idx_hbm, tabt_hbm, out_hbm, idxv, gring, ostage, *gsem):
    wid = lax.axis_index("s") * NC + lax.axis_index("c")
    base = wid * cpw
    iota = lax.broadcasted_iota(jnp.int32, (16,), 0)

    pltpu.sync_copy(idx_hbm.at[pl.ds(base, cpw)], idxv.at[pl.ds(0, cpw)])
    idxv[pl.ds(cpw, 16)] = jnp.full((16,), -1, dtype=jnp.int32)

    dnums = lax.GatherDimensionNumbers(
        offset_dims=(), collapsed_slice_dims=(0,), start_index_map=(0,))

    def at(ptr):
      vb = idxv[pl.ds((ptr >> 4) << 4, 16)]
      sp = lax.gather(
          vb, jnp.full((16, 1), ptr & 15, dtype=jnp.int32), dnums,
          slice_sizes=(1,), mode=lax.GatherScatterMode.PROMISE_IN_BOUNDS)
      return sp[0]

    def fetch(c, slot):
      col = pl.multiple_of(c * 128, 128)
      pltpu.async_copy(
          tabt_hbm.at[:, pl.ds(col, 128)], gring.at[slot], gsem[slot])

    c_lo = idxv[pl.ds(0, 16)][0] >> 7
    c_hi = at(cpw - 1) >> 7
    ncols = c_hi - c_lo + 1

    for r in range(RING):
      @pl.when(r < ncols)
      def _():
        fetch(c_lo + r, r)

    def col_step(g, state):
      for r in range(RING):
        p = g * RING + r

        @pl.when(p < ncols)
        def _():
          pltpu.make_async_copy(
              tabt_hbm.at[:, pl.ds(0, 128)], gring.at[r], gsem[r]).wait()

        c = c_lo + p

        def w_cond(st):
          return (p < ncols) & ((st[1] >> 7) == c)

        def w_body(st):
          ptr, val = st
          lane = jnp.full((16,), val & 127, dtype=jnp.int32)
          for q in range(d // 16):
            vals = plsc.load_gather(gring.at[r], [iota + 16 * q, lane])
            ostage[ptr >> 3, ptr & 7, pl.ds(16 * q, 16)] = vals
          return (ptr + 1, at(ptr + 1))

        state = lax.while_loop(w_cond, w_body, state)

        @pl.when(p + RING < ncols)
        def _():
          fetch(c_lo + p + RING, r)

      return state

    lax.fori_loop(0, (ncols + RING - 1) // RING, col_step, (0, at(0)))
    pltpu.sync_copy(ostage, out_hbm.at[pl.ds(base // 8, cpw // 8)])

  return pl.kernel(
      body,
      out_type=jax.ShapeDtypeStruct((n // 8, 8, d), jnp.float32),
      mesh=mesh,
      scratch_types=[
          pltpu.VMEM((cpw + 16,), jnp.int32),
          pltpu.VMEM((RING, d, 128), jnp.float32),
          pltpu.VMEM((cpw // 8, 8, d), jnp.float32),
      ] + [pltpu.SemaphoreType.DMA] * RING,
      compiler_params=pltpu.CompilerParams(needs_layout_passes=False),
  )


@functools.cache
def _make_unpermute(d, n):
  cpw = n // NW
  mesh = plsc.VectorSubcoreMesh(core_axis_name="c", subcore_axis_name="s")

  def body(inv_hbm, src_hbm, out_hbm, idxv, ostage, sem):
    wid = lax.axis_index("s") * NC + lax.axis_index("c")
    base = wid * cpw

    pltpu.sync_copy(inv_hbm.at[pl.ds(base, cpw)], idxv)

    def fire(ch, carry):
      vec = idxv[pl.ds(ch * 16, 16)]
      for l in range(16):
        i = vec[l]
        pltpu.async_copy(
            src_hbm.at[i >> 3, i & 7], ostage.at[ch * 2 + l // 8, l % 8], sem)
      return carry

    lax.fori_loop(0, cpw // 16, fire, 0)

    def drain(k, carry):
      pltpu.make_async_copy(
          src_hbm.at[0, 0], ostage.at[k // 8, k % 8], sem).wait()
      return carry

    lax.fori_loop(0, cpw, drain, 0)
    pltpu.sync_copy(ostage, out_hbm.at[pl.ds(base // 8, cpw // 8)])

  return pl.kernel(
      body,
      out_type=jax.ShapeDtypeStruct((n // 8, 8, d), jnp.float32),
      mesh=mesh,
      scratch_types=[
          pltpu.VMEM((cpw,), jnp.int32),
          pltpu.VMEM((cpw // 8, 8, d), jnp.float32),
          pltpu.SemaphoreType.DMA,
      ],
  )


def kernel(user_indices, embedding_table):
  (n,) = user_indices.shape
  v, d = embedding_table.shape
  idx = user_indices.astype(jnp.int32)
  ar = jnp.arange(n, dtype=jnp.int32)
  idx_s, perm = lax.sort((idx, ar), num_keys=1)
  _, inv = lax.sort((perm, ar), num_keys=1)
  outs = _make_sorted_gather(v, d, n)(idx_s, embedding_table.T)
  out3 = _make_unpermute(d, n)(inv, outs)
  return out3.reshape(n, d)

# --- scband reference (transcript-rebuilt; emitter-appended) ---
"""Pipeline reference for scband-user-embedding-5076651344407 (READ-ONLY COPY).

The authoritative reference and input builder live on the scoring server;
editing this copy changes nothing except your own understanding.
"""

import jax, jax.numpy as jnp
import numpy as np

NUM_USERS = 1000000
EMBED_DIM = 64
BATCH = 16384

def setup_inputs(seed: int = 0) -> dict:
    key = jax.random.key(seed)
    k_idx, k_tab = jax.random.split(key)
    user_indices = jax.random.randint(k_idx, (BATCH,), 0, NUM_USERS, dtype=jnp.int64 if jax.config.jax_enable_x64 else jnp.int32)
    embedding_table = jax.random.normal(k_tab, (NUM_USERS, EMBED_DIM), dtype=jnp.float32)
    return {"user_indices": user_indices, "embedding_table": embedding_table}

def reference(user_indices, embedding_table):
    # UserEmbedding.forward with leverage_user_feats=False and no combination_layer:
    # just the embedding gather.
    repr_user = jnp.take(embedding_table, user_indices, axis=0)
    return repr_user

if __name__ == "__main__":
    import jax
    _d = setup_inputs()
    print(jax.jit(kernel)(*tuple(_d.values())))

</pallas_src>

<mosaic_0001>
#map = affine_map<(d0, d1) -> (0)>
#map1 = affine_map<(d0, d1) -> (0, 0)>
#map2 = affine_map<(d0, d1) -> (0, 0, 0)>
module attributes {stable_mosaic.version = 14 : i64} {
  func.func @body(%arg0: i32, %arg1: i32, %arg2: memref<16384xi32, #tpu.memory_space<hbm>>, %arg3: memref<64x1000000xf32, #tpu.memory_space<hbm>>, %arg4: memref<2048x8x64xf32, #tpu.memory_space<hbm>>, %arg5: memref<528xi32, #tpu.memory_space<vmem>>, %arg6: memref<7x64x128xf32, #tpu.memory_space<vmem>>, %arg7: memref<64x8x64xf32, #tpu.memory_space<vmem>>, %arg8: memref<!tpu.dma_semaphore, #tpu.memory_space<semaphore_mem>>, %arg9: memref<!tpu.dma_semaphore, #tpu.memory_space<semaphore_mem>>, %arg10: memref<!tpu.dma_semaphore, #tpu.memory_space<semaphore_mem>>, %arg11: memref<!tpu.dma_semaphore, #tpu.memory_space<semaphore_mem>>, %arg12: memref<!tpu.dma_semaphore, #tpu.memory_space<semaphore_mem>>, %arg13: memref<!tpu.dma_semaphore, #tpu.memory_space<semaphore_mem>>, %arg14: memref<!tpu.dma_semaphore, #tpu.memory_space<semaphore_mem>>) attributes {dimension_semantics = [#tpu.dimension_semantics<core_parallel>, #tpu.dimension_semantics<subcore_parallel>], iteration_bounds = array<i64: 2, 16>, scalar_prefetch = 0 : i64, scratch_operands = 10 : i64, tpu.core_type = #tpu.core_type<sc_vector_subcore>, window_params = [{transform_indices = #map}, {transform_indices = #map1}, {transform_indices = #map2}]} {
    %mul3A = arith.constant 2 : i32
    %mul3A_0 = arith.muli %arg1, %mul3A : i32
    %add3A = arith.addi %mul3A_0, %arg0 : i32
    %mul3A_1 = arith.constant 512 : i32
    %mul3A_2 = arith.muli %add3A, %mul3A_1 : i32
    %iota3A = tpu.iota {dimensions = array<i32: 0>} : vector<16xi32>
    "tpu.region"() ({
      %run_scoped3A = tpu.sem_alloc : memref<!tpu.dma_semaphore, #tpu.memory_space<semaphore_mem>>
      %dma_start3A = arith.constant 0 : i32
      %dma_start3A_114 = tpu.memref_slice %arg5[%dma_start3A] : memref<528xi32, #tpu.memory_space<vmem>> -> memref<512xi32, #tpu.memory_space<vmem>>
      %dma_start3A_115 = tpu.memref_slice %arg2[%mul3A_2] : memref<16384xi32, #tpu.memory_space<hbm>> -> memref<512xi32, #tpu.memory_space<hbm>>
      %dma_start3A_116 = arith.constant 0 : i32
      %dma_start3A_117 = tpu.memref_slice %arg5[%dma_start3A_116] : memref<528xi32, #tpu.memory_space<vmem>> -> memref<512xi32, #tpu.memory_space<vmem>>
      %dma_start3A_118 = tpu.memref_slice %arg2[%mul3A_2] : memref<16384xi32, #tpu.memory_space<hbm>> -> memref<512xi32, #tpu.memory_space<hbm>>
      tpu.enqueue_dma source(%dma_start3A_118 : memref<512xi32, #tpu.memory_space<hbm>>) target(%dma_start3A_117 : memref<512xi32, #tpu.memory_space<vmem>>) target_semaphore(%run_scoped3A : memref<!tpu.dma_semaphore, #tpu.memory_space<semaphore_mem>>)
      %dma_wait3A = arith.constant 0 : i32
      %dma_wait3A_119 = tpu.memref_slice %arg5[%dma_wait3A] : memref<528xi32, #tpu.memory_space<vmem>> -> memref<512xi32, #tpu.memory_space<vmem>>
      %dma_wait3A_120 = tpu.memref_slice %arg2[%mul3A_2] : memref<16384xi32, #tpu.memory_space<hbm>> -> memref<512xi32, #tpu.memory_space<hbm>>
      %dma_wait3A_121 = arith.constant 0 : i32
      %dma_wait3A_122 = tpu.memref_slice %arg5[%dma_wait3A_121] : memref<528xi32, #tpu.memory_space<vmem>> -> memref<512xi32, #tpu.memory_space<vmem>>
      %dma_wait3A_123 = tpu.memref_slice %arg2[%mul3A_2] : memref<16384xi32, #tpu.memory_space<hbm>> -> memref<512xi32, #tpu.memory_space<hbm>>
      tpu.wait_dma2 semaphore(%run_scoped3A : memref<!tpu.dma_semaphore, #tpu.memory_space<semaphore_mem>>) src(%dma_wait3A_123 : memref<512xi32, #tpu.memory_space<hbm>>) dst(%dma_wait3A_122 : memref<512xi32, #tpu.memory_space<vmem>>)
      tpu.yield
    }) : () -> ()
    %broadcast_in_dim3A = arith.constant -1 : i32
    %broadcast_in_dim3A_3 = vector.broadcast %broadcast_in_dim3A : i32 to vector<16xi32>
    %swap3A = arith.constant 512 : index
    %swap3A_4 = tpu.vector_load %arg5[%swap3A] {strides = array<i32>} : memref<528xi32, #tpu.memory_space<vmem>>, vector<16xi32>,
    tpu.vector_store %arg5[%swap3A], %broadcast_in_dim3A_3 {strides = array<i32>} : memref<528xi32, #tpu.memory_space<vmem>>, vector<16xi32>,
    %get3A = arith.constant 0 : index
    %get3A_5 = tpu.vector_load %arg5[%get3A] {strides = array<i32>} : memref<528xi32, #tpu.memory_space<vmem>>, vector<16xi32>,
    %slice3A = vector.extract_strided_slice %get3A_5 {offsets = [0], sizes = [1], strides = [1]} : vector<16xi32> to vector<1xi32>
    %squeeze3A = vector.extract %slice3A[0] : i32 from vector<1xi32>
    %shift_right_arithmetic3A = arith.constant 7 : i32
    %shift_right_arithmetic3A_6 = arith.shrsi %squeeze3A, %shift_right_arithmetic3A : i32
    %get3A_7 = arith.constant 496 : index
    %get3A_8 = tpu.vector_load %arg5[%get3A_7] {strides = array<i32>} : memref<528xi32, #tpu.memory_space<vmem>>, vector<16xi32>,
    %broadcast_in_dim3A_9 = arith.constant 15 : i32
    %broadcast_in_dim3A_10 = vector.broadcast %broadcast_in_dim3A_9 : i32 to vector<16x1xi32>
    %gather3A = vector.shape_cast %broadcast_in_dim3A_10 : vector<16x1xi32> to vector<16xi32>
    %gather3A_11 = tpu.dynamic_gather %get3A_8[%gather3A] in [0] : vector<16xi32>, vector<16xi32> -> vector<16xi32>
    %slice3A_12 = vector.extract_strided_slice %gather3A_11 {offsets = [0], sizes = [1], strides = [1]} : vector<16xi32> to vector<1xi32>
    %squeeze3A_13 = vector.extract %slice3A_12[0] : i32 from vector<1xi32>
    %shift_right_arithmetic3A_14 = arith.constant 7 : i32
    %shift_right_arithmetic3A_15 = arith.shrsi %squeeze3A_13, %shift_right_arithmetic3A_14 : i32
    %sub3A = arith.subi %shift_right_arithmetic3A_15, %shift_right_arithmetic3A_6 : i32
    %add3A_16 = arith.constant 1 : i32
    %add3A_17 = arith.addi %sub3A, %add3A_16 : i32
    %gt3A = arith.constant 0 : i32
    %gt3A_18 = arith.cmpi sgt, %add3A_17, %gt3A : i32
    %convert_element_type3A = arith.extui %gt3A_18 : i1 to i32
    %cond3A = arith.constant 0 : i32
    %cond3A_19 = arith.cmpi ne, %convert_element_type3A, %cond3A : i32
    scf.if %cond3A_19 {
      %add3A_114 = arith.constant 0 : i32
      %add3A_115 = arith.addi %shift_right_arithmetic3A_6, %add3A_114 : i32
      %mul3A_116 = arith.constant 128 : i32
      %mul3A_117 = arith.muli %add3A_115, %mul3A_116 : i32
      %multiple_of3A = tpu.assume_multiple %mul3A_117, 128 : i32
      %dma_start3A = arith.constant 0 : i32
      %dma_start3A_118 = arith.constant 0 : i32
      %dma_start3A_119 = arith.constant 0 : i32
      %dma_start3A_120 = tpu.memref_slice %arg6[%dma_start3A, %dma_start3A_118, %dma_start3A_119] : memref<7x64x128xf32, #tpu.memory_space<vmem>> -> memref<1x64x128xf32, #tpu.memory_space<vmem>>
      %dma_start3A_121 = tpu.memref_squeeze %dma_start3A_120 : memref<1x64x128xf32, #tpu.memory_space<vmem>> -> memref<64x128xf32, #tpu.memory_space<vmem>>
      %dma_start3A_122 = arith.constant 0 : i32
      %dma_start3A_123 = tpu.memref_slice %arg3[%dma_start3A_122, %multiple_of3A] : memref<64x1000000xf32, #tpu.memory_space<hbm>> -> memref<64x128xf32, #tpu.memory_space<hbm>>
      %dma_start3A_124 = arith.constant 0 : i32
      %dma_start3A_125 = arith.constant 0 : i32
      %dma_start3A_126 = tpu.memref_slice %arg6[%dma_start3A, %dma_start3A_124, %dma_start3A_125] : memref<7x64x128xf32, #tpu.memory_space<vmem>> -> memref<1x64x128xf32, #tpu.memory_space<vmem>>
      %dma_start3A_127 = tpu.memref_squeeze %dma_start3A_126 : memref<1x64x128xf32, #tpu.memory_space<vmem>> -> memref<64x128xf32, #tpu.memory_space<vmem>>
      %dma_start3A_128 = arith.constant 0 : i32
      %dma_start3A_129 = tpu.memref_slice %arg3[%dma_start3A_128, %multiple_of3A] : memref<64x1000000xf32, #tpu.memory_space<hbm>> -> memref<64x128xf32, #tpu.memory_space<hbm>>
      tpu.enqueue_dma source(%dma_start3A_129 : memref<64x128xf32, #tpu.memory_space<hbm>>) target(%dma_start3A_127 : memref<64x128xf32, #tpu.memory_space<vmem>>) target_semaphore(%arg8 : memref<!tpu.dma_semaphore, #tpu.memory_space<semaphore_mem>>)
    } else {
    }
    %gt3A_20 = arith.constant 1 : i32
    %gt3A_21 = arith.cmpi sgt, %add3A_17, %gt3A_20 : i32
    %convert_element_type3A_22 = arith.extui %gt3A_21 : i1 to i32
    %cond3A_23 = arith.constant 0 : i32
    %cond3A_24 = arith.cmpi ne, %convert_element_type3A_22, %cond3A_23 : i32
    scf.if %cond3A_24 {
      %add3A_114 = arith.constant 1 : i32
      %add3A_115 = arith.addi %shift_right_arithmetic3A_6, %add3A_114 : i32
      %mul3A_116 = arith.constant 128 : i32
      %mul3A_117 = arith.muli %add3A_115, %mul3A_116 : i32
      %multiple_of3A = tpu.assume_multiple %mul3A_117, 128 : i32
      %dma_start3A = arith.constant 1 : i32
      %dma_start3A_118 = arith.constant 0 : i32
      %dma_start3A_119 = arith.constant 0 : i32
      %dma_start3A_120 = tpu.memref_slice %arg6[%dma_start3A, %dma_start3A_118, %dma_start3A_119] : memref<7x64x128xf32, #tpu.memory_space<vmem>> -> memref<1x64x128xf32, #tpu.memory_space<vmem>>
      %dma_start3A_121 = tpu.memref_squeeze %dma_start3A_120 : memref<1x64x128xf32, #tpu.memory_space<vmem>> -> memref<64x128xf32, #tpu.memory_space<vmem>>
      %dma_start3A_122 = arith.constant 0 : i32
      %dma_start3A_123 = tpu.memref_slice %arg3[%dma_start3A_122, %multiple_of3A] : memref<64x1000000xf32, #tpu.memory_space<hbm>> -> memref<64x128xf32, #tpu.memory_space<hbm>>
      %dma_start3A_124 = arith.constant 0 : i32
      %dma_start3A_125 = arith.constant 0 : i32
      %dma_start3A_126 = tpu.memref_slice %arg6[%dma_start3A, %dma_start3A_124, %dma_start3A_125] : memref<7x64x128xf32, #tpu.memory_space<vmem>> -> memref<1x64x128xf32, #tpu.memory_space<vmem>>
      %dma_start3A_127 = tpu.memref_squeeze %dma_start3A_126 : memref<1x64x128xf32, #tpu.memory_space<vmem>> -> memref<64x128xf32, #tpu.memory_space<vmem>>
      %dma_start3A_128 = arith.constant 0 : i32
      %dma_start3A_129 = tpu.memref_slice %arg3[%dma_start3A_128, %multiple_of3A] : memref<64x1000000xf32, #tpu.memory_space<hbm>> -> memref<64x128xf32, #tpu.memory_space<hbm>>
      tpu.enqueue_dma source(%dma_start3A_129 : memref<64x128xf32, #tpu.memory_space<hbm>>) target(%dma_start3A_127 : memref<64x128xf32, #tpu.memory_space<vmem>>) target_semaphore(%arg9 : memref<!tpu.dma_semaphore, #tpu.memory_space<semaphore_mem>>)
    } else {
    }
    %gt3A_25 = arith.constant 2 : i32
    %gt3A_26 = arith.cmpi sgt, %add3A_17, %gt3A_25 : i32
    %convert_element_type3A_27 = arith.extui %gt3A_26 : i1 to i32
    %cond3A_28 = arith.constant 0 : i32
    %cond3A_29 = arith.cmpi ne, %convert_element_type3A_27, %cond3A_28 : i32
    scf.if %cond3A_29 {
      %add3A_114 = arith.constant 2 : i32
      %add3A_115 = arith.addi %shift_right_arithmetic3A_6, %add3A_114 : i32
      %mul3A_116 = arith.constant 128 : i32
      %mul3A_117 = arith.muli %add3A_115, %mul3A_116 : i32
      %multiple_of3A = tpu.assume_multiple %mul3A_117, 128 : i32
      %dma_start3A = arith.constant 2 : i32
      %dma_start3A_118 = arith.constant 0 : i32
      %dma_start3A_119 = arith.constant 0 : i32
      %dma_start3A_120 = tpu.memref_slice %arg6[%dma_start3A, %dma_start3A_118, %dma_start3A_119] : memref<7x64x128xf32, #tpu.memory_space<vmem>> -> memref<1x64x128xf32, #tpu.memory_space<vmem>>
      %dma_start3A_121 = tpu.memref_squeeze %dma_start3A_120 : memref<1x64x128xf32, #tpu.memory_space<vmem>> -> memref<64x128xf32, #tpu.memory_space<vmem>>
      %dma_start3A_122 = arith.constant 0 : i32
      %dma_start3A_123 = tpu.memref_slice %arg3[%dma_start3A_122, %multiple_of3A] : memref<64x1000000xf32, #tpu.memory_space<hbm>> -> memref<64x128xf32, #tpu.memory_space<hbm>>
      %dma_start3A_124 = arith.constant 0 : i32
      %dma_start3A_125 = arith.constant 0 : i32
      %dma_start3A_126 = tpu.memref_slice %arg6[%dma_start3A, %dma_start3A_124, %dma_start3A_125] : memref<7x64x128xf32, #tpu.memory_space<vmem>> -> memref<1x64x128xf32, #tpu.memory_space<vmem>>
      %dma_start3A_127 = tpu.memref_squeeze %dma_start3A_126 : memref<1x64x128xf32, #tpu.memory_space<vmem>> -> memref<64x128xf32, #tpu.memory_space<vmem>>
      %dma_start3A_128 = arith.constant 0 : i32
      %dma_start3A_129 = tpu.memref_slice %arg3[%dma_start3A_128, %multiple_of3A] : memref<64x1000000xf32, #tpu.memory_space<hbm>> -> memref<64x128xf32, #tpu.memory_space<hbm>>
      tpu.enqueue_dma source(%dma_start3A_129 : memref<64x128xf32, #tpu.memory_space<hbm>>) target(%dma_start3A_127 : memref<64x128xf32, #tpu.memory_space<vmem>>) target_semaphore(%arg10 : memref<!tpu.dma_semaphore, #tpu.memory_space<semaphore_mem>>)
    } else {
    }
    %gt3A_30 = arith.constant 3 : i32
    %gt3A_31 = arith.cmpi sgt, %add3A_17, %gt3A_30 : i32
    %convert_element_type3A_32 = arith.extui %gt3A_31 : i1 to i32
    %cond3A_33 = arith.constant 0 : i32
    %cond3A_34 = arith.cmpi ne, %convert_element_type3A_32, %cond3A_33 : i32
    scf.if %cond3A_34 {
      %add3A_114 = arith.constant 3 : i32
      %add3A_115 = arith.addi %shift_right_arithmetic3A_6, %add3A_114 : i32
      %mul3A_116 = arith.constant 128 : i32
      %mul3A_117 = arith.muli %add3A_115, %mul3A_116 : i32
      %multiple_of3A = tpu.assume_multiple %mul3A_117, 128 : i32
      %dma_start3A = arith.constant 3 : i32
      %dma_start3A_118 = arith.constant 0 : i32
      %dma_start3A_119 = arith.constant 0 : i32
      %dma_start3A_120 = tpu.memref_slice %arg6[%dma_start3A, %dma_start3A_118, %dma_start3A_119] : memref<7x64x128xf32, #tpu.memory_space<vmem>> -> memref<1x64x128xf32, #tpu.memory_space<vmem>>
      %dma_start3A_121 = tpu.memref_squeeze %dma_start3A_120 : memref<1x64x128xf32, #tpu.memory_space<vmem>> -> memref<64x128xf32, #tpu.memory_space<vmem>>
      %dma_start3A_122 = arith.constant 0 : i32
      %dma_start3A_123 = tpu.memref_slice %arg3[%dma_start3A_122, %multiple_of3A] : memref<64x1000000xf32, #tpu.memory_space<hbm>> -> memref<64x128xf32, #tpu.memory_space<hbm>>
      %dma_start3A_124 = arith.constant 0 : i32
      %dma_start3A_125 = arith.constant 0 : i32
      %dma_start3A_126 = tpu.memref_slice %arg6[%dma_start3A, %dma_start3A_124, %dma_start3A_125] : memref<7x64x128xf32, #tpu.memory_space<vmem>> -> memref<1x64x128xf32, #tpu.memory_space<vmem>>
      %dma_start3A_127 = tpu.memref_squeeze %dma_start3A_126 : memref<1x64x128xf32, #tpu.memory_space<vmem>> -> memref<64x128xf32, #tpu.memory_space<vmem>>
      %dma_start3A_128 = arith.constant 0 : i32
      %dma_start3A_129 = tpu.memref_slice %arg3[%dma_start3A_128, %multiple_of3A] : memref<64x1000000xf32, #tpu.memory_space<hbm>> -> memref<64x128xf32, #tpu.memory_space<hbm>>
      tpu.enqueue_dma source(%dma_start3A_129 : memref<64x128xf32, #tpu.memory_space<hbm>>) target(%dma_start3A_127 : memref<64x128xf32, #tpu.memory_space<vmem>>) target_semaphore(%arg11 : memref<!tpu.dma_semaphore, #tpu.memory_space<semaphore_mem>>)
    } else {
    }
    %gt3A_35 = arith.constant 4 : i32
    %gt3A_36 = arith.cmpi sgt, %add3A_17, %gt3A_35 : i32
    %convert_element_type3A_37 = arith.extui %gt3A_36 : i1 to i32
    %cond3A_38 = arith.constant 0 : i32
    %cond3A_39 = arith.cmpi ne, %convert_element_type3A_37, %cond3A_38 : i32
    scf.if %cond3A_39 {
      %add3A_114 = arith.constant 4 : i32
      %add3A_115 = arith.addi %shift_right_arithmetic3A_6, %add3A_114 : i32
      %mul3A_116 = arith.constant 128 : i32
      %mul3A_117 = arith.muli %add3A_115, %mul3A_116 : i32
      %multiple_of3A = tpu.assume_multiple %mul3A_117, 128 : i32
      %dma_start3A = arith.constant 4 : i32
      %dma_start3A_118 = arith.constant 0 : i32
      %dma_start3A_119 = arith.constant 0 : i32
      %dma_start3A_120 = tpu.memref_slice %arg6[%dma_start3A, %dma_start3A_118, %dma_start3A_119] : memref<7x64x128xf32, #tpu.memory_space<vmem>> -> memref<1x64x128xf32, #tpu.memory_space<vmem>>
      %dma_start3A_121 = tpu.memref_squeeze %dma_start3A_120 : memref<1x64x128xf32, #tpu.memory_space<vmem>> -> memref<64x128xf32, #tpu.memory_space<vmem>>
      %dma_start3A_122 = arith.constant 0 : i32
      %dma_start3A_123 = tpu.memref_slice %arg3[%dma_start3A_122, %multiple_of3A] : memref<64x1000000xf32, #tpu.memory_space<hbm>> -> memref<64x128xf32, #tpu.memory_space<hbm>>
      %dma_start3A_124 = arith.constant 0 : i32
      %dma_start3A_125 = arith.constant 0 : i32
      %dma_start3A_126 = tpu.memref_slice %arg6[%dma_start3A, %dma_start3A_124, %dma_start3A_125] : memref<7x64x128xf32, #tpu.memory_space<vmem>> -> memref<1x64x128xf32, #tpu.memory_space<vmem>>
      %dma_start3A_127 = tpu.memref_squeeze %dma_start3A_126 : memref<1x64x128xf32, #tpu.memory_space<vmem>> -> memref<64x128xf32, #tpu.memory_space<vmem>>
      %dma_start3A_128 = arith.constant 0 : i32
      %dma_start3A_129 = tpu.memref_slice %arg3[%dma_start3A_128, %multiple_of3A] : memref<64x1000000xf32, #tpu.memory_space<hbm>> -> memref<64x128xf32, #tpu.memory_space<hbm>>
      tpu.enqueue_dma source(%dma_start3A_129 : memref<64x128xf32, #tpu.memory_space<hbm>>) target(%dma_start3A_127 : memref<64x128xf32, #tpu.memory_space<vmem>>) target_semaphore(%arg12 : memref<!tpu.dma_semaphore, #tpu.memory_space<semaphore_mem>>)
    } else {
    }
    %gt3A_40 = arith.constant 5 : i32
    %gt3A_41 = arith.cmpi sgt, %add3A_17, %gt3A_40 : i32
    %convert_element_type3A_42 = arith.extui %gt3A_41 : i1 to i32
    %cond3A_43 = arith.constant 0 : i32
    %cond3A_44 = arith.cmpi ne, %convert_element_type3A_42, %cond3A_43 : i32
    scf.if %cond3A_44 {
      %add3A_114 = arith.constant 5 : i32
      %add3A_115 = arith.addi %shift_right_arithmetic3A_6, %add3A_114 : i32
      %mul3A_116 = arith.constant 128 : i32
      %mul3A_117 = arith.muli %add3A_115, %mul3A_116 : i32
      %multiple_of3A = tpu.assume_multiple %mul3A_117, 128 : i32
      %dma_start3A = arith.constant 5 : i32
      %dma_start3A_118 = arith.constant 0 : i32
      %dma_start3A_119 = arith.constant 0 : i32
      %dma_start3A_120 = tpu.memref_slice %arg6[%dma_start3A, %dma_start3A_118, %dma_start3A_119] : memref<7x64x128xf32, #tpu.memory_space<vmem>> -> memref<1x64x128xf32, #tpu.memory_space<vmem>>
      %dma_start3A_121 = tpu.memref_squeeze %dma_start3A_120 : memref<1x64x128xf32, #tpu.memory_space<vmem>> -> memref<64x128xf32, #tpu.memory_space<vmem>>
      %dma_start3A_122 = arith.constant 0 : i32
      %dma_start3A_123 = tpu.memref_slice %arg3[%dma_start3A_122, %multiple_of3A] : memref<64x1000000xf32, #tpu.memory_space<hbm>> -> memref<64x128xf32, #tpu.memory_space<hbm>>
      %dma_start3A_124 = arith.constant 0 : i32
      %dma_start3A_125 = arith.constant 0 : i32
      %dma_start3A_126 = tpu.memref_slice %arg6[%dma_start3A, %dma_start3A_124, %dma_start3A_125] : memref<7x64x128xf32, #tpu.memory_space<vmem>> -> memref<1x64x128xf32, #tpu.memory_space<vmem>>
      %dma_start3A_127 = tpu.memref_squeeze %dma_start3A_126 : memref<1x64x128xf32, #tpu.memory_space<vmem>> -> memref<64x128xf32, #tpu.memory_space<vmem>>
      %dma_start3A_128 = arith.constant 0 : i32
      %dma_start3A_129 = tpu.memref_slice %arg3[%dma_start3A_128, %multiple_of3A] : memref<64x1000000xf32, #tpu.memory_space<hbm>> -> memref<64x128xf32, #tpu.memory_space<hbm>>
      tpu.enqueue_dma source(%dma_start3A_129 : memref<64x128xf32, #tpu.memory_space<hbm>>) target(%dma_start3A_127 : memref<64x128xf32, #tpu.memory_space<vmem>>) target_semaphore(%arg13 : memref<!tpu.dma_semaphore, #tpu.memory_space<semaphore_mem>>)
    } else {
    }
    %gt3A_45 = arith.constant 6 : i32
    %gt3A_46 = arith.cmpi sgt, %add3A_17, %gt3A_45 : i32
    %convert_element_type3A_47 = arith.extui %gt3A_46 : i1 to i32
    %cond3A_48 = arith.constant 0 : i32
    %cond3A_49 = arith.cmpi ne, %convert_element_type3A_47, %cond3A_48 : i32
    scf.if %cond3A_49 {
      %add3A_114 = arith.constant 6 : i32
      %add3A_115 = arith.addi %shift_right_arithmetic3A_6, %add3A_114 : i32
      %mul3A_116 = arith.constant 128 : i32
      %mul3A_117 = arith.muli %add3A_115, %mul3A_116 : i32
      %multiple_of3A = tpu.assume_multiple %mul3A_117, 128 : i32
      %dma_start3A = arith.constant 6 : i32
      %dma_start3A_118 = arith.constant 0 : i32
      %dma_start3A_119 = arith.constant 0 : i32
      %dma_start3A_120 = tpu.memref_slice %arg6[%dma_start3A, %dma_start3A_118, %dma_start3A_119] : memref<7x64x128xf32, #tpu.memory_space<vmem>> -> memref<1x64x128xf32, #tpu.memory_space<vmem>>
      %dma_start3A_121 = tpu.memref_squeeze %dma_start3A_120 : memref<1x64x128xf32, #tpu.memory_space<vmem>> -> memref<64x128xf32, #tpu.memory_space<vmem>>
      %dma_start3A_122 = arith.constant 0 : i32
      %dma_start3A_123 = tpu.memref_slice %arg3[%dma_start3A_122, %multiple_of3A] : memref<64x1000000xf32, #tpu.memory_space<hbm>> -> memref<64x128xf32, #tpu.memory_space<hbm>>
      %dma_start3A_124 = arith.constant 0 : i32
      %dma_start3A_125 = arith.constant 0 : i32
      %dma_start3A_126 = tpu.memref_slice %arg6[%dma_start3A, %dma_start3A_124, %dma_start3A_125] : memref<7x64x128xf32, #tpu.memory_space<vmem>> -> memref<1x64x128xf32, #tpu.memory_space<vmem>>
      %dma_start3A_127 = tpu.memref_squeeze %dma_start3A_126 : memref<1x64x128xf32, #tpu.memory_space<vmem>> -> memref<64x128xf32, #tpu.memory_space<vmem>>
      %dma_start3A_128 = arith.constant 0 : i32
      %dma_start3A_129 = tpu.memref_slice %arg3[%dma_start3A_128, %multiple_of3A] : memref<64x1000000xf32, #tpu.memory_space<hbm>> -> memref<64x128xf32, #tpu.memory_space<hbm>>
      tpu.enqueue_dma source(%dma_start3A_129 : memref<64x128xf32, #tpu.memory_space<hbm>>) target(%dma_start3A_127 : memref<64x128xf32, #tpu.memory_space<vmem>>) target_semaphore(%arg14 : memref<!tpu.dma_semaphore, #tpu.memory_space<semaphore_mem>>)
    } else {
    }
    %add3A_50 = arith.constant 7 : i32
    %add3A_51 = arith.addi %add3A_17, %add3A_50 : i32
    %sub3A_52 = arith.constant 1 : i32
    %sub3A_53 = arith.subi %add3A_51, %sub3A_52 : i32
    %jit3A = arith.constant 7 : i32
    %div3A = arith.divsi %sub3A_53, %jit3A : i32
    %sign3A = arith.constant 0 : i32
    %sign3A_54 = arith.cmpi sgt, %sub3A_53, %sign3A : i32
    %sign3A_55 = arith.extui %sign3A_54 : i1 to i32
    %sign3A_56 = arith.constant 0 : i32
    %sign3A_57 = arith.cmpi slt, %sub3A_53, %sign3A_56 : i32
    %sign3A_58 = arith.extui %sign3A_57 : i1 to i32
    %sign3A_59 = arith.subi %sign3A_55, %sign3A_58 : i32
    %sign3A_60 = arith.constant 0 : i32
    %sign3A_61 = arith.cmpi sgt, %jit3A, %sign3A_60 : i32
    %sign3A_62 = arith.extui %sign3A_61 : i1 to i32
    %sign3A_63 = arith.constant 0 : i32
    %sign3A_64 = arith.cmpi slt, %jit3A, %sign3A_63 : i32
    %sign3A_65 = arith.extui %sign3A_64 : i1 to i32
    %sign3A_66 = arith.subi %sign3A_62, %sign3A_65 : i32
    %ne3A = arith.cmpi ne, %sign3A_59, %sign3A_66 : i32
    %rem3A = arith.remsi %sub3A_53, %jit3A : i32
    %ne3A_67 = arith.constant 0 : i32
    %ne3A_68 = arith.cmpi ne, %rem3A, %ne3A_67 : i32
    %and3A = arith.andi %ne3A, %ne3A_68 : i1
    %sub3A_69 = arith.constant 1 : i32
    %sub3A_70 = arith.subi %div3A, %sub3A_69 : i32
    %select_n3A = arith.select %and3A, %sub3A_70, %div3A : i32
    %get3A_71 = arith.constant 0 : index
    %get3A_72 = tpu.vector_load %arg5[%get3A_71] {strides = array<i32>} : memref<528xi32, #tpu.memory_space<vmem>>, vector<16xi32>,
    %broadcast_in_dim3A_73 = arith.constant 0 : i32
    %broadcast_in_dim3A_74 = vector.broadcast %broadcast_in_dim3A_73 : i32 to vector<16x1xi32>
    %gather3A_75 = vector.shape_cast %broadcast_in_dim3A_74 : vector<16x1xi32> to vector<16xi32>
    %gather3A_76 = tpu.dynamic_gather %get3A_72[%gather3A_75] in [0] : vector<16xi32>, vector<16xi32> -> vector<16xi32>
    %slice3A_77 = vector.extract_strided_slice %gather3A_76 {offsets = [0], sizes = [1], strides = [1]} : vector<16xi32> to vector<1xi32>
    %squeeze3A_78 = vector.extract %slice3A_77[0] : i32 from vector<1xi32>
    %while3A = arith.constant 0 : i32
    %while3A_79 = arith.constant 0 : i32
    %while3A_80 = arith.subi %select_n3A, %while3A : i32
    %while3A_81 = arith.addi %while3A, %while3A_80 : i32
    %while3A_82 = arith.constant 1 : i32
    %while3A_83 = arith.divsi %while3A_80, %while3A_82 : i32
    %while3A_84 = arith.muli %while3A_83, %while3A_82 : i32
    %while3A_85 = arith.addi %while3A, %while3A_84 : i32
    %while3A_86 = arith.constant 1 : i32
    %while3A_87:2 = scf.for %while3A_114 = %while3A to %while3A_85 step %while3A_86 iter_args(%while3A_115 = %while3A_79, %while3A_116 = %squeeze3A_78) -> (i32, i32)  : i32 {
      %mul3A_117 = arith.constant 7 : i32
      %mul3A_118 = arith.muli %while3A_114, %mul3A_117 : i32
      %add3A_119 = arith.constant 0 : i32
      %add3A_120 = arith.addi %mul3A_118, %add3A_119 : i32
      %lt3A = arith.cmpi slt, %add3A_120, %add3A_17 : i32
      %convert_element_type3A_121 = arith.extui %lt3A : i1 to i32
      %cond3A_122 = arith.constant 0 : i32
      %cond3A_123 = arith.cmpi ne, %convert_element_type3A_121, %cond3A_122 : i32
      scf.if %cond3A_123 {
        %dma_wait3A = arith.constant 0 : i32
        %dma_wait3A_228 = arith.constant 0 : i32
        %dma_wait3A_229 = arith.constant 0 : i32
        %dma_wait3A_230 = tpu.memref_slice %arg6[%dma_wait3A, %dma_wait3A_228, %dma_wait3A_229] : memref<7x64x128xf32, #tpu.memory_space<vmem>> -> memref<1x64x128xf32, #tpu.memory_space<vmem>>
        %dma_wait3A_231 = tpu.memref_squeeze %dma_wait3A_230 : memref<1x64x128xf32, #tpu.memory_space<vmem>> -> memref<64x128xf32, #tpu.memory_space<vmem>>
        %dma_wait3A_232 = arith.constant 0 : i32
        %dma_wait3A_233 = arith.constant 0 : i32
        %dma_wait3A_234 = tpu.memref_slice %arg3[%dma_wait3A_232, %dma_wait3A_233] : memref<64x1000000xf32, #tpu.memory_space<hbm>> -> memref<64x128xf32, #tpu.memory_space<hbm>>
        %dma_wait3A_235 = arith.constant 0 : i32
        %dma_wait3A_236 = arith.constant 0 : i32
        %dma_wait3A_237 = tpu.memref_slice %arg6[%dma_wait3A, %dma_wait3A_235, %dma_wait3A_236] : memref<7x64x128xf32, #tpu.memory_space<vmem>> -> memref<1x64x128xf32, #tpu.memory_space<vmem>>
        %dma_wait3A_238 = tpu.memref_squeeze %dma_wait3A_237 : memref<1x64x128xf32, #tpu.memory_space<vmem>> -> memref<64x128xf32, #tpu.memory_space<vmem>>
        %dma_wait3A_239 = arith.constant 0 : i32
        %dma_wait3A_240 = arith.constant 0 : i32
        %dma_wait3A_241 = tpu.memref_slice %arg3[%dma_wait3A_239, %dma_wait3A_240] : memref<64x1000000xf32, #tpu.memory_space<hbm>> -> memref<64x128xf32, #tpu.memory_space<hbm>>
        tpu.wait_dma2 semaphore(%arg8 : memref<!tpu.dma_semaphore, #tpu.memory_space<semaphore_mem>>) src(%dma_wait3A_241 : memref<64x128xf32, #tpu.memory_space<hbm>>) dst(%dma_wait3A_238 : memref<64x128xf32, #tpu.memory_space<vmem>>)
      } else {
      }
      %add3A_124 = arith.addi %shift_right_arithmetic3A_6, %add3A_120 : i32
      %while3A_125:2 = scf.while (%while3A_228 = %while3A_115, %while3A_229 = %while3A_116) : (i32, i32) -> (i32, i32) {
        %lt3A_230 = arith.cmpi slt, %add3A_120, %add3A_17 : i32
        %shift_right_arithmetic3A_231 = arith.constant 7 : i32
        %shift_right_arithmetic3A_232 = arith.shrsi %while3A_229, %shift_right_arithmetic3A_231 : i32
        %eq3A = arith.cmpi eq, %shift_right_arithmetic3A_232, %add3A_124 : i32
        %and3A_233 = arith.andi %lt3A_230, %eq3A : i1
        scf.condition(%and3A_233) %while3A_228, %while3A_229 : i32, i32
      } do {
      ^bb0(%while3A_228: i32, %while3A_229: i32):
        %and3A_230 = arith.constant 127 : i32
        %and3A_231 = arith.andi %while3A_229, %and3A_230 : i32
        %broadcast_in_dim3A_232 = vector.broadcast %and3A_231 : i32 to vector<16xi32>
        %add3A_233 = arith.constant 0 : i32
        %add3A_234 = vector.broadcast %add3A_233 : i32 to vector<16xi32>
        %add3A_235 = arith.addi %iota3A, %add3A_234 : vector<16xi32>
        %gather3A_236 = arith.constant 0 : i32
        %gather3A_237 = arith.constant 0 : i32
        %gather3A_238 = arith.constant 0 : i32
        %gather3A_239 = tpu.memref_slice %arg6[%gather3A_236, %gather3A_237, %gather3A_238] : memref<7x64x128xf32, #tpu.memory_space<vmem>> -> memref<1x64x128xf32, #tpu.memory_space<vmem>>
        %gather3A_240 = tpu.memref_squeeze %gather3A_239 : memref<1x64x128xf32, #tpu.memory_space<vmem>> -> memref<64x128xf32, #tpu.memory_space<vmem>>
        %gather3A_241 = tpu.vector_load_idx %gather3A_240[%add3A_235, %broadcast_in_dim3A_232] : memref<64x128xf32, #tpu.memory_space<vmem>>[vector<16xi32>, vector<16xi32>], vector<16xf32>,
        %shift_right_arithmetic3A_242 = arith.constant 3 : i32
        %shift_right_arithmetic3A_243 = arith.shrsi %while3A_228, %shift_right_arithmetic3A_242 : i32
        %and3A_244 = arith.constant 7 : i32
        %and3A_245 = arith.andi %while3A_228, %and3A_244 : i32
        %swap3A_246 = arith.index_cast %shift_right_arithmetic3A_243 : i32 to index
        %swap3A_247 = arith.index_cast %and3A_245 : i32 to index
        %swap3A_248 = arith.constant 0 : index
        %swap3A_249 = tpu.vector_load %arg7[%swap3A_246, %swap3A_247, %swap3A_248] {strides = array<i32>} : memref<64x8x64xf32, #tpu.memory_space<vmem>>, vector<16xf32>,
        tpu.vector_store %arg7[%swap3A_246, %swap3A_247, %swap3A_248], %gather3A_241 {strides = array<i32>} : memref<64x8x64xf32, #tpu.memory_space<vmem>>, vector<16xf32>,
        %add3A_250 = arith.constant 16 : i32
        %add3A_251 = vector.broadcast %add3A_250 : i32 to vector<16xi32>
        %add3A_252 = arith.addi %iota3A, %add3A_251 : vector<16xi32>
        %gather3A_253 = arith.constant 0 : i32
        %gather3A_254 = arith.constant 0 : i32
        %gather3A_255 = arith.constant 0 : i32
        %gather3A_256 = tpu.memref_slice %arg6[%gather3A_253, %gather3A_254, %gather3A_255] : memref<7x64x128xf32, #tpu.memory_space<vmem>> -> memref<1x64x128xf32, #tpu.memory_space<vmem>>
        %gather3A_257 = tpu.memref_squeeze %gather3A_256 : memref<1x64x128xf32, #tpu.memory_space<vmem>> -> memref<64x128xf32, #tpu.memory_space<vmem>>
        %gather3A_258 = tpu.vector_load_idx %gather3A_257[%add3A_252, %broadcast_in_dim3A_232] : memref<64x128xf32, #tpu.memory_space<vmem>>[vector<16xi32>, vector<16xi32>], vector<16xf32>,
        %shift_right_arithmetic3A_259 = arith.constant 3 : i32
        %shift_right_arithmetic3A_260 = arith.shrsi %while3A_228, %shift_right_arithmetic3A_259 : i32
        %and3A_261 = arith.constant 7 : i32
        %and3A_262 = arith.andi %while3A_228, %and3A_261 : i32
        %swap3A_263 = arith.index_cast %shift_right_arithmetic3A_260 : i32 to index
        %swap3A_264 = arith.index_cast %and3A_262 : i32 to index
        %swap3A_265 = arith.constant 16 : index
        %swap3A_266 = tpu.vector_load %arg7[%swap3A_263, %swap3A_264, %swap3A_265] {strides = array<i32>} : memref<64x8x64xf32, #tpu.memory_space<vmem>>, vector<16xf32>,
        tpu.vector_store %arg7[%swap3A_263, %swap3A_264, %swap3A_265], %gather3A_258 {strides = array<i32>} : memref<64x8x64xf32, #tpu.memory_space<vmem>>, vector<16xf32>,
        %add3A_267 = arith.constant 32 : i32
        %add3A_268 = vector.broadcast %add3A_267 : i32 to vector<16xi32>
        %add3A_269 = arith.addi %iota3A, %add3A_268 : vector<16xi32>
        %gather3A_270 = arith.constant 0 : i32
        %gather3A_271 = arith.constant 0 : i32
        %gather3A_272 = arith.constant 0 : i32
        %gather3A_273 = tpu.memref_slice %arg6[%gather3A_270, %gather3A_271, %gather3A_272] : memref<7x64x128xf32, #tpu.memory_space<vmem>> -> memref<1x64x128xf32, #tpu.memory_space<vmem>>
        %gather3A_274 = tpu.memref_squeeze %gather3A_273 : memref<1x64x128xf32, #tpu.memory_space<vmem>> -> memref<64x128xf32, #tpu.memory_space<vmem>>
        %gather3A_275 = tpu.vector_load_idx %gather3A_274[%add3A_269, %broadcast_in_dim3A_232] : memref<64x128xf32, #tpu.memory_space<vmem>>[vector<16xi32>, vector<16xi32>], vector<16xf32>,
        %shift_right_arithmetic3A_276 = arith.constant 3 : i32
        %shift_right_arithmetic3A_277 = arith.shrsi %while3A_228, %shift_right_arithmetic3A_276 : i32
        %and3A_278 = arith.constant 7 : i32
        %and3A_279 = arith.andi %while3A_228, %and3A_278 : i32
        %swap3A_280 = arith.index_cast %shift_right_arithmetic3A_277 : i32 to index
        %swap3A_281 = arith.index_cast %and3A_279 : i32 to index
        %swap3A_282 = arith.constant 32 : index
        %swap3A_283 = tpu.vector_load %arg7[%swap3A_280, %swap3A_281, %swap3A_282] {strides = array<i32>} : memref<64x8x64xf32, #tpu.memory_space<vmem>>, vector<16xf32>,
        tpu.vector_store %arg7[%swap3A_280, %swap3A_281, %swap3A_282], %gather3A_275 {strides = array<i32>} : memref<64x8x64xf32, #tpu.memory_space<vmem>>, vector<16xf32>,
        %add3A_284 = arith.constant 48 : i32
        %add3A_285 = vector.broadcast %add3A_284 : i32 to vector<16xi32>
        %add3A_286 = arith.addi %iota3A, %add3A_285 : vector<16xi32>
        %gather3A_287 = arith.constant 0 : i32
        %gather3A_288 = arith.constant 0 : i32
        %gather3A_289 = arith.constant 0 : i32
        %gather3A_290 = tpu.memref_slice %arg6[%gather3A_287, %gather3A_288, %gather3A_289] : memref<7x64x128xf32, #tpu.memory_space<vmem>> -> memref<1x64x128xf32, #tpu.memory_space<vmem>>
        %gather3A_291 = tpu.memref_squeeze %gather3A_290 : memref<1x64x128xf32, #tpu.memory_space<vmem>> -> memref<64x128xf32, #tpu.memory_space<vmem>>
        %gather3A_292 = tpu.vector_load_idx %gather3A_291[%add3A_286, %broadcast_in_dim3A_232] : memref<64x128xf32, #tpu.memory_space<vmem>>[vector<16xi32>, vector<16xi32>], vector<16xf32>,
        %shift_right_arithmetic3A_293 = arith.constant 3 : i32
        %shift_right_arithmetic3A_294 = arith.shrsi %while3A_228, %shift_right_arithmetic3A_293 : i32
        %and3A_295 = arith.constant 7 : i32
        %and3A_296 = arith.andi %while3A_228, %and3A_295 : i32
        %swap3A_297 = arith.index_cast %shift_right_arithmetic3A_294 : i32 to index
        %swap3A_298 = arith.index_cast %and3A_296 : i32 to index
        %swap3A_299 = arith.constant 48 : index
        %swap3A_300 = tpu.vector_load %arg7[%swap3A_297, %swap3A_298, %swap3A_299] {strides = array<i32>} : memref<64x8x64xf32, #tpu.memory_space<vmem>>, vector<16xf32>,
        tpu.vector_store %arg7[%swap3A_297, %swap3A_298, %swap3A_299], %gather3A_292 {strides = array<i32>} : memref<64x8x64xf32, #tpu.memory_space<vmem>>, vector<16xf32>,
        %add3A_301 = arith.constant 1 : i32
        %add3A_302 = arith.addi %while3A_228, %add3A_301 : i32
        %add3A_303 = arith.constant 1 : i32
        %add3A_304 = arith.addi %while3A_228, %add3A_303 : i32
        %shift_right_arithmetic3A_305 = arith.constant 4 : i32
        %shift_right_arithmetic3A_306 = arith.shrsi %add3A_304, %shift_right_arithmetic3A_305 : i32
        %shift_left3A = arith.constant 4 : i32
        %shift_left3A_307 = arith.shli %shift_right_arithmetic3A_306, %shift_left3A : i32
        %get3A_308 = arith.index_cast %shift_left3A_307 : i32 to index
        %get3A_309 = tpu.vector_load %arg5[%get3A_308] {strides = array<i32>} : memref<528xi32, #tpu.memory_space<vmem>>, vector<16xi32>,
        %and3A_310 = arith.constant 15 : i32
        %and3A_311 = arith.andi %add3A_304, %and3A_310 : i32
        %broadcast_in_dim3A_312 = vector.broadcast %and3A_311 : i32 to vector<16x1xi32>
        %gather3A_313 = vector.shape_cast %broadcast_in_dim3A_312 : vector<16x1xi32> to vector<16xi32>
        %gather3A_314 = tpu.dynamic_gather %get3A_309[%gather3A_313] in [0] : vector<16xi32>, vector<16xi32> -> vector<16xi32>
        %slice3A_315 = vector.extract_strided_slice %gather3A_314 {offsets = [0], sizes = [1], strides = [1]} : vector<16xi32> to vector<1xi32>
        %squeeze3A_316 = vector.extract %slice3A_315[0] : i32 from vector<1xi32>
        scf.yield %add3A_302, %squeeze3A_316 : i32, i32
      }
      %add3A_126 = arith.constant 7 : i32
      %add3A_127 = arith.addi %add3A_120, %add3A_126 : i32
      %lt3A_128 = arith.cmpi slt, %add3A_127, %add3A_17 : i32
      %convert_element_type3A_129 = arith.extui %lt3A_128 : i1 to i32
      %cond3A_130 = arith.constant 0 : i32
      %cond3A_131 = arith.cmpi ne, %convert_element_type3A_129, %cond3A_130 : i32
      scf.if %cond3A_131 {
        %add3A_228 = arith.addi %shift_right_arithmetic3A_6, %add3A_120 : i32
        %add3A_229 = arith.constant 7 : i32
        %add3A_230 = arith.addi %add3A_228, %add3A_229 : i32
        %mul3A_231 = arith.constant 128 : i32
        %mul3A_232 = arith.muli %add3A_230, %mul3A_231 : i32
        %multiple_of3A = tpu.assume_multiple %mul3A_232, 128 : i32
        %dma_start3A = arith.constant 0 : i32
        %dma_start3A_233 = arith.constant 0 : i32
        %dma_start3A_234 = arith.constant 0 : i32
        %dma_start3A_235 = tpu.memref_slice %arg6[%dma_start3A, %dma_start3A_233, %dma_start3A_234] : memref<7x64x128xf32, #tpu.memory_space<vmem>> -> memref<1x64x128xf32, #tpu.memory_space<vmem>>
        %dma_start3A_236 = tpu.memref_squeeze %dma_start3A_235 : memref<1x64x128xf32, #tpu.memory_space<vmem>> -> memref<64x128xf32, #tpu.memory_space<vmem>>
        %dma_start3A_237 = arith.constant 0 : i32
        %dma_start3A_238 = tpu.memref_slice %arg3[%dma_start3A_237, %multiple_of3A] : memref<64x1000000xf32, #tpu.memory_space<hbm>> -> memref<64x128xf32, #tpu.memory_space<hbm>>
        %dma_start3A_239 = arith.constant 0 : i32
        %dma_start3A_240 = arith.constant 0 : i32
        %dma_start3A_241 = tpu.memref_slice %arg6[%dma_start3A, %dma_start3A_239, %dma_start3A_240] : memref<7x64x128xf32, #tpu.memory_space<vmem>> -> memref<1x64x128xf32, #tpu.memory_space<vmem>>
        %dma_start3A_242 = tpu.memref_squeeze %dma_start3A_241 : memref<1x64x128xf32, #tpu.memory_space<vmem>> -> memref<64x128xf32, #tpu.memory_space<vmem>>
        %dma_start3A_243 = arith.constant 0 : i32
        %dma_start3A_244 = tpu.memref_slice %arg3[%dma_start3A_243, %multiple_of3A] : memref<64x1000000xf32, #tpu.memory_space<hbm>> -> memref<64x128xf32, #tpu.memory_space<hbm>>
        tpu.enqueue_dma source(%dma_start3A_244 : memref<64x128xf32, #tpu.memory_space<hbm>>) target(%dma_start3A_242 : memref<64x128xf32, #tpu.memory_space<vmem>>) target_semaphore(%arg8 : memref<!tpu.dma_semaphore, #tpu.memory_space<semaphore_mem>>)
      } else {
      }
      %mul3A_132 = arith.constant 7 : i32
      %mul3A_133 = arith.muli %while3A_114, %mul3A_132 : i32
      %add3A_134 = arith.constant 1 : i32
      %add3A_135 = arith.addi %mul3A_133, %add3A_134 : i32
      %lt3A_136 = arith.cmpi slt, %add3A_135, %add3A_17 : i32
      %convert_element_type3A_137 = arith.extui %lt3A_136 : i1 to i32
      %cond3A_138 = arith.constant 0 : i32
      %cond3A_139 = arith.cmpi ne, %convert_element_type3A_137, %cond3A_138 : i32
      scf.if %cond3A_139 {
        %dma_wait3A = arith.constant 1 : i32
        %dma_wait3A_228 = arith.constant 0 : i32
        %dma_wait3A_229 = arith.constant 0 : i32
        %dma_wait3A_230 = tpu.memref_slice %arg6[%dma_wait3A, %dma_wait3A_228, %dma_wait3A_229] : memref<7x64x128xf32, #tpu.memory_space<vmem>> -> memref<1x64x128xf32, #tpu.memory_space<vmem>>
        %dma_wait3A_231 = tpu.memref_squeeze %dma_wait3A_230 : memref<1x64x128xf32, #tpu.memory_space<vmem>> -> memref<64x128xf32, #tpu.memory_space<vmem>>
        %dma_wait3A_232 = arith.constant 0 : i32
        %dma_wait3A_233 = arith.constant 0 : i32
        %dma_wait3A_234 = tpu.memref_slice %arg3[%dma_wait3A_232, %dma_wait3A_233] : memref<64x1000000xf32, #tpu.memory_space<hbm>> -> memref<64x128xf32, #tpu.memory_space<hbm>>
        %dma_wait3A_235 = arith.constant 0 : i32
        %dma_wait3A_236 = arith.constant 0 : i32
        %dma_wait3A_237 = tpu.memref_slice %arg6[%dma_wait3A, %dma_wait3A_235, %dma_wait3A_236] : memref<7x64x128xf32, #tpu.memory_space<vmem>> -> memref<1x64x128xf32, #tpu.memory_space<vmem>>
        %dma_wait3A_238 = tpu.memref_squeeze %dma_wait3A_237 : memref<1x64x128xf32, #tpu.memory_space<vmem>> -> memref<64x128xf32, #tpu.memory_space<vmem>>
        %dma_wait3A_239 = arith.constant 0 : i32
        %dma_wait3A_240 = arith.constant 0 : i32
        %dma_wait3A_241 = tpu.memref_slice %arg3[%dma_wait3A_239, %dma_wait3A_240] : memref<64x1000000xf32, #tpu.memory_space<hbm>> -> memref<64x128xf32, #tpu.memory_space<hbm>>
        tpu.wait_dma2 semaphore(%arg9 : memref<!tpu.dma_semaphore, #tpu.memory_space<semaphore_mem>>) src(%dma_wait3A_241 : memref<64x128xf32, #tpu.memory_space<hbm>>) dst(%dma_wait3A_238 : memref<64x128xf32, #tpu.memory_space<vmem>>)
      } else {
      }
      %add3A_140 = arith.addi %shift_right_arithmetic3A_6, %add3A_135 : i32
      %while3A_141:2 = scf.while (%while3A_228 = %while3A_125#0, %while3A_229 = %while3A_125#1) : (i32, i32) -> (i32, i32) {
        %lt3A_230 = arith.cmpi slt, %add3A_135, %add3A_17 : i32
        %shift_right_arithmetic3A_231 = arith.constant 7 : i32
        %shift_right_arithmetic3A_232 = arith.shrsi %while3A_229, %shift_right_arithmetic3A_231 : i32
        %eq3A = arith.cmpi eq, %shift_right_arithmetic3A_232, %add3A_140 : i32
        %and3A_233 = arith.andi %lt3A_230, %eq3A : i1
        scf.condition(%and3A_233) %while3A_228, %while3A_229 : i32, i32
      } do {
      ^bb0(%while3A_228: i32, %while3A_229: i32):
        %and3A_230 = arith.constant 127 : i32
        %and3A_231 = arith.andi %while3A_229, %and3A_230 : i32
        %broadcast_in_dim3A_232 = vector.broadcast %and3A_231 : i32 to vector<16xi32>
        %add3A_233 = arith.constant 0 : i32
        %add3A_234 = vector.broadcast %add3A_233 : i32 to vector<16xi32>
        %add3A_235 = arith.addi %iota3A, %add3A_234 : vector<16xi32>
        %gather3A_236 = arith.constant 1 : i32
        %gather3A_237 = arith.constant 0 : i32
        %gather3A_238 = arith.constant 0 : i32
        %gather3A_239 = tpu.memref_slice %arg6[%gather3A_236, %gather3A_237, %gather3A_238] : memref<7x64x128xf32, #tpu.memory_space<vmem>> -> memref<1x64x128xf32, #tpu.memory_space<vmem>>
        %gather3A_240 = tpu.memref_squeeze %gather3A_239 : memref<1x64x128xf32, #tpu.memory_space<vmem>> -> memref<64x128xf32, #tpu.memory_space<vmem>>
        %gather3A_241 = tpu.vector_load_idx %gather3A_240[%add3A_235, %broadcast_in_dim3A_232] : memref<64x128xf32, #tpu.memory_space<vmem>>[vector<16xi32>, vector<16xi32>], vector<16xf32>,
        %shift_right_arithmetic3A_242 = arith.constant 3 : i32
        %shift_right_arithmetic3A_243 = arith.shrsi %while3A_228, %shift_right_arithmetic3A_242 : i32
        %and3A_244 = arith.constant 7 : i32
        %and3A_245 = arith.andi %while3A_228, %and3A_244 : i32
        %swap3A_246 = arith.index_cast %shift_right_arithmetic3A_243 : i32 to index
        %swap3A_247 = arith.index_cast %and3A_245 : i32 to index
        %swap3A_248 = arith.constant 0 : index
        %swap3A_249 = tpu.vector_load %arg7[%swap3A_246, %swap3A_247, %swap3A_248] {strides = array<i32>} : memref<64x8x64xf32, #tpu.memory_space<vmem>>, vector<16xf32>,
        tpu.vector_store %arg7[%swap3A_246, %swap3A_247, %swap3A_248], %gather3A_241 {strides = array<i32>} : memref<64x8x64xf32, #tpu.memory_space<vmem>>, vector<16xf32>,
        %add3A_250 = arith.constant 16 : i32
        %add3A_251 = vector.broadcast %add3A_250 : i32 to vector<16xi32>
        %add3A_252 = arith.addi %iota3A, %add3A_251 : vector<16xi32>
        %gather3A_253 = arith.constant 1 : i32
        %gather3A_254 = arith.constant 0 : i32
        %gather3A_255 = arith.constant 0 : i32
        %gather3A_256 = tpu.memref_slice %arg6[%gather3A_253, %gather3A_254, %gather3A_255] : memref<7x64x128xf32, #tpu.memory_space<vmem>> -> memref<1x64x128xf32, #tpu.memory_space<vmem>>
        %gather3A_257 = tpu.memref_squeeze %gather3A_256 : memref<1x64x128xf32, #tpu.memory_space<vmem>> -> memref<64x128xf32, #tpu.memory_space<vmem>>
        %gather3A_258 = tpu.vector_load_idx %gather3A_257[%add3A_252, %broadcast_in_dim3A_232] : memref<64x128xf32, #tpu.memory_space<vmem>>[vector<16xi32>, vector<16xi32>], vector<16xf32>,
        %shift_right_arithmetic3A_259 = arith.constant 3 : i32
        %shift_right_arithmetic3A_260 = arith.shrsi %while3A_228, %shift_right_arithmetic3A_259 : i32
        %and3A_261 = arith.constant 7 : i32
        %and3A_262 = arith.andi %while3A_228, %and3A_261 : i32
        %swap3A_263 = arith.index_cast %shift_right_arithmetic3A_260 : i32 to index
        %swap3A_264 = arith.index_cast %and3A_262 : i32 to index
        %swap3A_265 = arith.constant 16 : index
        %swap3A_266 = tpu.vector_load %arg7[%swap3A_263, %swap3A_264, %swap3A_265] {strides = array<i32>} : memref<64x8x64xf32, #tpu.memory_space<vmem>>, vector<16xf32>,
        tpu.vector_store %arg7[%swap3A_263, %swap3A_264, %swap3A_265], %gather3A_258 {strides = array<i32>} : memref<64x8x64xf32, #tpu.memory_space<vmem>>, vector<16xf32>,
        %add3A_267 = arith.constant 32 : i32
        %add3A_268 = vector.broadcast %add3A_267 : i32 to vector<16xi32>
        %add3A_269 = arith.addi %iota3A, %add3A_268 : vector<16xi32>
        %gather3A_270 = arith.constant 1 : i32
        %gather3A_271 = arith.constant 0 : i32
        %gather3A_272 = arith.constant 0 : i32
        %gather3A_273 = tpu.memref_slice %arg6[%gather3A_270, %gather3A_271, %gather3A_272] : memref<7x64x128xf32, #tpu.memory_space<vmem>> -> memref<1x64x128xf32, #tpu.memory_space<vmem>>
        %gather3A_274 = tpu.memref_squeeze %gather3A_273 : memref<1x64x128xf32, #tpu.memory_space<vmem>> -> memref<64x128xf32, #tpu.memory_space<vmem>>
        %gather3A_275 = tpu.vector_load_idx %gather3A_274[%add3A_269, %broadcast_in_dim3A_232] : memref<64x128xf32, #tpu.memory_space<vmem>>[vector<16xi32>, vector<16xi32>], vector<16xf32>,
        %shift_right_arithmetic3A_276 = arith.constant 3 : i32
        %shift_right_arithmetic3A_277 = arith.shrsi %while3A_228, %shift_right_arithmetic3A_276 : i32
        %and3A_278 = arith.constant 7 : i32
        %and3A_279 = arith.andi %while3A_228, %and3A_278 : i32
        %swap3A_280 = arith.index_cast %shift_right_arithmetic3A_277 : i32 to index
        %swap3A_281 = arith.index_cast %and3A_279 : i32 to index
        %swap3A_282 = arith.constant 32 : index
        %swap3A_283 = tpu.vector_load %arg7[%swap3A_280, %swap3A_281, %swap3A_282] {strides = array<i32>} : memref<64x8x64xf32, #tpu.memory_space<vmem>>, vector<16xf32>,
        tpu.vector_store %arg7[%swap3A_280, %swap3A_281, %swap3A_282], %gather3A_275 {strides = array<i32>} : memref<64x8x64xf32, #tpu.memory_space<vmem>>, vector<16xf32>,
        %add3A_284 = arith.constant 48 : i32
        %add3A_285 = vector.broadcast %add3A_284 : i32 to vector<16xi32>
        %add3A_286 = arith.addi %iota3A, %add3A_285 : vector<16xi32>
        %gather3A_287 = arith.constant 1 : i32
        %gather3A_288 = arith.constant 0 : i32
        %gather3A_289 = arith.constant 0 : i32
        %gather3A_290 = tpu.memref_slice %arg6[%gather3A_287, %gather3A_288, %gather3A_289] : memref<7x64x128xf32, #tpu.memory_space<vmem>> -> memref<1x64x128xf32, #tpu.memory_space<vmem>>
        %gather3A_291 = tpu.memref_squeeze %gather3A_290 : memref<1x64x128xf32, #tpu.memory_space<vmem>> -> memref<64x128xf32, #tpu.memory_space<vmem>>
        %gather3A_292 = tpu.vector_load_idx %gather3A_291[%add3A_286, %broadcast_in_dim3A_232] : memref<64x128xf32, #tpu.memory_space<vmem>>[vector<16xi32>, vector<16xi32>], vector<16xf32>,
        %shift_right_arithmetic3A_293 = arith.constant 3 : i32
        %shift_right_arithmetic3A_294 = arith.shrsi %while3A_228, %shift_right_arithmetic3A_293 : i32
        %and3A_295 = arith.constant 7 : i32
        %and3A_296 = arith.andi %while3A_228, %and3A_295 : i32
        %swap3A_297 = arith.index_cast %shift_right_arithmetic3A_294 : i32 to index
        %swap3A_298 = arith.index_cast %and3A_296 : i32 to index
        %swap3A_299 = arith.constant 48 : index
        %swap3A_300 = tpu.vector_load %arg7[%swap3A_297, %swap3A_298, %swap3A_299] {strides = array<i32>} : memref<64x8x64xf32, #tpu.memory_space<vmem>>, vector<16xf32>,
        tpu.vector_store %arg7[%swap3A_297, %swap3A_298, %swap3A_299], %gather3A_292 {strides = array<i32>} : memref<64x8x64xf32, #tpu.memory_space<vmem>>, vector<16xf32>,
        %add3A_301 = arith.constant 1 : i32
        %add3A_302 = arith.addi %while3A_228, %add3A_301 : i32
        %add3A_303 = arith.constant 1 : i32
        %add3A_304 = arith.addi %while3A_228, %add3A_303 : i32
        %shift_right_arithmetic3A_305 = arith.constant 4 : i32
        %shift_right_arithmetic3A_306 = arith.shrsi %add3A_304, %shift_right_arithmetic3A_305 : i32
        %shift_left3A = arith.constant 4 : i32
        %shift_left3A_307 = arith.shli %shift_right_arithmetic3A_306, %shift_left3A : i32
        %get3A_308 = arith.index_cast %shift_left3A_307 : i32 to index
        %get3A_309 = tpu.vector_load %arg5[%get3A_308] {strides = array<i32>} : memref<528xi32, #tpu.memory_space<vmem>>, vector<16xi32>,
        %and3A_310 = arith.constant 15 : i32
        %and3A_311 = arith.andi %add3A_304, %and3A_310 : i32
        %broadcast_in_dim3A_312 = vector.broadcast %and3A_311 : i32 to vector<16x1xi32>
        %gather3A_313 = vector.shape_cast %broadcast_in_dim3A_312 : vector<16x1xi32> to vector<16xi32>
        %gather3A_314 = tpu.dynamic_gather %get3A_309[%gather3A_313] in [0] : vector<16xi32>, vector<16xi32> -> vector<16xi32>
        %slice3A_315 = vector.extract_strided_slice %gather3A_314 {offsets = [0], sizes = [1], strides = [1]} : vector<16xi32> to vector<1xi32>
        %squeeze3A_316 = vector.extract %slice3A_315[0] : i32 from vector<1xi32>
        scf.yield %add3A_302, %squeeze3A_316 : i32, i32
      }
      %add3A_142 = arith.constant 7 : i32
      %add3A_143 = arith.addi %add3A_135, %add3A_142 : i32
      %lt3A_144 = arith.cmpi slt, %add3A_143, %add3A_17 : i32
      %convert_element_type3A_145 = arith.extui %lt3A_144 : i1 to i32
      %cond3A_146 = arith.constant 0 : i32
      %cond3A_147 = arith.cmpi ne, %convert_element_type3A_145, %cond3A_146 : i32
      scf.if %cond3A_147 {
        %add3A_228 = arith.addi %shift_right_arithmetic3A_6, %add3A_135 : i32
        %add3A_229 = arith.constant 7 : i32
        %add3A_230 = arith.addi %add3A_228, %add3A_229 : i32
        %mul3A_231 = arith.constant 128 : i32
        %mul3A_232 = arith.muli %add3A_230, %mul3A_231 : i32
        %multiple_of3A = tpu.assume_multiple %mul3A_232, 128 : i32
        %dma_start3A = arith.constant 1 : i32
        %dma_start3A_233 = arith.constant 0 : i32
        %dma_start3A_234 = arith.constant 0 : i32
        %dma_start3A_235 = tpu.memref_slice %arg6[%dma_start3A, %dma_start3A_233, %dma_start3A_234] : memref<7x64x128xf32, #tpu.memory_space<vmem>> -> memref<1x64x128xf32, #tpu.memory_space<vmem>>
        %dma_start3A_236 = tpu.memref_squeeze %dma_start3A_235 : memref<1x64x128xf32, #tpu.memory_space<vmem>> -> memref<64x128xf32, #tpu.memory_space<vmem>>
        %dma_start3A_237 = arith.constant 0 : i32
        %dma_start3A_238 = tpu.memref_slice %arg3[%dma_start3A_237, %multiple_of3A] : memref<64x1000000xf32, #tpu.memory_space<hbm>> -> memref<64x128xf32, #tpu.memory_space<hbm>>
        %dma_start3A_239 = arith.constant 0 : i32
        %dma_start3A_240 = arith.constant 0 : i32
        %dma_start3A_241 = tpu.memref_slice %arg6[%dma_start3A, %dma_start3A_239, %dma_start3A_240] : memref<7x64x128xf32, #tpu.memory_space<vmem>> -> memref<1x64x128xf32, #tpu.memory_space<vmem>>
        %dma_start3A_242 = tpu.memref_squeeze %dma_start3A_241 : memref<1x64x128xf32, #tpu.memory_space<vmem>> -> memref<64x128xf32, #tpu.memory_space<vmem>>
        %dma_start3A_243 = arith.constant 0 : i32
        %dma_start3A_244 = tpu.memref_slice %arg3[%dma_start3A_243, %multiple_of3A] : memref<64x1000000xf32, #tpu.memory_space<hbm>> -> memref<64x128xf32, #tpu.memory_space<hbm>>
        tpu.enqueue_dma source(%dma_start3A_244 : memref<64x128xf32, #tpu.memory_space<hbm>>) target(%dma_start3A_242 : memref<64x128xf32, #tpu.memory_space<vmem>>) target_semaphore(%arg9 : memref<!tpu.dma_semaphore, #tpu.memory_space<semaphore_mem>>)
      } else {
      }
      %mul3A_148 = arith.constant 7 : i32
      %mul3A_149 = arith.muli %while3A_114, %mul3A_148 : i32
      %add3A_150 = arith.constant 2 : i32
      %add3A_151 = arith.addi %mul3A_149, %add3A_150 : i32
      %lt3A_152 = arith.cmpi slt, %add3A_151, %add3A_17 : i32
      %convert_element_type3A_153 = arith.extui %lt3A_152 : i1 to i32
      %cond3A_154 = arith.constant 0 : i32
      %cond3A_155 = arith.cmpi ne, %convert_element_type3A_153, %cond3A_154 : i32
      scf.if %cond3A_155 {
        %dma_wait3A = arith.constant 2 : i32
        %dma_wait3A_228 = arith.constant 0 : i32
        %dma_wait3A_229 = arith.constant 0 : i32
        %dma_wait3A_230 = tpu.memref_slice %arg6[%dma_wait3A, %dma_wait3A_228, %dma_wait3A_229] : memref<7x64x128xf32, #tpu.memory_space<vmem>> -> memref<1x64x128xf32, #tpu.memory_space<vmem>>
        %dma_wait3A_231 = tpu.memref_squeeze %dma_wait3A_230 : memref<1x64x128xf32, #tpu.memory_space<vmem>> -> memref<64x128xf32, #tpu.memory_space<vmem>>
        %dma_wait3A_232 = arith.constant 0 : i32
        %dma_wait3A_233 = arith.constant 0 : i32
        %dma_wait3A_234 = tpu.memref_slice %arg3[%dma_wait3A_232, %dma_wait3A_233] : memref<64x1000000xf32, #tpu.memory_space<hbm>> -> memref<64x128xf32, #tpu.memory_space<hbm>>
        %dma_wait3A_235 = arith.constant 0 : i32
        %dma_wait3A_236 = arith.constant 0 : i32
        %dma_wait3A_237 = tpu.memref_slice %arg6[%dma_wait3A, %dma_wait3A_235, %dma_wait3A_236] : memref<7x64x128xf32, #tpu.memory_space<vmem>> -> memref<1x64x128xf32, #tpu.memory_space<vmem>>
        %dma_wait3A_238 = tpu.memref_squeeze %dma_wait3A_237 : memref<1x64x128xf32, #tpu.memory_space<vmem>> -> memref<64x128xf32, #tpu.memory_space<vmem>>
        %dma_wait3A_239 = arith.constant 0 : i32
        %dma_wait3A_240 = arith.constant 0 : i32
        %dma_wait3A_241 = tpu.memref_slice %arg3[%dma_wait3A_239, %dma_wait3A_240] : memref<64x1000000xf32, #tpu.memory_space<hbm>> -> memref<64x128xf32, #tpu.memory_space<hbm>>
        tpu.wait_dma2 semaphore(%arg10 : memref<!tpu.dma_semaphore, #tpu.memory_space<semaphore_mem>>) src(%dma_wait3A_241 : memref<64x128xf32, #tpu.memory_space<hbm>>) dst(%dma_wait3A_238 : memref<64x128xf32, #tpu.memory_space<vmem>>)
      } else {
      }
      %add3A_156 = arith.addi %shift_right_arithmetic3A_6, %add3A_151 : i32
      %while3A_157:2 = scf.while (%while3A_228 = %while3A_141#0, %while3A_229 = %while3A_141#1) : (i32, i32) -> (i32, i32) {
        %lt3A_230 = arith.cmpi slt, %add3A_151, %add3A_17 : i32
        %shift_right_arithmetic3A_231 = arith.constant 7 : i32
        %shift_right_arithmetic3A_232 = arith.shrsi %while3A_229, %shift_right_arithmetic3A_231 : i32
        %eq3A = arith.cmpi eq, %shift_right_arithmetic3A_232, %add3A_156 : i32
        %and3A_233 = arith.andi %lt3A_230, %eq3A : i1
        scf.condition(%and3A_233) %while3A_228, %while3A_229 : i32, i32
      } do {
      ^bb0(%while3A_228: i32, %while3A_229: i32):
        %and3A_230 = arith.constant 127 : i32
        %and3A_231 = arith.andi %while3A_229, %and3A_230 : i32
        %broadcast_in_dim3A_232 = vector.broadcast %and3A_231 : i32 to vector<16xi32>
        %add3A_233 = arith.constant 0 : i32
        %add3A_234 = vector.broadcast %add3A_233 : i32 to vector<16xi32>
        %add3A_235 = arith.addi %iota3A, %add3A_234 : vector<16xi32>
        %gather3A_236 = arith.constant 2 : i32
        %gather3A_237 = arith.constant 0 : i32
        %gather3A_238 = arith.constant 0 : i32
        %gather3A_239 = tpu.memref_slice %arg6[%gather3A_236, %gather3A_237, %gather3A_238] : memref<7x64x128xf32, #tpu.memory_space<vmem>> -> memref<1x64x128xf32, #tpu.memory_space<vmem>>
        %gather3A_240 = tpu.memref_squeeze %gather3A_239 : memref<1x64x128xf32, #tpu.memory_space<vmem>> -> memref<64x128xf32, #tpu.memory_space<vmem>>
        %gather3A_241 = tpu.vector_load_idx %gather3A_240[%add3A_235, %broadcast_in_dim3A_232] : memref<64x128xf32, #tpu.memory_space<vmem>>[vector<16xi32>, vector<16xi32>], vector<16xf32>,
        %shift_right_arithmetic3A_242 = arith.constant 3 : i32
        %shift_right_arithmetic3A_243 = arith.shrsi %while3A_228, %shift_right_arithmetic3A_242 : i32
        %and3A_244 = arith.constant 7 : i32
        %and3A_245 = arith.andi %while3A_228, %and3A_244 : i32
        %swap3A_246 = arith.index_cast %shift_right_arithmetic3A_243 : i32 to index
        %swap3A_247 = arith.index_cast %and3A_245 : i32 to index
        %swap3A_248 = arith.constant 0 : index
        %swap3A_249 = tpu.vector_load %arg7[%swap3A_246, %swap3A_247, %swap3A_248] {strides = array<i32>} : memref<64x8x64xf32, #tpu.memory_space<vmem>>, vector<16xf32>,
        tpu.vector_store %arg7[%swap3A_246, %swap3A_247, %swap3A_248], %gather3A_241 {strides = array<i32>} : memref<64x8x64xf32, #tpu.memory_space<vmem>>, vector<16xf32>,
        %add3A_250 = arith.constant 16 : i32
        %add3A_251 = vector.broadcast %add3A_250 : i32 to vector<16xi32>
        %add3A_252 = arith.addi %iota3A, %add3A_251 : vector<16xi32>
        %gather3A_253 = arith.constant 2 : i32
        %gather3A_254 = arith.constant 0 : i32
        %gather3A_255 = arith.constant 0 : i32
        %gather3A_256 = tpu.memref_slice %arg6[%gather3A_253, %gather3A_254, %gather3A_255] : memref<7x64x128xf32, #tpu.memory_space<vmem>> -> memref<1x64x128xf32, #tpu.memory_space<vmem>>
        %gather3A_257 = tpu.memref_squeeze %gather3A_256 : memref<1x64x128xf32, #tpu.memory_space<vmem>> -> memref<64x128xf32, #tpu.memory_space<vmem>>
        %gather3A_258 = tpu.vector_load_idx %gather3A_257[%add3A_252, %broadcast_in_dim3A_232] : memref<64x128xf32, #tpu.memory_space<vmem>>[vector<16xi32>, vector<16xi32>], vector<16xf32>,
        %shift_right_arithmetic3A_259 = arith.constant 3 : i32
        %shift_right_arithmetic3A_260 = arith.shrsi %while3A_228, %shift_right_arithmetic3A_259 : i32
        %and3A_261 = arith.constant 7 : i32
        %and3A_262 = arith.andi %while3A_228, %and3A_261 : i32
        %swap3A_263 = arith.index_cast %shift_right_arithmetic3A_260 : i32 to index
        %swap3A_264 = arith.index_cast %and3A_262 : i32 to index
        %swap3A_265 = arith.constant 16 : index
        %swap3A_266 = tpu.vector_load %arg7[%swap3A_263, %swap3A_264, %swap3A_265] {strides = array<i32>} : memref<64x8x64xf32, #tpu.memory_space<vmem>>, vector<16xf32>,
        tpu.vector_store %arg7[%swap3A_263, %swap3A_264, %swap3A_265], %gather3A_258 {strides = array<i32>} : memref<64x8x64xf32, #tpu.memory_space<vmem>>, vector<16xf32>,
        %add3A_267 = arith.constant 32 : i32
        %add3A_268 = vector.broadcast %add3A_267 : i32 to vector<16xi32>
        %add3A_269 = arith.addi %iota3A, %add3A_268 : vector<16xi32>
        %gather3A_270 = arith.constant 2 : i32
        %gather3A_271 = arith.constant 0 : i32
        %gather3A_272 = arith.constant 0 : i32
        %gather3A_273 = tpu.memref_slice %arg6[%gather3A_270, %gather3A_271, %gather3A_272] : memref<7x64x128xf32, #tpu.memory_space<vmem>> -> memref<1x64x128xf32, #tpu.memory_space<vmem>>
        %gather3A_274 = tpu.memref_squeeze %gather3A_273 : memref<1x64x128xf32, #tpu.memory_space<vmem>> -> memref<64x128xf32, #tpu.memory_space<vmem>>
        %gather3A_275 = tpu.vector_load_idx %gather3A_274[%add3A_269, %broadcast_in_dim3A_232] : memref<64x128xf32, #tpu.memory_space<vmem>>[vector<16xi32>, vector<16xi32>], vector<16xf32>,
        %shift_right_arithmetic3A_276 = arith.constant 3 : i32
        %shift_right_arithmetic3A_277 = arith.shrsi %while3A_228, %shift_right_arithmetic3A_276 : i32
        %and3A_278 = arith.constant 7 : i32
        %and3A_279 = arith.andi %while3A_228, %and3A_278 : i32
        %swap3A_280 = arith.index_cast %shift_right_arithmetic3A_277 : i32 to index
        %swap3A_281 = arith.index_cast %and3A_279 : i32 to index
        %swap3A_282 = arith.constant 32 : index
        %swap3A_283 = tpu.vector_load %arg7[%swap3A_280, %swap3A_281, %swap3A_282] {strides = array<i32>} : memref<64x8x64xf32, #tpu.memory_space<vmem>>, vector<16xf32>,
        tpu.vector_store %arg7[%swap3A_280, %swap3A_281, %swap3A_282], %gather3A_275 {strides = array<i32>} : memref<64x8x64xf32, #tpu.memory_space<vmem>>, vector<16xf32>,
        %add3A_284 = arith.constant 48 : i32
        %add3A_285 = vector.broadcast %add3A_284 : i32 to vector<16xi32>
        %add3A_286 = arith.addi %iota3A, %add3A_285 : vector<16xi32>
        %gather3A_287 = arith.constant 2 : i32
        %gather3A_288 = arith.constant 0 : i32
        %gather3A_289 = arith.constant 0 : i32
        %gather3A_290 = tpu.memref_slice %arg6[%gather3A_287, %gather3A_288, %gather3A_289] : memref<7x64x128xf32, #tpu.memory_space<vmem>> -> memref<1x64x128xf32, #tpu.memory_space<vmem>>
        %gather3A_291 = tpu.memref_squeeze %gather3A_290 : memref<1x64x128xf32, #tpu.memory_space<vmem>> -> memref<64x128xf32, #tpu.memory_space<vmem>>
        %gather3A_292 = tpu.vector_load_idx %gather3A_291[%add3A_286, %broadcast_in_dim3A_232] : memref<64x128xf32, #tpu.memory_space<vmem>>[vector<16xi32>, vector<16xi32>], vector<16xf32>,
        %shift_right_arithmetic3A_293 = arith.constant 3 : i32
        %shift_right_arithmetic3A_294 = arith.shrsi %while3A_228, %shift_right_arithmetic3A_293 : i32
        %and3A_295 = arith.constant 7 : i32
        %and3A_296 = arith.andi %while3A_228, %and3A_295 : i32
        %swap3A_297 = arith.index_cast %shift_right_arithmetic3A_294 : i32 to index
        %swap3A_298 = arith.index_cast %and3A_296 : i32 to index
        %swap3A_299 = arith.constant 48 : index
        %swap3A_300 = tpu.vector_load %arg7[%swap3A_297, %swap3A_298, %swap3A_299] {strides = array<i32>} : memref<64x8x64xf32, #tpu.memory_space<vmem>>, vector<16xf32>,
        tpu.vector_store %arg7[%swap3A_297, %swap3A_298, %swap3A_299], %gather3A_292 {strides = array<i32>} : memref<64x8x64xf32, #tpu.memory_space<vmem>>, vector<16xf32>,
        %add3A_301 = arith.constant 1 : i32
        %add3A_302 = arith.addi %while3A_228, %add3A_301 : i32
        %add3A_303 = arith.constant 1 : i32
        %add3A_304 = arith.addi %while3A_228, %add3A_303 : i32
        %shift_right_arithmetic3A_305 = arith.constant 4 : i32
        %shift_right_arithmetic3A_306 = arith.shrsi %add3A_304, %shift_right_arithmetic3A_305 : i32
        %shift_left3A = arith.constant 4 : i32
        %shift_left3A_307 = arith.shli %shift_right_arithmetic3A_306, %shift_left3A : i32
        %get3A_308 = arith.index_cast %shift_left3A_307 : i32 to index
        %get3A_309 = tpu.vector_load %arg5[%get3A_308] {strides = array<i32>} : memref<528xi32, #tpu.memory_space<vmem>>, vector<16xi32>,
        %and3A_310 = arith.constant 15 : i32
        %and3A_311 = arith.andi %add3A_304, %and3A_310 : i32
        %broadcast_in_dim3A_312 = vector.broadcast %and3A_311 : i32 to vector<16x1xi32>
        %gather3A_313 = vector.shape_cast %broadcast_in_dim3A_312 : vector<16x1xi32> to vector<16xi32>
        %gather3A_314 = tpu.dynamic_gather %get3A_309[%gather3A_313] in [0] : vector<16xi32>, vector<16xi32> -> vector<16xi32>
        %slice3A_315 = vector.extract_strided_slice %gather3A_314 {offsets = [0], sizes = [1], strides = [1]} : vector<16xi32> to vector<1xi32>
        %squeeze3A_316 = vector.extract %slice3A_315[0] : i32 from vector<1xi32>
        scf.yield %add3A_302, %squeeze3A_316 : i32, i32
      }
      %add3A_158 = arith.constant 7 : i32
      %add3A_159 = arith.addi %add3A_151, %add3A_158 : i32
      %lt3A_160 = arith.cmpi slt, %add3A_159, %add3A_17 : i32
      %convert_element_type3A_161 = arith.extui %lt3A_160 : i1 to i32
      %cond3A_162 = arith.constant 0 : i32
      %cond3A_163 = arith.cmpi ne, %convert_element_type3A_161, %cond3A_162 : i32
      scf.if %cond3A_163 {
        %add3A_228 = arith.addi %shift_right_arithmetic3A_6, %add3A_151 : i32
        %add3A_229 = arith.constant 7 : i32
        %add3A_230 = arith.addi %add3A_228, %add3A_229 : i32
        %mul3A_231 = arith.constant 128 : i32
        %mul3A_232 = arith.muli %add3A_230, %mul3A_231 : i32
        %multiple_of3A = tpu.assume_multiple %mul3A_232, 128 : i32
        %dma_start3A = arith.constant 2 : i32
        %dma_start3A_233 = arith.constant 0 : i32
        %dma_start3A_234 = arith.constant 0 : i32
        %dma_start3A_235 = tpu.memref_slice %arg6[%dma_start3A, %dma_start3A_233, %dma_start3A_234] : memref<7x64x128xf32, #tpu.memory_space<vmem>> -> memref<1x64x128xf32, #tpu.memory_space<vmem>>
        %dma_start3A_236 = tpu.memref_squeeze %dma_start3A_235 : memref<1x64x128xf32, #tpu.memory_space<vmem>> -> memref<64x128xf32, #tpu.memory_space<vmem>>
        %dma_start3A_237 = arith.constant 0 : i32
        %dma_start3A_238 = tpu.memref_slice %arg3[%dma_start3A_237, %multiple_of3A] : memref<64x1000000xf32, #tpu.memory_space<hbm>> -> memref<64x128xf32, #tpu.memory_space<hbm>>
        %dma_start3A_239 = arith.constant 0 : i32
        %dma_start3A_240 = arith.constant 0 : i32
        %dma_start3A_241 = tpu.memref_slice %arg6[%dma_start3A, %dma_start3A_239, %dma_start3A_240] : memref<7x64x128xf32, #tpu.memory_space<vmem>> -> memref<1x64x128xf32, #tpu.memory_space<vmem>>
        %dma_start3A_242 = tpu.memref_squeeze %dma_start3A_241 : memref<1x64x128xf32, #tpu.memory_space<vmem>> -> memref<64x128xf32, #tpu.memory_space<vmem>>
        %dma_start3A_243 = arith.constant 0 : i32
        %dma_start3A_244 = tpu.memref_slice %arg3[%dma_start3A_243, %multiple_of3A] : memref<64x1000000xf32, #tpu.memory_space<hbm>> -> memref<64x128xf32, #tpu.memory_space<hbm>>
        tpu.enqueue_dma source(%dma_start3A_244 : memref<64x128xf32, #tpu.memory_space<hbm>>) target(%dma_start3A_242 : memref<64x128xf32, #tpu.memory_space<vmem>>) target_semaphore(%arg10 : memref<!tpu.dma_semaphore, #tpu.memory_space<semaphore_mem>>)
      } else {
      }
      %mul3A_164 = arith.constant 7 : i32
      %mul3A_165 = arith.muli %while3A_114, %mul3A_164 : i32
      %add3A_166 = arith.constant 3 : i32
      %add3A_167 = arith.addi %mul3A_165, %add3A_166 : i32
      %lt3A_168 = arith.cmpi slt, %add3A_167, %add3A_17 : i32
      %convert_element_type3A_169 = arith.extui %lt3A_168 : i1 to i32
      %cond3A_170 = arith.constant 0 : i32
      %cond3A_171 = arith.cmpi ne, %convert_element_type3A_169, %cond3A_170 : i32
      scf.if %cond3A_171 {
        %dma_wait3A = arith.constant 3 : i32
        %dma_wait3A_228 = arith.constant 0 : i32
        %dma_wait3A_229 = arith.constant 0 : i32
        %dma_wait3A_230 = tpu.memref_slice %arg6[%dma_wait3A, %dma_wait3A_228, %dma_wait3A_229] : memref<7x64x128xf32, #tpu.memory_space<vmem>> -> memref<1x64x128xf32, #tpu.memory_space<vmem>>
        %dma_wait3A_231 = tpu.memref_squeeze %dma_wait3A_230 : memref<1x64x128xf32, #tpu.memory_space<vmem>> -> memref<64x128xf32, #tpu.memory_space<vmem>>
        %dma_wait3A_232 = arith.constant 0 : i32
        %dma_wait3A_233 = arith.constant 0 : i32
        %dma_wait3A_234 = tpu.memref_slice %arg3[%dma_wait3A_232, %dma_wait3A_233] : memref<64x1000000xf32, #tpu.memory_space<hbm>> -> memref<64x128xf32, #tpu.memory_space<hbm>>
        %dma_wait3A_235 = arith.constant 0 : i32
        %dma_wait3A_236 = arith.constant 0 : i32
        %dma_wait3A_237 = tpu.memref_slice %arg6[%dma_wait3A, %dma_wait3A_235, %dma_wait3A_236] : memref<7x64x128xf32, #tpu.memory_space<vmem>> -> memref<1x64x128xf32, #tpu.memory_space<vmem>>
        %dma_wait3A_238 = tpu.memref_squeeze %dma_wait3A_237 : memref<1x64x128xf32, #tpu.memory_space<vmem>> -> memref<64x128xf32, #tpu.memory_space<vmem>>
        %dma_wait3A_239 = arith.constant 0 : i32
        %dma_wait3A_240 = arith.constant 0 : i32
        %dma_wait3A_241 = tpu.memref_slice %arg3[%dma_wait3A_239, %dma_wait3A_240] : memref<64x1000000xf32, #tpu.memory_space<hbm>> -> memref<64x128xf32, #tpu.memory_space<hbm>>
        tpu.wait_dma2 semaphore(%arg11 : memref<!tpu.dma_semaphore, #tpu.memory_space<semaphore_mem>>) src(%dma_wait3A_241 : memref<64x128xf32, #tpu.memory_space<hbm>>) dst(%dma_wait3A_238 : memref<64x128xf32, #tpu.memory_space<vmem>>)
      } else {
      }
      %add3A_172 = arith.addi %shift_right_arithmetic3A_6, %add3A_167 : i32
      %while3A_173:2 = scf.while (%while3A_228 = %while3A_157#0, %while3A_229 = %while3A_157#1) : (i32, i32) -> (i32, i32) {
        %lt3A_230 = arith.cmpi slt, %add3A_167, %add3A_17 : i32
        %shift_right_arithmetic3A_231 = arith.constant 7 : i32
        %shift_right_arithmetic3A_232 = arith.shrsi %while3A_229, %shift_right_arithmetic3A_231 : i32
        %eq3A = arith.cmpi eq, %shift_right_arithmetic3A_232, %add3A_172 : i32
        %and3A_233 = arith.andi %lt3A_230, %eq3A : i1
        scf.condition(%and3A_233) %while3A_228, %while3A_229 : i32, i32
      } do {
      ^bb0(%while3A_228: i32, %while3A_229: i32):
        %and3A_230 = arith.constant 127 : i32
        %and3A_231 = arith.andi %while3A_229, %and3A_230 : i32
        %broadcast_in_dim3A_232 = vector.broadcast %and3A_231 : i32 to vector<16xi32>
        %add3A_233 = arith.constant 0 : i32
        %add3A_234 = vector.broadcast %add3A_233 : i32 to vector<16xi32>
        %add3A_235 = arith.addi %iota3A, %add3A_234 : vector<16xi32>
        %gather3A_236 = arith.constant 3 : i32
        %gather3A_237 = arith.constant 0 : i32
        %gather3A_238 = arith.constant 0 : i32
        %gather3A_239 = tpu.memref_slice %arg6[%gather3A_236, %gather3A_237, %gather3A_238] : memref<7x64x128xf32, #tpu.memory_space<vmem>> -> memref<1x64x128xf32, #tpu.memory_space<vmem>>
        %gather3A_240 = tpu.memref_squeeze %gather3A_239 : memref<1x64x128xf32, #tpu.memory_space<vmem>> -> memref<64x128xf32, #tpu.memory_space<vmem>>
        %gather3A_241 = tpu.vector_load_idx %gather3A_240[%add3A_235, %broadcast_in_dim3A_232] : memref<64x128xf32, #tpu.memory_space<vmem>>[vector<16xi32>, vector<16xi32>], vector<16xf32>,
        %shift_right_arithmetic3A_242 = arith.constant 3 : i32
        %shift_right_arithmetic3A_243 = arith.shrsi %while3A_228, %shift_right_arithmetic3A_242 : i32
        %and3A_244 = arith.constant 7 : i32
        %and3A_245 = arith.andi %while3A_228, %and3A_244 : i32
        %swap3A_246 = arith.index_cast %shift_right_arithmetic3A_243 : i32 to index
        %swap3A_247 = arith.index_cast %and3A_245 : i32 to index
        %swap3A_248 = arith.constant 0 : index
        %swap3A_249 = tpu.vector_load %arg7[%swap3A_246, %swap3A_247, %swap3A_248] {strides = array<i32>} : memref<64x8x64xf32, #tpu.memory_space<vmem>>, vector<16xf32>,
        tpu.vector_store %arg7[%swap3A_246, %swap3A_247, %swap3A_248], %gather3A_241 {strides = array<i32>} : memref<64x8x64xf32, #tpu.memory_space<vmem>>, vector<16xf32>,
        %add3A_250 = arith.constant 16 : i32
        %add3A_251 = vector.broadcast %add3A_250 : i32 to vector<16xi32>
        %add3A_252 = arith.addi %iota3A, %add3A_251 : vector<16xi32>
        %gather3A_253 = arith.constant 3 : i32
        %gather3A_254 = arith.constant 0 : i32
        %gather3A_255 = arith.constant 0 : i32
        %gather3A_256 = tpu.memref_slice %arg6[%gather3A_253, %gather3A_254, %gather3A_255] : memref<7x64x128xf32, #tpu.memory_space<vmem>> -> memref<1x64x128xf32, #tpu.memory_space<vmem>>
        %gather3A_257 = tpu.memref_squeeze %gather3A_256 : memref<1x64x128xf32, #tpu.memory_space<vmem>> -> memref<64x128xf32, #tpu.memory_space<vmem>>
        %gather3A_258 = tpu.vector_load_idx %gather3A_257[%add3A_252, %broadcast_in_dim3A_232] : memref<64x128xf32, #tpu.memory_space<vmem>>[vector<16xi32>, vector<16xi32>], vector<16xf32>,
        %shift_right_arithmetic3A_259 = arith.constant 3 : i32
        %shift_right_arithmetic3A_260 = arith.shrsi %while3A_228, %shift_right_arithmetic3A_259 : i32
        %and3A_261 = arith.constant 7 : i32
        %and3A_262 = arith.andi %while3A_228, %and3A_261 : i32
        %swap3A_263 = arith.index_cast %shift_right_arithmetic3A_260 : i32 to index
        %swap3A_264 = arith.index_cast %and3A_262 : i32 to index
        %swap3A_265 = arith.constant 16 : index
        %swap3A_266 = tpu.vector_load %arg7[%swap3A_263, %swap3A_264, %swap3A_265] {strides = array<i32>} : memref<64x8x64xf32, #tpu.memory_space<vmem>>, vector<16xf32>,
        tpu.vector_store %arg7[%swap3A_263, %swap3A_264, %swap3A_265], %gather3A_258 {strides = array<i32>} : memref<64x8x64xf32, #tpu.memory_space<vmem>>, vector<16xf32>,
        %add3A_267 = arith.constant 32 : i32
        %add3A_268 = vector.broadcast %add3A_267 : i32 to vector<16xi32>
        %add3A_269 = arith.addi %iota3A, %add3A_268 : vector<16xi32>
        %gather3A_270 = arith.constant 3 : i32
        %gather3A_271 = arith.constant 0 : i32
        %gather3A_272 = arith.constant 0 : i32
        %gather3A_273 = tpu.memref_slice %arg6[%gather3A_270, %gather3A_271, %gather3A_272] : memref<7x64x128xf32, #tpu.memory_space<vmem>> -> memref<1x64x128xf32, #tpu.memory_space<vmem>>
        %gather3A_274 = tpu.memref_squeeze %gather3A_273 : memref<1x64x128xf32, #tpu.memory_space<vmem>> -> memref<64x128xf32, #tpu.memory_space<vmem>>
        %gather3A_275 = tpu.vector_load_idx %gather3A_274[%add3A_269, %broadcast_in_dim3A_232] : memref<64x128xf32, #tpu.memory_space<vmem>>[vector<16xi32>, vector<16xi32>], vector<16xf32>,
        %shift_right_arithmetic3A_276 = arith.constant 3 : i32
        %shift_right_arithmetic3A_277 = arith.shrsi %while3A_228, %shift_right_arithmetic3A_276 : i32
        %and3A_278 = arith.constant 7 : i32
        %and3A_279 = arith.andi %while3A_228, %and3A_278 : i32
        %swap3A_280 = arith.index_cast %shift_right_arithmetic3A_277 : i32 to index
        %swap3A_281 = arith.index_cast %and3A_279 : i32 to index
        %swap3A_282 = arith.constant 32 : index
        %swap3A_283 = tpu.vector_load %arg7[%swap3A_280, %swap3A_281, %swap3A_282] {strides = array<i32>} : memref<64x8x64xf32, #tpu.memory_space<vmem>>, vector<16xf32>,
        tpu.vector_store %arg7[%swap3A_280, %swap3A_281, %swap3A_282], %gather3A_275 {strides = array<i32>} : memref<64x8x64xf32, #tpu.memory_space<vmem>>, vector<16xf32>,
        %add3A_284 = arith.constant 48 : i32
        %add3A_285 = vector.broadcast %add3A_284 : i32 to vector<16xi32>
        %add3A_286 = arith.addi %iota3A, %add3A_285 : vector<16xi32>
        %gather3A_287 = arith.constant 3 : i32
        %gather3A_288 = arith.constant 0 : i32
        %gather3A_289 = arith.constant 0 : i32
        %gather3A_290 = tpu.memref_slice %arg6[%gather3A_287, %gather3A_288, %gather3A_289] : memref<7x64x128xf32, #tpu.memory_space<vmem>> -> memref<1x64x128xf32, #tpu.memory_space<vmem>>
        %gather3A_291 = tpu.memref_squeeze %gather3A_290 : memref<1x64x128xf32, #tpu.memory_space<vmem>> -> memref<64x128xf32, #tpu.memory_space<vmem>>
        %gather3A_292 = tpu.vector_load_idx %gather3A_291[%add3A_286, %broadcast_in_dim3A_232] : memref<64x128xf32, #tpu.memory_space<vmem>>[vector<16xi32>, vector<16xi32>], vector<16xf32>,
        %shift_right_arithmetic3A_293 = arith.constant 3 : i32
        %shift_right_arithmetic3A_294 = arith.shrsi %while3A_228, %shift_right_arithmetic3A_293 : i32
        %and3A_295 = arith.constant 7 : i32
        %and3A_296 = arith.andi %while3A_228, %and3A_295 : i32
        %swap3A_297 = arith.index_cast %shift_right_arithmetic3A_294 : i32 to index
        %swap3A_298 = arith.index_cast %and3A_296 : i32 to index
        %swap3A_299 = arith.constant 48 : index
        %swap3A_300 = tpu.vector_load %arg7[%swap3A_297, %swap3A_298, %swap3A_299] {strides = array<i32>} : memref<64x8x64xf32, #tpu.memory_space<vmem>>, vector<16xf32>,
        tpu.vector_store %arg7[%swap3A_297, %swap3A_298, %swap3A_299], %gather3A_292 {strides = array<i32>} : memref<64x8x64xf32, #tpu.memory_space<vmem>>, vector<16xf32>,
        %add3A_301 = arith.constant 1 : i32
        %add3A_302 = arith.addi %while3A_228, %add3A_301 : i32
        %add3A_303 = arith.constant 1 : i32
        %add3A_304 = arith.addi %while3A_228, %add3A_303 : i32
        %shift_right_arithmetic3A_305 = arith.constant 4 : i32
        %shift_right_arithmetic3A_306 = arith.shrsi %add3A_304, %shift_right_arithmetic3A_305 : i32
        %shift_left3A = arith.constant 4 : i32
        %shift_left3A_307 = arith.shli %shift_right_arithmetic3A_306, %shift_left3A : i32
        %get3A_308 = arith.index_cast %shift_left3A_307 : i32 to index
        %get3A_309 = tpu.vector_load %arg5[%get3A_308] {strides = array<i32>} : memref<528xi32, #tpu.memory_space<vmem>>, vector<16xi32>,
        %and3A_310 = arith.constant 15 : i32
        %and3A_311 = arith.andi %add3A_304, %and3A_310 : i32
        %broadcast_in_dim3A_312 = vector.broadcast %and3A_311 : i32 to vector<16x1xi32>
        %gather3A_313 = vector.shape_cast %broadcast_in_dim3A_312 : vector<16x1xi32> to vector<16xi32>
        %gather3A_314 = tpu.dynamic_gather %get3A_309[%gather3A_313] in [0] : vector<16xi32>, vector<16xi32> -> vector<16xi32>
        %slice3A_315 = vector.extract_strided_slice %gather3A_314 {offsets = [0], sizes = [1], strides = [1]} : vector<16xi32> to vector<1xi32>
        %squeeze3A_316 = vector.extract %slice3A_315[0] : i32 from vector<1xi32>
        scf.yield %add3A_302, %squeeze3A_316 : i32, i32
      }
      %add3A_174 = arith.constant 7 : i32
      %add3A_175 = arith.addi %add3A_167, %add3A_174 : i32
      %lt3A_176 = arith.cmpi slt, %add3A_175, %add3A_17 : i32
      %convert_element_type3A_177 = arith.extui %lt3A_176 : i1 to i32
      %cond3A_178 = arith.constant 0 : i32
      %cond3A_179 = arith.cmpi ne, %convert_element_type3A_177, %cond3A_178 : i32
      scf.if %cond3A_179 {
        %add3A_228 = arith.addi %shift_right_arithmetic3A_6, %add3A_167 : i32
        %add3A_229 = arith.constant 7 : i32
        %add3A_230 = arith.addi %add3A_228, %add3A_229 : i32
        %mul3A_231 = arith.constant 128 : i32
        %mul3A_232 = arith.muli %add3A_230, %mul3A_231 : i32
        %multiple_of3A = tpu.assume_multiple %mul3A_232, 128 : i32
        %dma_start3A = arith.constant 3 : i32
        %dma_start3A_233 = arith.constant 0 : i32
        %dma_start3A_234 = arith.constant 0 : i32
        %dma_start3A_235 = tpu.memref_slice %arg6[%dma_start3A, %dma_start3A_233, %dma_start3A_234] : memref<7x64x128xf32, #tpu.memory_space<vmem>> -> memref<1x64x128xf32, #tpu.memory_space<vmem>>
        %dma_start3A_236 = tpu.memref_squeeze %dma_start3A_235 : memref<1x64x128xf32, #tpu.memory_space<vmem>> -> memref<64x128xf32, #tpu.memory_space<vmem>>
        %dma_start3A_237 = arith.constant 0 : i32
        %dma_start3A_238 = tpu.memref_slice %arg3[%dma_start3A_237, %multiple_of3A] : memref<64x1000000xf32, #tpu.memory_space<hbm>> -> memref<64x128xf32, #tpu.memory_space<hbm>>
        %dma_start3A_239 = arith.constant 0 : i32
        %dma_start3A_240 = arith.constant 0 : i32
        %dma_start3A_241 = tpu.memref_slice %arg6[%dma_start3A, %dma_start3A_239, %dma_start3A_240] : memref<7x64x128xf32, #tpu.memory_space<vmem>> -> memref<1x64x128xf32, #tpu.memory_space<vmem>>
        %dma_start3A_242 = tpu.memref_squeeze %dma_start3A_241 : memref<1x64x128xf32, #tpu.memory_space<vmem>> -> memref<64x128xf32, #tpu.memory_space<vmem>>
        %dma_start3A_243 = arith.constant 0 : i32
        %dma_start3A_244 = tpu.memref_slice %arg3[%dma_start3A_243, %multiple_of3A] : memref<64x1000000xf32, #tpu.memory_space<hbm>> -> memref<64x128xf32, #tpu.memory_space<hbm>>
        tpu.enqueue_dma source(%dma_start3A_244 : memref<64x128xf32, #tpu.memory_space<hbm>>) target(%dma_start3A_242 : memref<64x128xf32, #tpu.memory_space<vmem>>) target_semaphore(%arg11 : memref<!tpu.dma_semaphore, #tpu.memory_space<semaphore_mem>>)
      } else {
      }
      %mul3A_180 = arith.constant 7 : i32
      %mul3A_181 = arith.muli %while3A_114, %mul3A_180 : i32
      %add3A_182 = arith.constant 4 : i32
      %add3A_183 = arith.addi %mul3A_181, %add3A_182 : i32
      %lt3A_184 = arith.cmpi slt, %add3A_183, %add3A_17 : i32
      %convert_element_type3A_185 = arith.extui %lt3A_184 : i1 to i32
      %cond3A_186 = arith.constant 0 : i32
      %cond3A_187 = arith.cmpi ne, %convert_element_type3A_185, %cond3A_186 : i32
      scf.if %cond3A_187 {
        %dma_wait3A = arith.constant 4 : i32
        %dma_wait3A_228 = arith.constant 0 : i32
        %dma_wait3A_229 = arith.constant 0 : i32
        %dma_wait3A_230 = tpu.memref_slice %arg6[%dma_wait3A, %dma_wait3A_228, %dma_wait3A_229] : memref<7x64x128xf32, #tpu.memory_space<vmem>> -> memref<1x64x128xf32, #tpu.memory_space<vmem>>
        %dma_wait3A_231 = tpu.memref_squeeze %dma_wait3A_230 : memref<1x64x128xf32, #tpu.memory_space<vmem>> -> memref<64x128xf32, #tpu.memory_space<vmem>>
        %dma_wait3A_232 = arith.constant 0 : i32
        %dma_wait3A_233 = arith.constant 0 : i32
        %dma_wait3A_234 = tpu.memref_slice %arg3[%dma_wait3A_232, %dma_wait3A_233] : memref<64x1000000xf32, #tpu.memory_space<hbm>> -> memref<64x128xf32, #tpu.memory_space<hbm>>
        %dma_wait3A_235 = arith.constant 0 : i32
        %dma_wait3A_236 = arith.constant 0 : i32
        %dma_wait3A_237 = tpu.memref_slice %arg6[%dma_wait3A, %dma_wait3A_235, %dma_wait3A_236] : memref<7x64x128xf32, #tpu.memory_space<vmem>> -> memref<1x64x128xf32, #tpu.memory_space<vmem>>
        %dma_wait3A_238 = tpu.memref_squeeze %dma_wait3A_237 : memref<1x64x128xf32, #tpu.memory_space<vmem>> -> memref<64x128xf32, #tpu.memory_space<vmem>>
        %dma_wait3A_239 = arith.constant 0 : i32
        %dma_wait3A_240 = arith.constant 0 : i32
        %dma_wait3A_241 = tpu.memref_slice %arg3[%dma_wait3A_239, %dma_wait3A_240] : memref<64x1000000xf32, #tpu.memory_space<hbm>> -> memref<64x128xf32, #tpu.memory_space<hbm>>
        tpu.wait_dma2 semaphore(%arg12 : memref<!tpu.dma_semaphore, #tpu.memory_space<semaphore_mem>>) src(%dma_wait3A_241 : memref<64x128xf32, #tpu.memory_space<hbm>>) dst(%dma_wait3A_238 : memref<64x128xf32, #tpu.memory_space<vmem>>)
      } else {
      }
      %add3A_188 = arith.addi %shift_right_arithmetic3A_6, %add3A_183 : i32
      %while3A_189:2 = scf.while (%while3A_228 = %while3A_173#0, %while3A_229 = %while3A_173#1) : (i32, i32) -> (i32, i32) {
        %lt3A_230 = arith.cmpi slt, %add3A_183, %add3A_17 : i32
        %shift_right_arithmetic3A_231 = arith.constant 7 : i32
        %shift_right_arithmetic3A_232 = arith.shrsi %while3A_229, %shift_right_arithmetic3A_231 : i32
        %eq3A = arith.cmpi eq, %shift_right_arithmetic3A_232, %add3A_188 : i32
        %and3A_233 = arith.andi %lt3A_230, %eq3A : i1
        scf.condition(%and3A_233) %while3A_228, %while3A_229 : i32, i32
      } do {
      ^bb0(%while3A_228: i32, %while3A_229: i32):
        %and3A_230 = arith.constant 127 : i32
        %and3A_231 = arith.andi %while3A_229, %and3A_230 : i32
        %broadcast_in_dim3A_232 = vector.broadcast %and3A_231 : i32 to vector<16xi32>
        %add3A_233 = arith.constant 0 : i32
        %add3A_234 = vector.broadcast %add3A_233 : i32 to vector<16xi32>
        %add3A_235 = arith.addi %iota3A, %add3A_234 : vector<16xi32>
        %gather3A_236 = arith.constant 4 : i32
        %gather3A_237 = arith.constant 0 : i32
        %gather3A_238 = arith.constant 0 : i32
        %gather3A_239 = tpu.memref_slice %arg6[%gather3A_236, %gather3A_237, %gather3A_238] : memref<7x64x128xf32, #tpu.memory_space<vmem>> -> memref<1x64x128xf32, #tpu.memory_space<vmem>>
        %gather3A_240 = tpu.memref_squeeze %gather3A_239 : memref<1x64x128xf32, #tpu.memory_space<vmem>> -> memref<64x128xf32, #tpu.memory_space<vmem>>
        %gather3A_241 = tpu.vector_load_idx %gather3A_240[%add3A_235, %broadcast_in_dim3A_232] : memref<64x128xf32, #tpu.memory_space<vmem>>[vector<16xi32>, vector<16xi32>], vector<16xf32>,
        %shift_right_arithmetic3A_242 = arith.constant 3 : i32
        %shift_right_arithmetic3A_243 = arith.shrsi %while3A_228, %shift_right_arithmetic3A_242 : i32
        %and3A_244 = arith.constant 7 : i32
        %and3A_245 = arith.andi %while3A_228, %and3A_244 : i32
        %swap3A_246 = arith.index_cast %shift_right_arithmetic3A_243 : i32 to index
        %swap3A_247 = arith.index_cast %and3A_245 : i32 to index
        %swap3A_248 = arith.constant 0 : index
        %swap3A_249 = tpu.vector_load %arg7[%swap3A_246, %swap3A_247, %swap3A_248] {strides = array<i32>} : memref<64x8x64xf32, #tpu.memory_space<vmem>>, vector<16xf32>,
        tpu.vector_store %arg7[%swap3A_246, %swap3A_247, %swap3A_248], %gather3A_241 {strides = array<i32>} : memref<64x8x64xf32, #tpu.memory_space<vmem>>, vector<16xf32>,
        %add3A_250 = arith.constant 16 : i32
        %add3A_251 = vector.broadcast %add3A_250 : i32 to vector<16xi32>
        %add3A_252 = arith.addi %iota3A, %add3A_251 : vector<16xi32>
        %gather3A_253 = arith.constant 4 : i32
        %gather3A_254 = arith.constant 0 : i32
        %gather3A_255 = arith.constant 0 : i32
        %gather3A_256 = tpu.memref_slice %arg6[%gather3A_253, %gather3A_254, %gather3A_255] : memref<7x64x128xf32, #tpu.memory_space<vmem>> -> memref<1x64x128xf32, #tpu.memory_space<vmem>>
        %gather3A_257 = tpu.memref_squeeze %gather3A_256 : memref<1x64x128xf32, #tpu.memory_space<vmem>> -> memref<64x128xf32, #tpu.memory_space<vmem>>
        %gather3A_258 = tpu.vector_load_idx %gather3A_257[%add3A_252, %broadcast_in_dim3A_232] : memref<64x128xf32, #tpu.memory_space<vmem>>[vector<16xi32>, vector<16xi32>], vector<16xf32>,
        %shift_right_arithmetic3A_259 = arith.constant 3 : i32
        %shift_right_arithmetic3A_260 = arith.shrsi %while3A_228, %shift_right_arithmetic3A_259 : i32
        %and3A_261 = arith.constant 7 : i32
        %and3A_262 = arith.andi %while3A_228, %and3A_261 : i32
        %swap3A_263 = arith.index_cast %shift_right_arithmetic3A_260 : i32 to index
        %swap3A_264 = arith.index_cast %and3A_262 : i32 to index
        %swap3A_265 = arith.constant 16 : index
        %swap3A_266 = tpu.vector_load %arg7[%swap3A_263, %swap3A_264, %swap3A_265] {strides = array<i32>} : memref<64x8x64xf32, #tpu.memory_space<vmem>>, vector<16xf32>,
        tpu.vector_store %arg7[%swap3A_263, %swap3A_264, %swap3A_265], %gather3A_258 {strides = array<i32>} : memref<64x8x64xf32, #tpu.memory_space<vmem>>, vector<16xf32>,
        %add3A_267 = arith.constant 32 : i32
        %add3A_268 = vector.broadcast %add3A_267 : i32 to vector<16xi32>
        %add3A_269 = arith.addi %iota3A, %add3A_268 : vector<16xi32>
        %gather3A_270 = arith.constant 4 : i32
        %gather3A_271 = arith.constant 0 : i32
        %gather3A_272 = arith.constant 0 : i32
        %gather3A_273 = tpu.memref_slice %arg6[%gather3A_270, %gather3A_271, %gather3A_272] : memref<7x64x128xf32, #tpu.memory_space<vmem>> -> memref<1x64x128xf32, #tpu.memory_space<vmem>>
        %gather3A_274 = tpu.memref_squeeze %gather3A_273 : memref<1x64x128xf32, #tpu.memory_space<vmem>> -> memref<64x128xf32, #tpu.memory_space<vmem>>
        %gather3A_275 = tpu.vector_load_idx %gather3A_274[%add3A_269, %broadcast_in_dim3A_232] : memref<64x128xf32, #tpu.memory_space<vmem>>[vector<16xi32>, vector<16xi32>], vector<16xf32>,
        %shift_right_arithmetic3A_276 = arith.constant 3 : i32
        %shift_right_arithmetic3A_277 = arith.shrsi %while3A_228, %shift_right_arithmetic3A_276 : i32
        %and3A_278 = arith.constant 7 : i32
        %and3A_279 = arith.andi %while3A_228, %and3A_278 : i32
        %swap3A_280 = arith.index_cast %shift_right_arithmetic3A_277 : i32 to index
        %swap3A_281 = arith.index_cast %and3A_279 : i32 to index
        %swap3A_282 = arith.constant 32 : index
        %swap3A_283 = tpu.vector_load %arg7[%swap3A_280, %swap3A_281, %swap3A_282] {strides = array<i32>} : memref<64x8x64xf32, #tpu.memory_space<vmem>>, vector<16xf32>,
        tpu.vector_store %arg7[%swap3A_280, %swap3A_281, %swap3A_282], %gather3A_275 {strides = array<i32>} : memref<64x8x64xf32, #tpu.memory_space<vmem>>, vector<16xf32>,
        %add3A_284 = arith.constant 48 : i32
        %add3A_285 = vector.broadcast %add3A_284 : i32 to vector<16xi32>
        %add3A_286 = arith.addi %iota3A, %add3A_285 : vector<16xi32>
        %gather3A_287 = arith.constant 4 : i32
        %gather3A_288 = arith.constant 0 : i32
        %gather3A_289 = arith.constant 0 : i32
        %gather3A_290 = tpu.memref_slice %arg6[%gather3A_287, %gather3A_288, %gather3A_289] : memref<7x64x128xf32, #tpu.memory_space<vmem>> -> memref<1x64x128xf32, #tpu.memory_space<vmem>>
        %gather3A_291 = tpu.memref_squeeze %gather3A_290 : memref<1x64x128xf32, #tpu.memory_space<vmem>> -> memref<64x128xf32, #tpu.memory_space<vmem>>
        %gather3A_292 = tpu.vector_load_idx %gather3A_291[%add3A_286, %broadcast_in_dim3A_232] : memref<64x128xf32, #tpu.memory_space<vmem>>[vector<16xi32>, vector<16xi32>], vector<16xf32>,
        %shift_right_arithmetic3A_293 = arith.constant 3 : i32
        %shift_right_arithmetic3A_294 = arith.shrsi %while3A_228, %shift_right_arithmetic3A_293 : i32
        %and3A_295 = arith.constant 7 : i32
        %and3A_296 = arith.andi %while3A_228, %and3A_295 : i32
        %swap3A_297 = arith.index_cast %shift_right_arithmetic3A_294 : i32 to index
        %swap3A_298 = arith.index_cast %and3A_296 : i32 to index
        %swap3A_299 = arith.constant 48 : index
        %swap3A_300 = tpu.vector_load %arg7[%swap3A_297, %swap3A_298, %swap3A_299] {strides = array<i32>} : memref<64x8x64xf32, #tpu.memory_space<vmem>>, vector<16xf32>,
        tpu.vector_store %arg7[%swap3A_297, %swap3A_298, %swap3A_299], %gather3A_292 {strides = array<i32>} : memref<64x8x64xf32, #tpu.memory_space<vmem>>, vector<16xf32>,
        %add3A_301 = arith.constant 1 : i32
        %add3A_302 = arith.addi %while3A_228, %add3A_301 : i32
        %add3A_303 = arith.constant 1 : i32
        %add3A_304 = arith.addi %while3A_228, %add3A_303 : i32
        %shift_right_arithmetic3A_305 = arith.constant 4 : i32
        %shift_right_arithmetic3A_306 = arith.shrsi %add3A_304, %shift_right_arithmetic3A_305 : i32
        %shift_left3A = arith.constant 4 : i32
        %shift_left3A_307 = arith.shli %shift_right_arithmetic3A_306, %shift_left3A : i32
        %get3A_308 = arith.index_cast %shift_left3A_307 : i32 to index
        %get3A_309 = tpu.vector_load %arg5[%get3A_308] {strides = array<i32>} : memref<528xi32, #tpu.memory_space<vmem>>, vector<16xi32>,
        %and3A_310 = arith.constant 15 : i32
        %and3A_311 = arith.andi %add3A_304, %and3A_310 : i32
        %broadcast_in_dim3A_312 = vector.broadcast %and3A_311 : i32 to vector<16x1xi32>
        %gather3A_313 = vector.shape_cast %broadcast_in_dim3A_312 : vector<16x1xi32> to vector<16xi32>
        %gather3A_314 = tpu.dynamic_gather %get3A_309[%gather3A_313] in [0] : vector<16xi32>, vector<16xi32> -> vector<16xi32>
        %slice3A_315 = vector.extract_strided_slice %gather3A_314 {offsets = [0], sizes = [1], strides = [1]} : vector<16xi32> to vector<1xi32>
        %squeeze3A_316 = vector.extract %slice3A_315[0] : i32 from vector<1xi32>
        scf.yield %add3A_302, %squeeze3A_316 : i32, i32
      }
      %add3A_190 = arith.constant 7 : i32
      %add3A_191 = arith.addi %add3A_183, %add3A_190 : i32
      %lt3A_192 = arith.cmpi slt, %add3A_191, %add3A_17 : i32
      %convert_element_type3A_193 = arith.extui %lt3A_192 : i1 to i32
      %cond3A_194 = arith.constant 0 : i32
      %cond3A_195 = arith.cmpi ne, %convert_element_type3A_193, %cond3A_194 : i32
      scf.if %cond3A_195 {
        %add3A_228 = arith.addi %shift_right_arithmetic3A_6, %add3A_183 : i32
        %add3A_229 = arith.constant 7 : i32
        %add3A_230 = arith.addi %add3A_228, %add3A_229 : i32
        %mul3A_231 = arith.constant 128 : i32
        %mul3A_232 = arith.muli %add3A_230, %mul3A_231 : i32
        %multiple_of3A = tpu.assume_multiple %mul3A_232, 128 : i32
        %dma_start3A = arith.constant 4 : i32
        %dma_start3A_233 = arith.constant 0 : i32
        %dma_start3A_234 = arith.constant 0 : i32
        %dma_start3A_235 = tpu.memref_slice %arg6[%dma_start3A, %dma_start3A_233, %dma_start3A_234] : memref<7x64x128xf32, #tpu.memory_space<vmem>> -> memref<1x64x128xf32, #tpu.memory_space<vmem>>
        %dma_start3A_236 = tpu.memref_squeeze %dma_start3A_235 : memref<1x64x128xf32, #tpu.memory_space<vmem>> -> memref<64x128xf32, #tpu.memory_space<vmem>>
        %dma_start3A_237 = arith.constant 0 : i32
        %dma_start3A_238 = tpu.memref_slice %arg3[%dma_start3A_237, %multiple_of3A] : memref<64x1000000xf32, #tpu.memory_space<hbm>> -> memref<64x128xf32, #tpu.memory_space<hbm>>
        %dma_start3A_239 = arith.constant 0 : i32
        %dma_start3A_240 = arith.constant 0 : i32
        %dma_start3A_241 = tpu.memref_slice %arg6[%dma_start3A, %dma_start3A_239, %dma_start3A_240] : memref<7x64x128xf32, #tpu.memory_space<vmem>> -> memref<1x64x128xf32, #tpu.memory_space<vmem>>
        %dma_start3A_242 = tpu.memref_squeeze %dma_start3A_241 : memref<1x64x128xf32, #tpu.memory_space<vmem>> -> memref<64x128xf32, #tpu.memory_space<vmem>>
        %dma_start3A_243 = arith.constant 0 : i32
        %dma_start3A_244 = tpu.memref_slice %arg3[%dma_start3A_243, %multiple_of3A] : memref<64x1000000xf32, #tpu.memory_space<hbm>> -> memref<64x128xf32, #tpu.memory_space<hbm>>
        tpu.enqueue_dma source(%dma_start3A_244 : memref<64x128xf32, #tpu.memory_space<hbm>>) target(%dma_start3A_242 : memref<64x128xf32, #tpu.memory_space<vmem>>) target_semaphore(%arg12 : memref<!tpu.dma_semaphore, #tpu.memory_space<semaphore_mem>>)
      } else {
      }
      %mul3A_196 = arith.constant 7 : i32
      %mul3A_197 = arith.muli %while3A_114, %mul3A_196 : i32
      %add3A_198 = arith.constant 5 : i32
      %add3A_199 = arith.addi %mul3A_197, %add3A_198 : i32
      %lt3A_200 = arith.cmpi slt, %add3A_199, %add3A_17 : i32
      %convert_element_type3A_201 = arith.extui %lt3A_200 : i1 to i32
      %cond3A_202 = arith.constant 0 : i32
      %cond3A_203 = arith.cmpi ne, %convert_element_type3A_201, %cond3A_202 : i32
      scf.if %cond3A_203 {
        %dma_wait3A = arith.constant 5 : i32
        %dma_wait3A_228 = arith.constant 0 : i32
        %dma_wait3A_229 = arith.constant 0 : i32
        %dma_wait3A_230 = tpu.memref_slice %arg6[%dma_wait3A, %dma_wait3A_228, %dma_wait3A_229] : memref<7x64x128xf32, #tpu.memory_space<vmem>> -> memref<1x64x128xf32, #tpu.memory_space<vmem>>
        %dma_wait3A_231 = tpu.memref_squeeze %dma_wait3A_230 : memref<1x64x128xf32, #tpu.memory_space<vmem>> -> memref<64x128xf32, #tpu.memory_space<vmem>>
        %dma_wait3A_232 = arith.constant 0 : i32
        %dma_wait3A_233 = arith.constant 0 : i32
        %dma_wait3A_234 = tpu.memref_slice %arg3[%dma_wait3A_232, %dma_wait3A_233] : memref<64x1000000xf32, #tpu.memory_space<hbm>> -> memref<64x128xf32, #tpu.memory_space<hbm>>
        %dma_wait3A_235 = arith.constant 0 : i32
        %dma_wait3A_236 = arith.constant 0 : i32
        %dma_wait3A_237 = tpu.memref_slice %arg6[%dma_wait3A, %dma_wait3A_235, %dma_wait3A_236] : memref<7x64x128xf32, #tpu.memory_space<vmem>> -> memref<1x64x128xf32, #tpu.memory_space<vmem>>
        %dma_wait3A_238 = tpu.memref_squeeze %dma_wait3A_237 : memref<1x64x128xf32, #tpu.memory_space<vmem>> -> memref<64x128xf32, #tpu.memory_space<vmem>>
        %dma_wait3A_239 = arith.constant 0 : i32
        %dma_wait3A_240 = arith.constant 0 : i32
        %dma_wait3A_241 = tpu.memref_slice %arg3[%dma_wait3A_239, %dma_wait3A_240] : memref<64x1000000xf32, #tpu.memory_space<hbm>> -> memref<64x128xf32, #tpu.memory_space<hbm>>
        tpu.wait_dma2 semaphore(%arg13 : memref<!tpu.dma_semaphore, #tpu.memory_space<semaphore_mem>>) src(%dma_wait3A_241 : memref<64x128xf32, #tpu.memory_space<hbm>>) dst(%dma_wait3A_238 : memref<64x128xf32, #tpu.memory_space<vmem>>)
      } else {
      }
      %add3A_204 = arith.addi %shift_right_arithmetic3A_6, %add3A_199 : i32
      %while3A_205:2 = scf.while (%while3A_228 = %while3A_189#0, %while3A_229 = %while3A_189#1) : (i32, i32) -> (i32, i32) {
        %lt3A_230 = arith.cmpi slt, %add3A_199, %add3A_17 : i32
        %shift_right_arithmetic3A_231 = arith.constant 7 : i32
        %shift_right_arithmetic3A_232 = arith.shrsi %while3A_229, %shift_right_arithmetic3A_231 : i32
        %eq3A = arith.cmpi eq, %shift_right_arithmetic3A_232, %add3A_204 : i32
        %and3A_233 = arith.andi %lt3A_230, %eq3A : i1
        scf.condition(%and3A_233) %while3A_228, %while3A_229 : i32, i32
      } do {
      ^bb0(%while3A_228: i32, %while3A_229: i32):
        %and3A_230 = arith.constant 127 : i32
        %and3A_231 = arith.andi %while3A_229, %and3A_230 : i32
        %broadcast_in_dim3A_232 = vector.broadcast %and3A_231 : i32 to vector<16xi32>
        %add3A_233 = arith.constant 0 : i32
        %add3A_234 = vector.broadcast %add3A_233 : i32 to vector<16xi32>
        %add3A_235 = arith.addi %iota3A, %add3A_234 : vector<16xi32>
        %gather3A_236 = arith.constant 5 : i32
        %gather3A_237 = arith.constant 0 : i32
        %gather3A_238 = arith.constant 0 : i32
        %gather3A_239 = tpu.memref_slice %arg6[%gather3A_236, %gather3A_237, %gather3A_238] : memref<7x64x128xf32, #tpu.memory_space<vmem>> -> memref<1x64x128xf32, #tpu.memory_space<vmem>>
        %gather3A_240 = tpu.memref_squeeze %gather3A_239 : memref<1x64x128xf32, #tpu.memory_space<vmem>> -> memref<64x128xf32, #tpu.memory_space<vmem>>
        %gather3A_241 = tpu.vector_load_idx %gather3A_240[%add3A_235, %broadcast_in_dim3A_232] : memref<64x128xf32, #tpu.memory_space<vmem>>[vector<16xi32>, vector<16xi32>], vector<16xf32>,
        %shift_right_arithmetic3A_242 = arith.constant 3 : i32
        %shift_right_arithmetic3A_243 = arith.shrsi %while3A_228, %shift_right_arithmetic3A_242 : i32
        %and3A_244 = arith.constant 7 : i32
        %and3A_245 = arith.andi %while3A_228, %and3A_244 : i32
        %swap3A_246 = arith.index_cast %shift_right_arithmetic3A_243 : i32 to index
        %swap3A_247 = arith.index_cast %and3A_245 : i32 to index
        %swap3A_248 = arith.constant 0 : index
        %swap3A_249 = tpu.vector_load %arg7[%swap3A_246, %swap3A_247, %swap3A_248] {strides = array<i32>} : memref<64x8x64xf32, #tpu.memory_space<vmem>>, vector<16xf32>,
        tpu.vector_store %arg7[%swap3A_246, %swap3A_247, %swap3A_248], %gather3A_241 {strides = array<i32>} : memref<64x8x64xf32, #tpu.memory_space<vmem>>, vector<16xf32>,
        %add3A_250 = arith.constant 16 : i32
        %add3A_251 = vector.broadcast %add3A_250 : i32 to vector<16xi32>
        %add3A_252 = arith.addi %iota3A, %add3A_251 : vector<16xi32>
        %gather3A_253 = arith.constant 5 : i32
        %gather3A_254 = arith.constant 0 : i32
        %gather3A_255 = arith.constant 0 : i32
        %gather3A_256 = tpu.memref_slice %arg6[%gather3A_253, %gather3A_254, %gather3A_255] : memref<7x64x128xf32, #tpu.memory_space<vmem>> -> memref<1x64x128xf32, #tpu.memory_space<vmem>>
        %gather3A_257 = tpu.memref_squeeze %gather3A_256 : memref<1x64x128xf32, #tpu.memory_space<vmem>> -> memref<64x128xf32, #tpu.memory_space<vmem>>
        %gather3A_258 = tpu.vector_load_idx %gather3A_257[%add3A_252, %broadcast_in_dim3A_232] : memref<64x128xf32, #tpu.memory_space<vmem>>[vector<16xi32>, vector<16xi32>], vector<16xf32>,
        %shift_right_arithmetic3A_259 = arith.constant 3 : i32
        %shift_right_arithmetic3A_260 = arith.shrsi %while3A_228, %shift_right_arithmetic3A_259 : i32
        %and3A_261 = arith.constant 7 : i32
        %and3A_262 = arith.andi %while3A_228, %and3A_261 : i32
        %swap3A_263 = arith.index_cast %shift_right_arithmetic3A_260 : i32 to index
        %swap3A_264 = arith.index_cast %and3A_262 : i32 to index
        %swap3A_265 = arith.constant 16 : index
        %swap3A_266 = tpu.vector_load %arg7[%swap3A_263, %swap3A_264, %swap3A_265] {strides = array<i32>} : memref<64x8x64xf32, #tpu.memory_space<vmem>>, vector<16xf32>,
        tpu.vector_store %arg7[%swap3A_263, %swap3A_264, %swap3A_265], %gather3A_258 {strides = array<i32>} : memref<64x8x64xf32, #tpu.memory_space<vmem>>, vector<16xf32>,
        %add3A_267 = arith.constant 32 : i32
        %add3A_268 = vector.broadcast %add3A_267 : i32 to vector<16xi32>
        %add3A_269 = arith.addi %iota3A, %add3A_268 : vector<16xi32>
        %gather3A_270 = arith.constant 5 : i32
        %gather3A_271 = arith.constant 0 : i32
        %gather3A_272 = arith.constant 0 : i32
        %gather3A_273 = tpu.memref_slice %arg6[%gather3A_270, %gather3A_271, %gather3A_272] : memref<7x64x128xf32, #tpu.memory_space<vmem>> -> memref<1x64x128xf32, #tpu.memory_space<vmem>>
        %gather3A_274 = tpu.memref_squeeze %gather3A_273 : memref<1x64x128xf32, #tpu.memory_space<vmem>> -> memref<64x128xf32, #tpu.memory_space<vmem>>
        %gather3A_275 = tpu.vector_load_idx %gather3A_274[%add3A_269, %broadcast_in_dim3A_232] : memref<64x128xf32, #tpu.memory_space<vmem>>[vector<16xi32>, vector<16xi32>], vector<16xf32>,
        %shift_right_arithmetic3A_276 = arith.constant 3 : i32
        %shift_right_arithmetic3A_277 = arith.shrsi %while3A_228, %shift_right_arithmetic3A_276 : i32
        %and3A_278 = arith.constant 7 : i32
        %and3A_279 = arith.andi %while3A_228, %and3A_278 : i32
        %swap3A_280 = arith.index_cast %shift_right_arithmetic3A_277 : i32 to index
        %swap3A_281 = arith.index_cast %and3A_279 : i32 to index
        %swap3A_282 = arith.constant 32 : index
        %swap3A_283 = tpu.vector_load %arg7[%swap3A_280, %swap3A_281, %swap3A_282] {strides = array<i32>} : memref<64x8x64xf32, #tpu.memory_space<vmem>>, vector<16xf32>,
        tpu.vector_store %arg7[%swap3A_280, %swap3A_281, %swap3A_282], %gather3A_275 {strides = array<i32>} : memref<64x8x64xf32, #tpu.memory_space<vmem>>, vector<16xf32>,
        %add3A_284 = arith.constant 48 : i32
        %add3A_285 = vector.broadcast %add3A_284 : i32 to vector<16xi32>
        %add3A_286 = arith.addi %iota3A, %add3A_285 : vector<16xi32>
        %gather3A_287 = arith.constant 5 : i32
        %gather3A_288 = arith.constant 0 : i32
        %gather3A_289 = arith.constant 0 : i32
        %gather3A_290 = tpu.memref_slice %arg6[%gather3A_287, %gather3A_288, %gather3A_289] : memref<7x64x128xf32, #tpu.memory_space<vmem>> -> memref<1x64x128xf32, #tpu.memory_space<vmem>>
        %gather3A_291 = tpu.memref_squeeze %gather3A_290 : memref<1x64x128xf32, #tpu.memory_space<vmem>> -> memref<64x128xf32, #tpu.memory_space<vmem>>
        %gather3A_292 = tpu.vector_load_idx %gather3A_291[%add3A_286, %broadcast_in_dim3A_232] : memref<64x128xf32, #tpu.memory_space<vmem>>[vector<16xi32>, vector<16xi32>], vector<16xf32>,
        %shift_right_arithmetic3A_293 = arith.constant 3 : i32
        %shift_right_arithmetic3A_294 = arith.shrsi %while3A_228, %shift_right_arithmetic3A_293 : i32
        %and3A_295 = arith.constant 7 : i32
        %and3A_296 = arith.andi %while3A_228, %and3A_295 : i32
        %swap3A_297 = arith.index_cast %shift_right_arithmetic3A_294 : i32 to index
        %swap3A_298 = arith.index_cast %and3A_296 : i32 to index
        %swap3A_299 = arith.constant 48 : index
        %swap3A_300 = tpu.vector_load %arg7[%swap3A_297, %swap3A_298, %swap3A_299] {strides = array<i32>} : memref<64x8x64xf32, #tpu.memory_space<vmem>>, vector<16xf32>,
        tpu.vector_store %arg7[%swap3A_297, %swap3A_298, %swap3A_299], %gather3A_292 {strides = array<i32>} : memref<64x8x64xf32, #tpu.memory_space<vmem>>, vector<16xf32>,
        %add3A_301 = arith.constant 1 : i32
        %add3A_302 = arith.addi %while3A_228, %add3A_301 : i32
        %add3A_303 = arith.constant 1 : i32
        %add3A_304 = arith.addi %while3A_228, %add3A_303 : i32
        %shift_right_arithmetic3A_305 = arith.constant 4 : i32
        %shift_right_arithmetic3A_306 = arith.shrsi %add3A_304, %shift_right_arithmetic3A_305 : i32
        %shift_left3A = arith.constant 4 : i32
        %shift_left3A_307 = arith.shli %shift_right_arithmetic3A_306, %shift_left3A : i32
        %get3A_308 = arith.index_cast %shift_left3A_307 : i32 to index
        %get3A_309 = tpu.vector_load %arg5[%get3A_308] {strides = array<i32>} : memref<528xi32, #tpu.memory_space<vmem>>, vector<16xi32>,
        %and3A_310 = arith.constant 15 : i32
        %and3A_311 = arith.andi %add3A_304, %and3A_310 : i32
        %broadcast_in_dim3A_312 = vector.broadcast %and3A_311 : i32 to vector<16x1xi32>
        %gather3A_313 = vector.shape_cast %broadcast_in_dim3A_312 : vector<16x1xi32> to vector<16xi32>
        %gather3A_314 = tpu.dynamic_gather %get3A_309[%gather3A_313] in [0] : vector<16xi32>, vector<16xi32> -> vector<16xi32>
        %slice3A_315 = vector.extract_strided_slice %gather3A_314 {offsets = [0], sizes = [1], strides = [1]} : vector<16xi32> to vector<1xi32>
        %squeeze3A_316 = vector.extract %slice3A_315[0] : i32 from vector<1xi32>
        scf.yield %add3A_302, %squeeze3A_316 : i32, i32
      }
      %add3A_206 = arith.constant 7 : i32
      %add3A_207 = arith.addi %add3A_199, %add3A_206 : i32
      %lt3A_208 = arith.cmpi slt, %add3A_207, %add3A_17 : i32
      %convert_element_type3A_209 = arith.extui %lt3A_208 : i1 to i32
      %cond3A_210 = arith.constant 0 : i32
      %cond3A_211 = arith.cmpi ne, %convert_element_type3A_209, %cond3A_210 : i32
      scf.if %cond3A_211 {
        %add3A_228 = arith.addi %shift_right_arithmetic3A_6, %add3A_199 : i32
        %add3A_229 = arith.constant 7 : i32
        %add3A_230 = arith.addi %add3A_228, %add3A_229 : i32
        %mul3A_231 = arith.constant 128 : i32
        %mul3A_232 = arith.muli %add3A_230, %mul3A_231 : i32
        %multiple_of3A = tpu.assume_multiple %mul3A_232, 128 : i32
        %dma_start3A = arith.constant 5 : i32
        %dma_start3A_233 = arith.constant 0 : i32
        %dma_start3A_234 = arith.constant 0 : i32
        %dma_start3A_235 = tpu.memref_slice %arg6[%dma_start3A, %dma_start3A_233, %dma_start3A_234] : memref<7x64x128xf32, #tpu.memory_space<vmem>> -> memref<1x64x128xf32, #tpu.memory_space<vmem>>
        %dma_start3A_236 = tpu.memref_squeeze %dma_start3A_235 : memref<1x64x128xf32, #tpu.memory_space<vmem>> -> memref<64x128xf32, #tpu.memory_space<vmem>>
        %dma_start3A_237 = arith.constant 0 : i32
        %dma_start3A_238 = tpu.memref_slice %arg3[%dma_start3A_237, %multiple_of3A] : memref<64x1000000xf32, #tpu.memory_space<hbm>> -> memref<64x128xf32, #tpu.memory_space<hbm>>
        %dma_start3A_239 = arith.constant 0 : i32
        %dma_start3A_240 = arith.constant 0 : i32
        %dma_start3A_241 = tpu.memref_slice %arg6[%dma_start3A, %dma_start3A_239, %dma_start3A_240] : memref<7x64x128xf32, #tpu.memory_space<vmem>> -> memref<1x64x128xf32, #tpu.memory_space<vmem>>
        %dma_start3A_242 = tpu.memref_squeeze %dma_start3A_241 : memref<1x64x128xf32, #tpu.memory_space<vmem>> -> memref<64x128xf32, #tpu.memory_space<vmem>>
        %dma_start3A_243 = arith.constant 0 : i32
        %dma_start3A_244 = tpu.memref_slice %arg3[%dma_start3A_243, %multiple_of3A] : memref<64x1000000xf32, #tpu.memory_space<hbm>> -> memref<64x128xf32, #tpu.memory_space<hbm>>
        tpu.enqueue_dma source(%dma_start3A_244 : memref<64x128xf32, #tpu.memory_space<hbm>>) target(%dma_start3A_242 : memref<64x128xf32, #tpu.memory_space<vmem>>) target_semaphore(%arg13 : memref<!tpu.dma_semaphore, #tpu.memory_space<semaphore_mem>>)
      } else {
      }
      %mul3A_212 = arith.constant 7 : i32
      %mul3A_213 = arith.muli %while3A_114, %mul3A_212 : i32
      %add3A_214 = arith.constant 6 : i32
      %add3A_215 = arith.addi %mul3A_213, %add3A_214 : i32
      %lt3A_216 = arith.cmpi slt, %add3A_215, %add3A_17 : i32
      %convert_element_type3A_217 = arith.extui %lt3A_216 : i1 to i32
      %cond3A_218 = arith.constant 0 : i32
      %cond3A_219 = arith.cmpi ne, %convert_element_type3A_217, %cond3A_218 : i32
      scf.if %cond3A_219 {
        %dma_wait3A = arith.constant 6 : i32
        %dma_wait3A_228 = arith.constant 0 : i32
        %dma_wait3A_229 = arith.constant 0 : i32
        %dma_wait3A_230 = tpu.memref_slice %arg6[%dma_wait3A, %dma_wait3A_228, %dma_wait3A_229] : memref<7x64x128xf32, #tpu.memory_space<vmem>> -> memref<1x64x128xf32, #tpu.memory_space<vmem>>
        %dma_wait3A_231 = tpu.memref_squeeze %dma_wait3A_230 : memref<1x64x128xf32, #tpu.memory_space<vmem>> -> memref<64x128xf32, #tpu.memory_space<vmem>>
        %dma_wait3A_232 = arith.constant 0 : i32
        %dma_wait3A_233 = arith.constant 0 : i32
        %dma_wait3A_234 = tpu.memref_slice %arg3[%dma_wait3A_232, %dma_wait3A_233] : memref<64x1000000xf32, #tpu.memory_space<hbm>> -> memref<64x128xf32, #tpu.memory_space<hbm>>
        %dma_wait3A_235 = arith.constant 0 : i32
        %dma_wait3A_236 = arith.constant 0 : i32
        %dma_wait3A_237 = tpu.memref_slice %arg6[%dma_wait3A, %dma_wait3A_235, %dma_wait3A_236] : memref<7x64x128xf32, #tpu.memory_space<vmem>> -> memref<1x64x128xf32, #tpu.memory_space<vmem>>
        %dma_wait3A_238 = tpu.memref_squeeze %dma_wait3A_237 : memref<1x64x128xf32, #tpu.memory_space<vmem>> -> memref<64x128xf32, #tpu.memory_space<vmem>>
        %dma_wait3A_239 = arith.constant 0 : i32
        %dma_wait3A_240 = arith.constant 0 : i32
        %dma_wait3A_241 = tpu.memref_slice %arg3[%dma_wait3A_239, %dma_wait3A_240] : memref<64x1000000xf32, #tpu.memory_space<hbm>> -> memref<64x128xf32, #tpu.memory_space<hbm>>
        tpu.wait_dma2 semaphore(%arg14 : memref<!tpu.dma_semaphore, #tpu.memory_space<semaphore_mem>>) src(%dma_wait3A_241 : memref<64x128xf32, #tpu.memory_space<hbm>>) dst(%dma_wait3A_238 : memref<64x128xf32, #tpu.memory_space<vmem>>)
      } else {
      }
      %add3A_220 = arith.addi %shift_right_arithmetic3A_6, %add3A_215 : i32
      %while3A_221:2 = scf.while (%while3A_228 = %while3A_205#0, %while3A_229 = %while3A_205#1) : (i32, i32) -> (i32, i32) {
        %lt3A_230 = arith.cmpi slt, %add3A_215, %add3A_17 : i32
        %shift_right_arithmetic3A_231 = arith.constant 7 : i32
        %shift_right_arithmetic3A_232 = arith.shrsi %while3A_229, %shift_right_arithmetic3A_231 : i32
        %eq3A = arith.cmpi eq, %shift_right_arithmetic3A_232, %add3A_220 : i32
        %and3A_233 = arith.andi %lt3A_230, %eq3A : i1
        scf.condition(%and3A_233) %while3A_228, %while3A_229 : i32, i32
      } do {
      ^bb0(%while3A_228: i32, %while3A_229: i32):
        %and3A_230 = arith.constant 127 : i32
        %and3A_231 = arith.andi %while3A_229, %and3A_230 : i32
        %broadcast_in_dim3A_232 = vector.broadcast %and3A_231 : i32 to vector<16xi32>
        %add3A_233 = arith.constant 0 : i32
        %add3A_234 = vector.broadcast %add3A_233 : i32 to vector<16xi32>
        %add3A_235 = arith.addi %iota3A, %add3A_234 : vector<16xi32>
        %gather3A_236 = arith.constant 6 : i32
        %gather3A_237 = arith.constant 0 : i32
        %gather3A_238 = arith.constant 0 : i32
        %gather3A_239 = tpu.memref_slice %arg6[%gather3A_236, %gather3A_237, %gather3A_238] : memref<7x64x128xf32, #tpu.memory_space<vmem>> -> memref<1x64x128xf32, #tpu.memory_space<vmem>>
        %gather3A_240 = tpu.memref_squeeze %gather3A_239 : memref<1x64x128xf32, #tpu.memory_space<vmem>> -> memref<64x128xf32, #tpu.memory_space<vmem>>
        %gather3A_241 = tpu.vector_load_idx %gather3A_240[%add3A_235, %broadcast_in_dim3A_232] : memref<64x128xf32, #tpu.memory_space<vmem>>[vector<16xi32>, vector<16xi32>], vector<16xf32>,
        %shift_right_arithmetic3A_242 = arith.constant 3 : i32
        %shift_right_arithmetic3A_243 = arith.shrsi %while3A_228, %shift_right_arithmetic3A_242 : i32
        %and3A_244 = arith.constant 7 : i32
        %and3A_245 = arith.andi %while3A_228, %and3A_244 : i32
        %swap3A_246 = arith.index_cast %shift_right_arithmetic3A_243 : i32 to index
        %swap3A_247 = arith.index_cast %and3A_245 : i32 to index
        %swap3A_248 = arith.constant 0 : index
        %swap3A_249 = tpu.vector_load %arg7[%swap3A_246, %swap3A_247, %swap3A_248] {strides = array<i32>} : memref<64x8x64xf32, #tpu.memory_space<vmem>>, vector<16xf32>,
        tpu.vector_store %arg7[%swap3A_246, %swap3A_247, %swap3A_248], %gather3A_241 {strides = array<i32>} : memref<64x8x64xf32, #tpu.memory_space<vmem>>, vector<16xf32>,
        %add3A_250 = arith.constant 16 : i32
        %add3A_251 = vector.broadcast %add3A_250 : i32 to vector<16xi32>
        %add3A_252 = arith.addi %iota3A, %add3A_251 : vector<16xi32>
        %gather3A_253 = arith.constant 6 : i32
        %gather3A_254 = arith.constant 0 : i32
        %gather3A_255 = arith.constant 0 : i32
        %gather3A_256 = tpu.memref_slice %arg6[%gather3A_253, %gather3A_254, %gather3A_255] : memref<7x64x128xf32, #tpu.memory_space<vmem>> -> memref<1x64x128xf32, #tpu.memory_space<vmem>>
        %gather3A_257 = tpu.memref_squeeze %gather3A_256 : memref<1x64x128xf32, #tpu.memory_space<vmem>> -> memref<64x128xf32, #tpu.memory_space<vmem>>
        %gather3A_258 = tpu.vector_load_idx %gather3A_257[%add3A_252, %broadcast_in_dim3A_232] : memref<64x128xf32, #tpu.memory_space<vmem>>[vector<16xi32>, vector<16xi32>], vector<16xf32>,
        %shift_right_arithmetic3A_259 = arith.constant 3 : i32
        %shift_right_arithmetic3A_260 = arith.shrsi %while3A_228, %shift_right_arithmetic3A_259 : i32
        %and3A_261 = arith.constant 7 : i32
        %and3A_262 = arith.andi %while3A_228, %and3A_261 : i32
        %swap3A_263 = arith.index_cast %shift_right_arithmetic3A_260 : i32 to index
        %swap3A_264 = arith.index_cast %and3A_262 : i32 to index
        %swap3A_265 = arith.constant 16 : index
        %swap3A_266 = tpu.vector_load %arg7[%swap3A_263, %swap3A_264, %swap3A_265] {strides = array<i32>} : memref<64x8x64xf32, #tpu.memory_space<vmem>>, vector<16xf32>,
        tpu.vector_store %arg7[%swap3A_263, %swap3A_264, %swap3A_265], %gather3A_258 {strides = array<i32>} : memref<64x8x64xf32, #tpu.memory_space<vmem>>, vector<16xf32>,
        %add3A_267 = arith.constant 32 : i32
        %add3A_268 = vector.broadcast %add3A_267 : i32 to vector<16xi32>
        %add3A_269 = arith.addi %iota3A, %add3A_268 : vector<16xi32>
        %gather3A_270 = arith.constant 6 : i32
        %gather3A_271 = arith.constant 0 : i32
        %gather3A_272 = arith.constant 0 : i32
        %gather3A_273 = tpu.memref_slice %arg6[%gather3A_270, %gather3A_271, %gather3A_272] : memref<7x64x128xf32, #tpu.memory_space<vmem>> -> memref<1x64x128xf32, #tpu.memory_space<vmem>>
        %gather3A_274 = tpu.memref_squeeze %gather3A_273 : memref<1x64x128xf32, #tpu.memory_space<vmem>> -> memref<64x128xf32, #tpu.memory_space<vmem>>
        %gather3A_275 = tpu.vector_load_idx %gather3A_274[%add3A_269, %broadcast_in_dim3A_232] : memref<64x128xf32, #tpu.memory_space<vmem>>[vector<16xi32>, vector<16xi32>], vector<16xf32>,
        %shift_right_arithmetic3A_276 = arith.constant 3 : i32
        %shift_right_arithmetic3A_277 = arith.shrsi %while3A_228, %shift_right_arithmetic3A_276 : i32
        %and3A_278 = arith.constant 7 : i32
        %and3A_279 = arith.andi %while3A_228, %and3A_278 : i32
        %swap3A_280 = arith.index_cast %shift_right_arithmetic3A_277 : i32 to index
        %swap3A_281 = arith.index_cast %and3A_279 : i32 to index
        %swap3A_282 = arith.constant 32 : index
        %swap3A_283 = tpu.vector_load %arg7[%swap3A_280, %swap3A_281, %swap3A_282] {strides = array<i32>} : memref<64x8x64xf32, #tpu.memory_space<vmem>>, vector<16xf32>,
        tpu.vector_store %arg7[%swap3A_280, %swap3A_281, %swap3A_282], %gather3A_275 {strides = array<i32>} : memref<64x8x64xf32, #tpu.memory_space<vmem>>, vector<16xf32>,
        %add3A_284 = arith.constant 48 : i32
        %add3A_285 = vector.broadcast %add3A_284 : i32 to vector<16xi32>
        %add3A_286 = arith.addi %iota3A, %add3A_285 : vector<16xi32>
        %gather3A_287 = arith.constant 6 : i32
        %gather3A_288 = arith.constant 0 : i32
        %gather3A_289 = arith.constant 0 : i32
        %gather3A_290 = tpu.memref_slice %arg6[%gather3A_287, %gather3A_288, %gather3A_289] : memref<7x64x128xf32, #tpu.memory_space<vmem>> -> memref<1x64x128xf32, #tpu.memory_space<vmem>>
        %gather3A_291 = tpu.memref_squeeze %gather3A_290 : memref<1x64x128xf32, #tpu.memory_space<vmem>> -> memref<64x128xf32, #tpu.memory_space<vmem>>
        %gather3A_292 = tpu.vector_load_idx %gather3A_291[%add3A_286, %broadcast_in_dim3A_232] : memref<64x128xf32, #tpu.memory_space<vmem>>[vector<16xi32>, vector<16xi32>], vector<16xf32>,
        %shift_right_arithmetic3A_293 = arith.constant 3 : i32
        %shift_right_arithmetic3A_294 = arith.shrsi %while3A_228, %shift_right_arithmetic3A_293 : i32
        %and3A_295 = arith.constant 7 : i32
        %and3A_296 = arith.andi %while3A_228, %and3A_295 : i32
        %swap3A_297 = arith.index_cast %shift_right_arithmetic3A_294 : i32 to index
        %swap3A_298 = arith.index_cast %and3A_296 : i32 to index
        %swap3A_299 = arith.constant 48 : index
        %swap3A_300 = tpu.vector_load %arg7[%swap3A_297, %swap3A_298, %swap3A_299] {strides = array<i32>} : memref<64x8x64xf32, #tpu.memory_space<vmem>>, vector<16xf32>,
        tpu.vector_store %arg7[%swap3A_297, %swap3A_298, %swap3A_299], %gather3A_292 {strides = array<i32>} : memref<64x8x64xf32, #tpu.memory_space<vmem>>, vector<16xf32>,
        %add3A_301 = arith.constant 1 : i32
        %add3A_302 = arith.addi %while3A_228, %add3A_301 : i32
        %add3A_303 = arith.constant 1 : i32
        %add3A_304 = arith.addi %while3A_228, %add3A_303 : i32
        %shift_right_arithmetic3A_305 = arith.constant 4 : i32
        %shift_right_arithmetic3A_306 = arith.shrsi %add3A_304, %shift_right_arithmetic3A_305 : i32
        %shift_left3A = arith.constant 4 : i32
        %shift_left3A_307 = arith.shli %shift_right_arithmetic3A_306, %shift_left3A : i32
        %get3A_308 = arith.index_cast %shift_left3A_307 : i32 to index
        %get3A_309 = tpu.vector_load %arg5[%get3A_308] {strides = array<i32>} : memref<528xi32, #tpu.memory_space<vmem>>, vector<16xi32>,
        %and3A_310 = arith.constant 15 : i32
        %and3A_311 = arith.andi %add3A_304, %and3A_310 : i32
        %broadcast_in_dim3A_312 = vector.broadcast %and3A_311 : i32 to vector<16x1xi32>
        %gather3A_313 = vector.shape_cast %broadcast_in_dim3A_312 : vector<16x1xi32> to vector<16xi32>
        %gather3A_314 = tpu.dynamic_gather %get3A_309[%gather3A_313] in [0] : vector<16xi32>, vector<16xi32> -> vector<16xi32>
        %slice3A_315 = vector.extract_strided_slice %gather3A_314 {offsets = [0], sizes = [1], strides = [1]} : vector<16xi32> to vector<1xi32>
        %squeeze3A_316 = vector.extract %slice3A_315[0] : i32 from vector<1xi32>
        scf.yield %add3A_302, %squeeze3A_316 : i32, i32
      }
      %add3A_222 = arith.constant 7 : i32
      %add3A_223 = arith.addi %add3A_215, %add3A_222 : i32
      %lt3A_224 = arith.cmpi slt, %add3A_223, %add3A_17 : i32
      %convert_element_type3A_225 = arith.extui %lt3A_224 : i1 to i32
      %cond3A_226 = arith.constant 0 : i32
      %cond3A_227 = arith.cmpi ne, %convert_element_type3A_225, %cond3A_226 : i32
      scf.if %cond3A_227 {
        %add3A_228 = arith.addi %shift_right_arithmetic3A_6, %add3A_215 : i32
        %add3A_229 = arith.constant 7 : i32
        %add3A_230 = arith.addi %add3A_228, %add3A_229 : i32
        %mul3A_231 = arith.constant 128 : i32
        %mul3A_232 = arith.muli %add3A_230, %mul3A_231 : i32
        %multiple_of3A = tpu.assume_multiple %mul3A_232, 128 : i32
        %dma_start3A = arith.constant 6 : i32
        %dma_start3A_233 = arith.constant 0 : i32
        %dma_start3A_234 = arith.constant 0 : i32
        %dma_start3A_235 = tpu.memref_slice %arg6[%dma_start3A, %dma_start3A_233, %dma_start3A_234] : memref<7x64x128xf32, #tpu.memory_space<vmem>> -> memref<1x64x128xf32, #tpu.memory_space<vmem>>
        %dma_start3A_236 = tpu.memref_squeeze %dma_start3A_235 : memref<1x64x128xf32, #tpu.memory_space<vmem>> -> memref<64x128xf32, #tpu.memory_space<vmem>>
        %dma_start3A_237 = arith.constant 0 : i32
        %dma_start3A_238 = tpu.memref_slice %arg3[%dma_start3A_237, %multiple_of3A] : memref<64x1000000xf32, #tpu.memory_space<hbm>> -> memref<64x128xf32, #tpu.memory_space<hbm>>
        %dma_start3A_239 = arith.constant 0 : i32
        %dma_start3A_240 = arith.constant 0 : i32
        %dma_start3A_241 = tpu.memref_slice %arg6[%dma_start3A, %dma_start3A_239, %dma_start3A_240] : memref<7x64x128xf32, #tpu.memory_space<vmem>> -> memref<1x64x128xf32, #tpu.memory_space<vmem>>
        %dma_start3A_242 = tpu.memref_squeeze %dma_start3A_241 : memref<1x64x128xf32, #tpu.memory_space<vmem>> -> memref<64x128xf32, #tpu.memory_space<vmem>>
        %dma_start3A_243 = arith.constant 0 : i32
        %dma_start3A_244 = tpu.memref_slice %arg3[%dma_start3A_243, %multiple_of3A] : memref<64x1000000xf32, #tpu.memory_space<hbm>> -> memref<64x128xf32, #tpu.memory_space<hbm>>
        tpu.enqueue_dma source(%dma_start3A_244 : memref<64x128xf32, #tpu.memory_space<hbm>>) target(%dma_start3A_242 : memref<64x128xf32, #tpu.memory_space<vmem>>) target_semaphore(%arg14 : memref<!tpu.dma_semaphore, #tpu.memory_space<semaphore_mem>>)
      } else {
      }
      scf.yield %while3A_221#0, %while3A_221#1 : i32, i32
    }
    %while3A_88 = arith.constant 1 : i32
    %while3A_89:2 = scf.for %while3A_114 = %while3A_85 to %while3A_81 step %while3A_88 iter_args(%while3A_115 = %while3A_87#0, %while3A_116 = %while3A_87#1) -> (i32, i32)  : i32 {
      %mul3A_117 = arith.constant 7 : i32
      %mul3A_118 = arith.muli %while3A_114, %mul3A_117 : i32
      %add3A_119 = arith.constant 0 : i32
      %add3A_120 = arith.addi %mul3A_118, %add3A_119 : i32
      %lt3A = arith.cmpi slt, %add3A_120, %add3A_17 : i32
      %convert_element_type3A_121 = arith.extui %lt3A : i1 to i32
      %cond3A_122 = arith.constant 0 : i32
      %cond3A_123 = arith.cmpi ne, %convert_element_type3A_121, %cond3A_122 : i32
      scf.if %cond3A_123 {
        %dma_wait3A = arith.constant 0 : i32
        %dma_wait3A_228 = arith.constant 0 : i32
        %dma_wait3A_229 = arith.constant 0 : i32
        %dma_wait3A_230 = tpu.memref_slice %arg6[%dma_wait3A, %dma_wait3A_228, %dma_wait3A_229] : memref<7x64x128xf32, #tpu.memory_space<vmem>> -> memref<1x64x128xf32, #tpu.memory_space<vmem>>
        %dma_wait3A_231 = tpu.memref_squeeze %dma_wait3A_230 : memref<1x64x128xf32, #tpu.memory_space<vmem>> -> memref<64x128xf32, #tpu.memory_space<vmem>>
        %dma_wait3A_232 = arith.constant 0 : i32
        %dma_wait3A_233 = arith.constant 0 : i32
        %dma_wait3A_234 = tpu.memref_slice %arg3[%dma_wait3A_232, %dma_wait3A_233] : memref<64x1000000xf32, #tpu.memory_space<hbm>> -> memref<64x128xf32, #tpu.memory_space<hbm>>
        %dma_wait3A_235 = arith.constant 0 : i32
        %dma_wait3A_236 = arith.constant 0 : i32
        %dma_wait3A_237 = tpu.memref_slice %arg6[%dma_wait3A, %dma_wait3A_235, %dma_wait3A_236] : memref<7x64x128xf32, #tpu.memory_space<vmem>> -> memref<1x64x128xf32, #tpu.memory_space<vmem>>
        %dma_wait3A_238 = tpu.memref_squeeze %dma_wait3A_237 : memref<1x64x128xf32, #tpu.memory_space<vmem>> -> memref<64x128xf32, #tpu.memory_space<vmem>>
        %dma_wait3A_239 = arith.constant 0 : i32
        %dma_wait3A_240 = arith.constant 0 : i32
        %dma_wait3A_241 = tpu.memref_slice %arg3[%dma_wait3A_239, %dma_wait3A_240] : memref<64x1000000xf32, #tpu.memory_space<hbm>> -> memref<64x128xf32, #tpu.memory_space<hbm>>
        tpu.wait_dma2 semaphore(%arg8 : memref<!tpu.dma_semaphore, #tpu.memory_space<semaphore_mem>>) src(%dma_wait3A_241 : memref<64x128xf32, #tpu.memory_space<hbm>>) dst(%dma_wait3A_238 : memref<64x128xf32, #tpu.memory_space<vmem>>)
      } else {
      }
      %add3A_124 = arith.addi %shift_right_arithmetic3A_6, %add3A_120 : i32
      %while3A_125:2 = scf.while (%while3A_228 = %while3A_115, %while3A_229 = %while3A_116) : (i32, i32) -> (i32, i32) {
        %lt3A_230 = arith.cmpi slt, %add3A_120, %add3A_17 : i32
        %shift_right_arithmetic3A_231 = arith.constant 7 : i32
        %shift_right_arithmetic3A_232 = arith.shrsi %while3A_229, %shift_right_arithmetic3A_231 : i32
        %eq3A = arith.cmpi eq, %shift_right_arithmetic3A_232, %add3A_124 : i32
        %and3A_233 = arith.andi %lt3A_230, %eq3A : i1
        scf.condition(%and3A_233) %while3A_228, %while3A_229 : i32, i32
      } do {
      ^bb0(%while3A_228: i32, %while3A_229: i32):
        %and3A_230 = arith.constant 127 : i32
        %and3A_231 = arith.andi %while3A_229, %and3A_230 : i32
        %broadcast_in_dim3A_232 = vector.broadcast %and3A_231 : i32 to vector<16xi32>
        %add3A_233 = arith.constant 0 : i32
        %add3A_234 = vector.broadcast %add3A_233 : i32 to vector<16xi32>
        %add3A_235 = arith.addi %iota3A, %add3A_234 : vector<16xi32>
        %gather3A_236 = arith.constant 0 : i32
        %gather3A_237 = arith.constant 0 : i32
        %gather3A_238 = arith.constant 0 : i32
        %gather3A_239 = tpu.memref_slice %arg6[%gather3A_236, %gather3A_237, %gather3A_238] : memref<7x64x128xf32, #tpu.memory_space<vmem>> -> memref<1x64x128xf32, #tpu.memory_space<vmem>>
        %gather3A_240 = tpu.memref_squeeze %gather3A_239 : memref<1x64x128xf32, #tpu.memory_space<vmem>> -> memref<64x128xf32, #tpu.memory_space<vmem>>
        %gather3A_241 = tpu.vector_load_idx %gather3A_240[%add3A_235, %broadcast_in_dim3A_232] : memref<64x128xf32, #tpu.memory_space<vmem>>[vector<16xi32>, vector<16xi32>], vector<16xf32>,
        %shift_right_arithmetic3A_242 = arith.constant 3 : i32
        %shift_right_arithmetic3A_243 = arith.shrsi %while3A_228, %shift_right_arithmetic3A_242 : i32
        %and3A_244 = arith.constant 7 : i32
        %and3A_245 = arith.andi %while3A_228, %and3A_244 : i32
        %swap3A_246 = arith.index_cast %shift_right_arithmetic3A_243 : i32 to index
        %swap3A_247 = arith.index_cast %and3A_245 : i32 to index
        %swap3A_248 = arith.constant 0 : index
        %swap3A_249 = tpu.vector_load %arg7[%swap3A_246, %swap3A_247, %swap3A_248] {strides = array<i32>} : memref<64x8x64xf32, #tpu.memory_space<vmem>>, vector<16xf32>,
        tpu.vector_store %arg7[%swap3A_246, %swap3A_247, %swap3A_248], %gather3A_241 {strides = array<i32>} : memref<64x8x64xf32, #tpu.memory_space<vmem>>, vector<16xf32>,
        %add3A_250 = arith.constant 16 : i32
        %add3A_251 = vector.broadcast %add3A_250 : i32 to vector<16xi32>
        %add3A_252 = arith.addi %iota3A, %add3A_251 : vector<16xi32>
        %gather3A_253 = arith.constant 0 : i32
        %gather3A_254 = arith.constant 0 : i32
        %gather3A_255 = arith.constant 0 : i32
        %gather3A_256 = tpu.memref_slice %arg6[%gather3A_253, %gather3A_254, %gather3A_255] : memref<7x64x128xf32, #tpu.memory_space<vmem>> -> memref<1x64x128xf32, #tpu.memory_space<vmem>>
        %gather3A_257 = tpu.memref_squeeze %gather3A_256 : memref<1x64x128xf32, #tpu.memory_space<vmem>> -> memref<64x128xf32, #tpu.memory_space<vmem>>
        %gather3A_258 = tpu.vector_load_idx %gather3A_257[%add3A_252, %broadcast_in_dim3A_232] : memref<64x128xf32, #tpu.memory_space<vmem>>[vector<16xi32>, vector<16xi32>], vector<16xf32>,
        %shift_right_arithmetic3A_259 = arith.constant 3 : i32
        %shift_right_arithmetic3A_260 = arith.shrsi %while3A_228, %shift_right_arithmetic3A_259 : i32
        %and3A_261 = arith.constant 7 : i32
        %and3A_262 = arith.andi %while3A_228, %and3A_261 : i32
        %swap3A_263 = arith.index_cast %shift_right_arithmetic3A_260 : i32 to index
        %swap3A_264 = arith.index_cast %and3A_262 : i32 to index
        %swap3A_265 = arith.constant 16 : index
        %swap3A_266 = tpu.vector_load %arg7[%swap3A_263, %swap3A_264, %swap3A_265] {strides = array<i32>} : memref<64x8x64xf32, #tpu.memory_space<vmem>>, vector<16xf32>,
        tpu.vector_store %arg7[%swap3A_263, %swap3A_264, %swap3A_265], %gather3A_258 {strides = array<i32>} : memref<64x8x64xf32, #tpu.memory_space<vmem>>, vector<16xf32>,
        %add3A_267 = arith.constant 32 : i32
        %add3A_268 = vector.broadcast %add3A_267 : i32 to vector<16xi32>
        %add3A_269 = arith.addi %iota3A, %add3A_268 : vector<16xi32>
        %gather3A_270 = arith.constant 0 : i32
        %gather3A_271 = arith.constant 0 : i32
        %gather3A_272 = arith.constant 0 : i32
        %gather3A_273 = tpu.memref_slice %arg6[%gather3A_270, %gather3A_271, %gather3A_272] : memref<7x64x128xf32, #tpu.memory_space<vmem>> -> memref<1x64x128xf32, #tpu.memory_space<vmem>>
        %gather3A_274 = tpu.memref_squeeze %gather3A_273 : memref<1x64x128xf32, #tpu.memory_space<vmem>> -> memref<64x128xf32, #tpu.memory_space<vmem>>
        %gather3A_275 = tpu.vector_load_idx %gather3A_274[%add3A_269, %broadcast_in_dim3A_232] : memref<64x128xf32, #tpu.memory_space<vmem>>[vector<16xi32>, vector<16xi32>], vector<16xf32>,
        %shift_right_arithmetic3A_276 = arith.constant 3 : i32
        %shift_right_arithmetic3A_277 = arith.shrsi %while3A_228, %shift_right_arithmetic3A_276 : i32
        %and3A_278 = arith.constant 7 : i32
        %and3A_279 = arith.andi %while3A_228, %and3A_278 : i32
        %swap3A_280 = arith.index_cast %shift_right_arithmetic3A_277 : i32 to index
        %swap3A_281 = arith.index_cast %and3A_279 : i32 to index
        %swap3A_282 = arith.constant 32 : index
        %swap3A_283 = tpu.vector_load %arg7[%swap3A_280, %swap3A_281, %swap3A_282] {strides = array<i32>} : memref<64x8x64xf32, #tpu.memory_space<vmem>>, vector<16xf32>,
        tpu.vector_store %arg7[%swap3A_280, %swap3A_281, %swap3A_282], %gather3A_275 {strides = array<i32>} : memref<64x8x64xf32, #tpu.memory_space<vmem>>, vector<16xf32>,
        %add3A_284 = arith.constant 48 : i32
        %add3A_285 = vector.broadcast %add3A_284 : i32 to vector<16xi32>
        %add3A_286 = arith.addi %iota3A, %add3A_285 : vector<16xi32>
        %gather3A_287 = arith.constant 0 : i32
        %gather3A_288 = arith.constant 0 : i32
        %gather3A_289 = arith.constant 0 : i32
        %gather3A_290 = tpu.memref_slice %arg6[%gather3A_287, %gather3A_288, %gather3A_289] : memref<7x64x128xf32, #tpu.memory_space<vmem>> -> memref<1x64x128xf32, #tpu.memory_space<vmem>>
        %gather3A_291 = tpu.memref_squeeze %gather3A_290 : memref<1x64x128xf32, #tpu.memory_space<vmem>> -> memref<64x128xf32, #tpu.memory_space<vmem>>
        %gather3A_292 = tpu.vector_load_idx %gather3A_291[%add3A_286, %broadcast_in_dim3A_232] : memref<64x128xf32, #tpu.memory_space<vmem>>[vector<16xi32>, vector<16xi32>], vector<16xf32>,
        %shift_right_arithmetic3A_293 = arith.constant 3 : i32
        %shift_right_arithmetic3A_294 = arith.shrsi %while3A_228, %shift_right_arithmetic3A_293 : i32
        %and3A_295 = arith.constant 7 : i32
        %and3A_296 = arith.andi %while3A_228, %and3A_295 : i32
        %swap3A_297 = arith.index_cast %shift_right_arithmetic3A_294 : i32 to index
        %swap3A_298 = arith.index_cast %and3A_296 : i32 to index
        %swap3A_299 = arith.constant 48 : index
        %swap3A_300 = tpu.vector_load %arg7[%swap3A_297, %swap3A_298, %swap3A_299] {strides = array<i32>} : memref<64x8x64xf32, #tpu.memory_space<vmem>>, vector<16xf32>,
        tpu.vector_store %arg7[%swap3A_297, %swap3A_298, %swap3A_299], %gather3A_292 {strides = array<i32>} : memref<64x8x64xf32, #tpu.memory_space<vmem>>, vector<16xf32>,
        %add3A_301 = arith.constant 1 : i32
        %add3A_302 = arith.addi %while3A_228, %add3A_301 : i32
        %add3A_303 = arith.constant 1 : i32
        %add3A_304 = arith.addi %while3A_228, %add3A_303 : i32
        %shift_right_arithmetic3A_305 = arith.constant 4 : i32
        %shift_right_arithmetic3A_306 = arith.shrsi %add3A_304, %shift_right_arithmetic3A_305 : i32
        %shift_left3A = arith.constant 4 : i32
        %shift_left3A_307 = arith.shli %shift_right_arithmetic3A_306, %shift_left3A : i32
        %get3A_308 = arith.index_cast %shift_left3A_307 : i32 to index
        %get3A_309 = tpu.vector_load %arg5[%get3A_308] {strides = array<i32>} : memref<528xi32, #tpu.memory_space<vmem>>, vector<16xi32>,
        %and3A_310 = arith.constant 15 : i32
        %and3A_311 = arith.andi %add3A_304, %and3A_310 : i32
        %broadcast_in_dim3A_312 = vector.broadcast %and3A_311 : i32 to vector<16x1xi32>
        %gather3A_313 = vector.shape_cast %broadcast_in_dim3A_312 : vector<16x1xi32> to vector<16xi32>
        %gather3A_314 = tpu.dynamic_gather %get3A_309[%gather3A_313] in [0] : vector<16xi32>, vector<16xi32> -> vector<16xi32>
        %slice3A_315 = vector.extract_strided_slice %gather3A_314 {offsets = [0], sizes = [1], strides = [1]} : vector<16xi32> to vector<1xi32>
        %squeeze3A_316 = vector.extract %slice3A_315[0] : i32 from vector<1xi32>
        scf.yield %add3A_302, %squeeze3A_316 : i32, i32
      }
      %add3A_126 = arith.constant 7 : i32
      %add3A_127 = arith.addi %add3A_120, %add3A_126 : i32
      %lt3A_128 = arith.cmpi slt, %add3A_127, %add3A_17 : i32
      %convert_element_type3A_129 = arith.extui %lt3A_128 : i1 to i32
      %cond3A_130 = arith.constant 0 : i32
      %cond3A_131 = arith.cmpi ne, %convert_element_type3A_129, %cond3A_130 : i32
      scf.if %cond3A_131 {
        %add3A_228 = arith.addi %shift_right_arithmetic3A_6, %add3A_120 : i32
        %add3A_229 = arith.constant 7 : i32
        %add3A_230 = arith.addi %add3A_228, %add3A_229 : i32
        %mul3A_231 = arith.constant 128 : i32
        %mul3A_232 = arith.muli %add3A_230, %mul3A_231 : i32
        %multiple_of3A = tpu.assume_multiple %mul3A_232, 128 : i32
        %dma_start3A = arith.constant 0 : i32
        %dma_start3A_233 = arith.constant 0 : i32
        %dma_start3A_234 = arith.constant 0 : i32
        %dma_start3A_235 = tpu.memref_slice %arg6[%dma_start3A, %dma_start3A_233, %dma_start3A_234] : memref<7x64x128xf32, #tpu.memory_space<vmem>> -> memref<1x64x128xf32, #tpu.memory_space<vmem>>
        %dma_start3A_236 = tpu.memref_squeeze %dma_start3A_235 : memref<1x64x128xf32, #tpu.memory_space<vmem>> -> memref<64x128xf32, #tpu.memory_space<vmem>>
        %dma_start3A_237 = arith.constant 0 : i32
        %dma_start3A_238 = tpu.memref_slice %arg3[%dma_start3A_237, %multiple_of3A] : memref<64x1000000xf32, #tpu.memory_space<hbm>> -> memref<64x128xf32, #tpu.memory_space<hbm>>
        %dma_start3A_239 = arith.constant 0 : i32
        %dma_start3A_240 = arith.constant 0 : i32
        %dma_start3A_241 = tpu.memref_slice %arg6[%dma_start3A, %dma_start3A_239, %dma_start3A_240] : memref<7x64x128xf32, #tpu.memory_space<vmem>> -> memref<1x64x128xf32, #tpu.memory_space<vmem>>
        %dma_start3A_242 = tpu.memref_squeeze %dma_start3A_241 : memref<1x64x128xf32, #tpu.memory_space<vmem>> -> memref<64x128xf32, #tpu.memory_space<vmem>>
        %dma_start3A_243 = arith.constant 0 : i32
        %dma_start3A_244 = tpu.memref_slice %arg3[%dma_start3A_243, %multiple_of3A] : memref<64x1000000xf32, #tpu.memory_space<hbm>> -> memref<64x128xf32, #tpu.memory_space<hbm>>
        tpu.enqueue_dma source(%dma_start3A_244 : memref<64x128xf32, #tpu.memory_space<hbm>>) target(%dma_start3A_242 : memref<64x128xf32, #tpu.memory_space<vmem>>) target_semaphore(%arg8 : memref<!tpu.dma_semaphore, #tpu.memory_space<semaphore_mem>>)
      } else {
      }
      %mul3A_132 = arith.constant 7 : i32
      %mul3A_133 = arith.muli %while3A_114, %mul3A_132 : i32
      %add3A_134 = arith.constant 1 : i32
      %add3A_135 = arith.addi %mul3A_133, %add3A_134 : i32
      %lt3A_136 = arith.cmpi slt, %add3A_135, %add3A_17 : i32
      %convert_element_type3A_137 = arith.extui %lt3A_136 : i1 to i32
      %cond3A_138 = arith.constant 0 : i32
      %cond3A_139 = arith.cmpi ne, %convert_element_type3A_137, %cond3A_138 : i32
      scf.if %cond3A_139 {
        %dma_wait3A = arith.constant 1 : i32
        %dma_wait3A_228 = arith.constant 0 : i32
        %dma_wait3A_229 = arith.constant 0 : i32
        %dma_wait3A_230 = tpu.memref_slice %arg6[%dma_wait3A, %dma_wait3A_228, %dma_wait3A_229] : memref<7x64x128xf32, #tpu.memory_space<vmem>> -> memref<1x64x128xf32, #tpu.memory_space<vmem>>
        %dma_wait3A_231 = tpu.memref_squeeze %dma_wait3A_230 : memref<1x64x128xf32, #tpu.memory_space<vmem>> -> memref<64x128xf32, #tpu.memory_space<vmem>>
        %dma_wait3A_232 = arith.constant 0 : i32
        %dma_wait3A_233 = arith.constant 0 : i32
        %dma_wait3A_234 = tpu.memref_slice %arg3[%dma_wait3A_232, %dma_wait3A_233] : memref<64x1000000xf32, #tpu.memory_space<hbm>> -> memref<64x128xf32, #tpu.memory_space<hbm>>
        %dma_wait3A_235 = arith.constant 0 : i32
        %dma_wait3A_236 = arith.constant 0 : i32
        %dma_wait3A_237 = tpu.memref_slice %arg6[%dma_wait3A, %dma_wait3A_235, %dma_wait3A_236] : memref<7x64x128xf32, #tpu.memory_space<vmem>> -> memref<1x64x128xf32, #tpu.memory_space<vmem>>
        %dma_wait3A_238 = tpu.memref_squeeze %dma_wait3A_237 : memref<1x64x128xf32, #tpu.memory_space<vmem>> -> memref<64x128xf32, #tpu.memory_space<vmem>>
        %dma_wait3A_239 = arith.constant 0 : i32
        %dma_wait3A_240 = arith.constant 0 : i32
        %dma_wait3A_241 = tpu.memref_slice %arg3[%dma_wait3A_239, %dma_wait3A_240] : memref<64x1000000xf32, #tpu.memory_space<hbm>> -> memref<64x128xf32, #tpu.memory_space<hbm>>
        tpu.wait_dma2 semaphore(%arg9 : memref<!tpu.dma_semaphore, #tpu.memory_space<semaphore_mem>>) src(%dma_wait3A_241 : memref<64x128xf32, #tpu.memory_space<hbm>>) dst(%dma_wait3A_238 : memref<64x128xf32, #tpu.memory_space<vmem>>)
      } else {
      }
      %add3A_140 = arith.addi %shift_right_arithmetic3A_6, %add3A_135 : i32
      %while3A_141:2 = scf.while (%while3A_228 = %while3A_125#0, %while3A_229 = %while3A_125#1) : (i32, i32) -> (i32, i32) {
        %lt3A_230 = arith.cmpi slt, %add3A_135, %add3A_17 : i32
        %shift_right_arithmetic3A_231 = arith.constant 7 : i32
        %shift_right_arithmetic3A_232 = arith.shrsi %while3A_229, %shift_right_arithmetic3A_231 : i32
        %eq3A = arith.cmpi eq, %shift_right_arithmetic3A_232, %add3A_140 : i32
        %and3A_233 = arith.andi %lt3A_230, %eq3A : i1
        scf.condition(%and3A_233) %while3A_228, %while3A_229 : i32, i32
      } do {
      ^bb0(%while3A_228: i32, %while3A_229: i32):
        %and3A_230 = arith.constant 127 : i32
        %and3A_231 = arith.andi %while3A_229, %and3A_230 : i32
        %broadcast_in_dim3A_232 = vector.broadcast %and3A_231 : i32 to vector<16xi32>
        %add3A_233 = arith.constant 0 : i32
        %add3A_234 = vector.broadcast %add3A_233 : i32 to vector<16xi32>
        %add3A_235 = arith.addi %iota3A, %add3A_234 : vector<16xi32>
        %gather3A_236 = arith.constant 1 : i32
        %gather3A_237 = arith.constant 0 : i32
        %gather3A_238 = arith.constant 0 : i32
        %gather3A_239 = tpu.memref_slice %arg6[%gather3A_236, %gather3A_237, %gather3A_238] : memref<7x64x128xf32, #tpu.memory_space<vmem>> -> memref<1x64x128xf32, #tpu.memory_space<vmem>>
        %gather3A_240 = tpu.memref_squeeze %gather3A_239 : memref<1x64x128xf32, #tpu.memory_space<vmem>> -> memref<64x128xf32, #tpu.memory_space<vmem>>
        %gather3A_241 = tpu.vector_load_idx %gather3A_240[%add3A_235, %broadcast_in_dim3A_232] : memref<64x128xf32, #tpu.memory_space<vmem>>[vector<16xi32>, vector<16xi32>], vector<16xf32>,
        %shift_right_arithmetic3A_242 = arith.constant 3 : i32
        %shift_right_arithmetic3A_243 = arith.shrsi %while3A_228, %shift_right_arithmetic3A_242 : i32
        %and3A_244 = arith.constant 7 : i32
        %and3A_245 = arith.andi %while3A_228, %and3A_244 : i32
        %swap3A_246 = arith.index_cast %shift_right_arithmetic3A_243 : i32 to index
        %swap3A_247 = arith.index_cast %and3A_245 : i32 to index
        %swap3A_248 = arith.constant 0 : index
        %swap3A_249 = tpu.vector_load %arg7[%swap3A_246, %swap3A_247, %swap3A_248] {strides = array<i32>} : memref<64x8x64xf32, #tpu.memory_space<vmem>>, vector<16xf32>,
        tpu.vector_store %arg7[%swap3A_246, %swap3A_247, %swap3A_248], %gather3A_241 {strides = array<i32>} : memref<64x8x64xf32, #tpu.memory_space<vmem>>, vector<16xf32>,
        %add3A_250 = arith.constant 16 : i32
        %add3A_251 = vector.broadcast %add3A_250 : i32 to vector<16xi32>
        %add3A_252 = arith.addi %iota3A, %add3A_251 : vector<16xi32>
        %gather3A_253 = arith.constant 1 : i32
        %gather3A_254 = arith.constant 0 : i32
        %gather3A_255 = arith.constant 0 : i32
        %gather3A_256 = tpu.memref_slice %arg6[%gather3A_253, %gather3A_254, %gather3A_255] : memref<7x64x128xf32, #tpu.memory_space<vmem>> -> memref<1x64x128xf32, #tpu.memory_space<vmem>>
        %gather3A_257 = tpu.memref_squeeze %gather3A_256 : memref<1x64x128xf32, #tpu.memory_space<vmem>> -> memref<64x128xf32, #tpu.memory_space<vmem>>
        %gather3A_258 = tpu.vector_load_idx %gather3A_257[%add3A_252, %broadcast_in_dim3A_232] : memref<64x128xf32, #tpu.memory_space<vmem>>[vector<16xi32>, vector<16xi32>], vector<16xf32>,
        %shift_right_arithmetic3A_259 = arith.constant 3 : i32
        %shift_right_arithmetic3A_260 = arith.shrsi %while3A_228, %shift_right_arithmetic3A_259 : i32
        %and3A_261 = arith.constant 7 : i32
        %and3A_262 = arith.andi %while3A_228, %and3A_261 : i32
        %swap3A_263 = arith.index_cast %shift_right_arithmetic3A_260 : i32 to index
        %swap3A_264 = arith.index_cast %and3A_262 : i32 to index
        %swap3A_265 = arith.constant 16 : index
        %swap3A_266 = tpu.vector_load %arg7[%swap3A_263, %swap3A_264, %swap3A_265] {strides = array<i32>} : memref<64x8x64xf32, #tpu.memory_space<vmem>>, vector<16xf32>,
        tpu.vector_store %arg7[%swap3A_263, %swap3A_264, %swap3A_265], %gather3A_258 {strides = array<i32>} : memref<64x8x64xf32, #tpu.memory_space<vmem>>, vector<16xf32>,
        %add3A_267 = arith.constant 32 : i32
        %add3A_268 = vector.broadcast %add3A_267 : i32 to vector<16xi32>
        %add3A_269 = arith.addi %iota3A, %add3A_268 : vector<16xi32>
        %gather3A_270 = arith.constant 1 : i32
        %gather3A_271 = arith.constant 0 : i32
        %gather3A_272 = arith.constant 0 : i32
        %gather3A_273 = tpu.memref_slice %arg6[%gather3A_270, %gather3A_271, %gather3A_272] : memref<7x64x128xf32, #tpu.memory_space<vmem>> -> memref<1x64x128xf32, #tpu.memory_space<vmem>>
        %gather3A_274 = tpu.memref_squeeze %gather3A_273 : memref<1x64x128xf32, #tpu.memory_space<vmem>> -> memref<64x128xf32, #tpu.memory_space<vmem>>
        %gather3A_275 = tpu.vector_load_idx %gather3A_274[%add3A_269, %broadcast_in_dim3A_232] : memref<64x128xf32, #tpu.memory_space<vmem>>[vector<16xi32>, vector<16xi32>], vector<16xf32>,
        %shift_right_arithmetic3A_276 = arith.constant 3 : i32
        %shift_right_arithmetic3A_277 = arith.shrsi %while3A_228, %shift_right_arithmetic3A_276 : i32
        %and3A_278 = arith.constant 7 : i32
        %and3A_279 = arith.andi %while3A_228, %and3A_278 : i32
        %swap3A_280 = arith.index_cast %shift_right_arithmetic3A_277 : i32 to index
        %swap3A_281 = arith.index_cast %and3A_279 : i32 to index
        %swap3A_282 = arith.constant 32 : index
        %swap3A_283 = tpu.vector_load %arg7[%swap3A_280, %swap3A_281, %swap3A_282] {strides = array<i32>} : memref<64x8x64xf32, #tpu.memory_space<vmem>>, vector<16xf32>,
        tpu.vector_store %arg7[%swap3A_280, %swap3A_281, %swap3A_282], %gather3A_275 {strides = array<i32>} : memref<64x8x64xf32, #tpu.memory_space<vmem>>, vector<16xf32>,
        %add3A_284 = arith.constant 48 : i32
        %add3A_285 = vector.broadcast %add3A_284 : i32 to vector<16xi32>
        %add3A_286 = arith.addi %iota3A, %add3A_285 : vector<16xi32>
        %gather3A_287 = arith.constant 1 : i32
        %gather3A_288 = arith.constant 0 : i32
        %gather3A_289 = arith.constant 0 : i32
        %gather3A_290 = tpu.memref_slice %arg6[%gather3A_287, %gather3A_288, %gather3A_289] : memref<7x64x128xf32, #tpu.memory_space<vmem>> -> memref<1x64x128xf32, #tpu.memory_space<vmem>>
        %gather3A_291 = tpu.memref_squeeze %gather3A_290 : memref<1x64x128xf32, #tpu.memory_space<vmem>> -> memref<64x128xf32, #tpu.memory_space<vmem>>
        %gather3A_292 = tpu.vector_load_idx %gather3A_291[%add3A_286, %broadcast_in_dim3A_232] : memref<64x128xf32, #tpu.memory_space<vmem>>[vector<16xi32>, vector<16xi32>], vector<16xf32>,
        %shift_right_arithmetic3A_293 = arith.constant 3 : i32
        %shift_right_arithmetic3A_294 = arith.shrsi %while3A_228, %shift_right_arithmetic3A_293 : i32
        %and3A_295 = arith.constant 7 : i32
        %and3A_296 = arith.andi %while3A_228, %and3A_295 : i32
        %swap3A_297 = arith.index_cast %shift_right_arithmetic3A_294 : i32 to index
        %swap3A_298 = arith.index_cast %and3A_296 : i32 to index
        %swap3A_299 = arith.constant 48 : index
        %swap3A_300 = tpu.vector_load %arg7[%swap3A_297, %swap3A_298, %swap3A_299] {strides = array<i32>} : memref<64x8x64xf32, #tpu.memory_space<vmem>>, vector<16xf32>,
        tpu.vector_store %arg7[%swap3A_297, %swap3A_298, %swap3A_299], %gather3A_292 {strides = array<i32>} : memref<64x8x64xf32, #tpu.memory_space<vmem>>, vector<16xf32>,
        %add3A_301 = arith.constant 1 : i32
        %add3A_302 = arith.addi %while3A_228, %add3A_301 : i32
        %add3A_303 = arith.constant 1 : i32
        %add3A_304 = arith.addi %while3A_228, %add3A_303 : i32
        %shift_right_arithmetic3A_305 = arith.constant 4 : i32
        %shift_right_arithmetic3A_306 = arith.shrsi %add3A_304, %shift_right_arithmetic3A_305 : i32
        %shift_left3A = arith.constant 4 : i32
        %shift_left3A_307 = arith.shli %shift_right_arithmetic3A_306, %shift_left3A : i32
        %get3A_308 = arith.index_cast %shift_left3A_307 : i32 to index
        %get3A_309 = tpu.vector_load %arg5[%get3A_308] {strides = array<i32>} : memref<528xi32, #tpu.memory_space<vmem>>, vector<16xi32>,
        %and3A_310 = arith.constant 15 : i32
        %and3A_311 = arith.andi %add3A_304, %and3A_310 : i32
        %broadcast_in_dim3A_312 = vector.broadcast %and3A_311 : i32 to vector<16x1xi32>
        %gather3A_313 = vector.shape_cast %broadcast_in_dim3A_312 : vector<16x1xi32> to vector<16xi32>
        %gather3A_314 = tpu.dynamic_gather %get3A_309[%gather3A_313] in [0] : vector<16xi32>, vector<16xi32> -> vector<16xi32>
        %slice3A_315 = vector.extract_strided_slice %gather3A_314 {offsets = [0], sizes = [1], strides = [1]} : vector<16xi32> to vector<1xi32>
        %squeeze3A_316 = vector.extract %slice3A_315[0] : i32 from vector<1xi32>
        scf.yield %add3A_302, %squeeze3A_316 : i32, i32
      }
      %add3A_142 = arith.constant 7 : i32
      %add3A_143 = arith.addi %add3A_135, %add3A_142 : i32
      %lt3A_144 = arith.cmpi slt, %add3A_143, %add3A_17 : i32
      %convert_element_type3A_145 = arith.extui %lt3A_144 : i1 to i32
      %cond3A_146 = arith.constant 0 : i32
      %cond3A_147 = arith.cmpi ne, %convert_element_type3A_145, %cond3A_146 : i32
      scf.if %cond3A_147 {
        %add3A_228 = arith.addi %shift_right_arithmetic3A_6, %add3A_135 : i32
        %add3A_229 = arith.constant 7 : i32
        %add3A_230 = arith.addi %add3A_228, %add3A_229 : i32
        %mul3A_231 = arith.constant 128 : i32
        %mul3A_232 = arith.muli %add3A_230, %mul3A_231 : i32
        %multiple_of3A = tpu.assume_multiple %mul3A_232, 128 : i32
        %dma_start3A = arith.constant 1 : i32
        %dma_start3A_233 = arith.constant 0 : i32
        %dma_start3A_234 = arith.constant 0 : i32
        %dma_start3A_235 = tpu.memref_slice %arg6[%dma_start3A, %dma_start3A_233, %dma_start3A_234] : memref<7x64x128xf32, #tpu.memory_space<vmem>> -> memref<1x64x128xf32, #tpu.memory_space<vmem>>
        %dma_start3A_236 = tpu.memref_squeeze %dma_start3A_235 : memref<1x64x128xf32, #tpu.memory_space<vmem>> -> memref<64x128xf32, #tpu.memory_space<vmem>>
        %dma_start3A_237 = arith.constant 0 : i32
        %dma_start3A_238 = tpu.memref_slice %arg3[%dma_start3A_237, %multiple_of3A] : memref<64x1000000xf32, #tpu.memory_space<hbm>> -> memref<64x128xf32, #tpu.memory_space<hbm>>
        %dma_start3A_239 = arith.constant 0 : i32
        %dma_start3A_240 = arith.constant 0 : i32
        %dma_start3A_241 = tpu.memref_slice %arg6[%dma_start3A, %dma_start3A_239, %dma_start3A_240] : memref<7x64x128xf32, #tpu.memory_space<vmem>> -> memref<1x64x128xf32, #tpu.memory_space<vmem>>
        %dma_start3A_242 = tpu.memref_squeeze %dma_start3A_241 : memref<1x64x128xf32, #tpu.memory_space<vmem>> -> memref<64x128xf32, #tpu.memory_space<vmem>>
        %dma_start3A_243 = arith.constant 0 : i32
        %dma_start3A_244 = tpu.memref_slice %arg3[%dma_start3A_243, %multiple_of3A] : memref<64x1000000xf32, #tpu.memory_space<hbm>> -> memref<64x128xf32, #tpu.memory_space<hbm>>
        tpu.enqueue_dma source(%dma_start3A_244 : memref<64x128xf32, #tpu.memory_space<hbm>>) target(%dma_start3A_242 : memref<64x128xf32, #tpu.memory_space<vmem>>) target_semaphore(%arg9 : memref<!tpu.dma_semaphore, #tpu.memory_space<semaphore_mem>>)
      } else {
      }
      %mul3A_148 = arith.constant 7 : i32
      %mul3A_149 = arith.muli %while3A_114, %mul3A_148 : i32
      %add3A_150 = arith.constant 2 : i32
      %add3A_151 = arith.addi %mul3A_149, %add3A_150 : i32
      %lt3A_152 = arith.cmpi slt, %add3A_151, %add3A_17 : i32
      %convert_element_type3A_153 = arith.extui %lt3A_152 : i1 to i32
      %cond3A_154 = arith.constant 0 : i32
      %cond3A_155 = arith.cmpi ne, %convert_element_type3A_153, %cond3A_154 : i32
      scf.if %cond3A_155 {
        %dma_wait3A = arith.constant 2 : i32
        %dma_wait3A_228 = arith.constant 0 : i32
        %dma_wait3A_229 = arith.constant 0 : i32
        %dma_wait3A_230 = tpu.memref_slice %arg6[%dma_wait3A, %dma_wait3A_228, %dma_wait3A_229] : memref<7x64x128xf32, #tpu.memory_space<vmem>> -> memref<1x64x128xf32, #tpu.memory_space<vmem>>
        %dma_wait3A_231 = tpu.memref_squeeze %dma_wait3A_230 : memref<1x64x128xf32, #tpu.memory_space<vmem>> -> memref<64x128xf32, #tpu.memory_space<vmem>>
        %dma_wait3A_232 = arith.constant 0 : i32
        %dma_wait3A_233 = arith.constant 0 : i32
        %dma_wait3A_234 = tpu.memref_slice %arg3[%dma_wait3A_232, %dma_wait3A_233] : memref<64x1000000xf32, #tpu.memory_space<hbm>> -> memref<64x128xf32, #tpu.memory_space<hbm>>
        %dma_wait3A_235 = arith.constant 0 : i32
        %dma_wait3A_236 = arith.constant 0 : i32
        %dma_wait3A_237 = tpu.memref_slice %arg6[%dma_wait3A, %dma_wait3A_235, %dma_wait3A_236] : memref<7x64x128xf32, #tpu.memory_space<vmem>> -> memref<1x64x128xf32, #tpu.memory_space<vmem>>
        %dma_wait3A_238 = tpu.memref_squeeze %dma_wait3A_237 : memref<1x64x128xf32, #tpu.memory_space<vmem>> -> memref<64x128xf32, #tpu.memory_space<vmem>>
        %dma_wait3A_239 = arith.constant 0 : i32
        %dma_wait3A_240 = arith.constant 0 : i32
        %dma_wait3A_241 = tpu.memref_slice %arg3[%dma_wait3A_239, %dma_wait3A_240] : memref<64x1000000xf32, #tpu.memory_space<hbm>> -> memref<64x128xf32, #tpu.memory_space<hbm>>
        tpu.wait_dma2 semaphore(%arg10 : memref<!tpu.dma_semaphore, #tpu.memory_space<semaphore_mem>>) src(%dma_wait3A_241 : memref<64x128xf32, #tpu.memory_space<hbm>>) dst(%dma_wait3A_238 : memref<64x128xf32, #tpu.memory_space<vmem>>)
      } else {
      }
      %add3A_156 = arith.addi %shift_right_arithmetic3A_6, %add3A_151 : i32
      %while3A_157:2 = scf.while (%while3A_228 = %while3A_141#0, %while3A_229 = %while3A_141#1) : (i32, i32) -> (i32, i32) {
        %lt3A_230 = arith.cmpi slt, %add3A_151, %add3A_17 : i32
        %shift_right_arithmetic3A_231 = arith.constant 7 : i32
        %shift_right_arithmetic3A_232 = arith.shrsi %while3A_229, %shift_right_arithmetic3A_231 : i32
        %eq3A = arith.cmpi eq, %shift_right_arithmetic3A_232, %add3A_156 : i32
        %and3A_233 = arith.andi %lt3A_230, %eq3A : i1
        scf.condition(%and3A_233) %while3A_228, %while3A_229 : i32, i32
      } do {
      ^bb0(%while3A_228: i32, %while3A_229: i32):
        %and3A_230 = arith.constant 127 : i32
        %and3A_231 = arith.andi %while3A_229, %and3A_230 : i32
        %broadcast_in_dim3A_232 = vector.broadcast %and3A_231 : i32 to vector<16xi32>
        %add3A_233 = arith.constant 0 : i32
        %add3A_234 = vector.broadcast %add3A_233 : i32 to vector<16xi32>
        %add3A_235 = arith.addi %iota3A, %add3A_234 : vector<16xi32>
        %gather3A_236 = arith.constant 2 : i32
        %gather3A_237 = arith.constant 0 : i32
        %gather3A_238 = arith.constant 0 : i32
        %gather3A_239 = tpu.memref_slice %arg6[%gather3A_236, %gather3A_237, %gather3A_238] : memref<7x64x128xf32, #tpu.memory_space<vmem>> -> memref<1x64x128xf32, #tpu.memory_space<vmem>>
        %gather3A_240 = tpu.memref_squeeze %gather3A_239 : memref<1x64x128xf32, #tpu.memory_space<vmem>> -> memref<64x128xf32, #tpu.memory_space<vmem>>
        %gather3A_241 = tpu.vector_load_idx %gather3A_240[%add3A_235, %broadcast_in_dim3A_232] : memref<64x128xf32, #tpu.memory_space<vmem>>[vector<16xi32>, vector<16xi32>], vector<16xf32>,
        %shift_right_arithmetic3A_242 = arith.constant 3 : i32
        %shift_right_arithmetic3A_243 = arith.shrsi %while3A_228, %shift_right_arithmetic3A_242 : i32
        %and3A_244 = arith.constant 7 : i32
        %and3A_245 = arith.andi %while3A_228, %and3A_244 : i32
        %swap3A_246 = arith.index_cast %shift_right_arithmetic3A_243 : i32 to index
        %swap3A_247 = arith.index_cast %and3A_245 : i32 to index
        %swap3A_248 = arith.constant 0 : index
        %swap3A_249 = tpu.vector_load %arg7[%swap3A_246, %swap3A_247, %swap3A_248] {strides = array<i32>} : memref<64x8x64xf32, #tpu.memory_space<vmem>>, vector<16xf32>,
        tpu.vector_store %arg7[%swap3A_246, %swap3A_247, %swap3A_248], %gather3A_241 {strides = array<i32>} : memref<64x8x64xf32, #tpu.memory_space<vmem>>, vector<16xf32>,
        %add3A_250 = arith.constant 16 : i32
        %add3A_251 = vector.broadcast %add3A_250 : i32 to vector<16xi32>
        %add3A_252 = arith.addi %iota3A, %add3A_251 : vector<16xi32>
        %gather3A_253 = arith.constant 2 : i32
        %gather3A_254 = arith.constant 0 : i32
        %gather3A_255 = arith.constant 0 : i32
        %gather3A_256 = tpu.memref_slice %arg6[%gather3A_253, %gather3A_254, %gather3A_255] : memref<7x64x128xf32, #tpu.memory_space<vmem>> -> memref<1x64x128xf32, #tpu.memory_space<vmem>>
        %gather3A_257 = tpu.memref_squeeze %gather3A_256 : memref<1x64x128xf32, #tpu.memory_space<vmem>> -> memref<64x128xf32, #tpu.memory_space<vmem>>
        %gather3A_258 = tpu.vector_load_idx %gather3A_257[%add3A_252, %broadcast_in_dim3A_232] : memref<64x128xf32, #tpu.memory_space<vmem>>[vector<16xi32>, vector<16xi32>], vector<16xf32>,
        %shift_right_arithmetic3A_259 = arith.constant 3 : i32
        %shift_right_arithmetic3A_260 = arith.shrsi %while3A_228, %shift_right_arithmetic3A_259 : i32
        %and3A_261 = arith.constant 7 : i32
        %and3A_262 = arith.andi %while3A_228, %and3A_261 : i32
        %swap3A_263 = arith.index_cast %shift_right_arithmetic3A_260 : i32 to index
        %swap3A_264 = arith.index_cast %and3A_262 : i32 to index
        %swap3A_265 = arith.constant 16 : index
        %swap3A_266 = tpu.vector_load %arg7[%swap3A_263, %swap3A_264, %swap3A_265] {strides = array<i32>} : memref<64x8x64xf32, #tpu.memory_space<vmem>>, vector<16xf32>,
        tpu.vector_store %arg7[%swap3A_263, %swap3A_264, %swap3A_265], %gather3A_258 {strides = array<i32>} : memref<64x8x64xf32, #tpu.memory_space<vmem>>, vector<16xf32>,
        %add3A_267 = arith.constant 32 : i32
        %add3A_268 = vector.broadcast %add3A_267 : i32 to vector<16xi32>
        %add3A_269 = arith.addi %iota3A, %add3A_268 : vector<16xi32>
        %gather3A_270 = arith.constant 2 : i32
        %gather3A_271 = arith.constant 0 : i32
        %gather3A_272 = arith.constant 0 : i32
        %gather3A_273 = tpu.memref_slice %arg6[%gather3A_270, %gather3A_271, %gather3A_272] : memref<7x64x128xf32, #tpu.memory_space<vmem>> -> memref<1x64x128xf32, #tpu.memory_space<vmem>>
        %gather3A_274 = tpu.memref_squeeze %gather3A_273 : memref<1x64x128xf32, #tpu.memory_space<vmem>> -> memref<64x128xf32, #tpu.memory_space<vmem>>
        %gather3A_275 = tpu.vector_load_idx %gather3A_274[%add3A_269, %broadcast_in_dim3A_232] : memref<64x128xf32, #tpu.memory_space<vmem>>[vector<16xi32>, vector<16xi32>], vector<16xf32>,
        %shift_right_arithmetic3A_276 = arith.constant 3 : i32
        %shift_right_arithmetic3A_277 = arith.shrsi %while3A_228, %shift_right_arithmetic3A_276 : i32
        %and3A_278 = arith.constant 7 : i32
        %and3A_279 = arith.andi %while3A_228, %and3A_278 : i32
        %swap3A_280 = arith.index_cast %shift_right_arithmetic3A_277 : i32 to index
        %swap3A_281 = arith.index_cast %and3A_279 : i32 to index
        %swap3A_282 = arith.constant 32 : index
        %swap3A_283 = tpu.vector_load %arg7[%swap3A_280, %swap3A_281, %swap3A_282] {strides = array<i32>} : memref<64x8x64xf32, #tpu.memory_space<vmem>>, vector<16xf32>,
        tpu.vector_store %arg7[%swap3A_280, %swap3A_281, %swap3A_282], %gather3A_275 {strides = array<i32>} : memref<64x8x64xf32, #tpu.memory_space<vmem>>, vector<16xf32>,
        %add3A_284 = arith.constant 48 : i32
        %add3A_285 = vector.broadcast %add3A_284 : i32 to vector<16xi32>
        %add3A_286 = arith.addi %iota3A, %add3A_285 : vector<16xi32>
        %gather3A_287 = arith.constant 2 : i32
        %gather3A_288 = arith.constant 0 : i32
        %gather3A_289 = arith.constant 0 : i32
        %gather3A_290 = tpu.memref_slice %arg6[%gather3A_287, %gather3A_288, %gather3A_289] : memref<7x64x128xf32, #tpu.memory_space<vmem>> -> memref<1x64x128xf32, #tpu.memory_space<vmem>>
        %gather3A_291 = tpu.memref_squeeze %gather3A_290 : memref<1x64x128xf32, #tpu.memory_space<vmem>> -> memref<64x128xf32, #tpu.memory_space<vmem>>
        %gather3A_292 = tpu.vector_load_idx %gather3A_291[%add3A_286, %broadcast_in_dim3A_232] : memref<64x128xf32, #tpu.memory_space<vmem>>[vector<16xi32>, vector<16xi32>], vector<16xf32>,
        %shift_right_arithmetic3A_293 = arith.constant 3 : i32
        %shift_right_arithmetic3A_294 = arith.shrsi %while3A_228, %shift_right_arithmetic3A_293 : i32
        %and3A_295 = arith.constant 7 : i32
        %and3A_296 = arith.andi %while3A_228, %and3A_295 : i32
        %swap3A_297 = arith.index_cast %shift_right_arithmetic3A_294 : i32 to index
        %swap3A_298 = arith.index_cast %and3A_296 : i32 to index
        %swap3A_299 = arith.constant 48 : index
        %swap3A_300 = tpu.vector_load %arg7[%swap3A_297, %swap3A_298, %swap3A_299] {strides = array<i32>} : memref<64x8x64xf32, #tpu.memory_space<vmem>>, vector<16xf32>,
        tpu.vector_store %arg7[%swap3A_297, %swap3A_298, %swap3A_299], %gather3A_292 {strides = array<i32>} : memref<64x8x64xf32, #tpu.memory_space<vmem>>, vector<16xf32>,
        %add3A_301 = arith.constant 1 : i32
        %add3A_302 = arith.addi %while3A_228, %add3A_301 : i32
        %add3A_303 = arith.constant 1 : i32
        %add3A_304 = arith.addi %while3A_228, %add3A_303 : i32
        %shift_right_arithmetic3A_305 = arith.constant 4 : i32
        %shift_right_arithmetic3A_306 = arith.shrsi %add3A_304, %shift_right_arithmetic3A_305 : i32
        %shift_left3A = arith.constant 4 : i32
        %shift_left3A_307 = arith.shli %shift_right_arithmetic3A_306, %shift_left3A : i32
        %get3A_308 = arith.index_cast %shift_left3A_307 : i32 to index
        %get3A_309 = tpu.vector_load %arg5[%get3A_308] {strides = array<i32>} : memref<528xi32, #tpu.memory_space<vmem>>, vector<16xi32>,
        %and3A_310 = arith.constant 15 : i32
        %and3A_311 = arith.andi %add3A_304, %and3A_310 : i32
        %broadcast_in_dim3A_312 = vector.broadcast %and3A_311 : i32 to vector<16x1xi32>
        %gather3A_313 = vector.shape_cast %broadcast_in_dim3A_312 : vector<16x1xi32> to vector<16xi32>
        %gather3A_314 = tpu.dynamic_gather %get3A_309[%gather3A_313] in [0] : vector<16xi32>, vector<16xi32> -> vector<16xi32>
        %slice3A_315 = vector.extract_strided_slice %gather3A_314 {offsets = [0], sizes = [1], strides = [1]} : vector<16xi32> to vector<1xi32>
        %squeeze3A_316 = vector.extract %slice3A_315[0] : i32 from vector<1xi32>
        scf.yield %add3A_302, %squeeze3A_316 : i32, i32
      }
      %add3A_158 = arith.constant 7 : i32
      %add3A_159 = arith.addi %add3A_151, %add3A_158 : i32
      %lt3A_160 = arith.cmpi slt, %add3A_159, %add3A_17 : i32
      %convert_element_type3A_161 = arith.extui %lt3A_160 : i1 to i32
      %cond3A_162 = arith.constant 0 : i32
      %cond3A_163 = arith.cmpi ne, %convert_element_type3A_161, %cond3A_162 : i32
      scf.if %cond3A_163 {
        %add3A_228 = arith.addi %shift_right_arithmetic3A_6, %add3A_151 : i32
        %add3A_229 = arith.constant 7 : i32
        %add3A_230 = arith.addi %add3A_228, %add3A_229 : i32
        %mul3A_231 = arith.constant 128 : i32
        %mul3A_232 = arith.muli %add3A_230, %mul3A_231 : i32
        %multiple_of3A = tpu.assume_multiple %mul3A_232, 128 : i32
        %dma_start3A = arith.constant 2 : i32
        %dma_start3A_233 = arith.constant 0 : i32
        %dma_start3A_234 = arith.constant 0 : i32
        %dma_start3A_235 = tpu.memref_slice %arg6[%dma_start3A, %dma_start3A_233, %dma_start3A_234] : memref<7x64x128xf32, #tpu.memory_space<vmem>> -> memref<1x64x128xf32, #tpu.memory_space<vmem>>
        %dma_start3A_236 = tpu.memref_squeeze %dma_start3A_235 : memref<1x64x128xf32, #tpu.memory_space<vmem>> -> memref<64x128xf32, #tpu.memory_space<vmem>>
        %dma_start3A_237 = arith.constant 0 : i32
        %dma_start3A_238 = tpu.memref_slice %arg3[%dma_start3A_237, %multiple_of3A] : memref<64x1000000xf32, #tpu.memory_space<hbm>> -> memref<64x128xf32, #tpu.memory_space<hbm>>
        %dma_start3A_239 = arith.constant 0 : i32
        %dma_start3A_240 = arith.constant 0 : i32
        %dma_start3A_241 = tpu.memref_slice %arg6[%dma_start3A, %dma_start3A_239, %dma_start3A_240] : memref<7x64x128xf32, #tpu.memory_space<vmem>> -> memref<1x64x128xf32, #tpu.memory_space<vmem>>
        %dma_start3A_242 = tpu.memref_squeeze %dma_start3A_241 : memref<1x64x128xf32, #tpu.memory_space<vmem>> -> memref<64x128xf32, #tpu.memory_space<vmem>>
        %dma_start3A_243 = arith.constant 0 : i32
        %dma_start3A_244 = tpu.memref_slice %arg3[%dma_start3A_243, %multiple_of3A] : memref<64x1000000xf32, #tpu.memory_space<hbm>> -> memref<64x128xf32, #tpu.memory_space<hbm>>
        tpu.enqueue_dma source(%dma_start3A_244 : memref<64x128xf32, #tpu.memory_space<hbm>>) target(%dma_start3A_242 : memref<64x128xf32, #tpu.memory_space<vmem>>) target_semaphore(%arg10 : memref<!tpu.dma_semaphore, #tpu.memory_space<semaphore_mem>>)
      } else {
      }
      %mul3A_164 = arith.constant 7 : i32
      %mul3A_165 = arith.muli %while3A_114, %mul3A_164 : i32
      %add3A_166 = arith.constant 3 : i32
      %add3A_167 = arith.addi %mul3A_165, %add3A_166 : i32
      %lt3A_168 = arith.cmpi slt, %add3A_167, %add3A_17 : i32
      %convert_element_type3A_169 = arith.extui %lt3A_168 : i1 to i32
      %cond3A_170 = arith.constant 0 : i32
      %cond3A_171 = arith.cmpi ne, %convert_element_type3A_169, %cond3A_170 : i32
      scf.if %cond3A_171 {
        %dma_wait3A = arith.constant 3 : i32
        %dma_wait3A_228 = arith.constant 0 : i32
        %dma_wait3A_229 = arith.constant 0 : i32
        %dma_wait3A_230 = tpu.memref_slice %arg6[%dma_wait3A, %dma_wait3A_228, %dma_wait3A_229] : memref<7x64x128xf32, #tpu.memory_space<vmem>> -> memref<1x64x128xf32, #tpu.memory_space<vmem>>
        %dma_wait3A_231 = tpu.memref_squeeze %dma_wait3A_230 : memref<1x64x128xf32, #tpu.memory_space<vmem>> -> memref<64x128xf32, #tpu.memory_space<vmem>>
        %dma_wait3A_232 = arith.constant 0 : i32
        %dma_wait3A_233 = arith.constant 0 : i32
        %dma_wait3A_234 = tpu.memref_slice %arg3[%dma_wait3A_232, %dma_wait3A_233] : memref<64x1000000xf32, #tpu.memory_space<hbm>> -> memref<64x128xf32, #tpu.memory_space<hbm>>
        %dma_wait3A_235 = arith.constant 0 : i32
        %dma_wait3A_236 = arith.constant 0 : i32
        %dma_wait3A_237 = tpu.memref_slice %arg6[%dma_wait3A, %dma_wait3A_235, %dma_wait3A_236] : memref<7x64x128xf32, #tpu.memory_space<vmem>> -> memref<1x64x128xf32, #tpu.memory_space<vmem>>
        %dma_wait3A_238 = tpu.memref_squeeze %dma_wait3A_237 : memref<1x64x128xf32, #tpu.memory_space<vmem>> -> memref<64x128xf32, #tpu.memory_space<vmem>>
        %dma_wait3A_239 = arith.constant 0 : i32
        %dma_wait3A_240 = arith.constant 0 : i32
        %dma_wait3A_241 = tpu.memref_slice %arg3[%dma_wait3A_239, %dma_wait3A_240] : memref<64x1000000xf32, #tpu.memory_space<hbm>> -> memref<64x128xf32, #tpu.memory_space<hbm>>
        tpu.wait_dma2 semaphore(%arg11 : memref<!tpu.dma_semaphore, #tpu.memory_space<semaphore_mem>>) src(%dma_wait3A_241 : memref<64x128xf32, #tpu.memory_space<hbm>>) dst(%dma_wait3A_238 : memref<64x128xf32, #tpu.memory_space<vmem>>)
      } else {
      }
      %add3A_172 = arith.addi %shift_right_arithmetic3A_6, %add3A_167 : i32
      %while3A_173:2 = scf.while (%while3A_228 = %while3A_157#0, %while3A_229 = %while3A_157#1) : (i32, i32) -> (i32, i32) {
        %lt3A_230 = arith.cmpi slt, %add3A_167, %add3A_17 : i32
        %shift_right_arithmetic3A_231 = arith.constant 7 : i32
        %shift_right_arithmetic3A_232 = arith.shrsi %while3A_229, %shift_right_arithmetic3A_231 : i32
        %eq3A = arith.cmpi eq, %shift_right_arithmetic3A_232, %add3A_172 : i32
        %and3A_233 = arith.andi %lt3A_230, %eq3A : i1
        scf.condition(%and3A_233) %while3A_228, %while3A_229 : i32, i32
      } do {
      ^bb0(%while3A_228: i32, %while3A_229: i32):
        %and3A_230 = arith.constant 127 : i32
        %and3A_231 = arith.andi %while3A_229, %and3A_230 : i32
        %broadcast_in_dim3A_232 = vector.broadcast %and3A_231 : i32 to vector<16xi32>
        %add3A_233 = arith.constant 0 : i32
        %add3A_234 = vector.broadcast %add3A_233 : i32 to vector<16xi32>
        %add3A_235 = arith.addi %iota3A, %add3A_234 : vector<16xi32>
        %gather3A_236 = arith.constant 3 : i32
        %gather3A_237 = arith.constant 0 : i32
        %gather3A_238 = arith.constant 0 : i32
        %gather3A_239 = tpu.memref_slice %arg6[%gather3A_236, %gather3A_237, %gather3A_238] : memref<7x64x128xf32, #tpu.memory_space<vmem>> -> memref<1x64x128xf32, #tpu.memory_space<vmem>>
        %gather3A_240 = tpu.memref_squeeze %gather3A_239 : memref<1x64x128xf32, #tpu.memory_space<vmem>> -> memref<64x128xf32, #tpu.memory_space<vmem>>
        %gather3A_241 = tpu.vector_load_idx %gather3A_240[%add3A_235, %broadcast_in_dim3A_232] : memref<64x128xf32, #tpu.memory_space<vmem>>[vector<16xi32>, vector<16xi32>], vector<16xf32>,
        %shift_right_arithmetic3A_242 = arith.constant 3 : i32
        %shift_right_arithmetic3A_243 = arith.shrsi %while3A_228, %shift_right_arithmetic3A_242 : i32
        %and3A_244 = arith.constant 7 : i32
        %and3A_245 = arith.andi %while3A_228, %and3A_244 : i32
        %swap3A_246 = arith.index_cast %shift_right_arithmetic3A_243 : i32 to index
        %swap3A_247 = arith.index_cast %and3A_245 : i32 to index
        %swap3A_248 = arith.constant 0 : index
        %swap3A_249 = tpu.vector_load %arg7[%swap3A_246, %swap3A_247, %swap3A_248] {strides = array<i32>} : memref<64x8x64xf32, #tpu.memory_space<vmem>>, vector<16xf32>,
        tpu.vector_store %arg7[%swap3A_246, %swap3A_247, %swap3A_248], %gather3A_241 {strides = array<i32>} : memref<64x8x64xf32, #tpu.memory_space<vmem>>, vector<16xf32>,
        %add3A_250 = arith.constant 16 : i32
        %add3A_251 = vector.broadcast %add3A_250 : i32 to vector<16xi32>
        %add3A_252 = arith.addi %iota3A, %add3A_251 : vector<16xi32>
        %gather3A_253 = arith.constant 3 : i32
        %gather3A_254 = arith.constant 0 : i32
        %gather3A_255 = arith.constant 0 : i32
        %gather3A_256 = tpu.memref_slice %arg6[%gather3A_253, %gather3A_254, %gather3A_255] : memref<7x64x128xf32, #tpu.memory_space<vmem>> -> memref<1x64x128xf32, #tpu.memory_space<vmem>>
        %gather3A_257 = tpu.memref_squeeze %gather3A_256 : memref<1x64x128xf32, #tpu.memory_space<vmem>> -> memref<64x128xf32, #tpu.memory_space<vmem>>
        %gather3A_258 = tpu.vector_load_idx %gather3A_257[%add3A_252, %broadcast_in_dim3A_232] : memref<64x128xf32, #tpu.memory_space<vmem>>[vector<16xi32>, vector<16xi32>], vector<16xf32>,
        %shift_right_arithmetic3A_259 = arith.constant 3 : i32
        %shift_right_arithmetic3A_260 = arith.shrsi %while3A_228, %shift_right_arithmetic3A_259 : i32
        %and3A_261 = arith.constant 7 : i32
        %and3A_262 = arith.andi %while3A_228, %and3A_261 : i32
        %swap3A_263 = arith.index_cast %shift_right_arithmetic3A_260 : i32 to index
        %swap3A_264 = arith.index_cast %and3A_262 : i32 to index
        %swap3A_265 = arith.constant 16 : index
        %swap3A_266 = tpu.vector_load %arg7[%swap3A_263, %swap3A_264, %swap3A_265] {strides = array<i32>} : memref<64x8x64xf32, #tpu.memory_space<vmem>>, vector<16xf32>,
        tpu.vector_store %arg7[%swap3A_263, %swap3A_264, %swap3A_265], %gather3A_258 {strides = array<i32>} : memref<64x8x64xf32, #tpu.memory_space<vmem>>, vector<16xf32>,
        %add3A_267 = arith.constant 32 : i32
        %add3A_268 = vector.broadcast %add3A_267 : i32 to vector<16xi32>
        %add3A_269 = arith.addi %iota3A, %add3A_268 : vector<16xi32>
        %gather3A_270 = arith.constant 3 : i32
        %gather3A_271 = arith.constant 0 : i32
        %gather3A_272 = arith.constant 0 : i32
        %gather3A_273 = tpu.memref_slice %arg6[%gather3A_270, %gather3A_271, %gather3A_272] : memref<7x64x128xf32, #tpu.memory_space<vmem>> -> memref<1x64x128xf32, #tpu.memory_space<vmem>>
        %gather3A_274 = tpu.memref_squeeze %gather3A_273 : memref<1x64x128xf32, #tpu.memory_space<vmem>> -> memref<64x128xf32, #tpu.memory_space<vmem>>
        %gather3A_275 = tpu.vector_load_idx %gather3A_274[%add3A_269, %broadcast_in_dim3A_232] : memref<64x128xf32, #tpu.memory_space<vmem>>[vector<16xi32>, vector<16xi32>], vector<16xf32>,
        %shift_right_arithmetic3A_276 = arith.constant 3 : i32
        %shift_right_arithmetic3A_277 = arith.shrsi %while3A_228, %shift_right_arithmetic3A_276 : i32
        %and3A_278 = arith.constant 7 : i32
        %and3A_279 = arith.andi %while3A_228, %and3A_278 : i32
        %swap3A_280 = arith.index_cast %shift_right_arithmetic3A_277 : i32 to index
        %swap3A_281 = arith.index_cast %and3A_279 : i32 to index
        %swap3A_282 = arith.constant 32 : index
        %swap3A_283 = tpu.vector_load %arg7[%swap3A_280, %swap3A_281, %swap3A_282] {strides = array<i32>} : memref<64x8x64xf32, #tpu.memory_space<vmem>>, vector<16xf32>,
        tpu.vector_store %arg7[%swap3A_280, %swap3A_281, %swap3A_282], %gather3A_275 {strides = array<i32>} : memref<64x8x64xf32, #tpu.memory_space<vmem>>, vector<16xf32>,
        %add3A_284 = arith.constant 48 : i32
        %add3A_285 = vector.broadcast %add3A_284 : i32 to vector<16xi32>
        %add3A_286 = arith.addi %iota3A, %add3A_285 : vector<16xi32>
        %gather3A_287 = arith.constant 3 : i32
        %gather3A_288 = arith.constant 0 : i32
        %gather3A_289 = arith.constant 0 : i32
        %gather3A_290 = tpu.memref_slice %arg6[%gather3A_287, %gather3A_288, %gather3A_289] : memref<7x64x128xf32, #tpu.memory_space<vmem>> -> memref<1x64x128xf32, #tpu.memory_space<vmem>>
        %gather3A_291 = tpu.memref_squeeze %gather3A_290 : memref<1x64x128xf32, #tpu.memory_space<vmem>> -> memref<64x128xf32, #tpu.memory_space<vmem>>
        %gather3A_292 = tpu.vector_load_idx %gather3A_291[%add3A_286, %broadcast_in_dim3A_232] : memref<64x128xf32, #tpu.memory_space<vmem>>[vector<16xi32>, vector<16xi32>], vector<16xf32>,
        %shift_right_arithmetic3A_293 = arith.constant 3 : i32
        %shift_right_arithmetic3A_294 = arith.shrsi %while3A_228, %shift_right_arithmetic3A_293 : i32
        %and3A_295 = arith.constant 7 : i32
        %and3A_296 = arith.andi %while3A_228, %and3A_295 : i32
        %swap3A_297 = arith.index_cast %shift_right_arithmetic3A_294 : i32 to index
        %swap3A_298 = arith.index_cast %and3A_296 : i32 to index
        %swap3A_299 = arith.constant 48 : index
        %swap3A_300 = tpu.vector_load %arg7[%swap3A_297, %swap3A_298, %swap3A_299] {strides = array<i32>} : memref<64x8x64xf32, #tpu.memory_space<vmem>>, vector<16xf32>,
        tpu.vector_store %arg7[%swap3A_297, %swap3A_298, %swap3A_299], %gather3A_292 {strides = array<i32>} : memref<64x8x64xf32, #tpu.memory_space<vmem>>, vector<16xf32>,
        %add3A_301 = arith.constant 1 : i32
        %add3A_302 = arith.addi %while3A_228, %add3A_301 : i32
        %add3A_303 = arith.constant 1 : i32
        %add3A_304 = arith.addi %while3A_228, %add3A_303 : i32
        %shift_right_arithmetic3A_305 = arith.constant 4 : i32
        %shift_right_arithmetic3A_306 = arith.shrsi %add3A_304, %shift_right_arithmetic3A_305 : i32
        %shift_left3A = arith.constant 4 : i32
        %shift_left3A_307 = arith.shli %shift_right_arithmetic3A_306, %shift_left3A : i32
        %get3A_308 = arith.index_cast %shift_left3A_307 : i32 to index
        %get3A_309 = tpu.vector_load %arg5[%get3A_308] {strides = array<i32>} : memref<528xi32, #tpu.memory_space<vmem>>, vector<16xi32>,
        %and3A_310 = arith.constant 15 : i32
        %and3A_311 = arith.andi %add3A_304, %and3A_310 : i32
        %broadcast_in_dim3A_312 = vector.broadcast %and3A_311 : i32 to vector<16x1xi32>
        %gather3A_313 = vector.shape_cast %broadcast_in_dim3A_312 : vector<16x1xi32> to vector<16xi32>
        %gather3A_314 = tpu.dynamic_gather %get3A_309[%gather3A_313] in [0] : vector<16xi32>, vector<16xi32> -> vector<16xi32>
        %slice3A_315 = vector.extract_strided_slice %gather3A_314 {offsets = [0], sizes = [1], strides = [1]} : vector<16xi32> to vector<1xi32>
        %squeeze3A_316 = vector.extract %slice3A_315[0] : i32 from vector<1xi32>
        scf.yield %add3A_302, %squeeze3A_316 : i32, i32
      }
      %add3A_174 = arith.constant 7 : i32
      %add3A_175 = arith.addi %add3A_167, %add3A_174 : i32
      %lt3A_176 = arith.cmpi slt, %add3A_175, %add3A_17 : i32
      %convert_element_type3A_177 = arith.extui %lt3A_176 : i1 to i32
      %cond3A_178 = arith.constant 0 : i32
      %cond3A_179 = arith.cmpi ne, %convert_element_type3A_177, %cond3A_178 : i32
      scf.if %cond3A_179 {
        %add3A_228 = arith.addi %shift_right_arithmetic3A_6, %add3A_167 : i32
        %add3A_229 = arith.constant 7 : i32
        %add3A_230 = arith.addi %add3A_228, %add3A_229 : i32
        %mul3A_231 = arith.constant 128 : i32
        %mul3A_232 = arith.muli %add3A_230, %mul3A_231 : i32
        %multiple_of3A = tpu.assume_multiple %mul3A_232, 128 : i32
        %dma_start3A = arith.constant 3 : i32
        %dma_start3A_233 = arith.constant 0 : i32
        %dma_start3A_234 = arith.constant 0 : i32
        %dma_start3A_235 = tpu.memref_slice %arg6[%dma_start3A, %dma_start3A_233, %dma_start3A_234] : memref<7x64x128xf32, #tpu.memory_space<vmem>> -> memref<1x64x128xf32, #tpu.memory_space<vmem>>
        %dma_start3A_236 = tpu.memref_squeeze %dma_start3A_235 : memref<1x64x128xf32, #tpu.memory_space<vmem>> -> memref<64x128xf32, #tpu.memory_space<vmem>>
        %dma_start3A_237 = arith.constant 0 : i32
        %dma_start3A_238 = tpu.memref_slice %arg3[%dma_start3A_237, %multiple_of3A] : memref<64x1000000xf32, #tpu.memory_space<hbm>> -> memref<64x128xf32, #tpu.memory_space<hbm>>
        %dma_start3A_239 = arith.constant 0 : i32
        %dma_start3A_240 = arith.constant 0 : i32
        %dma_start3A_241 = tpu.memref_slice %arg6[%dma_start3A, %dma_start3A_239, %dma_start3A_240] : memref<7x64x128xf32, #tpu.memory_space<vmem>> -> memref<1x64x128xf32, #tpu.memory_space<vmem>>
        %dma_start3A_242 = tpu.memref_squeeze %dma_start3A_241 : memref<1x64x128xf32, #tpu.memory_space<vmem>> -> memref<64x128xf32, #tpu.memory_space<vmem>>
        %dma_start3A_243 = arith.constant 0 : i32
        %dma_start3A_244 = tpu.memref_slice %arg3[%dma_start3A_243, %multiple_of3A] : memref<64x1000000xf32, #tpu.memory_space<hbm>> -> memref<64x128xf32, #tpu.memory_space<hbm>>
        tpu.enqueue_dma source(%dma_start3A_244 : memref<64x128xf32, #tpu.memory_space<hbm>>) target(%dma_start3A_242 : memref<64x128xf32, #tpu.memory_space<vmem>>) target_semaphore(%arg11 : memref<!tpu.dma_semaphore, #tpu.memory_space<semaphore_mem>>)
      } else {
      }
      %mul3A_180 = arith.constant 7 : i32
      %mul3A_181 = arith.muli %while3A_114, %mul3A_180 : i32
      %add3A_182 = arith.constant 4 : i32
      %add3A_183 = arith.addi %mul3A_181, %add3A_182 : i32
      %lt3A_184 = arith.cmpi slt, %add3A_183, %add3A_17 : i32
      %convert_element_type3A_185 = arith.extui %lt3A_184 : i1 to i32
      %cond3A_186 = arith.constant 0 : i32
      %cond3A_187 = arith.cmpi ne, %convert_element_type3A_185, %cond3A_186 : i32
      scf.if %cond3A_187 {
        %dma_wait3A = arith.constant 4 : i32
        %dma_wait3A_228 = arith.constant 0 : i32
        %dma_wait3A_229 = arith.constant 0 : i32
        %dma_wait3A_230 = tpu.memref_slice %arg6[%dma_wait3A, %dma_wait3A_228, %dma_wait3A_229] : memref<7x64x128xf32, #tpu.memory_space<vmem>> -> memref<1x64x128xf32, #tpu.memory_space<vmem>>
        %dma_wait3A_231 = tpu.memref_squeeze %dma_wait3A_230 : memref<1x64x128xf32, #tpu.memory_space<vmem>> -> memref<64x128xf32, #tpu.memory_space<vmem>>
        %dma_wait3A_232 = arith.constant 0 : i32
        %dma_wait3A_233 = arith.constant 0 : i32
        %dma_wait3A_234 = tpu.memref_slice %arg3[%dma_wait3A_232, %dma_wait3A_233] : memref<64x1000000xf32, #tpu.memory_space<hbm>> -> memref<64x128xf32, #tpu.memory_space<hbm>>
        %dma_wait3A_235 = arith.constant 0 : i32
        %dma_wait3A_236 = arith.constant 0 : i32
        %dma_wait3A_237 = tpu.memref_slice %arg6[%dma_wait3A, %dma_wait3A_235, %dma_wait3A_236] : memref<7x64x128xf32, #tpu.memory_space<vmem>> -> memref<1x64x128xf32, #tpu.memory_space<vmem>>
        %dma_wait3A_238 = tpu.memref_squeeze %dma_wait3A_237 : memref<1x64x128xf32, #tpu.memory_space<vmem>> -> memref<64x128xf32, #tpu.memory_space<vmem>>
        %dma_wait3A_239 = arith.constant 0 : i32
        %dma_wait3A_240 = arith.constant 0 : i32
        %dma_wait3A_241 = tpu.memref_slice %arg3[%dma_wait3A_239, %dma_wait3A_240] : memref<64x1000000xf32, #tpu.memory_space<hbm>> -> memref<64x128xf32, #tpu.memory_space<hbm>>
        tpu.wait_dma2 semaphore(%arg12 : memref<!tpu.dma_semaphore, #tpu.memory_space<semaphore_mem>>) src(%dma_wait3A_241 : memref<64x128xf32, #tpu.memory_space<hbm>>) dst(%dma_wait3A_238 : memref<64x128xf32, #tpu.memory_space<vmem>>)
      } else {
      }
      %add3A_188 = arith.addi %shift_right_arithmetic3A_6, %add3A_183 : i32
      %while3A_189:2 = scf.while (%while3A_228 = %while3A_173#0, %while3A_229 = %while3A_173#1) : (i32, i32) -> (i32, i32) {
        %lt3A_230 = arith.cmpi slt, %add3A_183, %add3A_17 : i32
        %shift_right_arithmetic3A_231 = arith.constant 7 : i32
        %shift_right_arithmetic3A_232 = arith.shrsi %while3A_229, %shift_right_arithmetic3A_231 : i32
        %eq3A = arith.cmpi eq, %shift_right_arithmetic3A_232, %add3A_188 : i32
        %and3A_233 = arith.andi %lt3A_230, %eq3A : i1
        scf.condition(%and3A_233) %while3A_228, %while3A_229 : i32, i32
      } do {
      ^bb0(%while3A_228: i32, %while3A_229: i32):
        %and3A_230 = arith.constant 127 : i32
        %and3A_231 = arith.andi %while3A_229, %and3A_230 : i32
        %broadcast_in_dim3A_232 = vector.broadcast %and3A_231 : i32 to vector<16xi32>
        %add3A_233 = arith.constant 0 : i32
        %add3A_234 = vector.broadcast %add3A_233 : i32 to vector<16xi32>
        %add3A_235 = arith.addi %iota3A, %add3A_234 : vector<16xi32>
        %gather3A_236 = arith.constant 4 : i32
        %gather3A_237 = arith.constant 0 : i32
        %gather3A_238 = arith.constant 0 : i32
        %gather3A_239 = tpu.memref_slice %arg6[%gather3A_236, %gather3A_237, %gather3A_238] : memref<7x64x128xf32, #tpu.memory_space<vmem>> -> memref<1x64x128xf32, #tpu.memory_space<vmem>>
        %gather3A_240 = tpu.memref_squeeze %gather3A_239 : memref<1x64x128xf32, #tpu.memory_space<vmem>> -> memref<64x128xf32, #tpu.memory_space<vmem>>
        %gather3A_241 = tpu.vector_load_idx %gather3A_240[%add3A_235, %broadcast_in_dim3A_232] : memref<64x128xf32, #tpu.memory_space<vmem>>[vector<16xi32>, vector<16xi32>], vector<16xf32>,
        %shift_right_arithmetic3A_242 = arith.constant 3 : i32
        %shift_right_arithmetic3A_243 = arith.shrsi %while3A_228, %shift_right_arithmetic3A_242 : i32
        %and3A_244 = arith.constant 7 : i32
        %and3A_245 = arith.andi %while3A_228, %and3A_244 : i32
        %swap3A_246 = arith.index_cast %shift_right_arithmetic3A_243 : i32 to index
        %swap3A_247 = arith.index_cast %and3A_245 : i32 to index
        %swap3A_248 = arith.constant 0 : index
        %swap3A_249 = tpu.vector_load %arg7[%swap3A_246, %swap3A_247, %swap3A_248] {strides = array<i32>} : memref<64x8x64xf32, #tpu.memory_space<vmem>>, vector<16xf32>,
        tpu.vector_store %arg7[%swap3A_246, %swap3A_247, %swap3A_248], %gather3A_241 {strides = array<i32>} : memref<64x8x64xf32, #tpu.memory_space<vmem>>, vector<16xf32>,
        %add3A_250 = arith.constant 16 : i32
        %add3A_251 = vector.broadcast %add3A_250 : i32 to vector<16xi32>
        %add3A_252 = arith.addi %iota3A, %add3A_251 : vector<16xi32>
        %gather3A_253 = arith.constant 4 : i32
        %gather3A_254 = arith.constant 0 : i32
        %gather3A_255 = arith.constant 0 : i32
        %gather3A_256 = tpu.memref_slice %arg6[%gather3A_253, %gather3A_254, %gather3A_255] : memref<7x64x128xf32, #tpu.memory_space<vmem>> -> memref<1x64x128xf32, #tpu.memory_space<vmem>>
        %gather3A_257 = tpu.memref_squeeze %gather3A_256 : memref<1x64x128xf32, #tpu.memory_space<vmem>> -> memref<64x128xf32, #tpu.memory_space<vmem>>
        %gather3A_258 = tpu.vector_load_idx %gather3A_257[%add3A_252, %broadcast_in_dim3A_232] : memref<64x128xf32, #tpu.memory_space<vmem>>[vector<16xi32>, vector<16xi32>], vector<16xf32>,
        %shift_right_arithmetic3A_259 = arith.constant 3 : i32
        %shift_right_arithmetic3A_260 = arith.shrsi %while3A_228, %shift_right_arithmetic3A_259 : i32
        %and3A_261 = arith.constant 7 : i32
        %and3A_262 = arith.andi %while3A_228, %and3A_261 : i32
        %swap3A_263 = arith.index_cast %shift_right_arithmetic3A_260 : i32 to index
        %swap3A_264 = arith.index_cast %and3A_262 : i32 to index
        %swap3A_265 = arith.constant 16 : index
        %swap3A_266 = tpu.vector_load %arg7[%swap3A_263, %swap3A_264, %swap3A_265] {strides = array<i32>} : memref<64x8x64xf32, #tpu.memory_space<vmem>>, vector<16xf32>,
        tpu.vector_store %arg7[%swap3A_263, %swap3A_264, %swap3A_265], %gather3A_258 {strides = array<i32>} : memref<64x8x64xf32, #tpu.memory_space<vmem>>, vector<16xf32>,
        %add3A_267 = arith.constant 32 : i32
        %add3A_268 = vector.broadcast %add3A_267 : i32 to vector<16xi32>
        %add3A_269 = arith.addi %iota3A, %add3A_268 : vector<16xi32>
        %gather3A_270 = arith.constant 4 : i32
        %gather3A_271 = arith.constant 0 : i32
        %gather3A_272 = arith.constant 0 : i32
        %gather3A_273 = tpu.memref_slice %arg6[%gather3A_270, %gather3A_271, %gather3A_272] : memref<7x64x128xf32, #tpu.memory_space<vmem>> -> memref<1x64x128xf32, #tpu.memory_space<vmem>>
        %gather3A_274 = tpu.memref_squeeze %gather3A_273 : memref<1x64x128xf32, #tpu.memory_space<vmem>> -> memref<64x128xf32, #tpu.memory_space<vmem>>
        %gather3A_275 = tpu.vector_load_idx %gather3A_274[%add3A_269, %broadcast_in_dim3A_232] : memref<64x128xf32, #tpu.memory_space<vmem>>[vector<16xi32>, vector<16xi32>], vector<16xf32>,
        %shift_right_arithmetic3A_276 = arith.constant 3 : i32
        %shift_right_arithmetic3A_277 = arith.shrsi %while3A_228, %shift_right_arithmetic3A_276 : i32
        %and3A_278 = arith.constant 7 : i32
        %and3A_279 = arith.andi %while3A_228, %and3A_278 : i32
        %swap3A_280 = arith.index_cast %shift_right_arithmetic3A_277 : i32 to index
        %swap3A_281 = arith.index_cast %and3A_279 : i32 to index
        %swap3A_282 = arith.constant 32 : index
        %swap3A_283 = tpu.vector_load %arg7[%swap3A_280, %swap3A_281, %swap3A_282] {strides = array<i32>} : memref<64x8x64xf32, #tpu.memory_space<vmem>>, vector<16xf32>,
        tpu.vector_store %arg7[%swap3A_280, %swap3A_281, %swap3A_282], %gather3A_275 {strides = array<i32>} : memref<64x8x64xf32, #tpu.memory_space<vmem>>, vector<16xf32>,
        %add3A_284 = arith.constant 48 : i32
        %add3A_285 = vector.broadcast %add3A_284 : i32 to vector<16xi32>
        %add3A_286 = arith.addi %iota3A, %add3A_285 : vector<16xi32>
        %gather3A_287 = arith.constant 4 : i32
        %gather3A_288 = arith.constant 0 : i32
        %gather3A_289 = arith.constant 0 : i32
        %gather3A_290 = tpu.memref_slice %arg6[%gather3A_287, %gather3A_288, %gather3A_289] : memref<7x64x128xf32, #tpu.memory_space<vmem>> -> memref<1x64x128xf32, #tpu.memory_space<vmem>>
        %gather3A_291 = tpu.memref_squeeze %gather3A_290 : memref<1x64x128xf32, #tpu.memory_space<vmem>> -> memref<64x128xf32, #tpu.memory_space<vmem>>
        %gather3A_292 = tpu.vector_load_idx %gather3A_291[%add3A_286, %broadcast_in_dim3A_232] : memref<64x128xf32, #tpu.memory_space<vmem>>[vector<16xi32>, vector<16xi32>], vector<16xf32>,
        %shift_right_arithmetic3A_293 = arith.constant 3 : i32
        %shift_right_arithmetic3A_294 = arith.shrsi %while3A_228, %shift_right_arithmetic3A_293 : i32
        %and3A_295 = arith.constant 7 : i32
        %and3A_296 = arith.andi %while3A_228, %and3A_295 : i32
        %swap3A_297 = arith.index_cast %shift_right_arithmetic3A_294 : i32 to index
        %swap3A_298 = arith.index_cast %and3A_296 : i32 to index
        %swap3A_299 = arith.constant 48 : index
        %swap3A_300 = tpu.vector_load %arg7[%swap3A_297, %swap3A_298, %swap3A_299] {strides = array<i32>} : memref<64x8x64xf32, #tpu.memory_space<vmem>>, vector<16xf32>,
        tpu.vector_store %arg7[%swap3A_297, %swap3A_298, %swap3A_299], %gather3A_292 {strides = array<i32>} : memref<64x8x64xf32, #tpu.memory_space<vmem>>, vector<16xf32>,
        %add3A_301 = arith.constant 1 : i32
        %add3A_302 = arith.addi %while3A_228, %add3A_301 : i32
        %add3A_303 = arith.constant 1 : i32
        %add3A_304 = arith.addi %while3A_228, %add3A_303 : i32
        %shift_right_arithmetic3A_305 = arith.constant 4 : i32
        %shift_right_arithmetic3A_306 = arith.shrsi %add3A_304, %shift_right_arithmetic3A_305 : i32
        %shift_left3A = arith.constant 4 : i32
        %shift_left3A_307 = arith.shli %shift_right_arithmetic3A_306, %shift_left3A : i32
        %get3A_308 = arith.index_cast %shift_left3A_307 : i32 to index
        %get3A_309 = tpu.vector_load %arg5[%get3A_308] {strides = array<i32>} : memref<528xi32, #tpu.memory_space<vmem>>, vector<16xi32>,
        %and3A_310 = arith.constant 15 : i32
        %and3A_311 = arith.andi %add3A_304, %and3A_310 : i32
        %broadcast_in_dim3A_312 = vector.broadcast %and3A_311 : i32 to vector<16x1xi32>
        %gather3A_313 = vector.shape_cast %broadcast_in_dim3A_312 : vector<16x1xi32> to vector<16xi32>
        %gather3A_314 = tpu.dynamic_gather %get3A_309[%gather3A_313] in [0] : vector<16xi32>, vector<16xi32> -> vector<16xi32>
        %slice3A_315 = vector.extract_strided_slice %gather3A_314 {offsets = [0], sizes = [1], strides = [1]} : vector<16xi32> to vector<1xi32>
        %squeeze3A_316 = vector.extract %slice3A_315[0] : i32 from vector<1xi32>
        scf.yield %add3A_302, %squeeze3A_316 : i32, i32
      }
      %add3A_190 = arith.constant 7 : i32
      %add3A_191 = arith.addi %add3A_183, %add3A_190 : i32
      %lt3A_192 = arith.cmpi slt, %add3A_191, %add3A_17 : i32
      %convert_element_type3A_193 = arith.extui %lt3A_192 : i1 to i32
      %cond3A_194 = arith.constant 0 : i32
      %cond3A_195 = arith.cmpi ne, %convert_element_type3A_193, %cond3A_194 : i32
      scf.if %cond3A_195 {
        %add3A_228 = arith.addi %shift_right_arithmetic3A_6, %add3A_183 : i32
        %add3A_229 = arith.constant 7 : i32
        %add3A_230 = arith.addi %add3A_228, %add3A_229 : i32
        %mul3A_231 = arith.constant 128 : i32
        %mul3A_232 = arith.muli %add3A_230, %mul3A_231 : i32
        %multiple_of3A = tpu.assume_multiple %mul3A_232, 128 : i32
        %dma_start3A = arith.constant 4 : i32
        %dma_start3A_233 = arith.constant 0 : i32
        %dma_start3A_234 = arith.constant 0 : i32
        %dma_start3A_235 = tpu.memref_slice %arg6[%dma_start3A, %dma_start3A_233, %dma_start3A_234] : memref<7x64x128xf32, #tpu.memory_space<vmem>> -> memref<1x64x128xf32, #tpu.memory_space<vmem>>
        %dma_start3A_236 = tpu.memref_squeeze %dma_start3A_235 : memref<1x64x128xf32, #tpu.memory_space<vmem>> -> memref<64x128xf32, #tpu.memory_space<vmem>>
        %dma_start3A_237 = arith.constant 0 : i32
        %dma_start3A_238 = tpu.memref_slice %arg3[%dma_start3A_237, %multiple_of3A] : memref<64x1000000xf32, #tpu.memory_space<hbm>> -> memref<64x128xf32, #tpu.memory_space<hbm>>
        %dma_start3A_239 = arith.constant 0 : i32
        %dma_start3A_240 = arith.constant 0 : i32
        %dma_start3A_241 = tpu.memref_slice %arg6[%dma_start3A, %dma_start3A_239, %dma_start3A_240] : memref<7x64x128xf32, #tpu.memory_space<vmem>> -> memref<1x64x128xf32, #tpu.memory_space<vmem>>
        %dma_start3A_242 = tpu.memref_squeeze %dma_start3A_241 : memref<1x64x128xf32, #tpu.memory_space<vmem>> -> memref<64x128xf32, #tpu.memory_space<vmem>>
        %dma_start3A_243 = arith.constant 0 : i32
        %dma_start3A_244 = tpu.memref_slice %arg3[%dma_start3A_243, %multiple_of3A] : memref<64x1000000xf32, #tpu.memory_space<hbm>> -> memref<64x128xf32, #tpu.memory_space<hbm>>
        tpu.enqueue_dma source(%dma_start3A_244 : memref<64x128xf32, #tpu.memory_space<hbm>>) target(%dma_start3A_242 : memref<64x128xf32, #tpu.memory_space<vmem>>) target_semaphore(%arg12 : memref<!tpu.dma_semaphore, #tpu.memory_space<semaphore_mem>>)
      } else {
      }
      %mul3A_196 = arith.constant 7 : i32
      %mul3A_197 = arith.muli %while3A_114, %mul3A_196 : i32
      %add3A_198 = arith.constant 5 : i32
      %add3A_199 = arith.addi %mul3A_197, %add3A_198 : i32
      %lt3A_200 = arith.cmpi slt, %add3A_199, %add3A_17 : i32
      %convert_element_type3A_201 = arith.extui %lt3A_200 : i1 to i32
      %cond3A_202 = arith.constant 0 : i32
      %cond3A_203 = arith.cmpi ne, %convert_element_type3A_201, %cond3A_202 : i32
      scf.if %cond3A_203 {
        %dma_wait3A = arith.constant 5 : i32
        %dma_wait3A_228 = arith.constant 0 : i32
        %dma_wait3A_229 = arith.constant 0 : i32
        %dma_wait3A_230 = tpu.memref_slice %arg6[%dma_wait3A, %dma_wait3A_228, %dma_wait3A_229] : memref<7x64x128xf32, #tpu.memory_space<vmem>> -> memref<1x64x128xf32, #tpu.memory_space<vmem>>
        %dma_wait3A_231 = tpu.memref_squeeze %dma_wait3A_230 : memref<1x64x128xf32, #tpu.memory_space<vmem>> -> memref<64x128xf32, #tpu.memory_space<vmem>>
        %dma_wait3A_232 = arith.constant 0 : i32
        %dma_wait3A_233 = arith.constant 0 : i32
        %dma_wait3A_234 = tpu.memref_slice %arg3[%dma_wait3A_232, %dma_wait3A_233] : memref<64x1000000xf32, #tpu.memory_space<hbm>> -> memref<64x128xf32, #tpu.memory_space<hbm>>
        %dma_wait3A_235 = arith.constant 0 : i32
        %dma_wait3A_236 = arith.constant 0 : i32
        %dma_wait3A_237 = tpu.memref_slice %arg6[%dma_wait3A, %dma_wait3A_235, %dma_wait3A_236] : memref<7x64x128xf32, #tpu.memory_space<vmem>> -> memref<1x64x128xf32, #tpu.memory_space<vmem>>
        %dma_wait3A_238 = tpu.memref_squeeze %dma_wait3A_237 : memref<1x64x128xf32, #tpu.memory_space<vmem>> -> memref<64x128xf32, #tpu.memory_space<vmem>>
        %dma_wait3A_239 = arith.constant 0 : i32
        %dma_wait3A_240 = arith.constant 0 : i32
        %dma_wait3A_241 = tpu.memref_slice %arg3[%dma_wait3A_239, %dma_wait3A_240] : memref<64x1000000xf32, #tpu.memory_space<hbm>> -> memref<64x128xf32, #tpu.memory_space<hbm>>
        tpu.wait_dma2 semaphore(%arg13 : memref<!tpu.dma_semaphore, #tpu.memory_space<semaphore_mem>>) src(%dma_wait3A_241 : memref<64x128xf32, #tpu.memory_space<hbm>>) dst(%dma_wait3A_238 : memref<64x128xf32, #tpu.memory_space<vmem>>)
      } else {
      }
      %add3A_204 = arith.addi %shift_right_arithmetic3A_6, %add3A_199 : i32
      %while3A_205:2 = scf.while (%while3A_228 = %while3A_189#0, %while3A_229 = %while3A_189#1) : (i32, i32) -> (i32, i32) {
        %lt3A_230 = arith.cmpi slt, %add3A_199, %add3A_17 : i32
        %shift_right_arithmetic3A_231 = arith.constant 7 : i32
        %shift_right_arithmetic3A_232 = arith.shrsi %while3A_229, %shift_right_arithmetic3A_231 : i32
        %eq3A = arith.cmpi eq, %shift_right_arithmetic3A_232, %add3A_204 : i32
        %and3A_233 = arith.andi %lt3A_230, %eq3A : i1
        scf.condition(%and3A_233) %while3A_228, %while3A_229 : i32, i32
      } do {
      ^bb0(%while3A_228: i32, %while3A_229: i32):
        %and3A_230 = arith.constant 127 : i32
        %and3A_231 = arith.andi %while3A_229, %and3A_230 : i32
        %broadcast_in_dim3A_232 = vector.broadcast %and3A_231 : i32 to vector<16xi32>
        %add3A_233 = arith.constant 0 : i32
        %add3A_234 = vector.broadcast %add3A_233 : i32 to vector<16xi32>
        %add3A_235 = arith.addi %iota3A, %add3A_234 : vector<16xi32>
        %gather3A_236 = arith.constant 5 : i32
        %gather3A_237 = arith.constant 0 : i32
        %gather3A_238 = arith.constant 0 : i32
        %gather3A_239 = tpu.memref_slice %arg6[%gather3A_236, %gather3A_237, %gather3A_238] : memref<7x64x128xf32, #tpu.memory_space<vmem>> -> memref<1x64x128xf32, #tpu.memory_space<vmem>>
        %gather3A_240 = tpu.memref_squeeze %gather3A_239 : memref<1x64x128xf32, #tpu.memory_space<vmem>> -> memref<64x128xf32, #tpu.memory_space<vmem>>
        %gather3A_241 = tpu.vector_load_idx %gather3A_240[%add3A_235, %broadcast_in_dim3A_232] : memref<64x128xf32, #tpu.memory_space<vmem>>[vector<16xi32>, vector<16xi32>], vector<16xf32>,
        %shift_right_arithmetic3A_242 = arith.constant 3 : i32
        %shift_right_arithmetic3A_243 = arith.shrsi %while3A_228, %shift_right_arithmetic3A_242 : i32
        %and3A_244 = arith.constant 7 : i32
        %and3A_245 = arith.andi %while3A_228, %and3A_244 : i32
        %swap3A_246 = arith.index_cast %shift_right_arithmetic3A_243 : i32 to index
        %swap3A_247 = arith.index_cast %and3A_245 : i32 to index
        %swap3A_248 = arith.constant 0 : index
        %swap3A_249 = tpu.vector_load %arg7[%swap3A_246, %swap3A_247, %swap3A_248] {strides = array<i32>} : memref<64x8x64xf32, #tpu.memory_space<vmem>>, vector<16xf32>,
        tpu.vector_store %arg7[%swap3A_246, %swap3A_247, %swap3A_248], %gather3A_241 {strides = array<i32>} : memref<64x8x64xf32, #tpu.memory_space<vmem>>, vector<16xf32>,
        %add3A_250 = arith.constant 16 : i32
        %add3A_251 = vector.broadcast %add3A_250 : i32 to vector<16xi32>
        %add3A_252 = arith.addi %iota3A, %add3A_251 : vector<16xi32>
        %gather3A_253 = arith.constant 5 : i32
        %gather3A_254 = arith.constant 0 : i32
        %gather3A_255 = arith.constant 0 : i32
        %gather3A_256 = tpu.memref_slice %arg6[%gather3A_253, %gather3A_254, %gather3A_255] : memref<7x64x128xf32, #tpu.memory_space<vmem>> -> memref<1x64x128xf32, #tpu.memory_space<vmem>>
        %gather3A_257 = tpu.memref_squeeze %gather3A_256 : memref<1x64x128xf32, #tpu.memory_space<vmem>> -> memref<64x128xf32, #tpu.memory_space<vmem>>
        %gather3A_258 = tpu.vector_load_idx %gather3A_257[%add3A_252, %broadcast_in_dim3A_232] : memref<64x128xf32, #tpu.memory_space<vmem>>[vector<16xi32>, vector<16xi32>], vector<16xf32>,
        %shift_right_arithmetic3A_259 = arith.constant 3 : i32
        %shift_right_arithmetic3A_260 = arith.shrsi %while3A_228, %shift_right_arithmetic3A_259 : i32
        %and3A_261 = arith.constant 7 : i32
        %and3A_262 = arith.andi %while3A_228, %and3A_261 : i32
        %swap3A_263 = arith.index_cast %shift_right_arithmetic3A_260 : i32 to index
        %swap3A_264 = arith.index_cast %and3A_262 : i32 to index
        %swap3A_265 = arith.constant 16 : index
        %swap3A_266 = tpu.vector_load %arg7[%swap3A_263, %swap3A_264, %swap3A_265] {strides = array<i32>} : memref<64x8x64xf32, #tpu.memory_space<vmem>>, vector<16xf32>,
        tpu.vector_store %arg7[%swap3A_263, %swap3A_264, %swap3A_265], %gather3A_258 {strides = array<i32>} : memref<64x8x64xf32, #tpu.memory_space<vmem>>, vector<16xf32>,
        %add3A_267 = arith.constant 32 : i32
        %add3A_268 = vector.broadcast %add3A_267 : i32 to vector<16xi32>
        %add3A_269 = arith.addi %iota3A, %add3A_268 : vector<16xi32>
        %gather3A_270 = arith.constant 5 : i32
        %gather3A_271 = arith.constant 0 : i32
        %gather3A_272 = arith.constant 0 : i32
        %gather3A_273 = tpu.memref_slice %arg6[%gather3A_270, %gather3A_271, %gather3A_272] : memref<7x64x128xf32, #tpu.memory_space<vmem>> -> memref<1x64x128xf32, #tpu.memory_space<vmem>>
        %gather3A_274 = tpu.memref_squeeze %gather3A_273 : memref<1x64x128xf32, #tpu.memory_space<vmem>> -> memref<64x128xf32, #tpu.memory_space<vmem>>
        %gather3A_275 = tpu.vector_load_idx %gather3A_274[%add3A_269, %broadcast_in_dim3A_232] : memref<64x128xf32, #tpu.memory_space<vmem>>[vector<16xi32>, vector<16xi32>], vector<16xf32>,
        %shift_right_arithmetic3A_276 = arith.constant 3 : i32
        %shift_right_arithmetic3A_277 = arith.shrsi %while3A_228, %shift_right_arithmetic3A_276 : i32
        %and3A_278 = arith.constant 7 : i32
        %and3A_279 = arith.andi %while3A_228, %and3A_278 : i32
        %swap3A_280 = arith.index_cast %shift_right_arithmetic3A_277 : i32 to index
        %swap3A_281 = arith.index_cast %and3A_279 : i32 to index
        %swap3A_282 = arith.constant 32 : index
        %swap3A_283 = tpu.vector_load %arg7[%swap3A_280, %swap3A_281, %swap3A_282] {strides = array<i32>} : memref<64x8x64xf32, #tpu.memory_space<vmem>>, vector<16xf32>,
        tpu.vector_store %arg7[%swap3A_280, %swap3A_281, %swap3A_282], %gather3A_275 {strides = array<i32>} : memref<64x8x64xf32, #tpu.memory_space<vmem>>, vector<16xf32>,
        %add3A_284 = arith.constant 48 : i32
        %add3A_285 = vector.broadcast %add3A_284 : i32 to vector<16xi32>
        %add3A_286 = arith.addi %iota3A, %add3A_285 : vector<16xi32>
        %gather3A_287 = arith.constant 5 : i32
        %gather3A_288 = arith.constant 0 : i32
        %gather3A_289 = arith.constant 0 : i32
        %gather3A_290 = tpu.memref_slice %arg6[%gather3A_287, %gather3A_288, %gather3A_289] : memref<7x64x128xf32, #tpu.memory_space<vmem>> -> memref<1x64x128xf32, #tpu.memory_space<vmem>>
        %gather3A_291 = tpu.memref_squeeze %gather3A_290 : memref<1x64x128xf32, #tpu.memory_space<vmem>> -> memref<64x128xf32, #tpu.memory_space<vmem>>
        %gather3A_292 = tpu.vector_load_idx %gather3A_291[%add3A_286, %broadcast_in_dim3A_232] : memref<64x128xf32, #tpu.memory_space<vmem>>[vector<16xi32>, vector<16xi32>], vector<16xf32>,
        %shift_right_arithmetic3A_293 = arith.constant 3 : i32
        %shift_right_arithmetic3A_294 = arith.shrsi %while3A_228, %shift_right_arithmetic3A_293 : i32
        %and3A_295 = arith.constant 7 : i32
        %and3A_296 = arith.andi %while3A_228, %and3A_295 : i32
        %swap3A_297 = arith.index_cast %shift_right_arithmetic3A_294 : i32 to index
        %swap3A_298 = arith.index_cast %and3A_296 : i32 to index
        %swap3A_299 = arith.constant 48 : index
        %swap3A_300 = tpu.vector_load %arg7[%swap3A_297, %swap3A_298, %swap3A_299] {strides = array<i32>} : memref<64x8x64xf32, #tpu.memory_space<vmem>>, vector<16xf32>,
        tpu.vector_store %arg7[%swap3A_297, %swap3A_298, %swap3A_299], %gather3A_292 {strides = array<i32>} : memref<64x8x64xf32, #tpu.memory_space<vmem>>, vector<16xf32>,
        %add3A_301 = arith.constant 1 : i32
        %add3A_302 = arith.addi %while3A_228, %add3A_301 : i32
        %add3A_303 = arith.constant 1 : i32
        %add3A_304 = arith.addi %while3A_228, %add3A_303 : i32
        %shift_right_arithmetic3A_305 = arith.constant 4 : i32
        %shift_right_arithmetic3A_306 = arith.shrsi %add3A_304, %shift_right_arithmetic3A_305 : i32
        %shift_left3A = arith.constant 4 : i32
        %shift_left3A_307 = arith.shli %shift_right_arithmetic3A_306, %shift_left3A : i32
        %get3A_308 = arith.index_cast %shift_left3A_307 : i32 to index
        %get3A_309 = tpu.vector_load %arg5[%get3A_308] {strides = array<i32>} : memref<528xi32, #tpu.memory_space<vmem>>, vector<16xi32>,
        %and3A_310 = arith.constant 15 : i32
        %and3A_311 = arith.andi %add3A_304, %and3A_310 : i32
        %broadcast_in_dim3A_312 = vector.broadcast %and3A_311 : i32 to vector<16x1xi32>
        %gather3A_313 = vector.shape_cast %broadcast_in_dim3A_312 : vector<16x1xi32> to vector<16xi32>
        %gather3A_314 = tpu.dynamic_gather %get3A_309[%gather3A_313] in [0] : vector<16xi32>, vector<16xi32> -> vector<16xi32>
        %slice3A_315 = vector.extract_strided_slice %gather3A_314 {offsets = [0], sizes = [1], strides = [1]} : vector<16xi32> to vector<1xi32>
        %squeeze3A_316 = vector.extract %slice3A_315[0] : i32 from vector<1xi32>
        scf.yield %add3A_302, %squeeze3A_316 : i32, i32
      }
      %add3A_206 = arith.constant 7 : i32
      %add3A_207 = arith.addi %add3A_199, %add3A_206 : i32
      %lt3A_208 = arith.cmpi slt, %add3A_207, %add3A_17 : i32
      %convert_element_type3A_209 = arith.extui %lt3A_208 : i1 to i32
      %cond3A_210 = arith.constant 0 : i32
      %cond3A_211 = arith.cmpi ne, %convert_element_type3A_209, %cond3A_210 : i32
      scf.if %cond3A_211 {
        %add3A_228 = arith.addi %shift_right_arithmetic3A_6, %add3A_199 : i32
        %add3A_229 = arith.constant 7 : i32
        %add3A_230 = arith.addi %add3A_228, %add3A_229 : i32
        %mul3A_231 = arith.constant 128 : i32
        %mul3A_232 = arith.muli %add3A_230, %mul3A_231 : i32
        %multiple_of3A = tpu.assume_multiple %mul3A_232, 128 : i32
        %dma_start3A = arith.constant 5 : i32
        %dma_start3A_233 = arith.constant 0 : i32
        %dma_start3A_234 = arith.constant 0 : i32
        %dma_start3A_235 = tpu.memref_slice %arg6[%dma_start3A, %dma_start3A_233, %dma_start3A_234] : memref<7x64x128xf32, #tpu.memory_space<vmem>> -> memref<1x64x128xf32, #tpu.memory_space<vmem>>
        %dma_start3A_236 = tpu.memref_squeeze %dma_start3A_235 : memref<1x64x128xf32, #tpu.memory_space<vmem>> -> memref<64x128xf32, #tpu.memory_space<vmem>>
        %dma_start3A_237 = arith.constant 0 : i32
        %dma_start3A_238 = tpu.memref_slice %arg3[%dma_start3A_237, %multiple_of3A] : memref<64x1000000xf32, #tpu.memory_space<hbm>> -> memref<64x128xf32, #tpu.memory_space<hbm>>
        %dma_start3A_239 = arith.constant 0 : i32
        %dma_start3A_240 = arith.constant 0 : i32
        %dma_start3A_241 = tpu.memref_slice %arg6[%dma_start3A, %dma_start3A_239, %dma_start3A_240] : memref<7x64x128xf32, #tpu.memory_space<vmem>> -> memref<1x64x128xf32, #tpu.memory_space<vmem>>
        %dma_start3A_242 = tpu.memref_squeeze %dma_start3A_241 : memref<1x64x128xf32, #tpu.memory_space<vmem>> -> memref<64x128xf32, #tpu.memory_space<vmem>>
        %dma_start3A_243 = arith.constant 0 : i32
        %dma_start3A_244 = tpu.memref_slice %arg3[%dma_start3A_243, %multiple_of3A] : memref<64x1000000xf32, #tpu.memory_space<hbm>> -> memref<64x128xf32, #tpu.memory_space<hbm>>
        tpu.enqueue_dma source(%dma_start3A_244 : memref<64x128xf32, #tpu.memory_space<hbm>>) target(%dma_start3A_242 : memref<64x128xf32, #tpu.memory_space<vmem>>) target_semaphore(%arg13 : memref<!tpu.dma_semaphore, #tpu.memory_space<semaphore_mem>>)
      } else {
      }
      %mul3A_212 = arith.constant 7 : i32
      %mul3A_213 = arith.muli %while3A_114, %mul3A_212 : i32
      %add3A_214 = arith.constant 6 : i32
      %add3A_215 = arith.addi %mul3A_213, %add3A_214 : i32
      %lt3A_216 = arith.cmpi slt, %add3A_215, %add3A_17 : i32
      %convert_element_type3A_217 = arith.extui %lt3A_216 : i1 to i32
      %cond3A_218 = arith.constant 0 : i32
      %cond3A_219 = arith.cmpi ne, %convert_element_type3A_217, %cond3A_218 : i32
      scf.if %cond3A_219 {
        %dma_wait3A = arith.constant 6 : i32
        %dma_wait3A_228 = arith.constant 0 : i32
        %dma_wait3A_229 = arith.constant 0 : i32
        %dma_wait3A_230 = tpu.memref_slice %arg6[%dma_wait3A, %dma_wait3A_228, %dma_wait3A_229] : memref<7x64x128xf32, #tpu.memory_space<vmem>> -> memref<1x64x128xf32, #tpu.memory_space<vmem>>
        %dma_wait3A_231 = tpu.memref_squeeze %dma_wait3A_230 : memref<1x64x128xf32, #tpu.memory_space<vmem>> -> memref<64x128xf32, #tpu.memory_space<vmem>>
        %dma_wait3A_232 = arith.constant 0 : i32
        %dma_wait3A_233 = arith.constant 0 : i32
        %dma_wait3A_234 = tpu.memref_slice %arg3[%dma_wait3A_232, %dma_wait3A_233] : memref<64x1000000xf32, #tpu.memory_space<hbm>> -> memref<64x128xf32, #tpu.memory_space<hbm>>
        %dma_wait3A_235 = arith.constant 0 : i32
        %dma_wait3A_236 = arith.constant 0 : i32
        %dma_wait3A_237 = tpu.memref_slice %arg6[%dma_wait3A, %dma_wait3A_235, %dma_wait3A_236] : memref<7x64x128xf32, #tpu.memory_space<vmem>> -> memref<1x64x128xf32, #tpu.memory_space<vmem>>
        %dma_wait3A_238 = tpu.memref_squeeze %dma_wait3A_237 : memref<1x64x128xf32, #tpu.memory_space<vmem>> -> memref<64x128xf32, #tpu.memory_space<vmem>>
        %dma_wait3A_239 = arith.constant 0 : i32
        %dma_wait3A_240 = arith.constant 0 : i32
        %dma_wait3A_241 = tpu.memref_slice %arg3[%dma_wait3A_239, %dma_wait3A_240] : memref<64x1000000xf32, #tpu.memory_space<hbm>> -> memref<64x128xf32, #tpu.memory_space<hbm>>
        tpu.wait_dma2 semaphore(%arg14 : memref<!tpu.dma_semaphore, #tpu.memory_space<semaphore_mem>>) src(%dma_wait3A_241 : memref<64x128xf32, #tpu.memory_space<hbm>>) dst(%dma_wait3A_238 : memref<64x128xf32, #tpu.memory_space<vmem>>)
      } else {
      }
      %add3A_220 = arith.addi %shift_right_arithmetic3A_6, %add3A_215 : i32
      %while3A_221:2 = scf.while (%while3A_228 = %while3A_205#0, %while3A_229 = %while3A_205#1) : (i32, i32) -> (i32, i32) {
        %lt3A_230 = arith.cmpi slt, %add3A_215, %add3A_17 : i32
        %shift_right_arithmetic3A_231 = arith.constant 7 : i32
        %shift_right_arithmetic3A_232 = arith.shrsi %while3A_229, %shift_right_arithmetic3A_231 : i32
        %eq3A = arith.cmpi eq, %shift_right_arithmetic3A_232, %add3A_220 : i32
        %and3A_233 = arith.andi %lt3A_230, %eq3A : i1
        scf.condition(%and3A_233) %while3A_228, %while3A_229 : i32, i32
      } do {
      ^bb0(%while3A_228: i32, %while3A_229: i32):
        %and3A_230 = arith.constant 127 : i32
        %and3A_231 = arith.andi %while3A_229, %and3A_230 : i32
        %broadcast_in_dim3A_232 = vector.broadcast %and3A_231 : i32 to vector<16xi32>
        %add3A_233 = arith.constant 0 : i32
        %add3A_234 = vector.broadcast %add3A_233 : i32 to vector<16xi32>
        %add3A_235 = arith.addi %iota3A, %add3A_234 : vector<16xi32>
        %gather3A_236 = arith.constant 6 : i32
        %gather3A_237 = arith.constant 0 : i32
        %gather3A_238 = arith.constant 0 : i32
        %gather3A_239 = tpu.memref_slice %arg6[%gather3A_236, %gather3A_237, %gather3A_238] : memref<7x64x128xf32, #tpu.memory_space<vmem>> -> memref<1x64x128xf32, #tpu.memory_space<vmem>>
        %gather3A_240 = tpu.memref_squeeze %gather3A_239 : memref<1x64x128xf32, #tpu.memory_space<vmem>> -> memref<64x128xf32, #tpu.memory_space<vmem>>
        %gather3A_241 = tpu.vector_load_idx %gather3A_240[%add3A_235, %broadcast_in_dim3A_232] : memref<64x128xf32, #tpu.memory_space<vmem>>[vector<16xi32>, vector<16xi32>], vector<16xf32>,
        %shift_right_arithmetic3A_242 = arith.constant 3 : i32
        %shift_right_arithmetic3A_243 = arith.shrsi %while3A_228, %shift_right_arithmetic3A_242 : i32
        %and3A_244 = arith.constant 7 : i32
        %and3A_245 = arith.andi %while3A_228, %and3A_244 : i32
        %swap3A_246 = arith.index_cast %shift_right_arithmetic3A_243 : i32 to index
        %swap3A_247 = arith.index_cast %and3A_245 : i32 to index
        %swap3A_248 = arith.constant 0 : index
        %swap3A_249 = tpu.vector_load %arg7[%swap3A_246, %swap3A_247, %swap3A_248] {strides = array<i32>} : memref<64x8x64xf32, #tpu.memory_space<vmem>>, vector<16xf32>,
        tpu.vector_store %arg7[%swap3A_246, %swap3A_247, %swap3A_248], %gather3A_241 {strides = array<i32>} : memref<64x8x64xf32, #tpu.memory_space<vmem>>, vector<16xf32>,
        %add3A_250 = arith.constant 16 : i32
        %add3A_251 = vector.broadcast %add3A_250 : i32 to vector<16xi32>
        %add3A_252 = arith.addi %iota3A, %add3A_251 : vector<16xi32>
        %gather3A_253 = arith.constant 6 : i32
        %gather3A_254 = arith.constant 0 : i32
        %gather3A_255 = arith.constant 0 : i32
        %gather3A_256 = tpu.memref_slice %arg6[%gather3A_253, %gather3A_254, %gather3A_255] : memref<7x64x128xf32, #tpu.memory_space<vmem>> -> memref<1x64x128xf32, #tpu.memory_space<vmem>>
        %gather3A_257 = tpu.memref_squeeze %gather3A_256 : memref<1x64x128xf32, #tpu.memory_space<vmem>> -> memref<64x128xf32, #tpu.memory_space<vmem>>
        %gather3A_258 = tpu.vector_load_idx %gather3A_257[%add3A_252, %broadcast_in_dim3A_232] : memref<64x128xf32, #tpu.memory_space<vmem>>[vector<16xi32>, vector<16xi32>], vector<16xf32>,
        %shift_right_arithmetic3A_259 = arith.constant 3 : i32
        %shift_right_arithmetic3A_260 = arith.shrsi %while3A_228, %shift_right_arithmetic3A_259 : i32
        %and3A_261 = arith.constant 7 : i32
        %and3A_262 = arith.andi %while3A_228, %and3A_261 : i32
        %swap3A_263 = arith.index_cast %shift_right_arithmetic3A_260 : i32 to index
        %swap3A_264 = arith.index_cast %and3A_262 : i32 to index
        %swap3A_265 = arith.constant 16 : index
        %swap3A_266 = tpu.vector_load %arg7[%swap3A_263, %swap3A_264, %swap3A_265] {strides = array<i32>} : memref<64x8x64xf32, #tpu.memory_space<vmem>>, vector<16xf32>,
        tpu.vector_store %arg7[%swap3A_263, %swap3A_264, %swap3A_265], %gather3A_258 {strides = array<i32>} : memref<64x8x64xf32, #tpu.memory_space<vmem>>, vector<16xf32>,
        %add3A_267 = arith.constant 32 : i32
        %add3A_268 = vector.broadcast %add3A_267 : i32 to vector<16xi32>
        %add3A_269 = arith.addi %iota3A, %add3A_268 : vector<16xi32>
        %gather3A_270 = arith.constant 6 : i32
        %gather3A_271 = arith.constant 0 : i32
        %gather3A_272 = arith.constant 0 : i32
        %gather3A_273 = tpu.memref_slice %arg6[%gather3A_270, %gather3A_271, %gather3A_272] : memref<7x64x128xf32, #tpu.memory_space<vmem>> -> memref<1x64x128xf32, #tpu.memory_space<vmem>>
        %gather3A_274 = tpu.memref_squeeze %gather3A_273 : memref<1x64x128xf32, #tpu.memory_space<vmem>> -> memref<64x128xf32, #tpu.memory_space<vmem>>
        %gather3A_275 = tpu.vector_load_idx %gather3A_274[%add3A_269, %broadcast_in_dim3A_232] : memref<64x128xf32, #tpu.memory_space<vmem>>[vector<16xi32>, vector<16xi32>], vector<16xf32>,
        %shift_right_arithmetic3A_276 = arith.constant 3 : i32
        %shift_right_arithmetic3A_277 = arith.shrsi %while3A_228, %shift_right_arithmetic3A_276 : i32
        %and3A_278 = arith.constant 7 : i32
        %and3A_279 = arith.andi %while3A_228, %and3A_278 : i32
        %swap3A_280 = arith.index_cast %shift_right_arithmetic3A_277 : i32 to index
        %swap3A_281 = arith.index_cast %and3A_279 : i32 to index
        %swap3A_282 = arith.constant 32 : index
        %swap3A_283 = tpu.vector_load %arg7[%swap3A_280, %swap3A_281, %swap3A_282] {strides = array<i32>} : memref<64x8x64xf32, #tpu.memory_space<vmem>>, vector<16xf32>,
        tpu.vector_store %arg7[%swap3A_280, %swap3A_281, %swap3A_282], %gather3A_275 {strides = array<i32>} : memref<64x8x64xf32, #tpu.memory_space<vmem>>, vector<16xf32>,
        %add3A_284 = arith.constant 48 : i32
        %add3A_285 = vector.broadcast %add3A_284 : i32 to vector<16xi32>
        %add3A_286 = arith.addi %iota3A, %add3A_285 : vector<16xi32>
        %gather3A_287 = arith.constant 6 : i32
        %gather3A_288 = arith.constant 0 : i32
        %gather3A_289 = arith.constant 0 : i32
        %gather3A_290 = tpu.memref_slice %arg6[%gather3A_287, %gather3A_288, %gather3A_289] : memref<7x64x128xf32, #tpu.memory_space<vmem>> -> memref<1x64x128xf32, #tpu.memory_space<vmem>>
        %gather3A_291 = tpu.memref_squeeze %gather3A_290 : memref<1x64x128xf32, #tpu.memory_space<vmem>> -> memref<64x128xf32, #tpu.memory_space<vmem>>
        %gather3A_292 = tpu.vector_load_idx %gather3A_291[%add3A_286, %broadcast_in_dim3A_232] : memref<64x128xf32, #tpu.memory_space<vmem>>[vector<16xi32>, vector<16xi32>], vector<16xf32>,
        %shift_right_arithmetic3A_293 = arith.constant 3 : i32
        %shift_right_arithmetic3A_294 = arith.shrsi %while3A_228, %shift_right_arithmetic3A_293 : i32
        %and3A_295 = arith.constant 7 : i32
        %and3A_296 = arith.andi %while3A_228, %and3A_295 : i32
        %swap3A_297 = arith.index_cast %shift_right_arithmetic3A_294 : i32 to index
        %swap3A_298 = arith.index_cast %and3A_296 : i32 to index
        %swap3A_299 = arith.constant 48 : index
        %swap3A_300 = tpu.vector_load %arg7[%swap3A_297, %swap3A_298, %swap3A_299] {strides = array<i32>} : memref<64x8x64xf32, #tpu.memory_space<vmem>>, vector<16xf32>,
        tpu.vector_store %arg7[%swap3A_297, %swap3A_298, %swap3A_299], %gather3A_292 {strides = array<i32>} : memref<64x8x64xf32, #tpu.memory_space<vmem>>, vector<16xf32>,
        %add3A_301 = arith.constant 1 : i32
        %add3A_302 = arith.addi %while3A_228, %add3A_301 : i32
        %add3A_303 = arith.constant 1 : i32
        %add3A_304 = arith.addi %while3A_228, %add3A_303 : i32
        %shift_right_arithmetic3A_305 = arith.constant 4 : i32
        %shift_right_arithmetic3A_306 = arith.shrsi %add3A_304, %shift_right_arithmetic3A_305 : i32
        %shift_left3A = arith.constant 4 : i32
        %shift_left3A_307 = arith.shli %shift_right_arithmetic3A_306, %shift_left3A : i32
        %get3A_308 = arith.index_cast %shift_left3A_307 : i32 to index
        %get3A_309 = tpu.vector_load %arg5[%get3A_308] {strides = array<i32>} : memref<528xi32, #tpu.memory_space<vmem>>, vector<16xi32>,
        %and3A_310 = arith.constant 15 : i32
        %and3A_311 = arith.andi %add3A_304, %and3A_310 : i32
        %broadcast_in_dim3A_312 = vector.broadcast %and3A_311 : i32 to vector<16x1xi32>
        %gather3A_313 = vector.shape_cast %broadcast_in_dim3A_312 : vector<16x1xi32> to vector<16xi32>
        %gather3A_314 = tpu.dynamic_gather %get3A_309[%gather3A_313] in [0] : vector<16xi32>, vector<16xi32> -> vector<16xi32>
        %slice3A_315 = vector.extract_strided_slice %gather3A_314 {offsets = [0], sizes = [1], strides = [1]} : vector<16xi32> to vector<1xi32>
        %squeeze3A_316 = vector.extract %slice3A_315[0] : i32 from vector<1xi32>
        scf.yield %add3A_302, %squeeze3A_316 : i32, i32
      }
      %add3A_222 = arith.constant 7 : i32
      %add3A_223 = arith.addi %add3A_215, %add3A_222 : i32
      %lt3A_224 = arith.cmpi slt, %add3A_223, %add3A_17 : i32
      %convert_element_type3A_225 = arith.extui %lt3A_224 : i1 to i32
      %cond3A_226 = arith.constant 0 : i32
      %cond3A_227 = arith.cmpi ne, %convert_element_type3A_225, %cond3A_226 : i32
      scf.if %cond3A_227 {
        %add3A_228 = arith.addi %shift_right_arithmetic3A_6, %add3A_215 : i32
        %add3A_229 = arith.constant 7 : i32
        %add3A_230 = arith.addi %add3A_228, %add3A_229 : i32
        %mul3A_231 = arith.constant 128 : i32
        %mul3A_232 = arith.muli %add3A_230, %mul3A_231 : i32
        %multiple_of3A = tpu.assume_multiple %mul3A_232, 128 : i32
        %dma_start3A = arith.constant 6 : i32
        %dma_start3A_233 = arith.constant 0 : i32
        %dma_start3A_234 = arith.constant 0 : i32
        %dma_start3A_235 = tpu.memref_slice %arg6[%dma_start3A, %dma_start3A_233, %dma_start3A_234] : memref<7x64x128xf32, #tpu.memory_space<vmem>> -> memref<1x64x128xf32, #tpu.memory_space<vmem>>
        %dma_start3A_236 = tpu.memref_squeeze %dma_start3A_235 : memref<1x64x128xf32, #tpu.memory_space<vmem>> -> memref<64x128xf32, #tpu.memory_space<vmem>>
        %dma_start3A_237 = arith.constant 0 : i32
        %dma_start3A_238 = tpu.memref_slice %arg3[%dma_start3A_237, %multiple_of3A] : memref<64x1000000xf32, #tpu.memory_space<hbm>> -> memref<64x128xf32, #tpu.memory_space<hbm>>
        %dma_start3A_239 = arith.constant 0 : i32
        %dma_start3A_240 = arith.constant 0 : i32
        %dma_start3A_241 = tpu.memref_slice %arg6[%dma_start3A, %dma_start3A_239, %dma_start3A_240] : memref<7x64x128xf32, #tpu.memory_space<vmem>> -> memref<1x64x128xf32, #tpu.memory_space<vmem>>
        %dma_start3A_242 = tpu.memref_squeeze %dma_start3A_241 : memref<1x64x128xf32, #tpu.memory_space<vmem>> -> memref<64x128xf32, #tpu.memory_space<vmem>>
        %dma_start3A_243 = arith.constant 0 : i32
        %dma_start3A_244 = tpu.memref_slice %arg3[%dma_start3A_243, %multiple_of3A] : memref<64x1000000xf32, #tpu.memory_space<hbm>> -> memref<64x128xf32, #tpu.memory_space<hbm>>
        tpu.enqueue_dma source(%dma_start3A_244 : memref<64x128xf32, #tpu.memory_space<hbm>>) target(%dma_start3A_242 : memref<64x128xf32, #tpu.memory_space<vmem>>) target_semaphore(%arg14 : memref<!tpu.dma_semaphore, #tpu.memory_space<semaphore_mem>>)
      } else {
      }
      scf.yield %while3A_221#0, %while3A_221#1 : i32, i32
    }
    %jit3A_90 = arith.constant 8 : i32
    %div3A_91 = arith.divsi %mul3A_2, %jit3A_90 : i32
    %sign3A_92 = arith.constant 0 : i32
    %sign3A_93 = arith.cmpi sgt, %mul3A_2, %sign3A_92 : i32
    %sign3A_94 = arith.extui %sign3A_93 : i1 to i32
    %sign3A_95 = arith.constant 0 : i32
    %sign3A_96 = arith.cmpi slt, %mul3A_2, %sign3A_95 : i32
    %sign3A_97 = arith.extui %sign3A_96 : i1 to i32
    %sign3A_98 = arith.subi %sign3A_94, %sign3A_97 : i32
    %sign3A_99 = arith.constant 0 : i32
    %sign3A_100 = arith.cmpi sgt, %jit3A_90, %sign3A_99 : i32
    %sign3A_101 = arith.extui %sign3A_100 : i1 to i32
    %sign3A_102 = arith.constant 0 : i32
    %sign3A_103 = arith.cmpi slt, %jit3A_90, %sign3A_102 : i32
    %sign3A_104 = arith.extui %sign3A_103 : i1 to i32
    %sign3A_105 = arith.subi %sign3A_101, %sign3A_104 : i32
    %ne3A_106 = arith.cmpi ne, %sign3A_98, %sign3A_105 : i32
    %rem3A_107 = arith.remsi %mul3A_2, %jit3A_90 : i32
    %ne3A_108 = arith.constant 0 : i32
    %ne3A_109 = arith.cmpi ne, %rem3A_107, %ne3A_108 : i32
    %and3A_110 = arith.andi %ne3A_106, %ne3A_109 : i1
    %sub3A_111 = arith.constant 1 : i32
    %sub3A_112 = arith.subi %div3A_91, %sub3A_111 : i32
    %select_n3A_113 = arith.select %and3A_110, %sub3A_112, %div3A_91 : i32
    "tpu.region"() ({
      %run_scoped3A = tpu.sem_alloc : memref<!tpu.dma_semaphore, #tpu.memory_space<semaphore_mem>>
      %dma_start3A = arith.constant 0 : i32
      %dma_start3A_114 = arith.constant 0 : i32
      %dma_start3A_115 = tpu.memref_slice %arg4[%select_n3A_113, %dma_start3A, %dma_start3A_114] : memref<2048x8x64xf32, #tpu.memory_space<hbm>> -> memref<64x8x64xf32, #tpu.memory_space<hbm>>
      %dma_start3A_116 = arith.constant 0 : i32
      %dma_start3A_117 = arith.constant 0 : i32
      %dma_start3A_118 = tpu.memref_slice %arg4[%select_n3A_113, %dma_start3A_116, %dma_start3A_117] : memref<2048x8x64xf32, #tpu.memory_space<hbm>> -> memref<64x8x64xf32, #tpu.memory_space<hbm>>
      tpu.enqueue_dma source(%arg7 : memref<64x8x64xf32, #tpu.memory_space<vmem>>) target(%dma_start3A_118 : memref<64x8x64xf32, #tpu.memory_space<hbm>>) target_semaphore(%run_scoped3A : memref<!tpu.dma_semaphore, #tpu.memory_space<semaphore_mem>>)
      %dma_wait3A = arith.constant 0 : i32
      %dma_wait3A_119 = arith.constant 0 : i32
      %dma_wait3A_120 = tpu.memref_slice %arg4[%select_n3A_113, %dma_wait3A, %dma_wait3A_119] : memref<2048x8x64xf32, #tpu.memory_space<hbm>> -> memref<64x8x64xf32, #tpu.memory_space<hbm>>
      %dma_wait3A_121 = arith.constant 0 : i32
      %dma_wait3A_122 = arith.constant 0 : i32
      %dma_wait3A_123 = tpu.memref_slice %arg4[%select_n3A_113, %dma_wait3A_121, %dma_wait3A_122] : memref<2048x8x64xf32, #tpu.memory_space<hbm>> -> memref<64x8x64xf32, #tpu.memory_space<hbm>>
      tpu.wait_dma2 semaphore(%run_scoped3A : memref<!tpu.dma_semaphore, #tpu.memory_space<semaphore_mem>>) src(%arg7 : memref<64x8x64xf32, #tpu.memory_space<vmem>>) dst(%dma_wait3A_123 : memref<64x8x64xf32, #tpu.memory_space<hbm>>)
      tpu.yield
    }) : () -> ()
    return
  }
}

#map = affine_map<(d0, d1) -> (0)>
#map1 = affine_map<(d0, d1) -> (0, 0, 0)>
module attributes {stable_mosaic.version = 14 : i64} {
  func.func @body(%arg0: i32, %arg1: i32, %arg2: memref<16384xi32, #tpu.memory_space<hbm>>, %arg3: memref<2048x8x64xf32, #tpu.memory_space<hbm>>, %arg4: memref<2048x8x64xf32, #tpu.memory_space<hbm>>, %arg5: memref<512xi32, #tpu.memory_space<vmem>>, %arg6: memref<64x8x64xf32, #tpu.memory_space<vmem>>, %arg7: memref<!tpu.dma_semaphore, #tpu.memory_space<semaphore_mem>>) attributes {dimension_semantics = [#tpu.dimension_semantics<core_parallel>, #tpu.dimension_semantics<subcore_parallel>], iteration_bounds = array<i64: 2, 16>, scalar_prefetch = 0 : i64, scratch_operands = 3 : i64, tpu.core_type = #tpu.core_type<sc_vector_subcore>, window_params = [{transform_indices = #map}, {transform_indices = #map1}, {transform_indices = #map1}]} {
    %mul3A = arith.constant 2 : i32
    %mul3A_0 = arith.muli %arg1, %mul3A : i32
    %add3A = arith.addi %mul3A_0, %arg0 : i32
    %mul3A_1 = arith.constant 512 : i32
    %mul3A_2 = arith.muli %add3A, %mul3A_1 : i32
    "tpu.region"() ({
      %run_scoped3A = tpu.sem_alloc : memref<!tpu.dma_semaphore, #tpu.memory_space<semaphore_mem>>
      %dma_start3A = tpu.memref_slice %arg2[%mul3A_2] : memref<16384xi32, #tpu.memory_space<hbm>> -> memref<512xi32, #tpu.memory_space<hbm>>
      %dma_start3A_30 = tpu.memref_slice %arg2[%mul3A_2] : memref<16384xi32, #tpu.memory_space<hbm>> -> memref<512xi32, #tpu.memory_space<hbm>>
      tpu.enqueue_dma source(%dma_start3A_30 : memref<512xi32, #tpu.memory_space<hbm>>) target(%arg5 : memref<512xi32, #tpu.memory_space<vmem>>) target_semaphore(%run_scoped3A : memref<!tpu.dma_semaphore, #tpu.memory_space<semaphore_mem>>)
      %dma_wait3A = tpu.memref_slice %arg2[%mul3A_2] : memref<16384xi32, #tpu.memory_space<hbm>> -> memref<512xi32, #tpu.memory_space<hbm>>
      %dma_wait3A_31 = tpu.memref_slice %arg2[%mul3A_2] : memref<16384xi32, #tpu.memory_space<hbm>> -> memref<512xi32, #tpu.memory_space<hbm>>
      tpu.wait_dma2 semaphore(%run_scoped3A : memref<!tpu.dma_semaphore, #tpu.memory_space<semaphore_mem>>) src(%dma_wait3A_31 : memref<512xi32, #tpu.memory_space<hbm>>) dst(%arg5 : memref<512xi32, #tpu.memory_space<vmem>>)
      tpu.yield
    }) : () -> ()
    %scan3A = arith.constant 0 : i32
    %scan3A_3 = arith.constant 0 : i32
    %scan3A_4 = arith.constant 32 : i32
    %scan3A_5 = arith.addi %scan3A_3, %scan3A_4 : i32
    %scan3A_6 = arith.constant 1 : i32
    scf.for %scan3A_30 = %scan3A_3 to %scan3A_5 step %scan3A_6  : i32 {
      %mul3A_31 = arith.constant 16 : i32
      %mul3A_32 = arith.muli %scan3A_30, %mul3A_31 : i32
      %get3A = arith.index_cast %mul3A_32 : i32 to index
      %get3A_33 = tpu.vector_load %arg5[%get3A] {strides = array<i32>} : memref<512xi32, #tpu.memory_space<vmem>>, vector<16xi32>,
      %get3A_34 = vector.shape_cast %get3A_33 : vector<16xi32> to vector<16xi32>
      %slice3A = vector.extract_strided_slice %get3A_34 {offsets = [0], sizes = [1], strides = [1]} : vector<16xi32> to vector<1xi32>
      %squeeze3A = vector.extract %slice3A[0] : i32 from vector<1xi32>
      %shift_right_arithmetic3A = arith.constant 3 : i32
      %shift_right_arithmetic3A_35 = arith.shrsi %squeeze3A, %shift_right_arithmetic3A : i32
      %and3A_36 = arith.constant 7 : i32
      %and3A_37 = arith.andi %squeeze3A, %and3A_36 : i32
      %mul3A_38 = arith.constant 2 : i32
      %mul3A_39 = arith.muli %scan3A_30, %mul3A_38 : i32
      %add3A_40 = arith.constant 0 : i32
      %add3A_41 = arith.addi %mul3A_39, %add3A_40 : i32
      %dma_start3A = arith.constant 0 : i32
      %dma_start3A_42 = arith.constant 0 : i32
      %dma_start3A_43 = tpu.memref_slice %arg6[%add3A_41, %dma_start3A, %dma_start3A_42] : memref<64x8x64xf32, #tpu.memory_space<vmem>> -> memref<1x1x64xf32, #tpu.memory_space<vmem>>
      %dma_start3A_44 = tpu.memref_squeeze %dma_start3A_43 : memref<1x1x64xf32, #tpu.memory_space<vmem>> -> memref<64xf32, #tpu.memory_space<vmem>>
      %dma_start3A_45 = arith.constant 0 : i32
      %dma_start3A_46 = tpu.memref_slice %arg3[%shift_right_arithmetic3A_35, %and3A_37, %dma_start3A_45] : memref<2048x8x64xf32, #tpu.memory_space<hbm>> -> memref<1x1x64xf32, #tpu.memory_space<hbm>>
      %dma_start3A_47 = tpu.memref_squeeze %dma_start3A_46 : memref<1x1x64xf32, #tpu.memory_space<hbm>> -> memref<64xf32, #tpu.memory_space<hbm>>
      %dma_start3A_48 = arith.constant 0 : i32
      %dma_start3A_49 = tpu.memref_slice %arg6[%add3A_41, %dma_start3A, %dma_start3A_48] : memref<64x8x64xf32, #tpu.memory_space<vmem>> -> memref<1x1x64xf32, #tpu.memory_space<vmem>>
      %dma_start3A_50 = tpu.memref_squeeze %dma_start3A_49 : memref<1x1x64xf32, #tpu.memory_space<vmem>> -> memref<64xf32, #tpu.memory_space<vmem>>
      %dma_start3A_51 = arith.constant 0 : i32
      %dma_start3A_52 = tpu.memref_slice %arg3[%shift_right_arithmetic3A_35, %and3A_37, %dma_start3A_51] : memref<2048x8x64xf32, #tpu.memory_space<hbm>> -> memref<1x1x64xf32, #tpu.memory_space<hbm>>
      %dma_start3A_53 = tpu.memref_squeeze %dma_start3A_52 : memref<1x1x64xf32, #tpu.memory_space<hbm>> -> memref<64xf32, #tpu.memory_space<hbm>>
      tpu.enqueue_dma source(%dma_start3A_53 : memref<64xf32, #tpu.memory_space<hbm>>) target(%dma_start3A_50 : memref<64xf32, #tpu.memory_space<vmem>>) target_semaphore(%arg7 : memref<!tpu.dma_semaphore, #tpu.memory_space<semaphore_mem>>)
      %slice3A_54 = vector.extract_strided_slice %get3A_34 {offsets = [1], sizes = [1], strides = [1]} : vector<16xi32> to vector<1xi32>
      %squeeze3A_55 = vector.extract %slice3A_54[0] : i32 from vector<1xi32>
      %shift_right_arithmetic3A_56 = arith.constant 3 : i32
      %shift_right_arithmetic3A_57 = arith.shrsi %squeeze3A_55, %shift_right_arithmetic3A_56 : i32
      %and3A_58 = arith.constant 7 : i32
      %and3A_59 = arith.andi %squeeze3A_55, %and3A_58 : i32
      %mul3A_60 = arith.constant 2 : i32
      %mul3A_61 = arith.muli %scan3A_30, %mul3A_60 : i32
      %add3A_62 = arith.constant 0 : i32
      %add3A_63 = arith.addi %mul3A_61, %add3A_62 : i32
      %dma_start3A_64 = arith.constant 1 : i32
      %dma_start3A_65 = arith.constant 0 : i32
      %dma_start3A_66 = tpu.memref_slice %arg6[%add3A_63, %dma_start3A_64, %dma_start3A_65] : memref<64x8x64xf32, #tpu.memory_space<vmem>> -> memref<1x1x64xf32, #tpu.memory_space<vmem>>
      %dma_start3A_67 = tpu.memref_squeeze %dma_start3A_66 : memref<1x1x64xf32, #tpu.memory_space<vmem>> -> memref<64xf32, #tpu.memory_space<vmem>>
      %dma_start3A_68 = arith.constant 0 : i32
      %dma_start3A_69 = tpu.memref_slice %arg3[%shift_right_arithmetic3A_57, %and3A_59, %dma_start3A_68] : memref<2048x8x64xf32, #tpu.memory_space<hbm>> -> memref<1x1x64xf32, #tpu.memory_space<hbm>>
      %dma_start3A_70 = tpu.memref_squeeze %dma_start3A_69 : memref<1x1x64xf32, #tpu.memory_space<hbm>> -> memref<64xf32, #tpu.memory_space<hbm>>
      %dma_start3A_71 = arith.constant 0 : i32
      %dma_start3A_72 = tpu.memref_slice %arg6[%add3A_63, %dma_start3A_64, %dma_start3A_71] : memref<64x8x64xf32, #tpu.memory_space<vmem>> -> memref<1x1x64xf32, #tpu.memory_space<vmem>>
      %dma_start3A_73 = tpu.memref_squeeze %dma_start3A_72 : memref<1x1x64xf32, #tpu.memory_space<vmem>> -> memref<64xf32, #tpu.memory_space<vmem>>
      %dma_start3A_74 = arith.constant 0 : i32
      %dma_start3A_75 = tpu.memref_slice %arg3[%shift_right_arithmetic3A_57, %and3A_59, %dma_start3A_74] : memref<2048x8x64xf32, #tpu.memory_space<hbm>> -> memref<1x1x64xf32, #tpu.memory_space<hbm>>
      %dma_start3A_76 = tpu.memref_squeeze %dma_start3A_75 : memref<1x1x64xf32, #tpu.memory_space<hbm>> -> memref<64xf32, #tpu.memory_space<hbm>>
      tpu.enqueue_dma source(%dma_start3A_76 : memref<64xf32, #tpu.memory_space<hbm>>) target(%dma_start3A_73 : memref<64xf32, #tpu.memory_space<vmem>>) target_semaphore(%arg7 : memref<!tpu.dma_semaphore, #tpu.memory_space<semaphore_mem>>)
      %slice3A_77 = vector.extract_strided_slice %get3A_34 {offsets = [2], sizes = [1], strides = [1]} : vector<16xi32> to vector<1xi32>
      %squeeze3A_78 = vector.extract %slice3A_77[0] : i32 from vector<1xi32>
      %shift_right_arithmetic3A_79 = arith.constant 3 : i32
      %shift_right_arithmetic3A_80 = arith.shrsi %squeeze3A_78, %shift_right_arithmetic3A_79 : i32
      %and3A_81 = arith.constant 7 : i32
      %and3A_82 = arith.andi %squeeze3A_78, %and3A_81 : i32
      %mul3A_83 = arith.constant 2 : i32
      %mul3A_84 = arith.muli %scan3A_30, %mul3A_83 : i32
      %add3A_85 = arith.constant 0 : i32
      %add3A_86 = arith.addi %mul3A_84, %add3A_85 : i32
      %dma_start3A_87 = arith.constant 2 : i32
      %dma_start3A_88 = arith.constant 0 : i32
      %dma_start3A_89 = tpu.memref_slice %arg6[%add3A_86, %dma_start3A_87, %dma_start3A_88] : memref<64x8x64xf32, #tpu.memory_space<vmem>> -> memref<1x1x64xf32, #tpu.memory_space<vmem>>
      %dma_start3A_90 = tpu.memref_squeeze %dma_start3A_89 : memref<1x1x64xf32, #tpu.memory_space<vmem>> -> memref<64xf32, #tpu.memory_space<vmem>>
      %dma_start3A_91 = arith.constant 0 : i32
      %dma_start3A_92 = tpu.memref_slice %arg3[%shift_right_arithmetic3A_80, %and3A_82, %dma_start3A_91] : memref<2048x8x64xf32, #tpu.memory_space<hbm>> -> memref<1x1x64xf32, #tpu.memory_space<hbm>>
      %dma_start3A_93 = tpu.memref_squeeze %dma_start3A_92 : memref<1x1x64xf32, #tpu.memory_space<hbm>> -> memref<64xf32, #tpu.memory_space<hbm>>
      %dma_start3A_94 = arith.constant 0 : i32
      %dma_start3A_95 = tpu.memref_slice %arg6[%add3A_86, %dma_start3A_87, %dma_start3A_94] : memref<64x8x64xf32, #tpu.memory_space<vmem>> -> memref<1x1x64xf32, #tpu.memory_space<vmem>>
      %dma_start3A_96 = tpu.memref_squeeze %dma_start3A_95 : memref<1x1x64xf32, #tpu.memory_space<vmem>> -> memref<64xf32, #tpu.memory_space<vmem>>
      %dma_start3A_97 = arith.constant 0 : i32
      %dma_start3A_98 = tpu.memref_slice %arg3[%shift_right_arithmetic3A_80, %and3A_82, %dma_start3A_97] : memref<2048x8x64xf32, #tpu.memory_space<hbm>> -> memref<1x1x64xf32, #tpu.memory_space<hbm>>
      %dma_start3A_99 = tpu.memref_squeeze %dma_start3A_98 : memref<1x1x64xf32, #tpu.memory_space<hbm>> -> memref<64xf32, #tpu.memory_space<hbm>>
      tpu.enqueue_dma source(%dma_start3A_99 : memref<64xf32, #tpu.memory_space<hbm>>) target(%dma_start3A_96 : memref<64xf32, #tpu.memory_space<vmem>>) target_semaphore(%arg7 : memref<!tpu.dma_semaphore, #tpu.memory_space<semaphore_mem>>)
      %slice3A_100 = vector.extract_strided_slice %get3A_34 {offsets = [3], sizes = [1], strides = [1]} : vector<16xi32> to vector<1xi32>
      %squeeze3A_101 = vector.extract %slice3A_100[0] : i32 from vector<1xi32>
      %shift_right_arithmetic3A_102 = arith.constant 3 : i32
      %shift_right_arithmetic3A_103 = arith.shrsi %squeeze3A_101, %shift_right_arithmetic3A_102 : i32
      %and3A_104 = arith.constant 7 : i32
      %and3A_105 = arith.andi %squeeze3A_101, %and3A_104 : i32
      %mul3A_106 = arith.constant 2 : i32
      %mul3A_107 = arith.muli %scan3A_30, %mul3A_106 : i32
      %add3A_108 = arith.constant 0 : i32
      %add3A_109 = arith.addi %mul3A_107, %add3A_108 : i32
      %dma_start3A_110 = arith.constant 3 : i32
      %dma_start3A_111 = arith.constant 0 : i32
      %dma_start3A_112 = tpu.memref_slice %arg6[%add3A_109, %dma_start3A_110, %dma_start3A_111] : memref<64x8x64xf32, #tpu.memory_space<vmem>> -> memref<1x1x64xf32, #tpu.memory_space<vmem>>
      %dma_start3A_113 = tpu.memref_squeeze %dma_start3A_112 : memref<1x1x64xf32, #tpu.memory_space<vmem>> -> memref<64xf32, #tpu.memory_space<vmem>>
      %dma_start3A_114 = arith.constant 0 : i32
      %dma_start3A_115 = tpu.memref_slice %arg3[%shift_right_arithmetic3A_103, %and3A_105, %dma_start3A_114] : memref<2048x8x64xf32, #tpu.memory_space<hbm>> -> memref<1x1x64xf32, #tpu.memory_space<hbm>>
      %dma_start3A_116 = tpu.memref_squeeze %dma_start3A_115 : memref<1x1x64xf32, #tpu.memory_space<hbm>> -> memref<64xf32, #tpu.memory_space<hbm>>
      %dma_start3A_117 = arith.constant 0 : i32
      %dma_start3A_118 = tpu.memref_slice %arg6[%add3A_109, %dma_start3A_110, %dma_start3A_117] : memref<64x8x64xf32, #tpu.memory_space<vmem>> -> memref<1x1x64xf32, #tpu.memory_space<vmem>>
      %dma_start3A_119 = tpu.memref_squeeze %dma_start3A_118 : memref<1x1x64xf32, #tpu.memory_space<vmem>> -> memref<64xf32, #tpu.memory_space<vmem>>
      %dma_start3A_120 = arith.constant 0 : i32
      %dma_start3A_121 = tpu.memref_slice %arg3[%shift_right_arithmetic3A_103, %and3A_105, %dma_start3A_120] : memref<2048x8x64xf32, #tpu.memory_space<hbm>> -> memref<1x1x64xf32, #tpu.memory_space<hbm>>
      %dma_start3A_122 = tpu.memref_squeeze %dma_start3A_121 : memref<1x1x64xf32, #tpu.memory_space<hbm>> -> memref<64xf32, #tpu.memory_space<hbm>>
      tpu.enqueue_dma source(%dma_start3A_122 : memref<64xf32, #tpu.memory_space<hbm>>) target(%dma_start3A_119 : memref<64xf32, #tpu.memory_space<vmem>>) target_semaphore(%arg7 : memref<!tpu.dma_semaphore, #tpu.memory_space<semaphore_mem>>)
      %slice3A_123 = vector.extract_strided_slice %get3A_34 {offsets = [4], sizes = [1], strides = [1]} : vector<16xi32> to vector<1xi32>
      %squeeze3A_124 = vector.extract %slice3A_123[0] : i32 from vector<1xi32>
      %shift_right_arithmetic3A_125 = arith.constant 3 : i32
      %shift_right_arithmetic3A_126 = arith.shrsi %squeeze3A_124, %shift_right_arithmetic3A_125 : i32
      %and3A_127 = arith.constant 7 : i32
      %and3A_128 = arith.andi %squeeze3A_124, %and3A_127 : i32
      %mul3A_129 = arith.constant 2 : i32
      %mul3A_130 = arith.muli %scan3A_30, %mul3A_129 : i32
      %add3A_131 = arith.constant 0 : i32
      %add3A_132 = arith.addi %mul3A_130, %add3A_131 : i32
      %dma_start3A_133 = arith.constant 4 : i32
      %dma_start3A_134 = arith.constant 0 : i32
      %dma_start3A_135 = tpu.memref_slice %arg6[%add3A_132, %dma_start3A_133, %dma_start3A_134] : memref<64x8x64xf32, #tpu.memory_space<vmem>> -> memref<1x1x64xf32, #tpu.memory_space<vmem>>
      %dma_start3A_136 = tpu.memref_squeeze %dma_start3A_135 : memref<1x1x64xf32, #tpu.memory_space<vmem>> -> memref<64xf32, #tpu.memory_space<vmem>>
      %dma_start3A_137 = arith.constant 0 : i32
      %dma_start3A_138 = tpu.memref_slice %arg3[%shift_right_arithmetic3A_126, %and3A_128, %dma_start3A_137] : memref<2048x8x64xf32, #tpu.memory_space<hbm>> -> memref<1x1x64xf32, #tpu.memory_space<hbm>>
      %dma_start3A_139 = tpu.memref_squeeze %dma_start3A_138 : memref<1x1x64xf32, #tpu.memory_space<hbm>> -> memref<64xf32, #tpu.memory_space<hbm>>
      %dma_start3A_140 = arith.constant 0 : i32
      %dma_start3A_141 = tpu.memref_slice %arg6[%add3A_132, %dma_start3A_133, %dma_start3A_140] : memref<64x8x64xf32, #tpu.memory_space<vmem>> -> memref<1x1x64xf32, #tpu.memory_space<vmem>>
      %dma_start3A_142 = tpu.memref_squeeze %dma_start3A_141 : memref<1x1x64xf32, #tpu.memory_space<vmem>> -> memref<64xf32, #tpu.memory_space<vmem>>
      %dma_start3A_143 = arith.constant 0 : i32
      %dma_start3A_144 = tpu.memref_slice %arg3[%shift_right_arithmetic3A_126, %and3A_128, %dma_start3A_143] : memref<2048x8x64xf32, #tpu.memory_space<hbm>> -> memref<1x1x64xf32, #tpu.memory_space<hbm>>
      %dma_start3A_145 = tpu.memref_squeeze %dma_start3A_144 : memref<1x1x64xf32, #tpu.memory_space<hbm>> -> memref<64xf32, #tpu.memory_space<hbm>>
      tpu.enqueue_dma source(%dma_start3A_145 : memref<64xf32, #tpu.memory_space<hbm>>) target(%dma_start3A_142 : memref<64xf32, #tpu.memory_space<vmem>>) target_semaphore(%arg7 : memref<!tpu.dma_semaphore, #tpu.memory_space<semaphore_mem>>)
      %slice3A_146 = vector.extract_strided_slice %get3A_34 {offsets = [5], sizes = [1], strides = [1]} : vector<16xi32> to vector<1xi32>
      %squeeze3A_147 = vector.extract %slice3A_146[0] : i32 from vector<1xi32>
      %shift_right_arithmetic3A_148 = arith.constant 3 : i32
      %shift_right_arithmetic3A_149 = arith.shrsi %squeeze3A_147, %shift_right_arithmetic3A_148 : i32
      %and3A_150 = arith.constant 7 : i32
      %and3A_151 = arith.andi %squeeze3A_147, %and3A_150 : i32
      %mul3A_152 = arith.constant 2 : i32
      %mul3A_153 = arith.muli %scan3A_30, %mul3A_152 : i32
      %add3A_154 = arith.constant 0 : i32
      %add3A_155 = arith.addi %mul3A_153, %add3A_154 : i32
      %dma_start3A_156 = arith.constant 5 : i32
      %dma_start3A_157 = arith.constant 0 : i32
      %dma_start3A_158 = tpu.memref_slice %arg6[%add3A_155, %dma_start3A_156, %dma_start3A_157] : memref<64x8x64xf32, #tpu.memory_space<vmem>> -> memref<1x1x64xf32, #tpu.memory_space<vmem>>
      %dma_start3A_159 = tpu.memref_squeeze %dma_start3A_158 : memref<1x1x64xf32, #tpu.memory_space<vmem>> -> memref<64xf32, #tpu.memory_space<vmem>>
      %dma_start3A_160 = arith.constant 0 : i32
      %dma_start3A_161 = tpu.memref_slice %arg3[%shift_right_arithmetic3A_149, %and3A_151, %dma_start3A_160] : memref<2048x8x64xf32, #tpu.memory_space<hbm>> -> memref<1x1x64xf32, #tpu.memory_space<hbm>>
      %dma_start3A_162 = tpu.memref_squeeze %dma_start3A_161 : memref<1x1x64xf32, #tpu.memory_space<hbm>> -> memref<64xf32, #tpu.memory_space<hbm>>
      %dma_start3A_163 = arith.constant 0 : i32
      %dma_start3A_164 = tpu.memref_slice %arg6[%add3A_155, %dma_start3A_156, %dma_start3A_163] : memref<64x8x64xf32, #tpu.memory_space<vmem>> -> memref<1x1x64xf32, #tpu.memory_space<vmem>>
      %dma_start3A_165 = tpu.memref_squeeze %dma_start3A_164 : memref<1x1x64xf32, #tpu.memory_space<vmem>> -> memref<64xf32, #tpu.memory_space<vmem>>
      %dma_start3A_166 = arith.constant 0 : i32
      %dma_start3A_167 = tpu.memref_slice %arg3[%shift_right_arithmetic3A_149, %and3A_151, %dma_start3A_166] : memref<2048x8x64xf32, #tpu.memory_space<hbm>> -> memref<1x1x64xf32, #tpu.memory_space<hbm>>
      %dma_start3A_168 = tpu.memref_squeeze %dma_start3A_167 : memref<1x1x64xf32, #tpu.memory_space<hbm>> -> memref<64xf32, #tpu.memory_space<hbm>>
      tpu.enqueue_dma source(%dma_start3A_168 : memref<64xf32, #tpu.memory_space<hbm>>) target(%dma_start3A_165 : memref<64xf32, #tpu.memory_space<vmem>>) target_semaphore(%arg7 : memref<!tpu.dma_semaphore, #tpu.memory_space<semaphore_mem>>)
      %slice3A_169 = vector.extract_strided_slice %get3A_34 {offsets = [6], sizes = [1], strides = [1]} : vector<16xi32> to vector<1xi32>
      %squeeze3A_170 = vector.extract %slice3A_169[0] : i32 from vector<1xi32>
      %shift_right_arithmetic3A_171 = arith.constant 3 : i32
      %shift_right_arithmetic3A_172 = arith.shrsi %squeeze3A_170, %shift_right_arithmetic3A_171 : i32
      %and3A_173 = arith.constant 7 : i32
      %and3A_174 = arith.andi %squeeze3A_170, %and3A_173 : i32
      %mul3A_175 = arith.constant 2 : i32
      %mul3A_176 = arith.muli %scan3A_30, %mul3A_175 : i32
      %add3A_177 = arith.constant 0 : i32
      %add3A_178 = arith.addi %mul3A_176, %add3A_177 : i32
      %dma_start3A_179 = arith.constant 6 : i32
      %dma_start3A_180 = arith.constant 0 : i32
      %dma_start3A_181 = tpu.memref_slice %arg6[%add3A_178, %dma_start3A_179, %dma_start3A_180] : memref<64x8x64xf32, #tpu.memory_space<vmem>> -> memref<1x1x64xf32, #tpu.memory_space<vmem>>
      %dma_start3A_182 = tpu.memref_squeeze %dma_start3A_181 : memref<1x1x64xf32, #tpu.memory_space<vmem>> -> memref<64xf32, #tpu.memory_space<vmem>>
      %dma_start3A_183 = arith.constant 0 : i32
      %dma_start3A_184 = tpu.memref_slice %arg3[%shift_right_arithmetic3A_172, %and3A_174, %dma_start3A_183] : memref<2048x8x64xf32, #tpu.memory_space<hbm>> -> memref<1x1x64xf32, #tpu.memory_space<hbm>>
      %dma_start3A_185 = tpu.memref_squeeze %dma_start3A_184 : memref<1x1x64xf32, #tpu.memory_space<hbm>> -> memref<64xf32, #tpu.memory_space<hbm>>
      %dma_start3A_186 = arith.constant 0 : i32
      %dma_start3A_187 = tpu.memref_slice %arg6[%add3A_178, %dma_start3A_179, %dma_start3A_186] : memref<64x8x64xf32, #tpu.memory_space<vmem>> -> memref<1x1x64xf32, #tpu.memory_space<vmem>>
      %dma_start3A_188 = tpu.memref_squeeze %dma_start3A_187 : memref<1x1x64xf32, #tpu.memory_space<vmem>> -> memref<64xf32, #tpu.memory_space<vmem>>
      %dma_start3A_189 = arith.constant 0 : i32
      %dma_start3A_190 = tpu.memref_slice %arg3[%shift_right_arithmetic3A_172, %and3A_174, %dma_start3A_189] : memref<2048x8x64xf32, #tpu.memory_space<hbm>> -> memref<1x1x64xf32, #tpu.memory_space<hbm>>
      %dma_start3A_191 = tpu.memref_squeeze %dma_start3A_190 : memref<1x1x64xf32, #tpu.memory_space<hbm>> -> memref<64xf32, #tpu.memory_space<hbm>>
      tpu.enqueue_dma source(%dma_start3A_191 : memref<64xf32, #tpu.memory_space<hbm>>) target(%dma_start3A_188 : memref<64xf32, #tpu.memory_space<vmem>>) target_semaphore(%arg7 : memref<!tpu.dma_semaphore, #tpu.memory_space<semaphore_mem>>)
      %slice3A_192 = vector.extract_strided_slice %get3A_34 {offsets = [7], sizes = [1], strides = [1]} : vector<16xi32> to vector<1xi32>
      %squeeze3A_193 = vector.extract %slice3A_192[0] : i32 from vector<1xi32>
      %shift_right_arithmetic3A_194 = arith.constant 3 : i32
      %shift_right_arithmetic3A_195 = arith.shrsi %squeeze3A_193, %shift_right_arithmetic3A_194 : i32
      %and3A_196 = arith.constant 7 : i32
      %and3A_197 = arith.andi %squeeze3A_193, %and3A_196 : i32
      %mul3A_198 = arith.constant 2 : i32
      %mul3A_199 = arith.muli %scan3A_30, %mul3A_198 : i32
      %add3A_200 = arith.constant 0 : i32
      %add3A_201 = arith.addi %mul3A_199, %add3A_200 : i32
      %dma_start3A_202 = arith.constant 7 : i32
      %dma_start3A_203 = arith.constant 0 : i32
      %dma_start3A_204 = tpu.memref_slice %arg6[%add3A_201, %dma_start3A_202, %dma_start3A_203] : memref<64x8x64xf32, #tpu.memory_space<vmem>> -> memref<1x1x64xf32, #tpu.memory_space<vmem>>
      %dma_start3A_205 = tpu.memref_squeeze %dma_start3A_204 : memref<1x1x64xf32, #tpu.memory_space<vmem>> -> memref<64xf32, #tpu.memory_space<vmem>>
      %dma_start3A_206 = arith.constant 0 : i32
      %dma_start3A_207 = tpu.memref_slice %arg3[%shift_right_arithmetic3A_195, %and3A_197, %dma_start3A_206] : memref<2048x8x64xf32, #tpu.memory_space<hbm>> -> memref<1x1x64xf32, #tpu.memory_space<hbm>>
      %dma_start3A_208 = tpu.memref_squeeze %dma_start3A_207 : memref<1x1x64xf32, #tpu.memory_space<hbm>> -> memref<64xf32, #tpu.memory_space<hbm>>
      %dma_start3A_209 = arith.constant 0 : i32
      %dma_start3A_210 = tpu.memref_slice %arg6[%add3A_201, %dma_start3A_202, %dma_start3A_209] : memref<64x8x64xf32, #tpu.memory_space<vmem>> -> memref<1x1x64xf32, #tpu.memory_space<vmem>>
      %dma_start3A_211 = tpu.memref_squeeze %dma_start3A_210 : memref<1x1x64xf32, #tpu.memory_space<vmem>> -> memref<64xf32, #tpu.memory_space<vmem>>
      %dma_start3A_212 = arith.constant 0 : i32
      %dma_start3A_213 = tpu.memref_slice %arg3[%shift_right_arithmetic3A_195, %and3A_197, %dma_start3A_212] : memref<2048x8x64xf32, #tpu.memory_space<hbm>> -> memref<1x1x64xf32, #tpu.memory_space<hbm>>
      %dma_start3A_214 = tpu.memref_squeeze %dma_start3A_213 : memref<1x1x64xf32, #tpu.memory_space<hbm>> -> memref<64xf32, #tpu.memory_space<hbm>>
      tpu.enqueue_dma source(%dma_start3A_214 : memref<64xf32, #tpu.memory_space<hbm>>) target(%dma_start3A_211 : memref<64xf32, #tpu.memory_space<vmem>>) target_semaphore(%arg7 : memref<!tpu.dma_semaphore, #tpu.memory_space<semaphore_mem>>)
      %slice3A_215 = vector.extract_strided_slice %get3A_34 {offsets = [8], sizes = [1], strides = [1]} : vector<16xi32> to vector<1xi32>
      %squeeze3A_216 = vector.extract %slice3A_215[0] : i32 from vector<1xi32>
      %shift_right_arithmetic3A_217 = arith.constant 3 : i32
      %shift_right_arithmetic3A_218 = arith.shrsi %squeeze3A_216, %shift_right_arithmetic3A_217 : i32
      %and3A_219 = arith.constant 7 : i32
      %and3A_220 = arith.andi %squeeze3A_216, %and3A_219 : i32
      %mul3A_221 = arith.constant 2 : i32
      %mul3A_222 = arith.muli %scan3A_30, %mul3A_221 : i32
      %add3A_223 = arith.constant 1 : i32
      %add3A_224 = arith.addi %mul3A_222, %add3A_223 : i32
      %dma_start3A_225 = arith.constant 0 : i32
      %dma_start3A_226 = arith.constant 0 : i32
      %dma_start3A_227 = tpu.memref_slice %arg6[%add3A_224, %dma_start3A_225, %dma_start3A_226] : memref<64x8x64xf32, #tpu.memory_space<vmem>> -> memref<1x1x64xf32, #tpu.memory_space<vmem>>
      %dma_start3A_228 = tpu.memref_squeeze %dma_start3A_227 : memref<1x1x64xf32, #tpu.memory_space<vmem>> -> memref<64xf32, #tpu.memory_space<vmem>>
      %dma_start3A_229 = arith.constant 0 : i32
      %dma_start3A_230 = tpu.memref_slice %arg3[%shift_right_arithmetic3A_218, %and3A_220, %dma_start3A_229] : memref<2048x8x64xf32, #tpu.memory_space<hbm>> -> memref<1x1x64xf32, #tpu.memory_space<hbm>>
      %dma_start3A_231 = tpu.memref_squeeze %dma_start3A_230 : memref<1x1x64xf32, #tpu.memory_space<hbm>> -> memref<64xf32, #tpu.memory_space<hbm>>
      %dma_start3A_232 = arith.constant 0 : i32
      %dma_start3A_233 = tpu.memref_slice %arg6[%add3A_224, %dma_start3A_225, %dma_start3A_232] : memref<64x8x64xf32, #tpu.memory_space<vmem>> -> memref<1x1x64xf32, #tpu.memory_space<vmem>>
      %dma_start3A_234 = tpu.memref_squeeze %dma_start3A_233 : memref<1x1x64xf32, #tpu.memory_space<vmem>> -> memref<64xf32, #tpu.memory_space<vmem>>
      %dma_start3A_235 = arith.constant 0 : i32
      %dma_start3A_236 = tpu.memref_slice %arg3[%shift_right_arithmetic3A_218, %and3A_220, %dma_start3A_235] : memref<2048x8x64xf32, #tpu.memory_space<hbm>> -> memref<1x1x64xf32, #tpu.memory_space<hbm>>
      %dma_start3A_237 = tpu.memref_squeeze %dma_start3A_236 : memref<1x1x64xf32, #tpu.memory_space<hbm>> -> memref<64xf32, #tpu.memory_space<hbm>>
      tpu.enqueue_dma source(%dma_start3A_237 : memref<64xf32, #tpu.memory_space<hbm>>) target(%dma_start3A_234 : memref<64xf32, #tpu.memory_space<vmem>>) target_semaphore(%arg7 : memref<!tpu.dma_semaphore, #tpu.memory_space<semaphore_mem>>)
      %slice3A_238 = vector.extract_strided_slice %get3A_34 {offsets = [9], sizes = [1], strides = [1]} : vector<16xi32> to vector<1xi32>
      %squeeze3A_239 = vector.extract %slice3A_238[0] : i32 from vector<1xi32>
      %shift_right_arithmetic3A_240 = arith.constant 3 : i32
      %shift_right_arithmetic3A_241 = arith.shrsi %squeeze3A_239, %shift_right_arithmetic3A_240 : i32
      %and3A_242 = arith.constant 7 : i32
      %and3A_243 = arith.andi %squeeze3A_239, %and3A_242 : i32
      %mul3A_244 = arith.constant 2 : i32
      %mul3A_245 = arith.muli %scan3A_30, %mul3A_244 : i32
      %add3A_246 = arith.constant 1 : i32
      %add3A_247 = arith.addi %mul3A_245, %add3A_246 : i32
      %dma_start3A_248 = arith.constant 1 : i32
      %dma_start3A_249 = arith.constant 0 : i32
      %dma_start3A_250 = tpu.memref_slice %arg6[%add3A_247, %dma_start3A_248, %dma_start3A_249] : memref<64x8x64xf32, #tpu.memory_space<vmem>> -> memref<1x1x64xf32, #tpu.memory_space<vmem>>
      %dma_start3A_251 = tpu.memref_squeeze %dma_start3A_250 : memref<1x1x64xf32, #tpu.memory_space<vmem>> -> memref<64xf32, #tpu.memory_space<vmem>>
      %dma_start3A_252 = arith.constant 0 : i32
      %dma_start3A_253 = tpu.memref_slice %arg3[%shift_right_arithmetic3A_241, %and3A_243, %dma_start3A_252] : memref<2048x8x64xf32, #tpu.memory_space<hbm>> -> memref<1x1x64xf32, #tpu.memory_space<hbm>>
      %dma_start3A_254 = tpu.memref_squeeze %dma_start3A_253 : memref<1x1x64xf32, #tpu.memory_space<hbm>> -> memref<64xf32, #tpu.memory_space<hbm>>
      %dma_start3A_255 = arith.constant 0 : i32
      %dma_start3A_256 = tpu.memref_slice %arg6[%add3A_247, %dma_start3A_248, %dma_start3A_255] : memref<64x8x64xf32, #tpu.memory_space<vmem>> -> memref<1x1x64xf32, #tpu.memory_space<vmem>>
      %dma_start3A_257 = tpu.memref_squeeze %dma_start3A_256 : memref<1x1x64xf32, #tpu.memory_space<vmem>> -> memref<64xf32, #tpu.memory_space<vmem>>
      %dma_start3A_258 = arith.constant 0 : i32
      %dma_start3A_259 = tpu.memref_slice %arg3[%shift_right_arithmetic3A_241, %and3A_243, %dma_start3A_258] : memref<2048x8x64xf32, #tpu.memory_space<hbm>> -> memref<1x1x64xf32, #tpu.memory_space<hbm>>
      %dma_start3A_260 = tpu.memref_squeeze %dma_start3A_259 : memref<1x1x64xf32, #tpu.memory_space<hbm>> -> memref<64xf32, #tpu.memory_space<hbm>>
      tpu.enqueue_dma source(%dma_start3A_260 : memref<64xf32, #tpu.memory_space<hbm>>) target(%dma_start3A_257 : memref<64xf32, #tpu.memory_space<vmem>>) target_semaphore(%arg7 : memref<!tpu.dma_semaphore, #tpu.memory_space<semaphore_mem>>)
      %slice3A_261 = vector.extract_strided_slice %get3A_34 {offsets = [10], sizes = [1], strides = [1]} : vector<16xi32> to vector<1xi32>
      %squeeze3A_262 = vector.extract %slice3A_261[0] : i32 from vector<1xi32>
      %shift_right_arithmetic3A_263 = arith.constant 3 : i32
      %shift_right_arithmetic3A_264 = arith.shrsi %squeeze3A_262, %shift_right_arithmetic3A_263 : i32
      %and3A_265 = arith.constant 7 : i32
      %and3A_266 = arith.andi %squeeze3A_262, %and3A_265 : i32
      %mul3A_267 = arith.constant 2 : i32
      %mul3A_268 = arith.muli %scan3A_30, %mul3A_267 : i32
      %add3A_269 = arith.constant 1 : i32
      %add3A_270 = arith.addi %mul3A_268, %add3A_269 : i32
      %dma_start3A_271 = arith.constant 2 : i32
      %dma_start3A_272 = arith.constant 0 : i32
      %dma_start3A_273 = tpu.memref_slice %arg6[%add3A_270, %dma_start3A_271, %dma_start3A_272] : memref<64x8x64xf32, #tpu.memory_space<vmem>> -> memref<1x1x64xf32, #tpu.memory_space<vmem>>
      %dma_start3A_274 = tpu.memref_squeeze %dma_start3A_273 : memref<1x1x64xf32, #tpu.memory_space<vmem>> -> memref<64xf32, #tpu.memory_space<vmem>>
      %dma_start3A_275 = arith.constant 0 : i32
      %dma_start3A_276 = tpu.memref_slice %arg3[%shift_right_arithmetic3A_264, %and3A_266, %dma_start3A_275] : memref<2048x8x64xf32, #tpu.memory_space<hbm>> -> memref<1x1x64xf32, #tpu.memory_space<hbm>>
      %dma_start3A_277 = tpu.memref_squeeze %dma_start3A_276 : memref<1x1x64xf32, #tpu.memory_space<hbm>> -> memref<64xf32, #tpu.memory_space<hbm>>
      %dma_start3A_278 = arith.constant 0 : i32
      %dma_start3A_279 = tpu.memref_slice %arg6[%add3A_270, %dma_start3A_271, %dma_start3A_278] : memref<64x8x64xf32, #tpu.memory_space<vmem>> -> memref<1x1x64xf32, #tpu.memory_space<vmem>>
      %dma_start3A_280 = tpu.memref_squeeze %dma_start3A_279 : memref<1x1x64xf32, #tpu.memory_space<vmem>> -> memref<64xf32, #tpu.memory_space<vmem>>
      %dma_start3A_281 = arith.constant 0 : i32
      %dma_start3A_282 = tpu.memref_slice %arg3[%shift_right_arithmetic3A_264, %and3A_266, %dma_start3A_281] : memref<2048x8x64xf32, #tpu.memory_space<hbm>> -> memref<1x1x64xf32, #tpu.memory_space<hbm>>
      %dma_start3A_283 = tpu.memref_squeeze %dma_start3A_282 : memref<1x1x64xf32, #tpu.memory_space<hbm>> -> memref<64xf32, #tpu.memory_space<hbm>>
      tpu.enqueue_dma source(%dma_start3A_283 : memref<64xf32, #tpu.memory_space<hbm>>) target(%dma_start3A_280 : memref<64xf32, #tpu.memory_space<vmem>>) target_semaphore(%arg7 : memref<!tpu.dma_semaphore, #tpu.memory_space<semaphore_mem>>)
      %slice3A_284 = vector.extract_strided_slice %get3A_34 {offsets = [11], sizes = [1], strides = [1]} : vector<16xi32> to vector<1xi32>
      %squeeze3A_285 = vector.extract %slice3A_284[0] : i32 from vector<1xi32>
      %shift_right_arithmetic3A_286 = arith.constant 3 : i32
      %shift_right_arithmetic3A_287 = arith.shrsi %squeeze3A_285, %shift_right_arithmetic3A_286 : i32
      %and3A_288 = arith.constant 7 : i32
      %and3A_289 = arith.andi %squeeze3A_285, %and3A_288 : i32
      %mul3A_290 = arith.constant 2 : i32
      %mul3A_291 = arith.muli %scan3A_30, %mul3A_290 : i32
      %add3A_292 = arith.constant 1 : i32
      %add3A_293 = arith.addi %mul3A_291, %add3A_292 : i32
      %dma_start3A_294 = arith.constant 3 : i32
      %dma_start3A_295 = arith.constant 0 : i32
      %dma_start3A_296 = tpu.memref_slice %arg6[%add3A_293, %dma_start3A_294, %dma_start3A_295] : memref<64x8x64xf32, #tpu.memory_space<vmem>> -> memref<1x1x64xf32, #tpu.memory_space<vmem>>
      %dma_start3A_297 = tpu.memref_squeeze %dma_start3A_296 : memref<1x1x64xf32, #tpu.memory_space<vmem>> -> memref<64xf32, #tpu.memory_space<vmem>>
      %dma_start3A_298 = arith.constant 0 : i32
      %dma_start3A_299 = tpu.memref_slice %arg3[%shift_right_arithmetic3A_287, %and3A_289, %dma_start3A_298] : memref<2048x8x64xf32, #tpu.memory_space<hbm>> -> memref<1x1x64xf32, #tpu.memory_space<hbm>>
      %dma_start3A_300 = tpu.memref_squeeze %dma_start3A_299 : memref<1x1x64xf32, #tpu.memory_space<hbm>> -> memref<64xf32, #tpu.memory_space<hbm>>
      %dma_start3A_301 = arith.constant 0 : i32
      %dma_start3A_302 = tpu.memref_slice %arg6[%add3A_293, %dma_start3A_294, %dma_start3A_301] : memref<64x8x64xf32, #tpu.memory_space<vmem>> -> memref<1x1x64xf32, #tpu.memory_space<vmem>>
      %dma_start3A_303 = tpu.memref_squeeze %dma_start3A_302 : memref<1x1x64xf32, #tpu.memory_space<vmem>> -> memref<64xf32, #tpu.memory_space<vmem>>
      %dma_start3A_304 = arith.constant 0 : i32
      %dma_start3A_305 = tpu.memref_slice %arg3[%shift_right_arithmetic3A_287, %and3A_289, %dma_start3A_304] : memref<2048x8x64xf32, #tpu.memory_space<hbm>> -> memref<1x1x64xf32, #tpu.memory_space<hbm>>
      %dma_start3A_306 = tpu.memref_squeeze %dma_start3A_305 : memref<1x1x64xf32, #tpu.memory_space<hbm>> -> memref<64xf32, #tpu.memory_space<hbm>>
      tpu.enqueue_dma source(%dma_start3A_306 : memref<64xf32, #tpu.memory_space<hbm>>) target(%dma_start3A_303 : memref<64xf32, #tpu.memory_space<vmem>>) target_semaphore(%arg7 : memref<!tpu.dma_semaphore, #tpu.memory_space<semaphore_mem>>)
      %slice3A_307 = vector.extract_strided_slice %get3A_34 {offsets = [12], sizes = [1], strides = [1]} : vector<16xi32> to vector<1xi32>
      %squeeze3A_308 = vector.extract %slice3A_307[0] : i32 from vector<1xi32>
      %shift_right_arithmetic3A_309 = arith.constant 3 : i32
      %shift_right_arithmetic3A_310 = arith.shrsi %squeeze3A_308, %shift_right_arithmetic3A_309 : i32
      %and3A_311 = arith.constant 7 : i32
      %and3A_312 = arith.andi %squeeze3A_308, %and3A_311 : i32
      %mul3A_313 = arith.constant 2 : i32
      %mul3A_314 = arith.muli %scan3A_30, %mul3A_313 : i32
      %add3A_315 = arith.constant 1 : i32
      %add3A_316 = arith.addi %mul3A_314, %add3A_315 : i32
      %dma_start3A_317 = arith.constant 4 : i32
      %dma_start3A_318 = arith.constant 0 : i32
      %dma_start3A_319 = tpu.memref_slice %arg6[%add3A_316, %dma_start3A_317, %dma_start3A_318] : memref<64x8x64xf32, #tpu.memory_space<vmem>> -> memref<1x1x64xf32, #tpu.memory_space<vmem>>
      %dma_start3A_320 = tpu.memref_squeeze %dma_start3A_319 : memref<1x1x64xf32, #tpu.memory_space<vmem>> -> memref<64xf32, #tpu.memory_space<vmem>>
      %dma_start3A_321 = arith.constant 0 : i32
      %dma_start3A_322 = tpu.memref_slice %arg3[%shift_right_arithmetic3A_310, %and3A_312, %dma_start3A_321] : memref<2048x8x64xf32, #tpu.memory_space<hbm>> -> memref<1x1x64xf32, #tpu.memory_space<hbm>>
      %dma_start3A_323 = tpu.memref_squeeze %dma_start3A_322 : memref<1x1x64xf32, #tpu.memory_space<hbm>> -> memref<64xf32, #tpu.memory_space<hbm>>
      %dma_start3A_324 = arith.constant 0 : i32
      %dma_start3A_325 = tpu.memref_slice %arg6[%add3A_316, %dma_start3A_317, %dma_start3A_324] : memref<64x8x64xf32, #tpu.memory_space<vmem>> -> memref<1x1x64xf32, #tpu.memory_space<vmem>>
      %dma_start3A_326 = tpu.memref_squeeze %dma_start3A_325 : memref<1x1x64xf32, #tpu.memory_space<vmem>> -> memref<64xf32, #tpu.memory_space<vmem>>
      %dma_start3A_327 = arith.constant 0 : i32
      %dma_start3A_328 = tpu.memref_slice %arg3[%shift_right_arithmetic3A_310, %and3A_312, %dma_start3A_327] : memref<2048x8x64xf32, #tpu.memory_space<hbm>> -> memref<1x1x64xf32, #tpu.memory_space<hbm>>
      %dma_start3A_329 = tpu.memref_squeeze %dma_start3A_328 : memref<1x1x64xf32, #tpu.memory_space<hbm>> -> memref<64xf32, #tpu.memory_space<hbm>>
      tpu.enqueue_dma source(%dma_start3A_329 : memref<64xf32, #tpu.memory_space<hbm>>) target(%dma_start3A_326 : memref<64xf32, #tpu.memory_space<vmem>>) target_semaphore(%arg7 : memref<!tpu.dma_semaphore, #tpu.memory_space<semaphore_mem>>)
      %slice3A_330 = vector.extract_strided_slice %get3A_34 {offsets = [13], sizes = [1], strides = [1]} : vector<16xi32> to vector<1xi32>
      %squeeze3A_331 = vector.extract %slice3A_330[0] : i32 from vector<1xi32>
      %shift_right_arithmetic3A_332 = arith.constant 3 : i32
      %shift_right_arithmetic3A_333 = arith.shrsi %squeeze3A_331, %shift_right_arithmetic3A_332 : i32
      %and3A_334 = arith.constant 7 : i32
      %and3A_335 = arith.andi %squeeze3A_331, %and3A_334 : i32
      %mul3A_336 = arith.constant 2 : i32
      %mul3A_337 = arith.muli %scan3A_30, %mul3A_336 : i32
      %add3A_338 = arith.constant 1 : i32
      %add3A_339 = arith.addi %mul3A_337, %add3A_338 : i32
      %dma_start3A_340 = arith.constant 5 : i32
      %dma_start3A_341 = arith.constant 0 : i32
      %dma_start3A_342 = tpu.memref_slice %arg6[%add3A_339, %dma_start3A_340, %dma_start3A_341] : memref<64x8x64xf32, #tpu.memory_space<vmem>> -> memref<1x1x64xf32, #tpu.memory_space<vmem>>
      %dma_start3A_343 = tpu.memref_squeeze %dma_start3A_342 : memref<1x1x64xf32, #tpu.memory_space<vmem>> -> memref<64xf32, #tpu.memory_space<vmem>>
      %dma_start3A_344 = arith.constant 0 : i32
      %dma_start3A_345 = tpu.memref_slice %arg3[%shift_right_arithmetic3A_333, %and3A_335, %dma_start3A_344] : memref<2048x8x64xf32, #tpu.memory_space<hbm>> -> memref<1x1x64xf32, #tpu.memory_space<hbm>>
      %dma_start3A_346 = tpu.memref_squeeze %dma_start3A_345 : memref<1x1x64xf32, #tpu.memory_space<hbm>> -> memref<64xf32, #tpu.memory_space<hbm>>
      %dma_start3A_347 = arith.constant 0 : i32
      %dma_start3A_348 = tpu.memref_slice %arg6[%add3A_339, %dma_start3A_340, %dma_start3A_347] : memref<64x8x64xf32, #tpu.memory_space<vmem>> -> memref<1x1x64xf32, #tpu.memory_space<vmem>>
      %dma_start3A_349 = tpu.memref_squeeze %dma_start3A_348 : memref<1x1x64xf32, #tpu.memory_space<vmem>> -> memref<64xf32, #tpu.memory_space<vmem>>
      %dma_start3A_350 = arith.constant 0 : i32
      %dma_start3A_351 = tpu.memref_slice %arg3[%shift_right_arithmetic3A_333, %and3A_335, %dma_start3A_350] : memref<2048x8x64xf32, #tpu.memory_space<hbm>> -> memref<1x1x64xf32, #tpu.memory_space<hbm>>
      %dma_start3A_352 = tpu.memref_squeeze %dma_start3A_351 : memref<1x1x64xf32, #tpu.memory_space<hbm>> -> memref<64xf32, #tpu.memory_space<hbm>>
      tpu.enqueue_dma source(%dma_start3A_352 : memref<64xf32, #tpu.memory_space<hbm>>) target(%dma_start3A_349 : memref<64xf32, #tpu.memory_space<vmem>>) target_semaphore(%arg7 : memref<!tpu.dma_semaphore, #tpu.memory_space<semaphore_mem>>)
      %slice3A_353 = vector.extract_strided_slice %get3A_34 {offsets = [14], sizes = [1], strides = [1]} : vector<16xi32> to vector<1xi32>
      %squeeze3A_354 = vector.extract %slice3A_353[0] : i32 from vector<1xi32>
      %shift_right_arithmetic3A_355 = arith.constant 3 : i32
      %shift_right_arithmetic3A_356 = arith.shrsi %squeeze3A_354, %shift_right_arithmetic3A_355 : i32
      %and3A_357 = arith.constant 7 : i32
      %and3A_358 = arith.andi %squeeze3A_354, %and3A_357 : i32
      %mul3A_359 = arith.constant 2 : i32
      %mul3A_360 = arith.muli %scan3A_30, %mul3A_359 : i32
      %add3A_361 = arith.constant 1 : i32
      %add3A_362 = arith.addi %mul3A_360, %add3A_361 : i32
      %dma_start3A_363 = arith.constant 6 : i32
      %dma_start3A_364 = arith.constant 0 : i32
      %dma_start3A_365 = tpu.memref_slice %arg6[%add3A_362, %dma_start3A_363, %dma_start3A_364] : memref<64x8x64xf32, #tpu.memory_space<vmem>> -> memref<1x1x64xf32, #tpu.memory_space<vmem>>
      %dma_start3A_366 = tpu.memref_squeeze %dma_start3A_365 : memref<1x1x64xf32, #tpu.memory_space<vmem>> -> memref<64xf32, #tpu.memory_space<vmem>>
      %dma_start3A_367 = arith.constant 0 : i32
      %dma_start3A_368 = tpu.memref_slice %arg3[%shift_right_arithmetic3A_356, %and3A_358, %dma_start3A_367] : memref<2048x8x64xf32, #tpu.memory_space<hbm>> -> memref<1x1x64xf32, #tpu.memory_space<hbm>>
      %dma_start3A_369 = tpu.memref_squeeze %dma_start3A_368 : memref<1x1x64xf32, #tpu.memory_space<hbm>> -> memref<64xf32, #tpu.memory_space<hbm>>
      %dma_start3A_370 = arith.constant 0 : i32
      %dma_start3A_371 = tpu.memref_slice %arg6[%add3A_362, %dma_start3A_363, %dma_start3A_370] : memref<64x8x64xf32, #tpu.memory_space<vmem>> -> memref<1x1x64xf32, #tpu.memory_space<vmem>>
      %dma_start3A_372 = tpu.memref_squeeze %dma_start3A_371 : memref<1x1x64xf32, #tpu.memory_space<vmem>> -> memref<64xf32, #tpu.memory_space<vmem>>
      %dma_start3A_373 = arith.constant 0 : i32
      %dma_start3A_374 = tpu.memref_slice %arg3[%shift_right_arithmetic3A_356, %and3A_358, %dma_start3A_373] : memref<2048x8x64xf32, #tpu.memory_space<hbm>> -> memref<1x1x64xf32, #tpu.memory_space<hbm>>
      %dma_start3A_375 = tpu.memref_squeeze %dma_start3A_374 : memref<1x1x64xf32, #tpu.memory_space<hbm>> -> memref<64xf32, #tpu.memory_space<hbm>>
      tpu.enqueue_dma source(%dma_start3A_375 : memref<64xf32, #tpu.memory_space<hbm>>) target(%dma_start3A_372 : memref<64xf32, #tpu.memory_space<vmem>>) target_semaphore(%arg7 : memref<!tpu.dma_semaphore, #tpu.memory_space<semaphore_mem>>)
      %slice3A_376 = vector.extract_strided_slice %get3A_34 {offsets = [15], sizes = [1], strides = [1]} : vector<16xi32> to vector<1xi32>
      %squeeze3A_377 = vector.extract %slice3A_376[0] : i32 from vector<1xi32>
      %shift_right_arithmetic3A_378 = arith.constant 3 : i32
      %shift_right_arithmetic3A_379 = arith.shrsi %squeeze3A_377, %shift_right_arithmetic3A_378 : i32
      %and3A_380 = arith.constant 7 : i32
      %and3A_381 = arith.andi %squeeze3A_377, %and3A_380 : i32
      %mul3A_382 = arith.constant 2 : i32
      %mul3A_383 = arith.muli %scan3A_30, %mul3A_382 : i32
      %add3A_384 = arith.constant 1 : i32
      %add3A_385 = arith.addi %mul3A_383, %add3A_384 : i32
      %dma_start3A_386 = arith.constant 7 : i32
      %dma_start3A_387 = arith.constant 0 : i32
      %dma_start3A_388 = tpu.memref_slice %arg6[%add3A_385, %dma_start3A_386, %dma_start3A_387] : memref<64x8x64xf32, #tpu.memory_space<vmem>> -> memref<1x1x64xf32, #tpu.memory_space<vmem>>
      %dma_start3A_389 = tpu.memref_squeeze %dma_start3A_388 : memref<1x1x64xf32, #tpu.memory_space<vmem>> -> memref<64xf32, #tpu.memory_space<vmem>>
      %dma_start3A_390 = arith.constant 0 : i32
      %dma_start3A_391 = tpu.memref_slice %arg3[%shift_right_arithmetic3A_379, %and3A_381, %dma_start3A_390] : memref<2048x8x64xf32, #tpu.memory_space<hbm>> -> memref<1x1x64xf32, #tpu.memory_space<hbm>>
      %dma_start3A_392 = tpu.memref_squeeze %dma_start3A_391 : memref<1x1x64xf32, #tpu.memory_space<hbm>> -> memref<64xf32, #tpu.memory_space<hbm>>
      %dma_start3A_393 = arith.constant 0 : i32
      %dma_start3A_394 = tpu.memref_slice %arg6[%add3A_385, %dma_start3A_386, %dma_start3A_393] : memref<64x8x64xf32, #tpu.memory_space<vmem>> -> memref<1x1x64xf32, #tpu.memory_space<vmem>>
      %dma_start3A_395 = tpu.memref_squeeze %dma_start3A_394 : memref<1x1x64xf32, #tpu.memory_space<vmem>> -> memref<64xf32, #tpu.memory_space<vmem>>
      %dma_start3A_396 = arith.constant 0 : i32
      %dma_start3A_397 = tpu.memref_slice %arg3[%shift_right_arithmetic3A_379, %and3A_381, %dma_start3A_396] : memref<2048x8x64xf32, #tpu.memory_space<hbm>> -> memref<1x1x64xf32, #tpu.memory_space<hbm>>
      %dma_start3A_398 = tpu.memref_squeeze %dma_start3A_397 : memref<1x1x64xf32, #tpu.memory_space<hbm>> -> memref<64xf32, #tpu.memory_space<hbm>>
      tpu.enqueue_dma source(%dma_start3A_398 : memref<64xf32, #tpu.memory_space<hbm>>) target(%dma_start3A_395 : memref<64xf32, #tpu.memory_space<vmem>>) target_semaphore(%arg7 : memref<!tpu.dma_semaphore, #tpu.memory_space<semaphore_mem>>)
    }
    %scan3A_7 = arith.constant 32 : i32
    %scan3A_8 = arith.constant 0 : i32
    %scan3A_9 = arith.constant 0 : i32
    %scan3A_10 = arith.constant 512 : i32
    %scan3A_11 = arith.addi %scan3A_9, %scan3A_10 : i32
    %scan3A_12 = arith.constant 1 : i32
    scf.for %scan3A_30 = %scan3A_9 to %scan3A_11 step %scan3A_12  : i32 {
      %jit3A_31 = arith.constant 8 : i32
      %div3A_32 = arith.divsi %scan3A_30, %jit3A_31 : i32
      %sign3A_33 = arith.constant 0 : i32
      %sign3A_34 = arith.cmpi sgt, %scan3A_30, %sign3A_33 : i32
      %sign3A_35 = arith.extui %sign3A_34 : i1 to i32
      %sign3A_36 = arith.constant 0 : i32
      %sign3A_37 = arith.cmpi slt, %scan3A_30, %sign3A_36 : i32
      %sign3A_38 = arith.extui %sign3A_37 : i1 to i32
      %sign3A_39 = arith.subi %sign3A_35, %sign3A_38 : i32
      %sign3A_40 = arith.constant 0 : i32
      %sign3A_41 = arith.cmpi sgt, %jit3A_31, %sign3A_40 : i32
      %sign3A_42 = arith.extui %sign3A_41 : i1 to i32
      %sign3A_43 = arith.constant 0 : i32
      %sign3A_44 = arith.cmpi slt, %jit3A_31, %sign3A_43 : i32
      %sign3A_45 = arith.extui %sign3A_44 : i1 to i32
      %sign3A_46 = arith.subi %sign3A_42, %sign3A_45 : i32
      %ne3A_47 = arith.cmpi ne, %sign3A_39, %sign3A_46 : i32
      %rem3A_48 = arith.remsi %scan3A_30, %jit3A_31 : i32
      %ne3A_49 = arith.constant 0 : i32
      %ne3A_50 = arith.cmpi ne, %rem3A_48, %ne3A_49 : i32
      %and3A_51 = arith.andi %ne3A_47, %ne3A_50 : i1
      %sub3A_52 = arith.constant 1 : i32
      %sub3A_53 = arith.subi %div3A_32, %sub3A_52 : i32
      %select_n3A_54 = arith.select %and3A_51, %sub3A_53, %div3A_32 : i32
      %jit3A_55 = arith.constant 8 : i32
      %eq3A = arith.constant 0 : i32
      %eq3A_56 = arith.cmpi eq, %jit3A_55, %eq3A : i32
      %jit3A_57 = arith.constant 1 : i32
      %select_n3A_58 = arith.select %eq3A_56, %jit3A_57, %jit3A_55 : i32
      %rem3A_59 = arith.remsi %scan3A_30, %select_n3A_58 : i32
      %ne3A_60 = arith.constant 0 : i32
      %ne3A_61 = arith.cmpi ne, %rem3A_59, %ne3A_60 : i32
      %lt3A = arith.constant 0 : i32
      %lt3A_62 = arith.cmpi slt, %rem3A_59, %lt3A : i32
      %lt3A_63 = arith.constant 0 : i32
      %lt3A_64 = arith.cmpi slt, %select_n3A_58, %lt3A_63 : i32
      %ne3A_65 = arith.xori %lt3A_62, %lt3A_64 : i1
      %and3A_66 = arith.andi %ne3A_65, %ne3A_61 : i1
      %add3A_67 = arith.addi %rem3A_59, %select_n3A_58 : i32
      %select_n3A_68 = arith.select %and3A_66, %add3A_67, %rem3A_59 : i32
      %dma_wait3A = arith.constant 0 : i32
      %dma_wait3A_69 = arith.constant 0 : i32
      %dma_wait3A_70 = arith.constant 0 : i32
      %dma_wait3A_71 = tpu.memref_slice %arg6[%select_n3A_54, %select_n3A_68, %dma_wait3A_70] : memref<64x8x64xf32, #tpu.memory_space<vmem>> -> memref<1x1x64xf32, #tpu.memory_space<vmem>>
      %dma_wait3A_72 = tpu.memref_squeeze %dma_wait3A_71 : memref<1x1x64xf32, #tpu.memory_space<vmem>> -> memref<64xf32, #tpu.memory_space<vmem>>
      %dma_wait3A_73 = arith.constant 0 : i32
      %dma_wait3A_74 = tpu.memref_slice %arg3[%dma_wait3A, %dma_wait3A_69, %dma_wait3A_73] : memref<2048x8x64xf32, #tpu.memory_space<hbm>> -> memref<1x1x64xf32, #tpu.memory_space<hbm>>
      %dma_wait3A_75 = tpu.memref_squeeze %dma_wait3A_74 : memref<1x1x64xf32, #tpu.memory_space<hbm>> -> memref<64xf32, #tpu.memory_space<hbm>>
      %dma_wait3A_76 = arith.constant 0 : i32
      %dma_wait3A_77 = tpu.memref_slice %arg6[%select_n3A_54, %select_n3A_68, %dma_wait3A_76] : memref<64x8x64xf32, #tpu.memory_space<vmem>> -> memref<1x1x64xf32, #tpu.memory_space<vmem>>
      %dma_wait3A_78 = tpu.memref_squeeze %dma_wait3A_77 : memref<1x1x64xf32, #tpu.memory_space<vmem>> -> memref<64xf32, #tpu.memory_space<vmem>>
      %dma_wait3A_79 = arith.constant 0 : i32
      %dma_wait3A_80 = tpu.memref_slice %arg3[%dma_wait3A, %dma_wait3A_69, %dma_wait3A_79] : memref<2048x8x64xf32, #tpu.memory_space<hbm>> -> memref<1x1x64xf32, #tpu.memory_space<hbm>>
      %dma_wait3A_81 = tpu.memref_squeeze %dma_wait3A_80 : memref<1x1x64xf32, #tpu.memory_space<hbm>> -> memref<64xf32, #tpu.memory_space<hbm>>
      tpu.wait_dma2 semaphore(%arg7 : memref<!tpu.dma_semaphore, #tpu.memory_space<semaphore_mem>>) src(%dma_wait3A_81 : memref<64xf32, #tpu.memory_space<hbm>>) dst(%dma_wait3A_78 : memref<64xf32, #tpu.memory_space<vmem>>)
    }
    %scan3A_13 = arith.constant 512 : i32
    %jit3A = arith.constant 8 : i32
    %div3A = arith.divsi %mul3A_2, %jit3A : i32
    %sign3A = arith.constant 0 : i32
    %sign3A_14 = arith.cmpi sgt, %mul3A_2, %sign3A : i32
    %sign3A_15 = arith.extui %sign3A_14 : i1 to i32
    %sign3A_16 = arith.constant 0 : i32
    %sign3A_17 = arith.cmpi slt, %mul3A_2, %sign3A_16 : i32
    %sign3A_18 = arith.extui %sign3A_17 : i1 to i32
    %sign3A_19 = arith.subi %sign3A_15, %sign3A_18 : i32
    %sign3A_20 = arith.constant 0 : i32
    %sign3A_21 = arith.cmpi sgt, %jit3A, %sign3A_20 : i32
    %sign3A_22 = arith.extui %sign3A_21 : i1 to i32
    %sign3A_23 = arith.constant 0 : i32
    %sign3A_24 = arith.cmpi slt, %jit3A, %sign3A_23 : i32
    %sign3A_25 = arith.extui %sign3A_24 : i1 to i32
    %sign3A_26 = arith.subi %sign3A_22, %sign3A_25 : i32
    %ne3A = arith.cmpi ne, %sign3A_19, %sign3A_26 : i32
    %rem3A = arith.remsi %mul3A_2, %jit3A : i32
    %ne3A_27 = arith.constant 0 : i32
    %ne3A_28 = arith.cmpi ne, %rem3A, %ne3A_27 : i32
    %and3A = arith.andi %ne3A, %ne3A_28 : i1
    %sub3A = arith.constant 1 : i32
    %sub3A_29 = arith.subi %div3A, %sub3A : i32
    %select_n3A = arith.select %and3A, %sub3A_29, %div3A : i32
    "tpu.region"() ({
      %run_scoped3A = tpu.sem_alloc : memref<!tpu.dma_semaphore, #tpu.memory_space<semaphore_mem>>
      %dma_start3A = arith.constant 0 : i32
      %dma_start3A_30 = arith.constant 0 : i32
      %dma_start3A_31 = tpu.memref_slice %arg4[%select_n3A, %dma_start3A, %dma_start3A_30] : memref<2048x8x64xf32, #tpu.memory_space<hbm>> -> memref<64x8x64xf32, #tpu.memory_space<hbm>>
      %dma_start3A_32 = arith.constant 0 : i32
      %dma_start3A_33 = arith.constant 0 : i32
      %dma_start3A_34 = tpu.memref_slice %arg4[%select_n3A, %dma_start3A_32, %dma_start3A_33] : memref<2048x8x64xf32, #tpu.memory_space<hbm>> -> memref<64x8x64xf32, #tpu.memory_space<hbm>>
      tpu.enqueue_dma source(%arg6 : memref<64x8x64xf32, #tpu.memory_space<vmem>>) target(%dma_start3A_34 : memref<64x8x64xf32, #tpu.memory_space<hbm>>) target_semaphore(%run_scoped3A : memref<!tpu.dma_semaphore, #tpu.memory_space<semaphore_mem>>)
      %dma_wait3A = arith.constant 0 : i32
      %dma_wait3A_35 = arith.constant 0 : i32
      %dma_wait3A_36 = tpu.memref_slice %arg4[%select_n3A, %dma_wait3A, %dma_wait3A_35] : memref<2048x8x64xf32, #tpu.memory_space<hbm>> -> memref<64x8x64xf32, #tpu.memory_space<hbm>>
      %dma_wait3A_37 = arith.constant 0 : i32
      %dma_wait3A_38 = arith.constant 0 : i32
      %dma_wait3A_39 = tpu.memref_slice %arg4[%select_n3A, %dma_wait3A_37, %dma_wait3A_38] : memref<2048x8x64xf32, #tpu.memory_space<hbm>> -> memref<64x8x64xf32, #tpu.memory_space<hbm>>
      tpu.wait_dma2 semaphore(%run_scoped3A : memref<!tpu.dma_semaphore, #tpu.memory_space<semaphore_mem>>) src(%arg6 : memref<64x8x64xf32, #tpu.memory_space<vmem>>) dst(%dma_wait3A_39 : memref<64x8x64xf32, #tpu.memory_space<hbm>>)
      tpu.yield
    }) : () -> ()
    return
  }
}

</mosaic_0001>

<sc_bundles>
// kernel: kernel.4.cloned.1.call-start
scs
__scs_entry_jumppad:
0x0: {  	(pc) =	sbr.rel $0x88, $3  }
0x1: {  	(tag) =	ssettag $0x0;
	lr =	simm.s32 $0x1  }
0x2: {  	[smem:$0x3F9F] =	sst lr;
	_ =	strace $0xD0000000  }
0x3: {  	_ = 	snop  }
0x4: {  	_ = 	snop  }
0x5: {  	_ = 	snop  }
0x6: {  	_ = 	snop  }
0x7: {  	_ = 	snop  }
__scs_overlays_trampoline_lowered:
0x8: {  	[smem:$0x3FAE] =	sst s0  }
0x9: {  	[smem:$0x3FAF] =	sst s1  }
0xa: {  	[smem:$0x3FB0] =	sst s2  }
0xb: {  	[smem:$0x3FB1] =	sst s3  }
0xc: {  	[smem:$0x3FB2] =	sst s4  }
0xd: {  	[smem:$0x3FB3] =	sst s5  }
0xe: {  	[smem:$0x3FB4] =	sst s6  }
0xf: {  	[smem:$0x3FB5] =	sst s7  }
0x10: {  	[smem:$0x3FB6] =	sst s8  }
0x11: {  	[smem:$0x3FB7] =	sst s9;
	s0 =	simm.s32 @!p0 $0x0  }
0x12: {  	s1 =	sld [smem:$0x3F9D];
	s0 =	simm.s32 @p0 $0x1  }
0x13: {  	[smem:$0x3FB8] =	sst s0;
	s0 =	simm.s32 @!p1 $0x0  }
0x14: {  	s2 =	sld [smem:$0x3F9C];
	s0 =	simm.s32 @p1 $0x1  }
0x15: {  	[smem:$0x3FB9] =	sst s0;
	s0 =	simm.s32 @!p2 $0x0  }
0x16: {  	s3 =	sld [smem:$0x3FDB];
	s0 =	simm.s32 @p2 $0x1  }
0x17: {  	s4 =	simm.s32 $0x1BF5;
	[smem:$0x3FBB] =	sst s0  }
0x18: {  	s0 =	sld [smem:$0x3F9E];
	_ =	swait.ge [sflag:s4], $0x0  }
0x19: {  	s7 =	sld [smem:$0x3F9F]  }
0x1a: {  	s8 =	sadd.s32 $0xFFFFE003, lr  }
0x1b: {  	s9 =	sadd.s32 $0xFFFFFEF7, lr;
	s5 =	simm.s32 $0xFFFFFFFF;
	p2 =	slt.u32 s8, $0xFFFFF086  }
0x1c: {  	p1 =	slt.u32 s9, $0xF7A;
	s5 =	simm.s32 @!p2 $0x0  }
0x1d: {  	s5 =	simm.s32 @p1 $0x1;
	p0 =	seq.s32 s7, s2  }
0x1e: {  	s7 =	smul.u32 @!p0 $0xF7A, s2;
	p2 =	seq.s32 @!p0 s5, $0x0  }
0x1f: {  	s9 =	smul.u32 $0xF7A, s1;
	s8 =	simm.s32 @!p0 $0x1BF5;
	p2 =	por !p2, p0  }
0x20: {  	[sflag:s8] =	ssyncset.s32 @!p0 $0xFFFFF086;
	s6 =	sadd.s32 @!p0 s3, s7;
	s7 =	simm.s32 @!p0 $0x108  }
0x21: {  	s3 =	sadd.s32 s3, s9;
	s6 =	sadd.s32 @!p0 $0x88, s6;
	s7 =	simm.s32 @p2 $0x1082  }
0x22: {  	[simem:s7], [sflag:s8] =	dma.local @!p0 [hbm:s6], $0xF7A  }
0x23: {  	s9 =	sor.u32 $0xD0000000, s2;
	s6 =	simm.s32 $0x108;
	_ =	swait.ge @!p0 [sflag:s8], $0x0  }
0x24: {  	s3 =	sadd.s32 $0x88, s3;
	s6 =	simm.s32 @!p1 $0x1082;
	[sflag:s4] =	ssyncset.s32 $0xFFFFF086  }
0x25: {  	[simem:s6], [sflag:s4] =	dma.local [hbm:s3], $0xF7A  }
0x26: {  	[smem:$0x3F9F] =	sst s1;
	(tag) =	ssettag s2;
	_ =	strace s9  }
0x27: {  	s1 =	sld [smem:$0x3FAF]  }
0x28: {  	s2 =	sld [smem:$0x3FB0]  }
0x29: {  	s4 =	sld [smem:$0x3FB2]  }
0x2a: {  	p0 =	seq.s32 s5, $0x0;
	s5 =	sld [smem:$0x3FB3]  }
0x2b: {  	s6 =	sld [smem:$0x3FB4]  }
0x2c: {  	s7 =	sld [smem:$0x3FB5]  }
0x2d: {  	s3 =	simm.s32 $0x108;
	s8 =	sld [smem:$0x3FB6]  }
0x2e: {  	s3 =	simm.s32 @!p0 $0x1082;
	s9 =	sld [smem:$0x3FB7]  }
0x2f: {  	lr =	sadd.s32 s0, s3;
	s0 =	sld [smem:$0x3FAE]  }
0x30: {  	s3 =	sld [smem:$0x3FB1]  }
0x31: {  	[smem:$0x3FBA] =	sst s10  }
0x32: {  	s10 =	sld [smem:$0x3FB8];
	_ =	sdelay $0x3  }
0x33: {  	p0 =	seq.s32 s10, $0x1;
	s10 =	sld [smem:$0x3FBA];
	_ =	sdelay $0x3  }
0x34: {  	[smem:$0x3FBA] =	sst s10  }
0x35: {  	s10 =	sld [smem:$0x3FB9];
	_ =	sdelay $0x3  }
0x36: {  	p1 =	seq.s32 s10, $0x1;
	s10 =	sld [smem:$0x3FBA];
	_ =	sdelay $0x3  }
0x37: {  	[smem:$0x3FBA] =	sst s10  }
0x38: {  	s10 =	sld [smem:$0x3FBB]  }
0x39: {  	_ = 	snop;
	(pc) =	sbr.ind lr, $3  }
0x3a: {  	_ = 	snop  }
0x3b: {  	_ = 	snop  }
0x3c: {  	p2 =	seq.s32 s10, $0x1;
	s10 =	sld [smem:$0x3FBA]  }
0x3d: {  	_ =	shalt  }
0x3e: {  	_ =	shalt  }
0x3f: {  	_ =	shalt  }
0x40: {  	_ =	shalt  }
0x41: {  	_ =	shalt  }
0x42: {  	_ =	shalt  }
0x43: {  	_ =	shalt  }
0x44: {  	_ =	shalt  }
0x45: {  	_ =	shalt  }
0x46: {  	_ =	shalt  }
0x47: {  	_ =	shalt  }
0x48: {  	_ =	shalt  }
0x49: {  	_ =	shalt  }
0x4a: {  	_ =	shalt  }
0x4b: {  	_ =	shalt  }
0x4c: {  	_ =	shalt  }
0x4d: {  	_ =	shalt  }
0x4e: {  	_ =	shalt  }
0x4f: {  	_ =	shalt  }
0x50: {  	_ =	shalt  }
0x51: {  	_ =	shalt  }
0x52: {  	_ =	shalt  }
0x53: {  	_ =	shalt  }
0x54: {  	_ =	shalt  }
0x55: {  	_ =	shalt  }
0x56: {  	_ =	shalt  }
0x57: {  	_ =	shalt  }
0x58: {  	_ =	shalt  }
0x59: {  	_ =	shalt  }
0x5a: {  	_ =	shalt  }
0x5b: {  	_ =	shalt  }
0x5c: {  	_ =	shalt  }
0x5d: {  	_ =	shalt  }
0x5e: {  	_ =	shalt  }
0x5f: {  	_ =	shalt  }
0x60: {  	_ =	shalt  }
0x61: {  	_ =	shalt  }
0x62: {  	_ =	shalt  }
0x63: {  	_ =	shalt  }
0x64: {  	_ =	shalt  }
0x65: {  	_ =	shalt  }
0x66: {  	_ =	shalt  }
0x67: {  	_ =	shalt  }
0x68: {  	_ =	shalt  }
0x69: {  	_ =	shalt  }
0x6a: {  	_ =	shalt  }
0x6b: {  	_ =	shalt  }
0x6c: {  	_ =	shalt  }
0x6d: {  	_ =	shalt  }
0x6e: {  	_ =	shalt  }
0x6f: {  	_ =	shalt  }
0x70: {  	_ =	shalt  }
0x71: {  	_ =	shalt  }
0x72: {  	_ =	shalt  }
0x73: {  	_ =	shalt  }
0x74: {  	_ =	shalt  }
0x75: {  	_ =	shalt  }
0x76: {  	_ =	shalt  }
0x77: {  	_ =	shalt  }
0x78: {  	_ =	shalt  }
0x79: {  	_ =	shalt  }
0x7a: {  	_ =	shalt  }
0x7b: {  	_ =	shalt  }
0x7c: {  	_ =	shalt  }
0x7d: {  	_ =	shalt  }
0x7e: {  	_ =	shalt  }
0x7f: {  	_ =	shalt  }
0x80: {  	_ =	shalt  }
0x81: {  	_ =	shalt  }
0x82: {  	_ =	shalt  }
0x83: {  	_ =	shalt  }
0x84: {  	_ =	shalt  }
0x85: {  	_ =	shalt  }
0x86: {  	_ =	shalt  }
0x87: {  	_ =	shalt  }
.Lfunc_end0:
.L_simem_size_0:
called_computation_lowered:
.L_overlay_start_0:
0x88: {  	s2 =	sld [smem:$0x3FD9]  }
0x89: {  	s3 =	sld [smem:$0x3FFE];
	_ =	sdelay $0x1  }
0x8a: {  	s1 =	srdreg.scid  }
0x8b: {  	s0 =	sand.u32 $0x1, s1  }
0x8c: {  	s17 =	sshll.u32 s0, $0xA;
	s2 =	sadd.s32 s3, s2  }
0x8d: {  	s2 =	sadd.s32 s2, s17  }
0x8e: {  	[smem:$0x3FC6] =	sst s2  }
0x8f: {  	_ = 	snop  }
0x90: {  	s2 =	sld [smem:$0x3FC8]  }
0x91: {  	s18 =	sld [smem:$0x3FD0];
	(tm) =	ssettm $0x1  }
0x92: {  	s4 =	sld [smem:$0x3FFB];
	_ =	sdelay $0x3  }
0x93: {  	_ =	strace s4  }
0x94: {  	s4 =	sld [smem:$0x3FFC];
	_ =	sdelay $0x3  }
0x95: {  	_ =	strace s4  }
0x96: {  	s4 =	sld [smem:$0x3FFD];
	_ =	sdelay $0x3  }
0x97: {  	_ =	strace s4  }
0x98: {  	_ =	strace $0x8FFFFFFF  }
0x99: {  	s19 =	sld [smem:$0x3FDB];
	_ =	sdelay $0x1  }
0x9a: {  	s5 =	simm.s32 $_scs_section_size  }
0x9b: {  	s6 =	simm.s32 $_size__tile_overlayer_lowered;
	s7 =	simm.s32 $_tile_overlayer_lowered  }
0x9c: {  	s22 =	simm.s32 $0x1BFF;
	s21 =	sshll.u32 s7, $0x1;
	s4 =	sadd.s32 s5, s19  }
0x9d: {  	s8 =	simm.s32 $0x0;
	s20 =	sshll.u32 s6, $0x1;
	s6 =	sadd.s32 s21, s4  }
0x9e: {  	[timem:s8], [sflag:s22] =	dma.local [hbm:s6], s20  }
0x9f: {  	_ =	swait.ge [sflag:s22], s20  }
0xa0: {  	s5 =	ssub.s32 $0x0, s20;
	[sflag:s22] =	ssyncset.done $0x0  }
0xa1: {  	[sflag:s22] =	ssyncadd.s32 s5;
	_ =	sdelay $0x1  }
0xa2: {  	s23 =	simm.s32 $0x1B8B  }
0xa3: {  	_ =	swait.ge [sflag:s23], $0x1  }
0xa4: {  	[sflag:s23] =	ssyncset.done $0x0  }
0xa5: {  	s25 =	simm.s32 $0x1B8E;
	s24 =	sld [smem:$0x3FFE];
	[sflag:s23] =	ssyncadd.s32 $0xFFFFFFFF  }
0xa6: {  	s26 =	simm.s32 $execute0_lowered;
	[smem:$0x3FD2] =	sst s25  }
0xa7: {  	s6 =	sshll.u32 s26, $0x1;
	_ =	strace $0x80000046;
	[dreg:$0x1] =	wrdreg $0xFFFFFFFF  }
0xa8: {  	s28 =	simm.s32 $_size_execute0_lowered;
	s4 =	sadd.s32 s4, s6;
	[dreg:$0x0] =	wrdreg $0x0  }
0xa9: {  	s6 =	sshll.u32 s28, $0x1;
	[dreg:$0x2] =	wrdreg s4  }
0xaa: {  	[dreg:$0x3] =	wrdreg s6  }
0xab: {  	[dreg:$0x4] =	wrdreg $0xC0  }
0xac: {  	_ =	task [dreg:s8], $0x5FFFF  }
0xad: {  	[dreg:$0x1] =	wrdreg $0xFFFFFFFF  }
0xae: {  	[dreg:$0x0] =	wrdreg $0x60  }
0xaf: {  	[dreg:$0x2] =	wrdreg s18  }
0xb0: {  	[dreg:$0x3] =	wrdreg s2  }
0xb1: {  	[dreg:$0x4] =	wrdreg s24  }
0xb2: {  	[dreg:$0x5] =	wrdreg $0x9  }
0xb3: {  	_ =	task.clear_ibuf [dreg:s8], $0x6FFFF;
	_ =	strace $0x90000046  }
0xb4: {  	s29 =	simm.s32 $0x9;
	_ =	strace $0x80000048  }
0xb5: {  	_ =	swait.ge [sflag:s29], $0x1  }
0xb6: {  	[sflag:s29] =	ssyncadd.s32 $0xFFFFFFFF  }
0xb7: {  	_ =	strace $0x90000048  }
0xb8: {  	_ =	sfence  }
0xb9: {  	s30 =	sld [smem:$0x0];
	_ =	sdelay $0x2  }
0xba: {  	s31 =	sshll.u32 s1, $0xD;
	s1 =	sshrl.u32 s1, $0x2  }
0xbb: {  	s3 =	sand.u32 $0x4000, s31;
	s1 =	sadd.s32 s1, s30  }
0xbc: {  	s0 =	sor.u32 s3, s0;
	s1 =	sshll.u32 s1, $0x11  }
0xbd: {  	s0 =	sor.u32 s1, s0  }
0xbe: {  	s0 =	sadd.s32 $0x8F2B, s0  }
0xbf: {  	[sflag:s0] =	ssyncadd.remote.s32 $0x1  }
0xc0: {  	_ =	sfence.sel $0xFFFF  }
0xc1: {  	[dreg:$0x0] =	wrdreg $0xFFFFFFFF;
	(pc) =	sbr.abs _section_cstart, $3  }
0xc2: {  	[dreg:$0x1] =	wrdreg $0xFFFFFFFF  }
0xc3: {  	_ =	task.clear_ibuf [dreg:s8], $0x2FFFF;
	_ =	strace $0x9FFFFFFF  }
0xc4: {  	(tm) =	ssettm $0x7FFFFFFF  }
0xc5: {  	_ =	shalt  }
tec
execute0_lowered:
.L_overlay_start_1:
0x0: {  	(tag) =	ssettag $0x1  }
0x1: {  	s0 =	rddreg [dreg:$0x0]  }
0x2: {  	s1 =	rddreg [dreg:$0x1]  }
0x3: {  	s2 =	rddreg [dreg:$0x2]  }
0x4: {  	s3 =	srdreg.scid;
	s7 =	simm.s32 $0x0;
	s4 =	stileid.u32  }
0x5: {  	s10 =	simm.s32 $0x4280;
	s13 =	simm.s32 $0x2280;
	s14 =	simm.s32 $0x7  }
0x6: {  	s15 =	simm.s32 $0xC280;
	s16 =	simm.s32 $0x6;
	s17 =	simm.s32 $0xA280  }
0x7: {  	s18 =	simm.s32 $0x5;
	s19 =	simm.s32 $0x8280;
	s20 =	simm.s32 $0x4  }
0x8: {  	s21 =	simm.s32 $0x6280;
	s22 =	simm.s32 $0x3;
	s3 =	sand.u32 $0x1, s3  }
0x9: {  	s4 =	sshll.u32 s4, $0xA;
	s5 =	sshll.u32 s3, $0x9;
	s3 =	ssub.s32 $0x2, s3  }
0xa: {  	[smem:$0x7FF] =	sst s7;
	s4 =	sor.u32 s5, s4;
	s6 =	sshrl.u32 s3, $0x1  }
.Ltmp0:
0xb: {  	s5 =	sshll.u32 s4, $0x4;
	s4 =	sshrl.u32 s4, $0x3;
	(pc) =	sbr.rel .LBB2_1-.Ltmp0, $4  }
0xc: {  	v0 =	vlaneseq.u32;
	_ =	strace $0x80000047;
	s3 =	ssub.s32 s3, s6;
	s0 =	sadd.s32 s0, s4  }
0xd: {  	v0 =	vmul.u32 $0x80, v0;
	s2 =	sadd.s32 s5, s2;
	s31 =	smax.u32 s3, $0x1;
	[dreg:$0x4] =	wrdreg s0  }
0xe: {  	v1 =	vimm.s32 $0xFFFFFFFF;
	v2 =	vimm.s32 $0xF;
	v3 =	vimm.s32 $0x0;
	s23 =	simm.s32 $0x280;
	s30 =	sadd.s32 $0x1000, s2;
	[dreg:$0x6] =	wrdreg s31  }
0xf: {  	v4 =	vor.u32 $0x800, v0;
	v5 =	vor.u32 $0x1000, v0;
	v6 =	vor.u32 $0x1800, v0;
	s3 =	simm.s32 $0x0;
	s2 =	simm.s32 $0x8;
	[dreg:$0x5] =	wrdreg s30  }
.LBB2_34:
0x10: {  	s7 =	simm.s32 $0x0;
	s0 =	rddreg [dreg:$0x5];
	s2 =	simm.s32 $0xE280  }
0x11: {  	[hbm4b:s0+s7] =	stream.linear.scatter [tilespmem:s2], [sflag:$0x8], $0x10000, $0x38;
	[tilespmem:$0x1E280] =	vst v63  }
0x12: {  	s2 =	simm.s32 $0x8  }
0x13: {  	_ =	swait.ge [sflag:s2], $0x10000  }
0x14: {  	s3 =	rddreg [dreg:$0x7]  }
0x15: {  	s31 =	rddreg [dreg:$0x6];
	s3 =	sadd.s32 $0x1, s3  }
0x16: {  	p0 =	sne.s32 s3, s31  }
.Ltmp1:
0x17: {  	_ = 	snop;
	(pc) =	sbr.rel @!p0 .LBB2_35-.Ltmp1, $3  }
0x18: {  	_ =	sdelay $0x1  }
0x19: {  	[sflag:s2] =	ssyncset.done $0x0  }
0x1a: {  	[sflag:s2] =	ssyncadd.s32 $0xFFFF0000  }
.LBB2_1:
0x1b: {  	[dreg:$0x7] =	wrdreg s3  }
0x1c: {  	s0 =	rddreg [dreg:$0x4]  }
0x1d: {  	[tilespmem:s7], [sflag:$0x8] =	stream.linear.gather [hbm4b:s0+s7], $0x200, $0x38;
	[tilespmem:$0x1E280] =	vst v63  }
0x1e: {  	_ =	swait.ge [sflag:s2], $0x200  }
0x1f: {  	[sflag:s2] =	ssyncset.done $0x0  }
0x20: {  	[sflag:s2] =	ssyncadd.s32 $0xFFFFFE00  }
0x21: {  	v7 =	vld [tilespmem:$0x1F0]  }
0x22: {  	v8 =	vld [tilespmem:$0x0];
	_ =	sdelay $0x3  }
0x23: {  	v7 =	vperm.xlane v7, v2  }
0x24: {  	(v2sf) =	vpush v8, $0x0  }
0x25: {  	(v2sf) =	vpush v7, $0x0;
	_ =	sdelay $0xd  }
0x26: {  	s0 =	spop (v2sf)  }
0x27: {  	s31 =	spop (v2sf)  }
0x28: {  	s26 =	sshra.s32 s0, $0x7;
	s2 =	sshra.s32 s31, $0x7  }
0x29: {  	s28 =	ssub.s32 s2, s26  }
0x2a: {  	p0 =	slt.s32 s28, $0x0  }
0x2b: {  	s3 =	sand.u32 @!p0 $0xFFFFF80, s0  }
0x2c: {  	s4 =	simm.s32 @!p0 $0x400;
	s5 =	simm.s32 @!p0 $0x7A1400  }
0x2d: {  	[tilespmem:$0x200] =	vst v1;
	s6 =	simm.s32 @!p0 $0x280;
	p1 =	seq.s32 @!p0 s2, s26;
	s3 =	sadd.s32 @!p0 s1, s3  }
0x2e: {  	[tilespmem:s6], [sflag:$0x1] =	stream.strided.gather @!p0 [hbm4b:s3+s4], $0x2000, s5, s4, $0x38;
	[tilespmem:$0x1E280] =	vst v63  }
0x2f: {  	p0 =	por p0, p1  }
0x30: {  	s0 =	sshll.u32 @!p0 s0, $0x3  }
0x31: {  	s0 =	sand.u32 @!p0 $0xFFFFFC00, s0  }
0x32: {  	s2 =	sadd.s32 @!p0 $0x400, s0  }
0x33: {  	s3 =	simm.s32 @!p0 $0x400;
	s4 =	simm.s32 @!p0 $0x7A1400;
	s2 =	sshrl.u32 @!p0 s2, $0x3  }
0x34: {  	s5 =	simm.s32 @!p0 $0x2280;
	p1 =	slt.u32 @!p0 s28, $0x2;
	s2 =	sadd.s32 @!p0 s1, s2  }
0x35: {  	[tilespmem:s5], [sflag:$0x2] =	stream.strided.gather @!p0 [hbm4b:s2+s3], $0x2000, s4, s3, $0x38;
	[tilespmem:$0x1E280] =	vst v63  }
0x36: {  	p0 =	por p0, p1  }
.Ltmp2:
0x37: {  	_ = 	snop;
	(pc) =	sbr.rel @p0 .LBB2_3-.Ltmp2, $1  }
0x38: {  	_ =	sdelay $0x3  }
0x39: {  	s2 =	sadd.s32 $0x800, s0  }
0x3a: {  	s3 =	simm.s32 $0x400;
	s2 =	sshrl.u32 s2, $0x3  }
0x3b: {  	s4 =	simm.s32 $0x7A1400;
	p0 =	seq.s32 s28, $0x2;
	s2 =	sadd.s32 s1, s2  }
0x3c: {  	[tilespmem:s10], [sflag:$0x3] =	stream.strided.gather [hbm4b:s2+s3], $0x2000, s4, s3, $0x38;
	[tilespmem:$0x1E280] =	vst v63  }
0x3d: {  	s5 =	simm.s32 @!p0 $0x6280;
	p1 =	slt.u32 @!p0 s28, $0x4;
	s2 =	sadd.s32 @!p0 $0xC00, s0  }
0x3e: {  	p2 =	por p1, p0;
	s3 =	simm.s32 @!p0 $0x400;
	s2 =	sshrl.u32 @!p0 s2, $0x3  }
0x3f: {  	s4 =	simm.s32 @!p0 $0x7A1400;
	p3 =	seq.s32 @!p2 s28, $0x4;
	s2 =	sadd.s32 @!p0 s1, s2  }
0x40: {  	[tilespmem:s5], [sflag:$0x4] =	stream.strided.gather @!p0 [hbm4b:s2+s3], $0x2000, s4, s3, $0x38;
	[tilespmem:$0x1E280] =	vst v63  }
0x41: {  	p4 =	por @!p0 p3, p1;
	s2 =	sadd.s32 @!p2 $0x1000, s0  }
0x42: {  	p4 =	por p4, p0;
	s3 =	simm.s32 @!p2 $0x400;
	s2 =	sshrl.u32 @!p2 s2, $0x3  }
0x43: {  	s4 =	simm.s32 @!p2 $0x7A1400;
	s5 =	simm.s32 @!p2 $0x8280;
	s2 =	sadd.s32 @!p2 s1, s2  }
0x44: {  	[tilespmem:s5], [sflag:$0x5] =	stream.strided.gather @!p2 [hbm4b:s2+s3], $0x2000, s4, s3, $0x38;
	[tilespmem:$0x1E280] =	vst v63  }
0x45: {  	s2 =	sadd.s32 @!p4 $0x1400, s0  }
0x46: {  	s3 =	simm.s32 @!p4 $0x400;
	s2 =	sshrl.u32 @!p4 s2, $0x3  }
0x47: {  	s4 =	simm.s32 @!p4 $0x7A1400;
	s5 =	simm.s32 @!p4 $0xA280;
	s2 =	sadd.s32 @!p4 s1, s2  }
0x48: {  	[tilespmem:s5], [sflag:$0x6] =	stream.strided.gather @!p4 [hbm4b:s2+s3], $0x2000, s4, s3, $0x38;
	[tilespmem:$0x1E280] =	vst v63  }
0x49: {  	p4 =	slt.u32 @!p4 s28, $0x6  }
0x4a: {  	p2 =	por @!p2 p4, p3  }
0x4b: {  	p1 =	por @!p0 p2, p1  }
0x4c: {  	p0 =	por p1, p0  }
0x4d: {  	s0 =	sadd.s32 @!p0 $0x1800, s0  }
0x4e: {  	s2 =	simm.s32 @!p0 $0x400;
	s0 =	sshrl.u32 @!p0 s0, $0x3  }
0x4f: {  	s3 =	simm.s32 @!p0 $0x7A1400;
	s4 =	simm.s32 @!p0 $0xC280;
	s0 =	sadd.s32 @!p0 s1, s0  }
0x50: {  	[tilespmem:s4], [sflag:$0x7] =	stream.strided.gather @!p0 [hbm4b:s0+s2], $0x2000, s3, s2, $0x38;
	[tilespmem:$0x1E280] =	vst v63  }
.LBB2_3:
0x51: {  	s0 =	sadd.s32 $0x7, s28  }
0x52: {  	s2 =	smulhi.u32 $0x92492493, s0;
	s3 =	sshra.s32 s0, $0x1F  }
0x53: {  	s4 =	ssub.s32 $0xFFFFFFF9, s28;
	s3 =	smul.u32 $0x92492493, s3  }
0x54: {  	s2 =	sadd.s32 s4, s2  }
0x55: {  	s2 =	sadd.s32 s3, s2  }
0x56: {  	s0 =	sadd.s32 s0, s2  }
0x57: {  	s2 =	sshrl.u32 s0, $0x1F;
	s0 =	sshra.s32 s0, $0x2  }
0x58: {  	s0 =	sadd.s32 s2, s0  }
0x59: {  	s2 =	smul.u32 $0xFFFFFFF9, s0;
	_ =	sdelay $0x1  }
0x5a: {  	p0 =	slt.s32 s28, $0xFFFFFFFA;
	p1 =	sne.s32 s2, s4  }
0x5b: {  	p0 =	por !p0, !p1  }
0x5c: {  	s2 =	simm.s32 $0x1;
	p0 =	por !p0, !p0  }
0x5d: {  	s2 =	simm.s32 @!p0 $0x0  }
0x5e: {  	s29 =	ssub.s32 s0, s2  }
0x5f: {  	p0 =	slt.s32 s29, $0x1  }
.Ltmp3:
0x60: {  	_ = 	snop;
	(pc) =	sbr.rel @p0 .LBB2_34-.Ltmp3, $1  }
0x61: {  	_ =	sdelay $0x3  }
0x62: {  	v7 =	vld [tilespmem:$0x0];
	_ =	sdelay $0x4  }
0x63: {  	v7 =	vperm.xlane v7, v3;
	_ =	sdelay $0x1  }
0x64: {  	(v2sf) =	vpush v7, $0x0;
	_ =	sdelay $0xa  }
.Ltmp4:
0x65: {  	_ = 	snop;
	(pc) =	sbr.rel .LBB2_5-.Ltmp4, $4  }
0x66: {  	s30 =	sadd.s32 $0xFFFFFFF9, s28  }
0x67: {  	s31 =	sadd.s32 $0xFFFFFFF8, s28;
	s0 =	sadd.s32 $0xFFFFFFF7, s28;
	s2 =	sadd.s32 $0xFFFFFFF6, s28  }
0x68: {  	s8 =	sadd.s32 $0xFFFFFFF5, s28;
	s9 =	sadd.s32 $0xFFFFFFF4, s28;
	s24 =	sadd.s32 $0xFFFFFFF3, s28  }
0x69: {  	s3 =	simm.s32 $0x0;
	s4 =	simm.s32 $0x0;
	s6 =	spop (v2sf)  }
.LBB2_33:
0x6a: {  	p0 =	sgt.s32 s5, s24  }
0x6b: {  	s5 =	sshll.u32 @!p0 s7, $0xA  }
0x6c: {  	s5 =	sadd.s32 @!p0 $0x1C00, s5  }
0x6d: {  	s4 =	sadd.s32 $0x1, s4;
	s7 =	simm.s32 @!p0 $0x400;
	s5 =	sshrl.u32 @!p0 s5, $0x3  }
0x6e: {  	s11 =	simm.s32 @!p0 $0x7A1400;
	s12 =	simm.s32 @!p0 $0xC280;
	s5 =	sadd.s32 @!p0 s1, s5  }
0x6f: {  	[tilespmem:s12], [sflag:$0x7] =	stream.strided.gather @!p0 [hbm4b:s5+s7], $0x2000, s11, s7, $0x38;
	[tilespmem:$0x1E280] =	vst v63  }
0x70: {  	p0 =	sne.s32 s4, s29  }
.Ltmp5:
0x71: {  	_ = 	snop;
	(pc) =	sbr.rel @!p0 .LBB2_34-.Ltmp5, $1  }
0x72: {  	_ =	sdelay $0x3  }
.LBB2_5:
0x73: {  	s5 =	smul.u32 $0x7, s4;
	_ =	sdelay $0x1  }
0x74: {  	p0 =	sle.s32 s5, s28  }
.Ltmp6:
0x75: {  	_ = 	snop;
	(pc) =	sbr.rel @!p0 .LBB2_9-.Ltmp6, $2  }
0x76: {  	_ =	sdelay $0x2  }
0x77: {  	s7 =	sadd.s32 s26, s5  }
0x78: {  	s25 =	sshra.s32 s6, $0x7  }
0x79: {  	p0 =	sne.s32 s25, s7  }
.Ltmp7:
0x7a: {  	_ = 	snop;
	(pc) =	sbr.rel @p0 .LBB2_9-.Ltmp7, $4  }
0x7b: {  	s11 =	simm.s32 $0x1  }
0x7c: {  	_ =	swait.ge [sflag:s11], $0x2000  }
0x7d: {  	[sflag:s11] =	ssyncset.done $0x0  }
0x7e: {  	[sflag:s11] =	ssyncadd.s32 $0xFFFFE000  }
0x7f: {  	s25 =	sshll.u32 s3, $0x9  }
0x80: {  	s25 =	sshra.s32 s25, $0x2  }
0x81: {  	s25 =	sadd.s32 $0xE2A0, s25  }
.LBB2_8:
0x82: {  	s6 =	sand.u32 $0x7F, s6  }
0x83: {  	v7 =	vor.u32 s6, v0;
	_ =	sdelay $0x4  }
0x84: {  	v7 =	vld.idx.msk [tilespmem:v7+s23+$0x0], $0xffff  }
0x85: {  	v8 =	vor.u32 s6, v4;
	_ =	sdelay $0x3  }
0x86: {  	[tilespmem:s25+$0xFFFFFFE0] =	vst v7  }
0x87: {  	v7 =	vld.idx.msk [tilespmem:v8+s23+$0x0], $0xffff  }
0x88: {  	v8 =	vor.u32 s6, v5;
	_ =	sdelay $0x3  }
0x89: {  	[tilespmem:s25+$0xFFFFFFF0] =	vst v7  }
0x8a: {  	v7 =	vld.idx.msk [tilespmem:v8+s23+$0x0], $0xffff  }
0x8b: {  	v8 =	vor.u32 s6, v6;
	_ =	sdelay $0x3  }
0x8c: {  	[tilespmem:s25+$0x0] =	vst v7  }
0x8d: {  	v7 =	vld.idx.msk [tilespmem:v8+s23+$0x0], $0xffff;
	_ =	sdelay $0x3  }
0x8e: {  	s3 =	sadd.s32 $0x1, s3  }
0x8f: {  	s12 =	sand.u32 $0xFFFFFFF0, s3;
	[tilespmem:s25+$0x10] =	vst v7  }
0x90: {  	v7 =	vld [tilespmem:s12+$0x0];
	_ =	sdelay $0x3  }
0x91: {  	v8 =	vmov s3  }
0x92: {  	v7 =	vperm.xlane v7, v8;
	_ =	sdelay $0x1  }
0x93: {  	(v2sf) =	vpush v7, $0x0;
	_ =	sdelay $0xe  }
0x94: {  	s6 =	spop (v2sf)  }
0x95: {  	s11 =	sshra.s32 s6, $0x7  }
0x96: {  	p0 =	seq.s32 s11, s7  }
.Ltmp8:
0x97: {  	_ = 	snop;
	(pc) =	sbr.rel @p0 .LBB2_8-.Ltmp8, $2  }
0x98: {  	_ =	sdelay $0x2  }
0x99: {  	s25 =	sadd.s32 $0x80, s25  }
.LBB2_9:
0x9a: {  	p0 =	sgt.s32 s5, s30  }
0x9b: {  	s7 =	sshll.u32 @!p0 s7, $0xA  }
0x9c: {  	s7 =	sadd.s32 @!p0 $0x1C00, s7  }
0x9d: {  	s11 =	simm.s32 @!p0 $0x400;
	s7 =	sshrl.u32 @!p0 s7, $0x3  }
0x9e: {  	s25 =	simm.s32 @!p0 $0x7A1400;
	s12 =	simm.s32 @!p0 $0x280;
	s7 =	sadd.s32 @!p0 s1, s7  }
0x9f: {  	[tilespmem:s12], [sflag:$0x1] =	stream.strided.gather @!p0 [hbm4b:s7+s11], $0x2000, s25, s11, $0x38;
	[tilespmem:$0x1E280] =	vst v63  }
0xa0: {  	p0 =	slt.s32 s5, s28  }
.Ltmp9:
0xa1: {  	_ = 	snop;
	(pc) =	sbr.rel @!p0 .LBB2_13-.Ltmp9, $3  }
0xa2: {  	_ =	sdelay $0x1  }
0xa3: {  	s25 =	sadd.s32 $0x1, s5  }
0xa4: {  	s7 =	sadd.s32 s26, s25  }
0xa5: {  	s7 =	sadd.s32 s26, s25;
	s11 =	sshra.s32 s6, $0x7  }
0xa6: {  	p0 =	sne.s32 s11, s7  }
.Ltmp10:
0xa7: {  	_ = 	snop;
	(pc) =	sbr.rel @p0 .LBB2_13-.Ltmp10, $4  }
0xa8: {  	s12 =	simm.s32 $0x2  }
0xa9: {  	_ =	swait.ge [sflag:s12], $0x2000  }
0xaa: {  	[sflag:s12] =	ssyncset.done $0x0  }
0xab: {  	[sflag:s12] =	ssyncadd.s32 $0xFFFFE000  }
0xac: {  	s11 =	sshll.u32 s3, $0x9  }
0xad: {  	s11 =	sshra.s32 s11, $0x2  }
0xae: {  	s25 =	sadd.s32 $0xE2A0, s11  }
.LBB2_12:
0xaf: {  	s6 =	sand.u32 $0x7F, s6  }
0xb0: {  	v7 =	vor.u32 s6, v0;
	_ =	sdelay $0x4  }
0xb1: {  	v7 =	vld.idx.msk [tilespmem:v7+s13+$0x0], $0xffff  }
0xb2: {  	v8 =	vor.u32 s6, v4;
	_ =	sdelay $0x3  }
0xb3: {  	[tilespmem:s25+$0xFFFFFFE0] =	vst v7  }
0xb4: {  	v7 =	vld.idx.msk [tilespmem:v8+s13+$0x0], $0xffff  }
0xb5: {  	v8 =	vor.u32 s6, v5;
	_ =	sdelay $0x3  }
0xb6: {  	[tilespmem:s25+$0xFFFFFFF0] =	vst v7  }
0xb7: {  	v7 =	vld.idx.msk [tilespmem:v8+s13+$0x0], $0xffff  }
0xb8: {  	v8 =	vor.u32 s6, v6;
	_ =	sdelay $0x3  }
0xb9: {  	[tilespmem:s25+$0x0] =	vst v7  }
0xba: {  	v7 =	vld.idx.msk [tilespmem:v8+s13+$0x0], $0xffff;
	_ =	sdelay $0x3  }
0xbb: {  	s3 =	sadd.s32 $0x1, s3  }
0xbc: {  	s12 =	sand.u32 $0xFFFFFFF0, s3;
	[tilespmem:s25+$0x10] =	vst v7  }
0xbd: {  	v7 =	vld [tilespmem:s12+$0x0];
	_ =	sdelay $0x3  }
0xbe: {  	v8 =	vmov s3  }
0xbf: {  	v7 =	vperm.xlane v7, v8;
	_ =	sdelay $0x1  }
0xc0: {  	(v2sf) =	vpush v7, $0x0;
	_ =	sdelay $0xe  }
0xc1: {  	s6 =	spop (v2sf)  }
0xc2: {  	s11 =	sshra.s32 s6, $0x7  }
0xc3: {  	p0 =	seq.s32 s11, s7  }
.Ltmp11:
0xc4: {  	_ = 	snop;
	(pc) =	sbr.rel @p0 .LBB2_12-.Ltmp11, $2  }
0xc5: {  	_ =	sdelay $0x2  }
0xc6: {  	s25 =	sadd.s32 $0x80, s25  }
.LBB2_13:
0xc7: {  	p0 =	sgt.s32 s5, s31  }
0xc8: {  	s7 =	sshll.u32 @!p0 s7, $0xA  }
0xc9: {  	s7 =	sadd.s32 @!p0 $0x1C00, s7  }
0xca: {  	s11 =	simm.s32 @!p0 $0x400;
	s7 =	sshrl.u32 @!p0 s7, $0x3  }
0xcb: {  	s12 =	simm.s32 @!p0 $0x7A1400;
	s25 =	simm.s32 @!p0 $0x2280;
	s7 =	sadd.s32 @!p0 s1, s7  }
0xcc: {  	[tilespmem:s25], [sflag:$0x2] =	stream.strided.gather @!p0 [hbm4b:s7+s11], $0x2000, s12, s11, $0x38;
	[tilespmem:$0x1E280] =	vst v63  }
0xcd: {  	s25 =	sadd.s32 $0x2, s5  }
0xce: {  	p0 =	sle.s32 s25, s28  }
.Ltmp12:
0xcf: {  	_ = 	snop;
	(pc) =	sbr.rel @!p0 .LBB2_17-.Ltmp12, $2  }
0xd0: {  	_ =	sdelay $0x2  }
0xd1: {  	s7 =	sadd.s32 s26, s25  }
0xd2: {  	s11 =	sshra.s32 s6, $0x7  }
0xd3: {  	p0 =	sne.s32 s11, s7  }
.Ltmp13:
0xd4: {  	_ = 	snop;
	(pc) =	sbr.rel @p0 .LBB2_17-.Ltmp13, $4  }
0xd5: {  	_ = 	snop  }
0xd6: {  	_ =	swait.ge [sflag:s22], $0x2000  }
0xd7: {  	[sflag:s22] =	ssyncset.done $0x0  }
0xd8: {  	[sflag:s22] =	ssyncadd.s32 $0xFFFFE000  }
0xd9: {  	s11 =	sshll.u32 s3, $0x9  }
0xda: {  	s11 =	sshra.s32 s11, $0x2  }
0xdb: {  	s25 =	sadd.s32 $0xE2A0, s11  }
.LBB2_16:
0xdc: {  	s6 =	sand.u32 $0x7F, s6  }
0xdd: {  	v7 =	vor.u32 s6, v0;
	_ =	sdelay $0x4  }
0xde: {  	v7 =	vld.idx.msk [tilespmem:v7+s10+$0x0], $0xffff  }
0xdf: {  	v8 =	vor.u32 s6, v4;
	_ =	sdelay $0x3  }
0xe0: {  	[tilespmem:s25+$0xFFFFFFE0] =	vst v7  }
0xe1: {  	v7 =	vld.idx.msk [tilespmem:v8+s10+$0x0], $0xffff  }
0xe2: {  	v8 =	vor.u32 s6, v5;
	_ =	sdelay $0x3  }
0xe3: {  	[tilespmem:s25+$0xFFFFFFF0] =	vst v7  }
0xe4: {  	v7 =	vld.idx.msk [tilespmem:v8+s10+$0x0], $0xffff  }
0xe5: {  	v8 =	vor.u32 s6, v6;
	_ =	sdelay $0x3  }
0xe6: {  	[tilespmem:s25+$0x0] =	vst v7  }
0xe7: {  	v7 =	vld.idx.msk [tilespmem:v8+s10+$0x0], $0xffff;
	_ =	sdelay $0x3  }
0xe8: {  	s3 =	sadd.s32 $0x1, s3  }
0xe9: {  	s12 =	sand.u32 $0xFFFFFFF0, s3;
	[tilespmem:s25+$0x10] =	vst v7  }
0xea: {  	v7 =	vld [tilespmem:s12+$0x0];
	_ =	sdelay $0x3  }
0xeb: {  	v8 =	vmov s3  }
0xec: {  	v7 =	vperm.xlane v7, v8;
	_ =	sdelay $0x1  }
0xed: {  	(v2sf) =	vpush v7, $0x0;
	_ =	sdelay $0xe  }
0xee: {  	s6 =	spop (v2sf)  }
0xef: {  	s11 =	sshra.s32 s6, $0x7  }
0xf0: {  	p0 =	seq.s32 s11, s7  }
.Ltmp14:
0xf1: {  	_ = 	snop;
	(pc) =	sbr.rel @p0 .LBB2_16-.Ltmp14, $2  }
0xf2: {  	_ =	sdelay $0x2  }
0xf3: {  	s25 =	sadd.s32 $0x80, s25  }
.LBB2_17:
0xf4: {  	p0 =	sgt.s32 s5, s0  }
0xf5: {  	s7 =	sshll.u32 @!p0 s7, $0xA  }
0xf6: {  	s7 =	sadd.s32 @!p0 $0x1C00, s7  }
0xf7: {  	s11 =	simm.s32 @!p0 $0x400;
	s7 =	sshrl.u32 @!p0 s7, $0x3  }
0xf8: {  	s12 =	simm.s32 @!p0 $0x7A1400;
	s25 =	simm.s32 @!p0 $0x4280;
	s7 =	sadd.s32 @!p0 s1, s7  }
0xf9: {  	[tilespmem:s25], [sflag:$0x3] =	stream.strided.gather @!p0 [hbm4b:s7+s11], $0x2000, s12, s11, $0x38;
	[tilespmem:$0x1E280] =	vst v63  }
0xfa: {  	s25 =	sadd.s32 $0x3, s5  }
0xfb: {  	p0 =	sle.s32 s25, s28  }
.Ltmp15:
0xfc: {  	_ = 	snop;
	(pc) =	sbr.rel @!p0 .LBB2_21-.Ltmp15, $2  }
0xfd: {  	_ =	sdelay $0x2  }
0xfe: {  	s7 =	sadd.s32 s26, s25  }
0xff: {  	s11 =	sshra.s32 s6, $0x7  }
0x100: {  	p0 =	sne.s32 s11, s7  }
.Ltmp16:
0x101: {  	_ = 	snop;
	(pc) =	sbr.rel @p0 .LBB2_21-.Ltmp16, $4  }
0x102: {  	_ = 	snop  }
0x103: {  	_ =	swait.ge [sflag:s20], $0x2000  }
0x104: {  	[sflag:s20] =	ssyncset.done $0x0  }
0x105: {  	[sflag:s20] =	ssyncadd.s32 $0xFFFFE000  }
0x106: {  	s11 =	sshll.u32 s3, $0x9  }
0x107: {  	s11 =	sshra.s32 s11, $0x2  }
0x108: {  	s25 =	sadd.s32 $0xE2A0, s11  }
.LBB2_20:
0x109: {  	s6 =	sand.u32 $0x7F, s6  }
0x10a: {  	v7 =	vor.u32 s6, v0;
	_ =	sdelay $0x4  }
0x10b: {  	v7 =	vld.idx.msk [tilespmem:v7+s21+$0x0], $0xffff  }
0x10c: {  	v8 =	vor.u32 s6, v4;
	_ =	sdelay $0x3  }
0x10d: {  	[tilespmem:s25+$0xFFFFFFE0] =	vst v7  }
0x10e: {  	v7 =	vld.idx.msk [tilespmem:v8+s21+$0x0], $0xffff  }
0x10f: {  	v8 =	vor.u32 s6, v5;
	_ =	sdelay $0x3  }
0x110: {  	[tilespmem:s25+$0xFFFFFFF0] =	vst v7  }
0x111: {  	v7 =	vld.idx.msk [tilespmem:v8+s21+$0x0], $0xffff  }
0x112: {  	v8 =	vor.u32 s6, v6;
	_ =	sdelay $0x3  }
0x113: {  	[tilespmem:s25+$0x0] =	vst v7  }
0x114: {  	v7 =	vld.idx.msk [tilespmem:v8+s21+$0x0], $0xffff;
	_ =	sdelay $0x3  }
0x115: {  	s3 =	sadd.s32 $0x1, s3  }
0x116: {  	s12 =	sand.u32 $0xFFFFFFF0, s3;
	[tilespmem:s25+$0x10] =	vst v7  }
0x117: {  	v7 =	vld [tilespmem:s12+$0x0];
	_ =	sdelay $0x3  }
0x118: {  	v8 =	vmov s3  }
0x119: {  	v7 =	vperm.xlane v7, v8;
	_ =	sdelay $0x1  }
0x11a: {  	(v2sf) =	vpush v7, $0x0;
	_ =	sdelay $0xe  }
0x11b: {  	s6 =	spop (v2sf)  }
0x11c: {  	s11 =	sshra.s32 s6, $0x7  }
0x11d: {  	p0 =	seq.s32 s11, s7  }
.Ltmp17:
0x11e: {  	_ = 	snop;
	(pc) =	sbr.rel @p0 .LBB2_20-.Ltmp17, $2  }
0x11f: {  	_ =	sdelay $0x2  }
0x120: {  	s25 =	sadd.s32 $0x80, s25  }
.LBB2_21:
0x121: {  	p0 =	sgt.s32 s5, s2  }
0x122: {  	s7 =	sshll.u32 @!p0 s7, $0xA  }
0x123: {  	s7 =	sadd.s32 @!p0 $0x1C00, s7  }
0x124: {  	s11 =	simm.s32 @!p0 $0x400;
	s7 =	sshrl.u32 @!p0 s7, $0x3  }
0x125: {  	s12 =	simm.s32 @!p0 $0x7A1400;
	s25 =	simm.s32 @!p0 $0x6280;
	s7 =	sadd.s32 @!p0 s1, s7  }
0x126: {  	[tilespmem:s25], [sflag:$0x4] =	stream.strided.gather @!p0 [hbm4b:s7+s11], $0x2000, s12, s11, $0x38;
	[tilespmem:$0x1E280] =	vst v63  }
0x127: {  	s25 =	sadd.s32 $0x4, s5  }
0x128: {  	p0 =	sle.s32 s25, s28  }
.Ltmp18:
0x129: {  	_ = 	snop;
	(pc) =	sbr.rel @!p0 .LBB2_25-.Ltmp18, $2  }
0x12a: {  	_ =	sdelay $0x2  }
0x12b: {  	s7 =	sadd.s32 s26, s25  }
0x12c: {  	s11 =	sshra.s32 s6, $0x7  }
0x12d: {  	p0 =	sne.s32 s11, s7  }
.Ltmp19:
0x12e: {  	_ = 	snop;
	(pc) =	sbr.rel @p0 .LBB2_25-.Ltmp19, $4  }
0x12f: {  	_ = 	snop  }
0x130: {  	_ =	swait.ge [sflag:s18], $0x2000  }
0x131: {  	[sflag:s18] =	ssyncset.done $0x0  }
0x132: {  	[sflag:s18] =	ssyncadd.s32 $0xFFFFE000  }
0x133: {  	s11 =	sshll.u32 s3, $0x9  }
0x134: {  	s11 =	sshra.s32 s11, $0x2  }
0x135: {  	s25 =	sadd.s32 $0xE2A0, s11  }
.LBB2_24:
0x136: {  	s6 =	sand.u32 $0x7F, s6  }
0x137: {  	v7 =	vor.u32 s6, v0;
	_ =	sdelay $0x4  }
0x138: {  	v7 =	vld.idx.msk [tilespmem:v7+s19+$0x0], $0xffff  }
0x139: {  	v8 =	vor.u32 s6, v4;
	_ =	sdelay $0x3  }
0x13a: {  	[tilespmem:s25+$0xFFFFFFE0] =	vst v7  }
0x13b: {  	v7 =	vld.idx.msk [tilespmem:v8+s19+$0x0], $0xffff  }
0x13c: {  	v8 =	vor.u32 s6, v5;
	_ =	sdelay $0x3  }
0x13d: {  	[tilespmem:s25+$0xFFFFFFF0] =	vst v7  }
0x13e: {  	v7 =	vld.idx.msk [tilespmem:v8+s19+$0x0], $0xffff  }
0x13f: {  	v8 =	vor.u32 s6, v6;
	_ =	sdelay $0x3  }
0x140: {  	[tilespmem:s25+$0x0] =	vst v7  }
0x141: {  	v7 =	vld.idx.msk [tilespmem:v8+s19+$0x0], $0xffff;
	_ =	sdelay $0x3  }
0x142: {  	s3 =	sadd.s32 $0x1, s3  }
0x143: {  	s12 =	sand.u32 $0xFFFFFFF0, s3;
	[tilespmem:s25+$0x10] =	vst v7  }
0x144: {  	v7 =	vld [tilespmem:s12+$0x0];
	_ =	sdelay $0x3  }
0x145: {  	v8 =	vmov s3  }
0x146: {  	v7 =	vperm.xlane v7, v8;
	_ =	sdelay $0x1  }
0x147: {  	(v2sf) =	vpush v7, $0x0;
	_ =	sdelay $0xe  }
0x148: {  	s6 =	spop (v2sf)  }
0x149: {  	s11 =	sshra.s32 s6, $0x7  }
0x14a: {  	p0 =	seq.s32 s11, s7  }
.Ltmp20:
0x14b: {  	_ = 	snop;
	(pc) =	sbr.rel @p0 .LBB2_24-.Ltmp20, $2  }
0x14c: {  	_ =	sdelay $0x2  }
0x14d: {  	s25 =	sadd.s32 $0x80, s25  }
.LBB2_25:
0x14e: {  	p0 =	sgt.s32 s5, s8  }
0x14f: {  	s7 =	sshll.u32 @!p0 s7, $0xA  }
0x150: {  	s7 =	sadd.s32 @!p0 $0x1C00, s7  }
0x151: {  	s11 =	simm.s32 @!p0 $0x400;
	s7 =	sshrl.u32 @!p0 s7, $0x3  }
0x152: {  	s12 =	simm.s32 @!p0 $0x7A1400;
	s25 =	simm.s32 @!p0 $0x8280;
	s7 =	sadd.s32 @!p0 s1, s7  }
0x153: {  	[tilespmem:s25], [sflag:$0x5] =	stream.strided.gather @!p0 [hbm4b:s7+s11], $0x2000, s12, s11, $0x38;
	[tilespmem:$0x1E280] =	vst v63  }
0x154: {  	s25 =	sadd.s32 $0x5, s5  }
0x155: {  	p0 =	sle.s32 s25, s28  }
.Ltmp21:
0x156: {  	_ = 	snop;
	(pc) =	sbr.rel @!p0 .LBB2_29-.Ltmp21, $2  }
0x157: {  	_ =	sdelay $0x2  }
0x158: {  	s7 =	sadd.s32 s26, s25  }
0x159: {  	s11 =	sshra.s32 s6, $0x7  }
0x15a: {  	p0 =	sne.s32 s11, s7  }
.Ltmp22:
0x15b: {  	_ = 	snop;
	(pc) =	sbr.rel @p0 .LBB2_29-.Ltmp22, $4  }
0x15c: {  	_ = 	snop  }
0x15d: {  	_ =	swait.ge [sflag:s16], $0x2000  }
0x15e: {  	[sflag:s16] =	ssyncset.done $0x0  }
0x15f: {  	[sflag:s16] =	ssyncadd.s32 $0xFFFFE000  }
0x160: {  	s11 =	sshll.u32 s3, $0x9  }
0x161: {  	s11 =	sshra.s32 s11, $0x2  }
0x162: {  	s25 =	sadd.s32 $0xE2A0, s11  }
.LBB2_28:
0x163: {  	s6 =	sand.u32 $0x7F, s6  }
0x164: {  	v7 =	vor.u32 s6, v0;
	_ =	sdelay $0x4  }
0x165: {  	v7 =	vld.idx.msk [tilespmem:v7+s17+$0x0], $0xffff  }
0x166: {  	v8 =	vor.u32 s6, v4;
	_ =	sdelay $0x3  }
0x167: {  	[tilespmem:s25+$0xFFFFFFE0] =	vst v7  }
0x168: {  	v7 =	vld.idx.msk [tilespmem:v8+s17+$0x0], $0xffff  }
0x169: {  	v8 =	vor.u32 s6, v5;
	_ =	sdelay $0x3  }
0x16a: {  	[tilespmem:s25+$0xFFFFFFF0] =	vst v7  }
0x16b: {  	v7 =	vld.idx.msk [tilespmem:v8+s17+$0x0], $0xffff  }
0x16c: {  	v8 =	vor.u32 s6, v6;
	_ =	sdelay $0x3  }
0x16d: {  	[tilespmem:s25+$0x0] =	vst v7  }
0x16e: {  	v7 =	vld.idx.msk [tilespmem:v8+s17+$0x0], $0xffff;
	_ =	sdelay $0x3  }
0x16f: {  	s3 =	sadd.s32 $0x1, s3  }
0x170: {  	s12 =	sand.u32 $0xFFFFFFF0, s3;
	[tilespmem:s25+$0x10] =	vst v7  }
0x171: {  	v7 =	vld [tilespmem:s12+$0x0];
	_ =	sdelay $0x3  }
0x172: {  	v8 =	vmov s3  }
0x173: {  	v7 =	vperm.xlane v7, v8;
	_ =	sdelay $0x1  }
0x174: {  	(v2sf) =	vpush v7, $0x0;
	_ =	sdelay $0xe  }
0x175: {  	s6 =	spop (v2sf)  }
0x176: {  	s11 =	sshra.s32 s6, $0x7  }
0x177: {  	p0 =	seq.s32 s11, s7  }
.Ltmp23:
0x178: {  	_ = 	snop;
	(pc) =	sbr.rel @p0 .LBB2_28-.Ltmp23, $2  }
0x179: {  	_ =	sdelay $0x2  }
0x17a: {  	s25 =	sadd.s32 $0x80, s25  }
.LBB2_29:
0x17b: {  	p0 =	sgt.s32 s5, s9  }
0x17c: {  	s7 =	sshll.u32 @!p0 s7, $0xA  }
0x17d: {  	s7 =	sadd.s32 @!p0 $0x1C00, s7  }
0x17e: {  	s11 =	simm.s32 @!p0 $0x400;
	s7 =	sshrl.u32 @!p0 s7, $0x3  }
0x17f: {  	s12 =	simm.s32 @!p0 $0x7A1400;
	s25 =	simm.s32 @!p0 $0xA280;
	s7 =	sadd.s32 @!p0 s1, s7  }
0x180: {  	[tilespmem:s25], [sflag:$0x6] =	stream.strided.gather @!p0 [hbm4b:s7+s11], $0x2000, s12, s11, $0x38;
	[tilespmem:$0x1E280] =	vst v63  }
0x181: {  	s25 =	sadd.s32 $0x6, s5  }
0x182: {  	p0 =	sle.s32 s25, s28  }
.Ltmp24:
0x183: {  	_ = 	snop;
	(pc) =	sbr.rel @!p0 .LBB2_33-.Ltmp24, $2  }
0x184: {  	_ =	sdelay $0x2  }
0x185: {  	s7 =	sadd.s32 s26, s25  }
0x186: {  	s11 =	sshra.s32 s6, $0x7  }
0x187: {  	p0 =	sne.s32 s11, s7  }
.Ltmp25:
0x188: {  	_ = 	snop;
	(pc) =	sbr.rel @p0 .LBB2_33-.Ltmp25, $4  }
0x189: {  	_ = 	snop  }
0x18a: {  	_ =	swait.ge [sflag:s14], $0x2000  }
0x18b: {  	[sflag:s14] =	ssyncset.done $0x0  }
0x18c: {  	[sflag:s14] =	ssyncadd.s32 $0xFFFFE000  }
0x18d: {  	s11 =	sshll.u32 s3, $0x9  }
0x18e: {  	s11 =	sshra.s32 s11, $0x2  }
0x18f: {  	s25 =	sadd.s32 $0xE2A0, s11  }
.LBB2_32:
0x190: {  	s6 =	sand.u32 $0x7F, s6  }
0x191: {  	v7 =	vor.u32 s6, v0;
	_ =	sdelay $0x4  }
0x192: {  	v7 =	vld.idx.msk [tilespmem:v7+s15+$0x0], $0xffff  }
0x193: {  	v8 =	vor.u32 s6, v4;
	_ =	sdelay $0x3  }
0x194: {  	[tilespmem:s25+$0xFFFFFFE0] =	vst v7  }
0x195: {  	v7 =	vld.idx.msk [tilespmem:v8+s15+$0x0], $0xffff  }
0x196: {  	v8 =	vor.u32 s6, v5;
	_ =	sdelay $0x3  }
0x197: {  	[tilespmem:s25+$0xFFFFFFF0] =	vst v7  }
0x198: {  	v7 =	vld.idx.msk [tilespmem:v8+s15+$0x0], $0xffff  }
0x199: {  	v8 =	vor.u32 s6, v6;
	_ =	sdelay $0x3  }
0x19a: {  	[tilespmem:s25+$0x0] =	vst v7  }
0x19b: {  	v7 =	vld.idx.msk [tilespmem:v8+s15+$0x0], $0xffff;
	_ =	sdelay $0x3  }
0x19c: {  	s3 =	sadd.s32 $0x1, s3  }
0x19d: {  	s12 =	sand.u32 $0xFFFFFFF0, s3;
	[tilespmem:s25+$0x10] =	vst v7  }
0x19e: {  	v7 =	vld [tilespmem:s12+$0x0];
	_ =	sdelay $0x3  }
0x19f: {  	v8 =	vmov s3  }
0x1a0: {  	v7 =	vperm.xlane v7, v8;
	_ =	sdelay $0x1  }
0x1a1: {  	(v2sf) =	vpush v7, $0x0;
	_ =	sdelay $0xe  }
0x1a2: {  	s6 =	spop (v2sf)  }
0x1a3: {  	s11 =	sshra.s32 s6, $0x7  }
0x1a4: {  	p0 =	seq.s32 s11, s7  }
.Ltmp26:
0x1a5: {  	_ = 	snop;
	(pc) =	sbr.rel @p0 .LBB2_32-.Ltmp26, $2  }
0x1a6: {  	_ =	sdelay $0x2  }
0x1a7: {  	s25 =	sadd.s32 $0x80, s25  }
.Ltmp27:
0x1a8: {  	_ = 	snop;
	(pc) =	sbr.rel .LBB2_33-.Ltmp27, $1  }
0x1a9: {  	_ =	sdelay $0x3  }
.LBB2_35:
0x1aa: {  	_ =	sfence.sel $0x180000  }
0x1ab: {  	[bflag:$0x0] =	sbarrier.arrive $0xFFFF  }
0x1ac: {  	_ =	strace $0x90000047  }
0x1ad: {  	s0 =	stileid.u32;
	[bflag:$0x2] =	sbarrier.arrive $0xFFFF  }
0x1ae: {  	p0 =	sne.s32 s0, $0x0;
	s0 =	rddreg [dreg:$0x3]  }
0x1af: {  	s0 =	sadd.s32 @!p0 $0x100000, s0  }
0x1b0: {  	[sflag:s0] =	ssyncadd.tile.s32 @!p0 $0x1;
	_ =	shalt  }
.Lfunc_end2:
_tile_overlayer_lowered:
.L_overlay_start_2:
0x1b1: {  	(tag) =	ssettag $0x2  }
0x1b2: {  	s0 =	rddreg [dreg:$0x0];
	s2 =	stileid.u32  }
0x1b3: {  	s1 =	rddreg [dreg:$0x1];
	p0 =	sne.s32 s2, $0x0  }
0x1b4: {  	s3 =	rddreg [dreg:$0x2];
	[bflag:$0x3] =	sbarrier.arrive $0xFFFF;
	s2 =	simm.s32 @!p0 $0x1C08  }
0x1b5: {  	[timem:s3], [sflag:s2] =	dma.local @!p0 [hbm:s0], s1  }
0x1b6: {  	s0 =	simm.s32 @!p0 $0x8  }
0x1b7: {  	_ =	swait.ge @!p0 [sflag:s0], s1  }
0x1b8: {  	s1 =	ssub.s32 @!p0 $0x0, s1;
	[sflag:s0] =	ssyncset.done @!p0 $0x0  }
0x1b9: {  	[sflag:s0] =	ssyncadd.s32 @!p0 s1  }
0x1ba: {  	[bflag:$0x3] =	sbarrier.arrive $0xFFFF  }
0x1bb: {  	_ =	shalt  }

// kernel: kernel.7.cloned.1.call-start
scs
__scs_entry_jumppad:
0x0: {  	(pc) =	sbr.rel $0x88, $3  }
0x1: {  	(tag) =	ssettag $0x0;
	lr =	simm.s32 $0x1  }
0x2: {  	[smem:$0x3F9F] =	sst lr;
	_ =	strace $0xD0000000  }
0x3: {  	_ = 	snop  }
0x4: {  	_ = 	snop  }
0x5: {  	_ = 	snop  }
0x6: {  	_ = 	snop  }
0x7: {  	_ = 	snop  }
__scs_overlays_trampoline_lowered:
0x8: {  	[smem:$0x3FAE] =	sst s0  }
0x9: {  	[smem:$0x3FAF] =	sst s1  }
0xa: {  	[smem:$0x3FB0] =	sst s2  }
0xb: {  	[smem:$0x3FB1] =	sst s3  }
0xc: {  	[smem:$0x3FB2] =	sst s4  }
0xd: {  	[smem:$0x3FB3] =	sst s5  }
0xe: {  	[smem:$0x3FB4] =	sst s6  }
0xf: {  	[smem:$0x3FB5] =	sst s7  }
0x10: {  	[smem:$0x3FB6] =	sst s8  }
0x11: {  	[smem:$0x3FB7] =	sst s9;
	s0 =	simm.s32 @!p0 $0x0  }
0x12: {  	s1 =	sld [smem:$0x3F9D];
	s0 =	simm.s32 @p0 $0x1  }
0x13: {  	[smem:$0x3FB8] =	sst s0;
	s0 =	simm.s32 @!p1 $0x0  }
0x14: {  	s2 =	sld [smem:$0x3F9C];
	s0 =	simm.s32 @p1 $0x1  }
0x15: {  	[smem:$0x3FB9] =	sst s0;
	s0 =	simm.s32 @!p2 $0x0  }
0x16: {  	s3 =	sld [smem:$0x3FDB];
	s0 =	simm.s32 @p2 $0x1  }
0x17: {  	s4 =	simm.s32 $0x1BF5;
	[smem:$0x3FBB] =	sst s0  }
0x18: {  	s0 =	sld [smem:$0x3F9E];
	_ =	swait.ge [sflag:s4], $0x0  }
0x19: {  	s7 =	sld [smem:$0x3F9F]  }
0x1a: {  	s8 =	sadd.s32 $0xFFFFE003, lr  }
0x1b: {  	s9 =	sadd.s32 $0xFFFFFEF7, lr;
	s5 =	simm.s32 $0xFFFFFFFF;
	p2 =	slt.u32 s8, $0xFFFFF086  }
0x1c: {  	p1 =	slt.u32 s9, $0xF7A;
	s5 =	simm.s32 @!p2 $0x0  }
0x1d: {  	s5 =	simm.s32 @p1 $0x1;
	p0 =	seq.s32 s7, s2  }
0x1e: {  	s7 =	smul.u32 @!p0 $0xF7A, s2;
	p2 =	seq.s32 @!p0 s5, $0x0  }
0x1f: {  	s9 =	smul.u32 $0xF7A, s1;
	s8 =	simm.s32 @!p0 $0x1BF5;
	p2 =	por !p2, p0  }
0x20: {  	[sflag:s8] =	ssyncset.s32 @!p0 $0xFFFFF086;
	s6 =	sadd.s32 @!p0 s3, s7;
	s7 =	simm.s32 @!p0 $0x108  }
0x21: {  	s3 =	sadd.s32 s3, s9;
	s6 =	sadd.s32 @!p0 $0x88, s6;
	s7 =	simm.s32 @p2 $0x1082  }
0x22: {  	[simem:s7], [sflag:s8] =	dma.local @!p0 [hbm:s6], $0xF7A  }
0x23: {  	s9 =	sor.u32 $0xD0000000, s2;
	s6 =	simm.s32 $0x108;
	_ =	swait.ge @!p0 [sflag:s8], $0x0  }
0x24: {  	s3 =	sadd.s32 $0x88, s3;
	s6 =	simm.s32 @!p1 $0x1082;
	[sflag:s4] =	ssyncset.s32 $0xFFFFF086  }
0x25: {  	[simem:s6], [sflag:s4] =	dma.local [hbm:s3], $0xF7A  }
0x26: {  	[smem:$0x3F9F] =	sst s1;
	(tag) =	ssettag s2;
	_ =	strace s9  }
0x27: {  	s1 =	sld [smem:$0x3FAF]  }
0x28: {  	s2 =	sld [smem:$0x3FB0]  }
0x29: {  	s4 =	sld [smem:$0x3FB2]  }
0x2a: {  	p0 =	seq.s32 s5, $0x0;
	s5 =	sld [smem:$0x3FB3]  }
0x2b: {  	s6 =	sld [smem:$0x3FB4]  }
0x2c: {  	s7 =	sld [smem:$0x3FB5]  }
0x2d: {  	s3 =	simm.s32 $0x108;
	s8 =	sld [smem:$0x3FB6]  }
0x2e: {  	s3 =	simm.s32 @!p0 $0x1082;
	s9 =	sld [smem:$0x3FB7]  }
0x2f: {  	lr =	sadd.s32 s0, s3;
	s0 =	sld [smem:$0x3FAE]  }
0x30: {  	s3 =	sld [smem:$0x3FB1]  }
0x31: {  	[smem:$0x3FBA] =	sst s10  }
0x32: {  	s10 =	sld [smem:$0x3FB8];
	_ =	sdelay $0x3  }
0x33: {  	p0 =	seq.s32 s10, $0x1;
	s10 =	sld [smem:$0x3FBA];
	_ =	sdelay $0x3  }
0x34: {  	[smem:$0x3FBA] =	sst s10  }
0x35: {  	s10 =	sld [smem:$0x3FB9];
	_ =	sdelay $0x3  }
0x36: {  	p1 =	seq.s32 s10, $0x1;
	s10 =	sld [smem:$0x3FBA];
	_ =	sdelay $0x3  }
0x37: {  	[smem:$0x3FBA] =	sst s10  }
0x38: {  	s10 =	sld [smem:$0x3FBB]  }
0x39: {  	_ = 	snop;
	(pc) =	sbr.ind lr, $3  }
0x3a: {  	_ = 	snop  }
0x3b: {  	_ = 	snop  }
0x3c: {  	p2 =	seq.s32 s10, $0x1;
	s10 =	sld [smem:$0x3FBA]  }
0x3d: {  	_ =	shalt  }
0x3e: {  	_ =	shalt  }
0x3f: {  	_ =	shalt  }
0x40: {  	_ =	shalt  }
0x41: {  	_ =	shalt  }
0x42: {  	_ =	shalt  }
0x43: {  	_ =	shalt  }
0x44: {  	_ =	shalt  }
0x45: {  	_ =	shalt  }
0x46: {  	_ =	shalt  }
0x47: {  	_ =	shalt  }
0x48: {  	_ =	shalt  }
0x49: {  	_ =	shalt  }
0x4a: {  	_ =	shalt  }
0x4b: {  	_ =	shalt  }
0x4c: {  	_ =	shalt  }
0x4d: {  	_ =	shalt  }
0x4e: {  	_ =	shalt  }
0x4f: {  	_ =	shalt  }
0x50: {  	_ =	shalt  }
0x51: {  	_ =	shalt  }
0x52: {  	_ =	shalt  }
0x53: {  	_ =	shalt  }
0x54: {  	_ =	shalt  }
0x55: {  	_ =	shalt  }
0x56: {  	_ =	shalt  }
0x57: {  	_ =	shalt  }
0x58: {  	_ =	shalt  }
0x59: {  	_ =	shalt  }
0x5a: {  	_ =	shalt  }
0x5b: {  	_ =	shalt  }
0x5c: {  	_ =	shalt  }
0x5d: {  	_ =	shalt  }
0x5e: {  	_ =	shalt  }
0x5f: {  	_ =	shalt  }
0x60: {  	_ =	shalt  }
0x61: {  	_ =	shalt  }
0x62: {  	_ =	shalt  }
0x63: {  	_ =	shalt  }
0x64: {  	_ =	shalt  }
0x65: {  	_ =	shalt  }
0x66: {  	_ =	shalt  }
0x67: {  	_ =	shalt  }
0x68: {  	_ =	shalt  }
0x69: {  	_ =	shalt  }
0x6a: {  	_ =	shalt  }
0x6b: {  	_ =	shalt  }
0x6c: {  	_ =	shalt  }
0x6d: {  	_ =	shalt  }
0x6e: {  	_ =	shalt  }
0x6f: {  	_ =	shalt  }
0x70: {  	_ =	shalt  }
0x71: {  	_ =	shalt  }
0x72: {  	_ =	shalt  }
0x73: {  	_ =	shalt  }
0x74: {  	_ =	shalt  }
0x75: {  	_ =	shalt  }
0x76: {  	_ =	shalt  }
0x77: {  	_ =	shalt  }
0x78: {  	_ =	shalt  }
0x79: {  	_ =	shalt  }
0x7a: {  	_ =	shalt  }
0x7b: {  	_ =	shalt  }
0x7c: {  	_ =	shalt  }
0x7d: {  	_ =	shalt  }
0x7e: {  	_ =	shalt  }
0x7f: {  	_ =	shalt  }
0x80: {  	_ =	shalt  }
0x81: {  	_ =	shalt  }
0x82: {  	_ =	shalt  }
0x83: {  	_ =	shalt  }
0x84: {  	_ =	shalt  }
0x85: {  	_ =	shalt  }
0x86: {  	_ =	shalt  }
0x87: {  	_ =	shalt  }
.Lfunc_end0:
.L_simem_size_0:
called_computation.1_lowered:
.L_overlay_start_0:
0x88: {  	s2 =	sld [smem:$0x3FD9]  }
0x89: {  	s3 =	sld [smem:$0x3FFE];
	_ =	sdelay $0x1  }
0x8a: {  	s1 =	srdreg.scid  }
0x8b: {  	s0 =	sand.u32 $0x1, s1  }
0x8c: {  	s16 =	sshll.u32 s0, $0xA;
	s2 =	sadd.s32 s3, s2  }
0x8d: {  	s2 =	sadd.s32 s2, s16  }
0x8e: {  	[smem:$0x3FC6] =	sst s2  }
0x8f: {  	_ = 	snop  }
0x90: {  	(tm) =	ssettm $0x1  }
0x91: {  	s17 =	sld [smem:$0x3FFB];
	_ =	sdelay $0x3  }
0x92: {  	_ =	strace s17  }
0x93: {  	s2 =	sld [smem:$0x3FFC];
	_ =	sdelay $0x3  }
0x94: {  	_ =	strace s2  }
0x95: {  	s2 =	sld [smem:$0x3FFD];
	_ =	sdelay $0x3  }
0x96: {  	_ =	strace s2  }
0x97: {  	_ =	strace $0x8FFFFFFF  }
0x98: {  	s18 =	sld [smem:$0x3FDB];
	_ =	sdelay $0x1  }
0x99: {  	s19 =	simm.s32 $_scs_section_size  }
0x9a: {  	s4 =	simm.s32 $_size__tile_overlayer_lowered;
	s5 =	simm.s32 $_tile_overlayer_lowered  }
0x9b: {  	s22 =	simm.s32 $0x1BFF;
	s21 =	sshll.u32 s5, $0x1;
	s2 =	sadd.s32 s19, s18  }
0x9c: {  	s6 =	simm.s32 $0x0;
	s20 =	sshll.u32 s4, $0x1;
	s4 =	sadd.s32 s21, s2  }
0x9d: {  	[timem:s6], [sflag:s22] =	dma.local [hbm:s4], s20  }
0x9e: {  	_ =	swait.ge [sflag:s22], s20  }
0x9f: {  	s3 =	ssub.s32 $0x0, s20;
	[sflag:s22] =	ssyncset.done $0x0  }
0xa0: {  	[sflag:s22] =	ssyncadd.s32 s3;
	_ =	sdelay $0x1  }
0xa1: {  	s23 =	simm.s32 $0x1B8B  }
0xa2: {  	_ =	swait.ge [sflag:s23], $0x1  }
0xa3: {  	[sflag:s23] =	ssyncset.done $0x0  }
0xa4: {  	s25 =	simm.s32 $0x1B8E;
	s24 =	sld [smem:$0x3FFE];
	[sflag:s23] =	ssyncadd.s32 $0xFFFFFFFF  }
0xa5: {  	s26 =	simm.s32 $execute0_lowered;
	[smem:$0x3FD2] =	sst s25  }
0xa6: {  	s4 =	sshll.u32 s26, $0x1;
	_ =	strace $0x80000049;
	[dreg:$0x1] =	wrdreg $0xFFFFFFFF  }
0xa7: {  	s28 =	simm.s32 $_size_execute0_lowered;
	s2 =	sadd.s32 s2, s4;
	[dreg:$0x0] =	wrdreg $0x0  }
0xa8: {  	s4 =	sshll.u32 s28, $0x1;
	[dreg:$0x2] =	wrdreg s2  }
0xa9: {  	[dreg:$0x3] =	wrdreg s4  }
0xaa: {  	[dreg:$0x4] =	wrdreg $0xC0  }
0xab: {  	_ =	task [dreg:s6], $0x5FFFF  }
0xac: {  	[dreg:$0x1] =	wrdreg $0xFFFFFFFF  }
0xad: {  	[dreg:$0x0] =	wrdreg $0x60  }
0xae: {  	[dreg:$0x2] =	wrdreg s24  }
0xaf: {  	[dreg:$0x3] =	wrdreg $0x9  }
0xb0: {  	_ =	task.clear_ibuf [dreg:s6], $0x4FFFF;
	_ =	strace $0x90000049  }
0xb1: {  	s29 =	simm.s32 $0x9;
	_ =	strace $0x8000004B  }
0xb2: {  	_ =	swait.ge [sflag:s29], $0x1  }
0xb3: {  	[sflag:s29] =	ssyncadd.s32 $0xFFFFFFFF  }
0xb4: {  	_ =	strace $0x9000004B  }
0xb5: {  	_ =	sfence  }
0xb6: {  	s30 =	sld [smem:$0x0];
	_ =	sdelay $0x2  }
0xb7: {  	s31 =	sshll.u32 s1, $0xD;
	s1 =	sshrl.u32 s1, $0x2  }
0xb8: {  	s3 =	sand.u32 $0x4000, s31;
	s1 =	sadd.s32 s1, s30  }
0xb9: {  	s0 =	sor.u32 s3, s0;
	s1 =	sshll.u32 s1, $0x11  }
0xba: {  	s0 =	sor.u32 s1, s0  }
0xbb: {  	s0 =	sadd.s32 $0x8F2B, s0  }
0xbc: {  	[sflag:s0] =	ssyncadd.remote.s32 $0x1  }
0xbd: {  	_ =	sfence.sel $0xFFFF  }
0xbe: {  	[dreg:$0x0] =	wrdreg $0xFFFFFFFF;
	(pc) =	sbr.abs _section_cstart, $3  }
0xbf: {  	[dreg:$0x1] =	wrdreg $0xFFFFFFFF  }
0xc0: {  	_ =	task.clear_ibuf [dreg:s6], $0x2FFFF;
	_ =	strace $0x9FFFFFFF  }
0xc1: {  	(tm) =	ssettm $0x7FFFFFFF  }
tec
execute0_lowered:
.L_overlay_start_1:
0x0: {  	(tag) =	ssettag $0x1  }
0x1: {  	s1 =	srdreg.scid;
	s0 =	stileid.u32  }
0x2: {  	s4 =	rddreg [dreg:$0x0];
	s2 =	simm.s32 $0x0;
	s9 =	simm.s32 $0x200  }
0x3: {  	s10 =	simm.s32 $0x0;
	s3 =	sand.u32 $0x1, s1;
	s1 =	rddreg [dreg:$0x1]  }
0x4: {  	s5 =	sshll.u32 s0, $0xA;
	[smem:$0x7FF] =	sst s2;
	s6 =	sshll.u32 s3, $0x9  }
0x5: {  	_ =	strace $0x8000004A;
	s7 =	ssub.s32 $0x2, s3;
	s5 =	sor.u32 s6, s5  }
0x6: {  	s3 =	sadd.s32 $0x1000, s4;
	s8 =	sshrl.u32 s7, $0x1;
	s6 =	sshrl.u32 s5, $0x3  }
0x7: {  	s5 =	sshll.u32 s5, $0x4;
	s7 =	ssub.s32 s7, s8;
	s6 =	sadd.s32 s6, s4  }
0x8: {  	s8 =	simm.s32 $0x1;
	s5 =	sadd.s32 s5, s4;
	s4 =	sadd.s32 $0x41000, s6  }
0x9: {  	s5 =	sadd.s32 $0x41800, s5;
	s6 =	smax.u32 s7, $0x1;
	s7 =	simm.s32 $0x2  }
.LBB2_1:
0xa: {  	[tilespmem:s2], [sflag:$0x2] =	stream.linear.gather [hbm4b:s4+s2], $0x200, $0x38;
	[tilespmem:$0x10200] =	vst v63  }
0xb: {  	_ =	swait.ge [sflag:s7], $0x200  }
0xc: {  	[sflag:s7] =	ssyncset.done $0x0  }
0xd: {  	[sflag:s7] =	ssyncadd.s32 $0xFFFFFE00  }
0xe: {  	v0 =	vld [tilespmem:s2+$0x0];
	_ =	sdelay $0x4  }
0xf: {  	v0 =	vshll.u32 v0, $0x4  }
0x10: {  	(v2sf) =	vpush v0, $0x0  }
0x11: {  	(v2sf) =	vpush v0, $0x1  }
0x12: {  	(v2sf) =	vpush v0, $0x2;
	_ =	sdelay $0x1  }
0x13: {  	(v2sf) =	vpush v0, $0x4;
	_ =	sdelay $0x1  }
0x14: {  	(v2sf) =	vpush v0, $0x3  }
0x15: {  	(v2sf) =	vpush v0, $0x5  }
0x16: {  	s12 =	simm.s32 $0x2000;
	s11 =	simm.s32 $0x0;
	s13 =	simm.s32 $0x0;
	(v2sf) =	vpush v0, $0x6  }
.LBB2_2:
0x17: {  	p0 =	sne.s32 s12, $0x3E000  }
0x18: {  	s23 =	sadd.s32 $0x280, s11;
	s17 =	sadd.s32 $0x780, s11;
	s14 =	smov.u32 s12  }
0x19: {  	s12 =	sadd.s32 $0x2000, s12;
	s20 =	sadd.s32 $0x580, s11;
	s15 =	sadd.s32 $0x800, s11;
	(v2sf) =	vpush v0, $0x7  }
0x1a: {  	s22 =	sadd.s32 $0x480, s11;
	s19 =	sadd.s32 $0x600, s11;
	s16 =	sadd.s32 $0x880, s11  }
0x1b: {  	s24 =	sadd.s32 $0x200, s11;
	s25 =	sadd.s32 $0x400, s11;
	(v2sf) =	vpush v0, $0x8  }
0x1c: {  	s26 =	sadd.s32 $0x500, s11;
	s13 =	sadd.s32 $0x10, s13  }
0x1d: {  	s28 =	sadd.s32 $0x300, s11;
	s18 =	sadd.s32 $0x700, s11;
	s21 =	spop (v2sf);
	(v2sf) =	vpush v0, $0x9  }
0x1e: {  	s29 =	sand.u32 $0x1FFFFFF0, s21;
	s21 =	sadd.s32 $0x680, s11;
	s30 =	spop (v2sf)  }
0x1f: {  	s29 =	sadd.s32 s3, s29;
	s30 =	sand.u32 $0x1FFFFFF0, s30;
	s31 =	spop (v2sf);
	(v2sf) =	vpush v0, $0xA  }
0x20: {  	[tilespmem:s24], [sflag:$0x1] =	stream.linear.gather [hbm4b:s29+s2], $0x80, $0x38;
	[tilespmem:$0x10200] =	vst v63  }
0x21: {  	s24 =	sadd.s32 s3, s30;
	s29 =	sadd.s32 $0x380, s11;
	s30 =	spop (v2sf);
	(v2sf) =	vpush v0, $0xB  }
0x22: {  	[tilespmem:s23], [sflag:$0x1] =	stream.linear.gather [hbm4b:s24+s2], $0x80, $0x38;
	[tilespmem:$0x10200] =	vst v63  }
0x23: {  	s23 =	sand.u32 $0x1FFFFFF0, s31;
	s24 =	sand.u32 $0x1FFFFFF0, s30;
	s30 =	spop (v2sf);
	(v2sf) =	vpush v0, $0xC  }
0x24: {  	s23 =	sadd.s32 s3, s23;
	s30 =	sand.u32 $0x1FFFFFF0, s30;
	s31 =	spop (v2sf)  }
0x25: {  	[tilespmem:s28], [sflag:$0x1] =	stream.linear.gather [hbm4b:s23+s2], $0x80, $0x38;
	(v2sf) =	vpush v0, $0xD;
	[tilespmem:$0x10200] =	vst v63  }
0x26: {  	s23 =	sadd.s32 s3, s30;
	s28 =	sand.u32 $0x1FFFFFF0, s31;
	s30 =	spop (v2sf)  }
0x27: {  	[tilespmem:s29], [sflag:$0x1] =	stream.linear.gather [hbm4b:s23+s2], $0x80, $0x38;
	(v2sf) =	vpush v0, $0xE;
	[tilespmem:$0x10200] =	vst v63  }
0x28: {  	s23 =	sadd.s32 s3, s24;
	s24 =	sand.u32 $0x1FFFFFF0, s30;
	s29 =	spop (v2sf)  }
0x29: {  	[tilespmem:s25], [sflag:$0x1] =	stream.linear.gather [hbm4b:s23+s2], $0x80, $0x38;
	(v2sf) =	vpush v0, $0xF;
	[tilespmem:$0x10200] =	vst v63  }
0x2a: {  	s23 =	sadd.s32 s3, s28;
	s25 =	sand.u32 $0x1FFFFFF0, s29;
	s28 =	spop (v2sf)  }
0x2b: {  	[tilespmem:s22], [sflag:$0x1] =	stream.linear.gather [hbm4b:s23+s2], $0x80, $0x38;
	[tilespmem:$0x10200] =	vst v63  }
0x2c: {  	s22 =	sadd.s32 s3, s24;
	s23 =	sand.u32 $0x1FFFFFF0, s28;
	s24 =	spop (v2sf)  }
0x2d: {  	[tilespmem:s26], [sflag:$0x1] =	stream.linear.gather [hbm4b:s22+s2], $0x80, $0x38;
	[tilespmem:$0x10200] =	vst v63  }
0x2e: {  	s22 =	sadd.s32 s3, s25;
	s24 =	sand.u32 $0x1FFFFFF0, s24;
	s25 =	spop (v2sf)  }
0x2f: {  	[tilespmem:s20], [sflag:$0x1] =	stream.linear.gather [hbm4b:s22+s2], $0x80, $0x38;
	[tilespmem:$0x10200] =	vst v63  }
0x30: {  	s20 =	sadd.s32 s3, s23;
	s22 =	sand.u32 $0x1FFFFFF0, s25;
	s23 =	spop (v2sf)  }
0x31: {  	[tilespmem:s19], [sflag:$0x1] =	stream.linear.gather [hbm4b:s20+s2], $0x80, $0x38;
	[tilespmem:$0x10200] =	vst v63  }
0x32: {  	s19 =	sadd.s32 s3, s24;
	s20 =	sand.u32 $0x1FFFFFF0, s23;
	s23 =	spop (v2sf)  }
0x33: {  	[tilespmem:s21], [sflag:$0x1] =	stream.linear.gather [hbm4b:s19+s2], $0x80, $0x38;
	[tilespmem:$0x10200] =	vst v63  }
0x34: {  	s19 =	sadd.s32 s3, s22;
	s21 =	sand.u32 $0x1FFFFFF0, s23;
	s22 =	spop (v2sf)  }
0x35: {  	[tilespmem:s18], [sflag:$0x1] =	stream.linear.gather [hbm4b:s19+s2], $0x80, $0x38;
	[tilespmem:$0x10200] =	vst v63  }
0x36: {  	s18 =	sadd.s32 s3, s20;
	s19 =	sand.u32 $0x1FFFFFF0, s22;
	s20 =	spop (v2sf)  }
0x37: {  	[tilespmem:s17], [sflag:$0x1] =	stream.linear.gather [hbm4b:s18+s2], $0x80, $0x38;
	[tilespmem:$0x10200] =	vst v63  }
0x38: {  	s17 =	sadd.s32 s3, s21;
	s18 =	sand.u32 $0x1FFFFFF0, s20;
	s20 =	spop (v2sf)  }
0x39: {  	[tilespmem:s15], [sflag:$0x1] =	stream.linear.gather [hbm4b:s17+s2], $0x80, $0x38;
	[tilespmem:$0x10200] =	vst v63  }
0x3a: {  	s15 =	sadd.s32 s3, s19;
	s17 =	sand.u32 $0x1FFFFFF0, s20  }
0x3b: {  	[tilespmem:s16], [sflag:$0x1] =	stream.linear.gather [hbm4b:s15+s2], $0x80, $0x38;
	[tilespmem:$0x10200] =	vst v63  }
0x3c: {  	s15 =	sadd.s32 $0x900, s11;
	s16 =	sadd.s32 s3, s18  }
0x3d: {  	[tilespmem:s15], [sflag:$0x1] =	stream.linear.gather [hbm4b:s16+s2], $0x80, $0x38;
	[tilespmem:$0x10200] =	vst v63  }
0x3e: {  	s11 =	sadd.s32 $0x980, s11;
	s15 =	sadd.s32 s3, s17  }
0x3f: {  	[tilespmem:s11], [sflag:$0x1] =	stream.linear.gather [hbm4b:s15+s2], $0x80, $0x38;
	[tilespmem:$0x10200] =	vst v63  }
0x40: {  	v0 =	vld [tilespmem:s13+$0x0];
	_ =	sdelay $0x4  }
0x41: {  	v0 =	vshll.u32 v0, $0x4  }
0x42: {  	(v2sf) =	vpush v0, $0x0  }
0x43: {  	(v2sf) =	vpush v0, $0x1  }
0x44: {  	(v2sf) =	vpush v0, $0x2;
	_ =	sdelay $0x1  }
0x45: {  	(v2sf) =	vpush v0, $0x4  }
.Ltmp0:
0x46: {  	(pc) =	sbr.rel @p0 .LBB2_2-.Ltmp0, $3  }
0x47: {  	(v2sf) =	vpush v0, $0x3  }
0x48: {  	(v2sf) =	vpush v0, $0x5;
	_ =	sdelay $0x1  }
0x49: {  	s11 =	sshra.s32 s14, $0x2;
	(v2sf) =	vpush v0, $0x6  }
0x4a: {  	_ =	sdelay $0x1  }
0x4b: {  	s15 =	sadd.s32 $0x280, s11;
	s14 =	sadd.s32 $0x780, s11  }
0x4c: {  	s16 =	sadd.s32 $0x580, s11;
	s12 =	sadd.s32 $0x800, s11;
	(v2sf) =	vpush v0, $0x7;
	s17 =	sadd.s32 $0x480, s11  }
0x4d: {  	s18 =	sadd.s32 $0x600, s11;
	s13 =	sadd.s32 $0x880, s11;
	s19 =	sadd.s32 $0x200, s11  }
0x4e: {  	s20 =	sadd.s32 $0x400, s11;
	s21 =	sadd.s32 $0x500, s11;
	(v2sf) =	vpush v0, $0x8;
	s22 =	spop (v2sf)  }
0x4f: {  	s23 =	sadd.s32 $0x300, s11;
	s22 =	sand.u32 $0x1FFFFFF0, s22;
	s24 =	spop (v2sf)  }
0x50: {  	(v2sf) =	vpush v0, $0x9;
	s22 =	sadd.s32 s3, s22;
	s24 =	sand.u32 $0x1FFFFFF0, s24;
	s25 =	spop (v2sf)  }
0x51: {  	[tilespmem:s19], [sflag:$0x1] =	stream.linear.gather [hbm4b:s22+s2], $0x80, $0x38;
	[tilespmem:$0x10200] =	vst v63  }
0x52: {  	s26 =	sadd.s32 $0x380, s11;
	(v2sf) =	vpush v0, $0xA;
	s30 =	sadd.s32 s3, s24;
	s31 =	spop (v2sf)  }
0x53: {  	[tilespmem:s15], [sflag:$0x1] =	stream.linear.gather [hbm4b:s30+s2], $0x80, $0x38;
	[tilespmem:$0x10200] =	vst v63  }
0x54: {  	s19 =	sadd.s32 $0x700, s11;
	s28 =	sand.u32 $0x1FFFFFF0, s25;
	(v2sf) =	vpush v0, $0xB;
	s29 =	spop (v2sf)  }
0x55: {  	s22 =	sadd.s32 s3, s28;
	s15 =	sadd.s32 $0x680, s11;
	s25 =	sand.u32 $0x1FFFFFF0, s29  }
0x56: {  	(v2sf) =	vpush v0, $0xC;
	[tilespmem:s23], [sflag:$0x1] =	stream.linear.gather [hbm4b:s22+s2], $0x80, $0x38;
	[tilespmem:$0x10200] =	vst v63  }
0x57: {  	s30 =	sand.u32 $0x1FFFFFF0, s31;
	s31 =	spop (v2sf);
	s28 =	sadd.s32 s3, s25  }
0x58: {  	(v2sf) =	vpush v0, $0xD;
	[tilespmem:s26], [sflag:$0x1] =	stream.linear.gather [hbm4b:s28+s2], $0x80, $0x38;
	[tilespmem:$0x10200] =	vst v63  }
0x59: {  	s22 =	sadd.s32 s3, s30;
	s23 =	sand.u32 $0x1FFFFFF0, s31;
	s29 =	spop (v2sf)  }
0x5a: {  	(v2sf) =	vpush v0, $0xE;
	[tilespmem:s20], [sflag:$0x1] =	stream.linear.gather [hbm4b:s22+s2], $0x80, $0x38;
	[tilespmem:$0x10200] =	vst v63  }
0x5b: {  	s23 =	sadd.s32 s3, s23;
	s30 =	sand.u32 $0x1FFFFFF0, s29;
	s31 =	spop (v2sf)  }
0x5c: {  	(v2sf) =	vpush v0, $0xF;
	[tilespmem:s17], [sflag:$0x1] =	stream.linear.gather [hbm4b:s23+s2], $0x80, $0x38;
	[tilespmem:$0x10200] =	vst v63  }
0x5d: {  	s24 =	sand.u32 $0x1FFFFFF0, s31;
	s25 =	spop (v2sf);
	s20 =	sadd.s32 s3, s30  }
0x5e: {  	[tilespmem:s21], [sflag:$0x1] =	stream.linear.gather [hbm4b:s20+s2], $0x80, $0x38;
	[tilespmem:$0x10200] =	vst v63  }
0x5f: {  	s26 =	sand.u32 $0x1FFFFFF0, s25;
	s17 =	sadd.s32 s3, s24;
	s28 =	spop (v2sf)  }
0x60: {  	[tilespmem:s16], [sflag:$0x1] =	stream.linear.gather [hbm4b:s17+s2], $0x80, $0x38;
	[tilespmem:$0x10200] =	vst v63  }
0x61: {  	s20 =	sadd.s32 s3, s26;
	s29 =	sand.u32 $0x1FFFFFF0, s28;
	s30 =	spop (v2sf)  }
0x62: {  	[tilespmem:s18], [sflag:$0x1] =	stream.linear.gather [hbm4b:s20+s2], $0x80, $0x38;
	[tilespmem:$0x10200] =	vst v63  }
0x63: {  	s17 =	sand.u32 $0x1FFFFFF0, s30;
	s16 =	sadd.s32 s3, s29;
	s31 =	spop (v2sf)  }
0x64: {  	[tilespmem:s15], [sflag:$0x1] =	stream.linear.gather [hbm4b:s16+s2], $0x80, $0x38;
	[tilespmem:$0x10200] =	vst v63  }
0x65: {  	s17 =	sadd.s32 s3, s17;
	s20 =	sand.u32 $0x1FFFFFF0, s31;
	s21 =	spop (v2sf)  }
0x66: {  	[tilespmem:s19], [sflag:$0x1] =	stream.linear.gather [hbm4b:s17+s2], $0x80, $0x38;
	[tilespmem:$0x10200] =	vst v63  }
0x67: {  	s15 =	sadd.s32 s3, s20;
	s16 =	sand.u32 $0x1FFFFFF0, s21;
	s22 =	spop (v2sf)  }
0x68: {  	[tilespmem:s14], [sflag:$0x1] =	stream.linear.gather [hbm4b:s15+s2], $0x80, $0x38;
	[tilespmem:$0x10200] =	vst v63  }
0x69: {  	s23 =	sand.u32 $0x1FFFFFF0, s22;
	s16 =	sadd.s32 s3, s16;
	s24 =	spop (v2sf)  }
0x6a: {  	[tilespmem:s12], [sflag:$0x1] =	stream.linear.gather [hbm4b:s16+s2], $0x80, $0x38;
	[tilespmem:$0x10200] =	vst v63  }
0x6b: {  	s25 =	sand.u32 $0x1FFFFFF0, s24;
	s26 =	spop (v2sf);
	s14 =	sadd.s32 s3, s23  }
0x6c: {  	[tilespmem:s13], [sflag:$0x1] =	stream.linear.gather [hbm4b:s14+s2], $0x80, $0x38;
	[tilespmem:$0x10200] =	vst v63  }
0x6d: {  	s29 =	sadd.s32 $0x900, s11;
	s28 =	sand.u32 $0x1FFFFFF0, s26;
	s12 =	sadd.s32 s3, s25  }
0x6e: {  	[tilespmem:s29], [sflag:$0x1] =	stream.linear.gather [hbm4b:s12+s2], $0x80, $0x38;
	[tilespmem:$0x10200] =	vst v63  }
0x6f: {  	s30 =	sadd.s32 $0x980, s11;
	s31 =	sadd.s32 s3, s28  }
0x70: {  	[tilespmem:s30], [sflag:$0x1] =	stream.linear.gather [hbm4b:s31+s2], $0x80, $0x38;
	[tilespmem:$0x10200] =	vst v63  }
0x71: {  	_ =	swait.ge [sflag:s8], $0x80  }
0x72: {  	s11 =	simm.s32 $0x1FF;
	[sflag:s8] =	ssyncset.done $0x0  }
.LBB2_4:
0x73: {  	p0 =	sne.s32 s11, $0x1;
	s11 =	sadd.s32 $0xFFFFFFFF, s11;
	[sflag:s8] =	ssyncadd.s32 $0xFFFFFF80  }
.Ltmp1:
0x74: {  	(pc) =	sbr.rel @p0 .LBB2_4-.Ltmp1, $3  }
0x75: {  	_ =	sdelay $0x1  }
0x76: {  	_ =	swait.ge [sflag:s8], $0x80  }
0x77: {  	[sflag:s8] =	ssyncset.done $0x0  }
0x78: {  	s10 =	sadd.s32 $0x1, s10  }
0x79: {  	p0 =	sne.s32 s10, s6  }
.Ltmp2:
0x7a: {  	[sflag:s8] =	ssyncadd.s32 $0xFFFFFF80;
	(pc) =	sbr.rel @p0 .LBB2_1-.Ltmp2, $4  }
0x7b: {  	[hbm4b:s5+s2] =	stream.linear.scatter [tilespmem:s9], [sflag:$0x2], $0x10000, $0x38;
	[tilespmem:$0x10200] =	vst v63  }
0x7c: {  	_ =	swait.ge [sflag:s7], $0x10000  }
0x7d: {  	[sflag:s7] =	ssyncset.done $0x0  }
0x7e: {  	[sflag:s7] =	ssyncadd.s32 $0xFFFF0000  }
0x7f: {  	_ =	sfence.sel $0x180000  }
0x80: {  	[bflag:$0x0] =	sbarrier.arrive $0xFFFF  }
0x81: {  	p0 =	sne.s32 s0, $0x0;
	_ =	strace $0x9000004A  }
0x82: {  	s0 =	sadd.s32 @!p0 $0x100000, s1;
	[bflag:$0x2] =	sbarrier.arrive $0xFFFF  }
0x83: {  	[sflag:s0] =	ssyncadd.tile.s32 @!p0 $0x1;
	_ =	shalt  }
.Lfunc_end2:
_tile_overlayer_lowered:
.L_overlay_start_2:
0x84: {  	(tag) =	ssettag $0x2  }
0x85: {  	s0 =	rddreg [dreg:$0x0];
	s2 =	stileid.u32  }
0x86: {  	s1 =	rddreg [dreg:$0x1];
	p0 =	sne.s32 s2, $0x0  }
0x87: {  	s3 =	rddreg [dreg:$0x2];
	[bflag:$0x3] =	sbarrier.arrive $0xFFFF;
	s2 =	simm.s32 @!p0 $0x1C02  }
0x88: {  	[timem:s3], [sflag:s2] =	dma.local @!p0 [hbm:s0], s1  }
0x89: {  	s0 =	simm.s32 @!p0 $0x2  }
0x8a: {  	_ =	swait.ge @!p0 [sflag:s0], s1  }
0x8b: {  	s1 =	ssub.s32 @!p0 $0x0, s1;
	[sflag:s0] =	ssyncset.done @!p0 $0x0  }
0x8c: {  	[sflag:s0] =	ssyncadd.s32 @!p0 s1  }
0x8d: {  	[bflag:$0x3] =	sbarrier.arrive $0xFFFF  }
0x8e: {  	_ =	shalt  }

</sc_bundles>
